<compile_context>
chip_gen: v7x
topology: tpu7x:2x2x1
jax: 0.10.2.dev20260603
libtpu: 0.0.44.dev20260713+nightly
codegen_flags: <defaults>
</compile_context>

<pallas_src>
import functools

import numpy as np
import jax
import jax.numpy as jnp
from jax import lax
from jax.experimental import pallas as pl
from jax.experimental.pallas import tpu as pltpu
from jax.experimental.pallas import tpu_sc as plsc

VOCAB = 63
VOCAB_PAD = 64
D = 16
SEQ = 19
BATCH = 16384
TOKENS = BATCH * SEQ

NC = 2
NS = 16
NW = NC * NS
BBLK = BATCH // 128
UNITS = SEQ * BBLK
UNITS_W = UNITS // NW
PER_W = UNITS_W * 128


def _pe_np() -> np.ndarray:
    even_i = np.arange(0, D, 2, dtype=np.float32)
    denom = np.power(np.float32(10000.0), even_i / np.float32(D))
    pos = np.arange(SEQ, dtype=np.float32).reshape(SEQ, 1)
    stacked = np.stack([np.sin(pos / denom), np.cos(pos / denom)], axis=-1)
    return stacked.reshape(SEQ, D).astype(np.float32)


_PE = _pe_np()


def _fuse_body(tab_ref, pe_ref, out_ref):
    tab_t = jnp.transpose(tab_ref[...], (1, 0))
    pe_t = jnp.transpose(pe_ref[...], (1, 0))
    out_ref[...] = pe_t[:, :, None] + tab_t[:, None, :]


_fuse = pl.pallas_call(
    _fuse_body,
    out_shape=jax.ShapeDtypeStruct((D, SEQ, VOCAB_PAD), jnp.float32),
)


def _sc_body(idx_hbm, fusedt_hbm, out_hbm, idx_v, tab_v, tile_v, ssem0,
             ssem1):
    wid = lax.axis_index("s") * NC + lax.axis_index("c")

    pltpu.sync_copy(idx_hbm.at[pl.ds(wid * PER_W, PER_W)], idx_v)
    pltpu.sync_copy(fusedt_hbm, tab_v)

    dvecs = [jnp.full((16,), d, jnp.int32) for d in range(D)]
    sems = (ssem0, ssem1)

    def _do_unit(i, k):
        u = wid * UNITS_W + i
        p = lax.div(u, BBLK)
        bblk = lax.rem(u, BBLK)
        poff = p * VOCAB_PAD
        for g in range(8):
            fidx = idx_v[pl.ds(i * 128 + g * 16, 16)] + poff
            for d in range(D):
                tile_v[k, d // 8, d % 8, pl.ds(g * 16, 16)] = (
                    plsc.load_gather(tab_v, [dvecs[d], fidx]))
        pltpu.async_copy(tile_v.at[k], out_hbm.at[p, :, bblk], sems[k])

    def _drain(k):
        pltpu.make_async_copy(out_hbm.at[0, :, 0], tile_v.at[k],
                              sems[k]).wait()

    def _pair(j, _):
        for k in range(2):
            @pl.when(j >= 1)
            def _wait():
                _drain(k)
            _do_unit(2 * j + k, k)
        return _

    lax.fori_loop(0, UNITS_W // 2, _pair, None)
    _drain(0)
    _drain(1)


_sc_call = functools.partial(
    pl.kernel,
    out_type=jax.ShapeDtypeStruct((SEQ, 2, BBLK, 8, 128), jnp.float32),
    mesh=plsc.VectorSubcoreMesh(core_axis_name="c", subcore_axis_name="s"),
    compiler_params=pltpu.CompilerParams(use_tc_tiling_on_sc=False,
                                         needs_layout_passes=False),
    scratch_types=[
        pltpu.VMEM((PER_W,), jnp.int32),
        pltpu.VMEM((D, SEQ * VOCAB_PAD), jnp.float32),
        pltpu.VMEM((2, 2, 8, 128), jnp.float32),
        pltpu.SemaphoreType.DMA,
        pltpu.SemaphoreType.DMA,
    ],
)(_sc_body)


def kernel(batch, embedding_table):
    tab = jnp.pad(embedding_table.astype(jnp.float32),
                  ((0, VOCAB_PAD - VOCAB), (0, 0)))
    fusedt = _fuse(tab, jnp.asarray(_PE))
    fusedt = fusedt.reshape(D, SEQ * VOCAB_PAD)
    idx = batch.astype(jnp.int32).T.reshape(TOKENS)
    out5 = _sc_call(idx, fusedt)
    out = out5.transpose(2, 4, 0, 1, 3).reshape(BATCH, SEQ, D)
    return out

# --- scband reference (transcript-rebuilt; emitter-appended) ---
"""Pipeline reference for scband-tokenizer-29935922053743 (READ-ONLY COPY).

The authoritative reference and input builder live on the scoring server;
editing this copy changes nothing except your own understanding.
"""

import jax, jax.numpy as jnp
import numpy as np

VOCAB = 63
D_MODEL = 16
MAX_SEQ_LEN = 19
BATCH = 16384


def positional_encoding(d_model=D_MODEL, max_seq_len=MAX_SEQ_LEN):
    even_i = jnp.arange(0, d_model, 2).astype(jnp.float32)
    denominator = jnp.power(10000.0, even_i / d_model)
    position = jnp.arange(max_seq_len, dtype=jnp.float32).reshape(max_seq_len, 1)
    even_PE = jnp.sin(position / denominator)
    odd_PE = jnp.cos(position / denominator)
    stacked = jnp.stack([even_PE, odd_PE], axis=-1)
    PE = stacked.reshape(max_seq_len, d_model)
    return PE


def setup_inputs(seed: int = 0) -> dict:
    key = jax.random.key(seed)
    k1, k2 = jax.random.split(key)
    # 'batch' stands in for word_tensor: the string->index lookup via word_dict
    # is host-side preprocessing; the tensor math starts from integer token ids.
    batch = jax.random.randint(k1, (BATCH, MAX_SEQ_LEN), 0, VOCAB, dtype=jnp.int64 if jax.config.read('jax_enable_x64') else jnp.int32)
    embedding_table = jax.random.normal(k2, (VOCAB, D_MODEL), dtype=jnp.float32)
    return {"batch": batch, "embedding_table": embedding_table}


def reference(batch, embedding_table):
    # nn.Embedding lookup -> gather
    embedding = jnp.take(embedding_table, batch, axis=0)  # [B, 19, 16]
    # add positional encoding (broadcast over batch)
    embedding = embedding + positional_encoding()
    return embedding

if __name__ == "__main__":
    import jax
    _d = setup_inputs()
    print(jax.jit(kernel)(*tuple(_d.values())))

</pallas_src>

<mosaic_0001>
#map = affine_map<(d0, d1) -> (0)>
#map1 = affine_map<(d0, d1) -> (0, 0)>
#map2 = affine_map<(d0, d1) -> (0, 0, 0, 0, 0)>
module attributes {stable_mosaic.version = 14 : i64} {
  func.func @_sc_body(%arg0: i32, %arg1: i32, %arg2: memref<311296xi32, #tpu.memory_space<hbm>>, %arg3: memref<16x1216xf32, #tpu.memory_space<hbm>>, %arg4: memref<19x2x128x8x128xf32, #tpu.memory_space<hbm>>, %arg5: memref<9728xi32, #tpu.memory_space<vmem>>, %arg6: memref<16x1216xf32, #tpu.memory_space<vmem>>, %arg7: memref<2x2x8x128xf32, #tpu.memory_space<vmem>>, %arg8: memref<!tpu.dma_semaphore, #tpu.memory_space<semaphore_mem>>, %arg9: memref<!tpu.dma_semaphore, #tpu.memory_space<semaphore_mem>>) attributes {dimension_semantics = [#tpu.dimension_semantics<core_parallel>, #tpu.dimension_semantics<subcore_parallel>], iteration_bounds = array<i64: 2, 16>, scalar_prefetch = 0 : i64, scratch_operands = 5 : i64, tpu.core_type = #tpu.core_type<sc_vector_subcore>, window_params = [{transform_indices = #map}, {transform_indices = #map1}, {transform_indices = #map2}]} {
    %mul3A = arith.constant 2 : i32
    %mul3A_0 = arith.muli %arg1, %mul3A : i32
    %add3A = arith.addi %mul3A_0, %arg0 : i32
    %mul3A_1 = arith.constant 9728 : i32
    %mul3A_2 = arith.muli %add3A, %mul3A_1 : i32
    "tpu.region"() ({
      %run_scoped3A = tpu.sem_alloc : memref<!tpu.dma_semaphore, #tpu.memory_space<semaphore_mem>>
      %dma_start3A = tpu.memref_slice %arg2[%mul3A_2] : memref<311296xi32, #tpu.memory_space<hbm>> -> memref<9728xi32, #tpu.memory_space<hbm>>
      %dma_start3A_83 = tpu.memref_slice %arg2[%mul3A_2] : memref<311296xi32, #tpu.memory_space<hbm>> -> memref<9728xi32, #tpu.memory_space<hbm>>
      tpu.enqueue_dma source(%dma_start3A_83 : memref<9728xi32, #tpu.memory_space<hbm>>) target(%arg5 : memref<9728xi32, #tpu.memory_space<vmem>>) target_semaphore(%run_scoped3A : memref<!tpu.dma_semaphore, #tpu.memory_space<semaphore_mem>>)
      %dma_wait3A_84 = tpu.memref_slice %arg2[%mul3A_2] : memref<311296xi32, #tpu.memory_space<hbm>> -> memref<9728xi32, #tpu.memory_space<hbm>>
      %dma_wait3A_85 = tpu.memref_slice %arg2[%mul3A_2] : memref<311296xi32, #tpu.memory_space<hbm>> -> memref<9728xi32, #tpu.memory_space<hbm>>
      tpu.wait_dma2 semaphore(%run_scoped3A : memref<!tpu.dma_semaphore, #tpu.memory_space<semaphore_mem>>) src(%dma_wait3A_85 : memref<9728xi32, #tpu.memory_space<hbm>>) dst(%arg5 : memref<9728xi32, #tpu.memory_space<vmem>>)
      tpu.yield
    }) : () -> ()
    "tpu.region"() ({
      %run_scoped3A = tpu.sem_alloc : memref<!tpu.dma_semaphore, #tpu.memory_space<semaphore_mem>>
      tpu.enqueue_dma source(%arg3 : memref<16x1216xf32, #tpu.memory_space<hbm>>) target(%arg6 : memref<16x1216xf32, #tpu.memory_space<vmem>>) target_semaphore(%run_scoped3A : memref<!tpu.dma_semaphore, #tpu.memory_space<semaphore_mem>>)
      tpu.wait_dma2 semaphore(%run_scoped3A : memref<!tpu.dma_semaphore, #tpu.memory_space<semaphore_mem>>) src(%arg3 : memref<16x1216xf32, #tpu.memory_space<hbm>>) dst(%arg6 : memref<16x1216xf32, #tpu.memory_space<vmem>>)
      tpu.yield
    }) : () -> ()
    %broadcast_in_dim3A = arith.constant 0 : i32
    %broadcast_in_dim3A_3 = vector.broadcast %broadcast_in_dim3A : i32 to vector<16xi32>
    %broadcast_in_dim3A_4 = arith.constant 1 : i32
    %broadcast_in_dim3A_5 = vector.broadcast %broadcast_in_dim3A_4 : i32 to vector<16xi32>
    %broadcast_in_dim3A_6 = arith.constant 2 : i32
    %broadcast_in_dim3A_7 = vector.broadcast %broadcast_in_dim3A_6 : i32 to vector<16xi32>
    %broadcast_in_dim3A_8 = arith.constant 3 : i32
    %broadcast_in_dim3A_9 = vector.broadcast %broadcast_in_dim3A_8 : i32 to vector<16xi32>
    %broadcast_in_dim3A_10 = arith.constant 4 : i32
    %broadcast_in_dim3A_11 = vector.broadcast %broadcast_in_dim3A_10 : i32 to vector<16xi32>
    %broadcast_in_dim3A_12 = arith.constant 5 : i32
    %broadcast_in_dim3A_13 = vector.broadcast %broadcast_in_dim3A_12 : i32 to vector<16xi32>
    %broadcast_in_dim3A_14 = arith.constant 6 : i32
    %broadcast_in_dim3A_15 = vector.broadcast %broadcast_in_dim3A_14 : i32 to vector<16xi32>
    %broadcast_in_dim3A_16 = arith.constant 7 : i32
    %broadcast_in_dim3A_17 = vector.broadcast %broadcast_in_dim3A_16 : i32 to vector<16xi32>
    %broadcast_in_dim3A_18 = arith.constant 8 : i32
    %broadcast_in_dim3A_19 = vector.broadcast %broadcast_in_dim3A_18 : i32 to vector<16xi32>
    %broadcast_in_dim3A_20 = arith.constant 9 : i32
    %broadcast_in_dim3A_21 = vector.broadcast %broadcast_in_dim3A_20 : i32 to vector<16xi32>
    %broadcast_in_dim3A_22 = arith.constant 10 : i32
    %broadcast_in_dim3A_23 = vector.broadcast %broadcast_in_dim3A_22 : i32 to vector<16xi32>
    %broadcast_in_dim3A_24 = arith.constant 11 : i32
    %broadcast_in_dim3A_25 = vector.broadcast %broadcast_in_dim3A_24 : i32 to vector<16xi32>
    %broadcast_in_dim3A_26 = arith.constant 12 : i32
    %broadcast_in_dim3A_27 = vector.broadcast %broadcast_in_dim3A_26 : i32 to vector<16xi32>
    %broadcast_in_dim3A_28 = arith.constant 13 : i32
    %broadcast_in_dim3A_29 = vector.broadcast %broadcast_in_dim3A_28 : i32 to vector<16xi32>
    %broadcast_in_dim3A_30 = arith.constant 14 : i32
    %broadcast_in_dim3A_31 = vector.broadcast %broadcast_in_dim3A_30 : i32 to vector<16xi32>
    %broadcast_in_dim3A_32 = arith.constant 15 : i32
    %broadcast_in_dim3A_33 = vector.broadcast %broadcast_in_dim3A_32 : i32 to vector<16xi32>
    %scan3A = arith.constant 0 : i32
    %scan3A_34 = arith.constant 38 : i32
    %scan3A_35 = arith.addi %scan3A, %scan3A_34 : i32
    %scan3A_36 = arith.constant 1 : i32
    scf.for %scan3A_83 = %scan3A to %scan3A_35 step %scan3A_36  : i32 {
      %ge3A = arith.constant 1 : i32
      %ge3A_84 = arith.cmpi sge, %scan3A_83, %ge3A : i32
      %convert_element_type3A = arith.extui %ge3A_84 : i1 to i32
      %cond3A = arith.constant 0 : i32
      %cond3A_85 = arith.cmpi ne, %convert_element_type3A, %cond3A : i32
      scf.if %cond3A_85 {
        %dma_wait3A_2585 = arith.constant 0 : i32
        %dma_wait3A_2586 = arith.constant 0 : i32
        %dma_wait3A_2587 = arith.constant 0 : i32
        %dma_wait3A_2588 = arith.constant 0 : i32
        %dma_wait3A_2589 = arith.constant 0 : i32
        %dma_wait3A_2590 = arith.constant 0 : i32
        %dma_wait3A_2591 = tpu.memref_slice %arg7[%dma_wait3A_2587, %dma_wait3A_2588, %dma_wait3A_2589, %dma_wait3A_2590] : memref<2x2x8x128xf32, #tpu.memory_space<vmem>> -> memref<1x2x8x128xf32, #tpu.memory_space<vmem>>
        %dma_wait3A_2592 = tpu.memref_squeeze %dma_wait3A_2591 : memref<1x2x8x128xf32, #tpu.memory_space<vmem>> -> memref<2x8x128xf32, #tpu.memory_space<vmem>>
        %dma_wait3A_2593 = arith.constant 0 : i32
        %dma_wait3A_2594 = arith.constant 0 : i32
        %dma_wait3A_2595 = arith.constant 0 : i32
        %dma_wait3A_2596 = tpu.memref_slice %arg4[%dma_wait3A_2585, %dma_wait3A_2593, %dma_wait3A_2586, %dma_wait3A_2594, %dma_wait3A_2595] : memref<19x2x128x8x128xf32, #tpu.memory_space<hbm>> -> memref<1x2x1x8x128xf32, #tpu.memory_space<hbm>>
        %dma_wait3A_2597 = tpu.memref_squeeze %dma_wait3A_2596 : memref<1x2x1x8x128xf32, #tpu.memory_space<hbm>> -> memref<2x8x128xf32, #tpu.memory_space<hbm>>
        %dma_wait3A_2598 = arith.constant 0 : i32
        %dma_wait3A_2599 = arith.constant 0 : i32
        %dma_wait3A_2600 = arith.constant 0 : i32
        %dma_wait3A_2601 = tpu.memref_slice %arg7[%dma_wait3A_2587, %dma_wait3A_2598, %dma_wait3A_2599, %dma_wait3A_2600] : memref<2x2x8x128xf32, #tpu.memory_space<vmem>> -> memref<1x2x8x128xf32, #tpu.memory_space<vmem>>
        %dma_wait3A_2602 = tpu.memref_squeeze %dma_wait3A_2601 : memref<1x2x8x128xf32, #tpu.memory_space<vmem>> -> memref<2x8x128xf32, #tpu.memory_space<vmem>>
        %dma_wait3A_2603 = arith.constant 0 : i32
        %dma_wait3A_2604 = arith.constant 0 : i32
        %dma_wait3A_2605 = arith.constant 0 : i32
        %dma_wait3A_2606 = tpu.memref_slice %arg4[%dma_wait3A_2585, %dma_wait3A_2603, %dma_wait3A_2586, %dma_wait3A_2604, %dma_wait3A_2605] : memref<19x2x128x8x128xf32, #tpu.memory_space<hbm>> -> memref<1x2x1x8x128xf32, #tpu.memory_space<hbm>>
        %dma_wait3A_2607 = tpu.memref_squeeze %dma_wait3A_2606 : memref<1x2x1x8x128xf32, #tpu.memory_space<hbm>> -> memref<2x8x128xf32, #tpu.memory_space<hbm>>
        tpu.wait_dma2 semaphore(%arg8 : memref<!tpu.dma_semaphore, #tpu.memory_space<semaphore_mem>>) src(%dma_wait3A_2607 : memref<2x8x128xf32, #tpu.memory_space<hbm>>) dst(%dma_wait3A_2602 : memref<2x8x128xf32, #tpu.memory_space<vmem>>)
      } else {
      }
      %mul3A_86 = arith.constant 2 : i32
      %mul3A_87 = arith.muli %mul3A_86, %scan3A_83 : i32
      %add3A_88 = arith.constant 0 : i32
      %add3A_89 = arith.addi %mul3A_87, %add3A_88 : i32
      %mul3A_90 = arith.constant 76 : i32
      %mul3A_91 = arith.muli %add3A, %mul3A_90 : i32
      %add3A_92 = arith.addi %mul3A_91, %add3A_89 : i32
      %div3A = arith.constant 128 : i32
      %div3A_93 = arith.divsi %add3A_92, %div3A : i32
      %rem3A = arith.constant 128 : i32
      %rem3A_94 = arith.remsi %add3A_92, %rem3A : i32
      %mul3A_95 = arith.constant 64 : i32
      %mul3A_96 = arith.muli %div3A_93, %mul3A_95 : i32
      %mul3A_97 = arith.constant 128 : i32
      %mul3A_98 = arith.muli %add3A_89, %mul3A_97 : i32
      %add3A_99 = arith.constant 0 : i32
      %add3A_100 = arith.addi %mul3A_98, %add3A_99 : i32
      %get3A = arith.index_cast %add3A_100 : i32 to index
      %get3A_101 = tpu.vector_load %arg5[%get3A] {strides = array<i32>} : memref<9728xi32, #tpu.memory_space<vmem>>, vector<16xi32>,
      %add3A_102 = vector.broadcast %mul3A_96 : i32 to vector<16xi32>
      %add3A_103 = arith.addi %get3A_101, %add3A_102 : vector<16xi32>
      %gather3A = tpu.vector_load_idx %arg6[%broadcast_in_dim3A_3, %add3A_103] : memref<16x1216xf32, #tpu.memory_space<vmem>>[vector<16xi32>, vector<16xi32>], vector<16xf32>,
      %swap3A = arith.constant 0 : i32
      %swap3A_104 = arith.constant 0 : i32
      %swap3A_105 = arith.constant 0 : i32
      %swap3A_106 = arith.index_cast %swap3A : i32 to index
      %swap3A_107 = arith.index_cast %swap3A_104 : i32 to index
      %swap3A_108 = arith.index_cast %swap3A_105 : i32 to index
      %swap3A_109 = arith.constant 0 : index
      %swap3A_110 = tpu.vector_load %arg7[%swap3A_106, %swap3A_107, %swap3A_108, %swap3A_109] {strides = array<i32>} : memref<2x2x8x128xf32, #tpu.memory_space<vmem>>, vector<16xf32>,
      tpu.vector_store %arg7[%swap3A_106, %swap3A_107, %swap3A_108, %swap3A_109], %gather3A {strides = array<i32>} : memref<2x2x8x128xf32, #tpu.memory_space<vmem>>, vector<16xf32>,
      %gather3A_111 = tpu.vector_load_idx %arg6[%broadcast_in_dim3A_5, %add3A_103] : memref<16x1216xf32, #tpu.memory_space<vmem>>[vector<16xi32>, vector<16xi32>], vector<16xf32>,
      %swap3A_112 = arith.constant 0 : i32
      %swap3A_113 = arith.constant 0 : i32
      %swap3A_114 = arith.constant 1 : i32
      %swap3A_115 = arith.index_cast %swap3A_112 : i32 to index
      %swap3A_116 = arith.index_cast %swap3A_113 : i32 to index
      %swap3A_117 = arith.index_cast %swap3A_114 : i32 to index
      %swap3A_118 = arith.constant 0 : index
      %swap3A_119 = tpu.vector_load %arg7[%swap3A_115, %swap3A_116, %swap3A_117, %swap3A_118] {strides = array<i32>} : memref<2x2x8x128xf32, #tpu.memory_space<vmem>>, vector<16xf32>,
      tpu.vector_store %arg7[%swap3A_115, %swap3A_116, %swap3A_117, %swap3A_118], %gather3A_111 {strides = array<i32>} : memref<2x2x8x128xf32, #tpu.memory_space<vmem>>, vector<16xf32>,
      %gather3A_120 = tpu.vector_load_idx %arg6[%broadcast_in_dim3A_7, %add3A_103] : memref<16x1216xf32, #tpu.memory_space<vmem>>[vector<16xi32>, vector<16xi32>], vector<16xf32>,
      %swap3A_121 = arith.constant 0 : i32
      %swap3A_122 = arith.constant 0 : i32
      %swap3A_123 = arith.constant 2 : i32
      %swap3A_124 = arith.index_cast %swap3A_121 : i32 to index
      %swap3A_125 = arith.index_cast %swap3A_122 : i32 to index
      %swap3A_126 = arith.index_cast %swap3A_123 : i32 to index
      %swap3A_127 = arith.constant 0 : index
      %swap3A_128 = tpu.vector_load %arg7[%swap3A_124, %swap3A_125, %swap3A_126, %swap3A_127] {strides = array<i32>} : memref<2x2x8x128xf32, #tpu.memory_space<vmem>>, vector<16xf32>,
      tpu.vector_store %arg7[%swap3A_124, %swap3A_125, %swap3A_126, %swap3A_127], %gather3A_120 {strides = array<i32>} : memref<2x2x8x128xf32, #tpu.memory_space<vmem>>, vector<16xf32>,
      %gather3A_129 = tpu.vector_load_idx %arg6[%broadcast_in_dim3A_9, %add3A_103] : memref<16x1216xf32, #tpu.memory_space<vmem>>[vector<16xi32>, vector<16xi32>], vector<16xf32>,
      %swap3A_130 = arith.constant 0 : i32
      %swap3A_131 = arith.constant 0 : i32
      %swap3A_132 = arith.constant 3 : i32
      %swap3A_133 = arith.index_cast %swap3A_130 : i32 to index
      %swap3A_134 = arith.index_cast %swap3A_131 : i32 to index
      %swap3A_135 = arith.index_cast %swap3A_132 : i32 to index
      %swap3A_136 = arith.constant 0 : index
      %swap3A_137 = tpu.vector_load %arg7[%swap3A_133, %swap3A_134, %swap3A_135, %swap3A_136] {strides = array<i32>} : memref<2x2x8x128xf32, #tpu.memory_space<vmem>>, vector<16xf32>,
      tpu.vector_store %arg7[%swap3A_133, %swap3A_134, %swap3A_135, %swap3A_136], %gather3A_129 {strides = array<i32>} : memref<2x2x8x128xf32, #tpu.memory_space<vmem>>, vector<16xf32>,
      %gather3A_138 = tpu.vector_load_idx %arg6[%broadcast_in_dim3A_11, %add3A_103] : memref<16x1216xf32, #tpu.memory_space<vmem>>[vector<16xi32>, vector<16xi32>], vector<16xf32>,
      %swap3A_139 = arith.constant 0 : i32
      %swap3A_140 = arith.constant 0 : i32
      %swap3A_141 = arith.constant 4 : i32
      %swap3A_142 = arith.index_cast %swap3A_139 : i32 to index
      %swap3A_143 = arith.index_cast %swap3A_140 : i32 to index
      %swap3A_144 = arith.index_cast %swap3A_141 : i32 to index
      %swap3A_145 = arith.constant 0 : index
      %swap3A_146 = tpu.vector_load %arg7[%swap3A_142, %swap3A_143, %swap3A_144, %swap3A_145] {strides = array<i32>} : memref<2x2x8x128xf32, #tpu.memory_space<vmem>>, vector<16xf32>,
      tpu.vector_store %arg7[%swap3A_142, %swap3A_143, %swap3A_144, %swap3A_145], %gather3A_138 {strides = array<i32>} : memref<2x2x8x128xf32, #tpu.memory_space<vmem>>, vector<16xf32>,
      %gather3A_147 = tpu.vector_load_idx %arg6[%broadcast_in_dim3A_13, %add3A_103] : memref<16x1216xf32, #tpu.memory_space<vmem>>[vector<16xi32>, vector<16xi32>], vector<16xf32>,
      %swap3A_148 = arith.constant 0 : i32
      %swap3A_149 = arith.constant 0 : i32
      %swap3A_150 = arith.constant 5 : i32
      %swap3A_151 = arith.index_cast %swap3A_148 : i32 to index
      %swap3A_152 = arith.index_cast %swap3A_149 : i32 to index
      %swap3A_153 = arith.index_cast %swap3A_150 : i32 to index
      %swap3A_154 = arith.constant 0 : index
      %swap3A_155 = tpu.vector_load %arg7[%swap3A_151, %swap3A_152, %swap3A_153, %swap3A_154] {strides = array<i32>} : memref<2x2x8x128xf32, #tpu.memory_space<vmem>>, vector<16xf32>,
      tpu.vector_store %arg7[%swap3A_151, %swap3A_152, %swap3A_153, %swap3A_154], %gather3A_147 {strides = array<i32>} : memref<2x2x8x128xf32, #tpu.memory_space<vmem>>, vector<16xf32>,
      %gather3A_156 = tpu.vector_load_idx %arg6[%broadcast_in_dim3A_15, %add3A_103] : memref<16x1216xf32, #tpu.memory_space<vmem>>[vector<16xi32>, vector<16xi32>], vector<16xf32>,
      %swap3A_157 = arith.constant 0 : i32
      %swap3A_158 = arith.constant 0 : i32
      %swap3A_159 = arith.constant 6 : i32
      %swap3A_160 = arith.index_cast %swap3A_157 : i32 to index
      %swap3A_161 = arith.index_cast %swap3A_158 : i32 to index
      %swap3A_162 = arith.index_cast %swap3A_159 : i32 to index
      %swap3A_163 = arith.constant 0 : index
      %swap3A_164 = tpu.vector_load %arg7[%swap3A_160, %swap3A_161, %swap3A_162, %swap3A_163] {strides = array<i32>} : memref<2x2x8x128xf32, #tpu.memory_space<vmem>>, vector<16xf32>,
      tpu.vector_store %arg7[%swap3A_160, %swap3A_161, %swap3A_162, %swap3A_163], %gather3A_156 {strides = array<i32>} : memref<2x2x8x128xf32, #tpu.memory_space<vmem>>, vector<16xf32>,
      %gather3A_165 = tpu.vector_load_idx %arg6[%broadcast_in_dim3A_17, %add3A_103] : memref<16x1216xf32, #tpu.memory_space<vmem>>[vector<16xi32>, vector<16xi32>], vector<16xf32>,
      %swap3A_166 = arith.constant 0 : i32
      %swap3A_167 = arith.constant 0 : i32
      %swap3A_168 = arith.constant 7 : i32
      %swap3A_169 = arith.index_cast %swap3A_166 : i32 to index
      %swap3A_170 = arith.index_cast %swap3A_167 : i32 to index
      %swap3A_171 = arith.index_cast %swap3A_168 : i32 to index
      %swap3A_172 = arith.constant 0 : index
      %swap3A_173 = tpu.vector_load %arg7[%swap3A_169, %swap3A_170, %swap3A_171, %swap3A_172] {strides = array<i32>} : memref<2x2x8x128xf32, #tpu.memory_space<vmem>>, vector<16xf32>,
      tpu.vector_store %arg7[%swap3A_169, %swap3A_170, %swap3A_171, %swap3A_172], %gather3A_165 {strides = array<i32>} : memref<2x2x8x128xf32, #tpu.memory_space<vmem>>, vector<16xf32>,
      %gather3A_174 = tpu.vector_load_idx %arg6[%broadcast_in_dim3A_19, %add3A_103] : memref<16x1216xf32, #tpu.memory_space<vmem>>[vector<16xi32>, vector<16xi32>], vector<16xf32>,
      %swap3A_175 = arith.constant 0 : i32
      %swap3A_176 = arith.constant 1 : i32
      %swap3A_177 = arith.constant 0 : i32
      %swap3A_178 = arith.index_cast %swap3A_175 : i32 to index
      %swap3A_179 = arith.index_cast %swap3A_176 : i32 to index
      %swap3A_180 = arith.index_cast %swap3A_177 : i32 to index
      %swap3A_181 = arith.constant 0 : index
      %swap3A_182 = tpu.vector_load %arg7[%swap3A_178, %swap3A_179, %swap3A_180, %swap3A_181] {strides = array<i32>} : memref<2x2x8x128xf32, #tpu.memory_space<vmem>>, vector<16xf32>,
      tpu.vector_store %arg7[%swap3A_178, %swap3A_179, %swap3A_180, %swap3A_181], %gather3A_174 {strides = array<i32>} : memref<2x2x8x128xf32, #tpu.memory_space<vmem>>, vector<16xf32>,
      %gather3A_183 = tpu.vector_load_idx %arg6[%broadcast_in_dim3A_21, %add3A_103] : memref<16x1216xf32, #tpu.memory_space<vmem>>[vector<16xi32>, vector<16xi32>], vector<16xf32>,
      %swap3A_184 = arith.constant 0 : i32
      %swap3A_185 = arith.constant 1 : i32
      %swap3A_186 = arith.constant 1 : i32
      %swap3A_187 = arith.index_cast %swap3A_184 : i32 to index
      %swap3A_188 = arith.index_cast %swap3A_185 : i32 to index
      %swap3A_189 = arith.index_cast %swap3A_186 : i32 to index
      %swap3A_190 = arith.constant 0 : index
      %swap3A_191 = tpu.vector_load %arg7[%swap3A_187, %swap3A_188, %swap3A_189, %swap3A_190] {strides = array<i32>} : memref<2x2x8x128xf32, #tpu.memory_space<vmem>>, vector<16xf32>,
      tpu.vector_store %arg7[%swap3A_187, %swap3A_188, %swap3A_189, %swap3A_190], %gather3A_183 {strides = array<i32>} : memref<2x2x8x128xf32, #tpu.memory_space<vmem>>, vector<16xf32>,
      %gather3A_192 = tpu.vector_load_idx %arg6[%broadcast_in_dim3A_23, %add3A_103] : memref<16x1216xf32, #tpu.memory_space<vmem>>[vector<16xi32>, vector<16xi32>], vector<16xf32>,
      %swap3A_193 = arith.constant 0 : i32
      %swap3A_194 = arith.constant 1 : i32
      %swap3A_195 = arith.constant 2 : i32
      %swap3A_196 = arith.index_cast %swap3A_193 : i32 to index
      %swap3A_197 = arith.index_cast %swap3A_194 : i32 to index
      %swap3A_198 = arith.index_cast %swap3A_195 : i32 to index
      %swap3A_199 = arith.constant 0 : index
      %swap3A_200 = tpu.vector_load %arg7[%swap3A_196, %swap3A_197, %swap3A_198, %swap3A_199] {strides = array<i32>} : memref<2x2x8x128xf32, #tpu.memory_space<vmem>>, vector<16xf32>,
      tpu.vector_store %arg7[%swap3A_196, %swap3A_197, %swap3A_198, %swap3A_199], %gather3A_192 {strides = array<i32>} : memref<2x2x8x128xf32, #tpu.memory_space<vmem>>, vector<16xf32>,
      %gather3A_201 = tpu.vector_load_idx %arg6[%broadcast_in_dim3A_25, %add3A_103] : memref<16x1216xf32, #tpu.memory_space<vmem>>[vector<16xi32>, vector<16xi32>], vector<16xf32>,
      %swap3A_202 = arith.constant 0 : i32
      %swap3A_203 = arith.constant 1 : i32
      %swap3A_204 = arith.constant 3 : i32
      %swap3A_205 = arith.index_cast %swap3A_202 : i32 to index
      %swap3A_206 = arith.index_cast %swap3A_203 : i32 to index
      %swap3A_207 = arith.index_cast %swap3A_204 : i32 to index
      %swap3A_208 = arith.constant 0 : index
      %swap3A_209 = tpu.vector_load %arg7[%swap3A_205, %swap3A_206, %swap3A_207, %swap3A_208] {strides = array<i32>} : memref<2x2x8x128xf32, #tpu.memory_space<vmem>>, vector<16xf32>,
      tpu.vector_store %arg7[%swap3A_205, %swap3A_206, %swap3A_207, %swap3A_208], %gather3A_201 {strides = array<i32>} : memref<2x2x8x128xf32, #tpu.memory_space<vmem>>, vector<16xf32>,
      %gather3A_210 = tpu.vector_load_idx %arg6[%broadcast_in_dim3A_27, %add3A_103] : memref<16x1216xf32, #tpu.memory_space<vmem>>[vector<16xi32>, vector<16xi32>], vector<16xf32>,
      %swap3A_211 = arith.constant 0 : i32
      %swap3A_212 = arith.constant 1 : i32
      %swap3A_213 = arith.constant 4 : i32
      %swap3A_214 = arith.index_cast %swap3A_211 : i32 to index
      %swap3A_215 = arith.index_cast %swap3A_212 : i32 to index
      %swap3A_216 = arith.index_cast %swap3A_213 : i32 to index
      %swap3A_217 = arith.constant 0 : index
      %swap3A_218 = tpu.vector_load %arg7[%swap3A_214, %swap3A_215, %swap3A_216, %swap3A_217] {strides = array<i32>} : memref<2x2x8x128xf32, #tpu.memory_space<vmem>>, vector<16xf32>,
      tpu.vector_store %arg7[%swap3A_214, %swap3A_215, %swap3A_216, %swap3A_217], %gather3A_210 {strides = array<i32>} : memref<2x2x8x128xf32, #tpu.memory_space<vmem>>, vector<16xf32>,
      %gather3A_219 = tpu.vector_load_idx %arg6[%broadcast_in_dim3A_29, %add3A_103] : memref<16x1216xf32, #tpu.memory_space<vmem>>[vector<16xi32>, vector<16xi32>], vector<16xf32>,
      %swap3A_220 = arith.constant 0 : i32
      %swap3A_221 = arith.constant 1 : i32
      %swap3A_222 = arith.constant 5 : i32
      %swap3A_223 = arith.index_cast %swap3A_220 : i32 to index
      %swap3A_224 = arith.index_cast %swap3A_221 : i32 to index
      %swap3A_225 = arith.index_cast %swap3A_222 : i32 to index
      %swap3A_226 = arith.constant 0 : index
      %swap3A_227 = tpu.vector_load %arg7[%swap3A_223, %swap3A_224, %swap3A_225, %swap3A_226] {strides = array<i32>} : memref<2x2x8x128xf32, #tpu.memory_space<vmem>>, vector<16xf32>,
      tpu.vector_store %arg7[%swap3A_223, %swap3A_224, %swap3A_225, %swap3A_226], %gather3A_219 {strides = array<i32>} : memref<2x2x8x128xf32, #tpu.memory_space<vmem>>, vector<16xf32>,
      %gather3A_228 = tpu.vector_load_idx %arg6[%broadcast_in_dim3A_31, %add3A_103] : memref<16x1216xf32, #tpu.memory_space<vmem>>[vector<16xi32>, vector<16xi32>], vector<16xf32>,
      %swap3A_229 = arith.constant 0 : i32
      %swap3A_230 = arith.constant 1 : i32
      %swap3A_231 = arith.constant 6 : i32
      %swap3A_232 = arith.index_cast %swap3A_229 : i32 to index
      %swap3A_233 = arith.index_cast %swap3A_230 : i32 to index
      %swap3A_234 = arith.index_cast %swap3A_231 : i32 to index
      %swap3A_235 = arith.constant 0 : index
      %swap3A_236 = tpu.vector_load %arg7[%swap3A_232, %swap3A_233, %swap3A_234, %swap3A_235] {strides = array<i32>} : memref<2x2x8x128xf32, #tpu.memory_space<vmem>>, vector<16xf32>,
      tpu.vector_store %arg7[%swap3A_232, %swap3A_233, %swap3A_234, %swap3A_235], %gather3A_228 {strides = array<i32>} : memref<2x2x8x128xf32, #tpu.memory_space<vmem>>, vector<16xf32>,
      %gather3A_237 = tpu.vector_load_idx %arg6[%broadcast_in_dim3A_33, %add3A_103] : memref<16x1216xf32, #tpu.memory_space<vmem>>[vector<16xi32>, vector<16xi32>], vector<16xf32>,
      %swap3A_238 = arith.constant 0 : i32
      %swap3A_239 = arith.constant 1 : i32
      %swap3A_240 = arith.constant 7 : i32
      %swap3A_241 = arith.index_cast %swap3A_238 : i32 to index
      %swap3A_242 = arith.index_cast %swap3A_239 : i32 to index
      %swap3A_243 = arith.index_cast %swap3A_240 : i32 to index
      %swap3A_244 = arith.constant 0 : index
      %swap3A_245 = tpu.vector_load %arg7[%swap3A_241, %swap3A_242, %swap3A_243, %swap3A_244] {strides = array<i32>} : memref<2x2x8x128xf32, #tpu.memory_space<vmem>>, vector<16xf32>,
      tpu.vector_store %arg7[%swap3A_241, %swap3A_242, %swap3A_243, %swap3A_244], %gather3A_237 {strides = array<i32>} : memref<2x2x8x128xf32, #tpu.memory_space<vmem>>, vector<16xf32>,
      %mul3A_246 = arith.constant 128 : i32
      %mul3A_247 = arith.muli %add3A_89, %mul3A_246 : i32
      %add3A_248 = arith.constant 16 : i32
      %add3A_249 = arith.addi %mul3A_247, %add3A_248 : i32
      %get3A_250 = arith.index_cast %add3A_249 : i32 to index
      %get3A_251 = tpu.vector_load %arg5[%get3A_250] {strides = array<i32>} : memref<9728xi32, #tpu.memory_space<vmem>>, vector<16xi32>,
      %add3A_252 = vector.broadcast %mul3A_96 : i32 to vector<16xi32>
      %add3A_253 = arith.addi %get3A_251, %add3A_252 : vector<16xi32>
      %gather3A_254 = tpu.vector_load_idx %arg6[%broadcast_in_dim3A_3, %add3A_253] : memref<16x1216xf32, #tpu.memory_space<vmem>>[vector<16xi32>, vector<16xi32>], vector<16xf32>,
      %swap3A_255 = arith.constant 0 : i32
      %swap3A_256 = arith.constant 0 : i32
      %swap3A_257 = arith.constant 0 : i32
      %swap3A_258 = arith.index_cast %swap3A_255 : i32 to index
      %swap3A_259 = arith.index_cast %swap3A_256 : i32 to index
      %swap3A_260 = arith.index_cast %swap3A_257 : i32 to index
      %swap3A_261 = arith.constant 16 : index
      %swap3A_262 = tpu.vector_load %arg7[%swap3A_258, %swap3A_259, %swap3A_260, %swap3A_261] {strides = array<i32>} : memref<2x2x8x128xf32, #tpu.memory_space<vmem>>, vector<16xf32>,
      tpu.vector_store %arg7[%swap3A_258, %swap3A_259, %swap3A_260, %swap3A_261], %gather3A_254 {strides = array<i32>} : memref<2x2x8x128xf32, #tpu.memory_space<vmem>>, vector<16xf32>,
      %gather3A_263 = tpu.vector_load_idx %arg6[%broadcast_in_dim3A_5, %add3A_253] : memref<16x1216xf32, #tpu.memory_space<vmem>>[vector<16xi32>, vector<16xi32>], vector<16xf32>,
      %swap3A_264 = arith.constant 0 : i32
      %swap3A_265 = arith.constant 0 : i32
      %swap3A_266 = arith.constant 1 : i32
      %swap3A_267 = arith.index_cast %swap3A_264 : i32 to index
      %swap3A_268 = arith.index_cast %swap3A_265 : i32 to index
      %swap3A_269 = arith.index_cast %swap3A_266 : i32 to index
      %swap3A_270 = arith.constant 16 : index
      %swap3A_271 = tpu.vector_load %arg7[%swap3A_267, %swap3A_268, %swap3A_269, %swap3A_270] {strides = array<i32>} : memref<2x2x8x128xf32, #tpu.memory_space<vmem>>, vector<16xf32>,
      tpu.vector_store %arg7[%swap3A_267, %swap3A_268, %swap3A_269, %swap3A_270], %gather3A_263 {strides = array<i32>} : memref<2x2x8x128xf32, #tpu.memory_space<vmem>>, vector<16xf32>,
      %gather3A_272 = tpu.vector_load_idx %arg6[%broadcast_in_dim3A_7, %add3A_253] : memref<16x1216xf32, #tpu.memory_space<vmem>>[vector<16xi32>, vector<16xi32>], vector<16xf32>,
      %swap3A_273 = arith.constant 0 : i32
      %swap3A_274 = arith.constant 0 : i32
      %swap3A_275 = arith.constant 2 : i32
      %swap3A_276 = arith.index_cast %swap3A_273 : i32 to index
      %swap3A_277 = arith.index_cast %swap3A_274 : i32 to index
      %swap3A_278 = arith.index_cast %swap3A_275 : i32 to index
      %swap3A_279 = arith.constant 16 : index
      %swap3A_280 = tpu.vector_load %arg7[%swap3A_276, %swap3A_277, %swap3A_278, %swap3A_279] {strides = array<i32>} : memref<2x2x8x128xf32, #tpu.memory_space<vmem>>, vector<16xf32>,
      tpu.vector_store %arg7[%swap3A_276, %swap3A_277, %swap3A_278, %swap3A_279], %gather3A_272 {strides = array<i32>} : memref<2x2x8x128xf32, #tpu.memory_space<vmem>>, vector<16xf32>,
      %gather3A_281 = tpu.vector_load_idx %arg6[%broadcast_in_dim3A_9, %add3A_253] : memref<16x1216xf32, #tpu.memory_space<vmem>>[vector<16xi32>, vector<16xi32>], vector<16xf32>,
      %swap3A_282 = arith.constant 0 : i32
      %swap3A_283 = arith.constant 0 : i32
      %swap3A_284 = arith.constant 3 : i32
      %swap3A_285 = arith.index_cast %swap3A_282 : i32 to index
      %swap3A_286 = arith.index_cast %swap3A_283 : i32 to index
      %swap3A_287 = arith.index_cast %swap3A_284 : i32 to index
      %swap3A_288 = arith.constant 16 : index
      %swap3A_289 = tpu.vector_load %arg7[%swap3A_285, %swap3A_286, %swap3A_287, %swap3A_288] {strides = array<i32>} : memref<2x2x8x128xf32, #tpu.memory_space<vmem>>, vector<16xf32>,
      tpu.vector_store %arg7[%swap3A_285, %swap3A_286, %swap3A_287, %swap3A_288], %gather3A_281 {strides = array<i32>} : memref<2x2x8x128xf32, #tpu.memory_space<vmem>>, vector<16xf32>,
      %gather3A_290 = tpu.vector_load_idx %arg6[%broadcast_in_dim3A_11, %add3A_253] : memref<16x1216xf32, #tpu.memory_space<vmem>>[vector<16xi32>, vector<16xi32>], vector<16xf32>,
      %swap3A_291 = arith.constant 0 : i32
      %swap3A_292 = arith.constant 0 : i32
      %swap3A_293 = arith.constant 4 : i32
      %swap3A_294 = arith.index_cast %swap3A_291 : i32 to index
      %swap3A_295 = arith.index_cast %swap3A_292 : i32 to index
      %swap3A_296 = arith.index_cast %swap3A_293 : i32 to index
      %swap3A_297 = arith.constant 16 : index
      %swap3A_298 = tpu.vector_load %arg7[%swap3A_294, %swap3A_295, %swap3A_296, %swap3A_297] {strides = array<i32>} : memref<2x2x8x128xf32, #tpu.memory_space<vmem>>, vector<16xf32>,
      tpu.vector_store %arg7[%swap3A_294, %swap3A_295, %swap3A_296, %swap3A_297], %gather3A_290 {strides = array<i32>} : memref<2x2x8x128xf32, #tpu.memory_space<vmem>>, vector<16xf32>,
      %gather3A_299 = tpu.vector_load_idx %arg6[%broadcast_in_dim3A_13, %add3A_253] : memref<16x1216xf32, #tpu.memory_space<vmem>>[vector<16xi32>, vector<16xi32>], vector<16xf32>,
      %swap3A_300 = arith.constant 0 : i32
      %swap3A_301 = arith.constant 0 : i32
      %swap3A_302 = arith.constant 5 : i32
      %swap3A_303 = arith.index_cast %swap3A_300 : i32 to index
      %swap3A_304 = arith.index_cast %swap3A_301 : i32 to index
      %swap3A_305 = arith.index_cast %swap3A_302 : i32 to index
      %swap3A_306 = arith.constant 16 : index
      %swap3A_307 = tpu.vector_load %arg7[%swap3A_303, %swap3A_304, %swap3A_305, %swap3A_306] {strides = array<i32>} : memref<2x2x8x128xf32, #tpu.memory_space<vmem>>, vector<16xf32>,
      tpu.vector_store %arg7[%swap3A_303, %swap3A_304, %swap3A_305, %swap3A_306], %gather3A_299 {strides = array<i32>} : memref<2x2x8x128xf32, #tpu.memory_space<vmem>>, vector<16xf32>,
      %gather3A_308 = tpu.vector_load_idx %arg6[%broadcast_in_dim3A_15, %add3A_253] : memref<16x1216xf32, #tpu.memory_space<vmem>>[vector<16xi32>, vector<16xi32>], vector<16xf32>,
      %swap3A_309 = arith.constant 0 : i32
      %swap3A_310 = arith.constant 0 : i32
      %swap3A_311 = arith.constant 6 : i32
      %swap3A_312 = arith.index_cast %swap3A_309 : i32 to index
      %swap3A_313 = arith.index_cast %swap3A_310 : i32 to index
      %swap3A_314 = arith.index_cast %swap3A_311 : i32 to index
      %swap3A_315 = arith.constant 16 : index
      %swap3A_316 = tpu.vector_load %arg7[%swap3A_312, %swap3A_313, %swap3A_314, %swap3A_315] {strides = array<i32>} : memref<2x2x8x128xf32, #tpu.memory_space<vmem>>, vector<16xf32>,
      tpu.vector_store %arg7[%swap3A_312, %swap3A_313, %swap3A_314, %swap3A_315], %gather3A_308 {strides = array<i32>} : memref<2x2x8x128xf32, #tpu.memory_space<vmem>>, vector<16xf32>,
      %gather3A_317 = tpu.vector_load_idx %arg6[%broadcast_in_dim3A_17, %add3A_253] : memref<16x1216xf32, #tpu.memory_space<vmem>>[vector<16xi32>, vector<16xi32>], vector<16xf32>,
      %swap3A_318 = arith.constant 0 : i32
      %swap3A_319 = arith.constant 0 : i32
      %swap3A_320 = arith.constant 7 : i32
      %swap3A_321 = arith.index_cast %swap3A_318 : i32 to index
      %swap3A_322 = arith.index_cast %swap3A_319 : i32 to index
      %swap3A_323 = arith.index_cast %swap3A_320 : i32 to index
      %swap3A_324 = arith.constant 16 : index
      %swap3A_325 = tpu.vector_load %arg7[%swap3A_321, %swap3A_322, %swap3A_323, %swap3A_324] {strides = array<i32>} : memref<2x2x8x128xf32, #tpu.memory_space<vmem>>, vector<16xf32>,
      tpu.vector_store %arg7[%swap3A_321, %swap3A_322, %swap3A_323, %swap3A_324], %gather3A_317 {strides = array<i32>} : memref<2x2x8x128xf32, #tpu.memory_space<vmem>>, vector<16xf32>,
      %gather3A_326 = tpu.vector_load_idx %arg6[%broadcast_in_dim3A_19, %add3A_253] : memref<16x1216xf32, #tpu.memory_space<vmem>>[vector<16xi32>, vector<16xi32>], vector<16xf32>,
      %swap3A_327 = arith.constant 0 : i32
      %swap3A_328 = arith.constant 1 : i32
      %swap3A_329 = arith.constant 0 : i32
      %swap3A_330 = arith.index_cast %swap3A_327 : i32 to index
      %swap3A_331 = arith.index_cast %swap3A_328 : i32 to index
      %swap3A_332 = arith.index_cast %swap3A_329 : i32 to index
      %swap3A_333 = arith.constant 16 : index
      %swap3A_334 = tpu.vector_load %arg7[%swap3A_330, %swap3A_331, %swap3A_332, %swap3A_333] {strides = array<i32>} : memref<2x2x8x128xf32, #tpu.memory_space<vmem>>, vector<16xf32>,
      tpu.vector_store %arg7[%swap3A_330, %swap3A_331, %swap3A_332, %swap3A_333], %gather3A_326 {strides = array<i32>} : memref<2x2x8x128xf32, #tpu.memory_space<vmem>>, vector<16xf32>,
      %gather3A_335 = tpu.vector_load_idx %arg6[%broadcast_in_dim3A_21, %add3A_253] : memref<16x1216xf32, #tpu.memory_space<vmem>>[vector<16xi32>, vector<16xi32>], vector<16xf32>,
      %swap3A_336 = arith.constant 0 : i32
      %swap3A_337 = arith.constant 1 : i32
      %swap3A_338 = arith.constant 1 : i32
      %swap3A_339 = arith.index_cast %swap3A_336 : i32 to index
      %swap3A_340 = arith.index_cast %swap3A_337 : i32 to index
      %swap3A_341 = arith.index_cast %swap3A_338 : i32 to index
      %swap3A_342 = arith.constant 16 : index
      %swap3A_343 = tpu.vector_load %arg7[%swap3A_339, %swap3A_340, %swap3A_341, %swap3A_342] {strides = array<i32>} : memref<2x2x8x128xf32, #tpu.memory_space<vmem>>, vector<16xf32>,
      tpu.vector_store %arg7[%swap3A_339, %swap3A_340, %swap3A_341, %swap3A_342], %gather3A_335 {strides = array<i32>} : memref<2x2x8x128xf32, #tpu.memory_space<vmem>>, vector<16xf32>,
      %gather3A_344 = tpu.vector_load_idx %arg6[%broadcast_in_dim3A_23, %add3A_253] : memref<16x1216xf32, #tpu.memory_space<vmem>>[vector<16xi32>, vector<16xi32>], vector<16xf32>,
      %swap3A_345 = arith.constant 0 : i32
      %swap3A_346 = arith.constant 1 : i32
      %swap3A_347 = arith.constant 2 : i32
      %swap3A_348 = arith.index_cast %swap3A_345 : i32 to index
      %swap3A_349 = arith.index_cast %swap3A_346 : i32 to index
      %swap3A_350 = arith.index_cast %swap3A_347 : i32 to index
      %swap3A_351 = arith.constant 16 : index
      %swap3A_352 = tpu.vector_load %arg7[%swap3A_348, %swap3A_349, %swap3A_350, %swap3A_351] {strides = array<i32>} : memref<2x2x8x128xf32, #tpu.memory_space<vmem>>, vector<16xf32>,
      tpu.vector_store %arg7[%swap3A_348, %swap3A_349, %swap3A_350, %swap3A_351], %gather3A_344 {strides = array<i32>} : memref<2x2x8x128xf32, #tpu.memory_space<vmem>>, vector<16xf32>,
      %gather3A_353 = tpu.vector_load_idx %arg6[%broadcast_in_dim3A_25, %add3A_253] : memref<16x1216xf32, #tpu.memory_space<vmem>>[vector<16xi32>, vector<16xi32>], vector<16xf32>,
      %swap3A_354 = arith.constant 0 : i32
      %swap3A_355 = arith.constant 1 : i32
      %swap3A_356 = arith.constant 3 : i32
      %swap3A_357 = arith.index_cast %swap3A_354 : i32 to index
      %swap3A_358 = arith.index_cast %swap3A_355 : i32 to index
      %swap3A_359 = arith.index_cast %swap3A_356 : i32 to index
      %swap3A_360 = arith.constant 16 : index
      %swap3A_361 = tpu.vector_load %arg7[%swap3A_357, %swap3A_358, %swap3A_359, %swap3A_360] {strides = array<i32>} : memref<2x2x8x128xf32, #tpu.memory_space<vmem>>, vector<16xf32>,
      tpu.vector_store %arg7[%swap3A_357, %swap3A_358, %swap3A_359, %swap3A_360], %gather3A_353 {strides = array<i32>} : memref<2x2x8x128xf32, #tpu.memory_space<vmem>>, vector<16xf32>,
      %gather3A_362 = tpu.vector_load_idx %arg6[%broadcast_in_dim3A_27, %add3A_253] : memref<16x1216xf32, #tpu.memory_space<vmem>>[vector<16xi32>, vector<16xi32>], vector<16xf32>,
      %swap3A_363 = arith.constant 0 : i32
      %swap3A_364 = arith.constant 1 : i32
      %swap3A_365 = arith.constant 4 : i32
      %swap3A_366 = arith.index_cast %swap3A_363 : i32 to index
      %swap3A_367 = arith.index_cast %swap3A_364 : i32 to index
      %swap3A_368 = arith.index_cast %swap3A_365 : i32 to index
      %swap3A_369 = arith.constant 16 : index
      %swap3A_370 = tpu.vector_load %arg7[%swap3A_366, %swap3A_367, %swap3A_368, %swap3A_369] {strides = array<i32>} : memref<2x2x8x128xf32, #tpu.memory_space<vmem>>, vector<16xf32>,
      tpu.vector_store %arg7[%swap3A_366, %swap3A_367, %swap3A_368, %swap3A_369], %gather3A_362 {strides = array<i32>} : memref<2x2x8x128xf32, #tpu.memory_space<vmem>>, vector<16xf32>,
      %gather3A_371 = tpu.vector_load_idx %arg6[%broadcast_in_dim3A_29, %add3A_253] : memref<16x1216xf32, #tpu.memory_space<vmem>>[vector<16xi32>, vector<16xi32>], vector<16xf32>,
      %swap3A_372 = arith.constant 0 : i32
      %swap3A_373 = arith.constant 1 : i32
      %swap3A_374 = arith.constant 5 : i32
      %swap3A_375 = arith.index_cast %swap3A_372 : i32 to index
      %swap3A_376 = arith.index_cast %swap3A_373 : i32 to index
      %swap3A_377 = arith.index_cast %swap3A_374 : i32 to index
      %swap3A_378 = arith.constant 16 : index
      %swap3A_379 = tpu.vector_load %arg7[%swap3A_375, %swap3A_376, %swap3A_377, %swap3A_378] {strides = array<i32>} : memref<2x2x8x128xf32, #tpu.memory_space<vmem>>, vector<16xf32>,
      tpu.vector_store %arg7[%swap3A_375, %swap3A_376, %swap3A_377, %swap3A_378], %gather3A_371 {strides = array<i32>} : memref<2x2x8x128xf32, #tpu.memory_space<vmem>>, vector<16xf32>,
      %gather3A_380 = tpu.vector_load_idx %arg6[%broadcast_in_dim3A_31, %add3A_253] : memref<16x1216xf32, #tpu.memory_space<vmem>>[vector<16xi32>, vector<16xi32>], vector<16xf32>,
      %swap3A_381 = arith.constant 0 : i32
      %swap3A_382 = arith.constant 1 : i32
      %swap3A_383 = arith.constant 6 : i32
      %swap3A_384 = arith.index_cast %swap3A_381 : i32 to index
      %swap3A_385 = arith.index_cast %swap3A_382 : i32 to index
      %swap3A_386 = arith.index_cast %swap3A_383 : i32 to index
      %swap3A_387 = arith.constant 16 : index
      %swap3A_388 = tpu.vector_load %arg7[%swap3A_384, %swap3A_385, %swap3A_386, %swap3A_387] {strides = array<i32>} : memref<2x2x8x128xf32, #tpu.memory_space<vmem>>, vector<16xf32>,
      tpu.vector_store %arg7[%swap3A_384, %swap3A_385, %swap3A_386, %swap3A_387], %gather3A_380 {strides = array<i32>} : memref<2x2x8x128xf32, #tpu.memory_space<vmem>>, vector<16xf32>,
      %gather3A_389 = tpu.vector_load_idx %arg6[%broadcast_in_dim3A_33, %add3A_253] : memref<16x1216xf32, #tpu.memory_space<vmem>>[vector<16xi32>, vector<16xi32>], vector<16xf32>,
      %swap3A_390 = arith.constant 0 : i32
      %swap3A_391 = arith.constant 1 : i32
      %swap3A_392 = arith.constant 7 : i32
      %swap3A_393 = arith.index_cast %swap3A_390 : i32 to index
      %swap3A_394 = arith.index_cast %swap3A_391 : i32 to index
      %swap3A_395 = arith.index_cast %swap3A_392 : i32 to index
      %swap3A_396 = arith.constant 16 : index
      %swap3A_397 = tpu.vector_load %arg7[%swap3A_393, %swap3A_394, %swap3A_395, %swap3A_396] {strides = array<i32>} : memref<2x2x8x128xf32, #tpu.memory_space<vmem>>, vector<16xf32>,
      tpu.vector_store %arg7[%swap3A_393, %swap3A_394, %swap3A_395, %swap3A_396], %gather3A_389 {strides = array<i32>} : memref<2x2x8x128xf32, #tpu.memory_space<vmem>>, vector<16xf32>,
      %mul3A_398 = arith.constant 128 : i32
      %mul3A_399 = arith.muli %add3A_89, %mul3A_398 : i32
      %add3A_400 = arith.constant 32 : i32
      %add3A_401 = arith.addi %mul3A_399, %add3A_400 : i32
      %get3A_402 = arith.index_cast %add3A_401 : i32 to index
      %get3A_403 = tpu.vector_load %arg5[%get3A_402] {strides = array<i32>} : memref<9728xi32, #tpu.memory_space<vmem>>, vector<16xi32>,
      %add3A_404 = vector.broadcast %mul3A_96 : i32 to vector<16xi32>
      %add3A_405 = arith.addi %get3A_403, %add3A_404 : vector<16xi32>
      %gather3A_406 = tpu.vector_load_idx %arg6[%broadcast_in_dim3A_3, %add3A_405] : memref<16x1216xf32, #tpu.memory_space<vmem>>[vector<16xi32>, vector<16xi32>], vector<16xf32>,
      %swap3A_407 = arith.constant 0 : i32
      %swap3A_408 = arith.constant 0 : i32
      %swap3A_409 = arith.constant 0 : i32
      %swap3A_410 = arith.index_cast %swap3A_407 : i32 to index
      %swap3A_411 = arith.index_cast %swap3A_408 : i32 to index
      %swap3A_412 = arith.index_cast %swap3A_409 : i32 to index
      %swap3A_413 = arith.constant 32 : index
      %swap3A_414 = tpu.vector_load %arg7[%swap3A_410, %swap3A_411, %swap3A_412, %swap3A_413] {strides = array<i32>} : memref<2x2x8x128xf32, #tpu.memory_space<vmem>>, vector<16xf32>,
      tpu.vector_store %arg7[%swap3A_410, %swap3A_411, %swap3A_412, %swap3A_413], %gather3A_406 {strides = array<i32>} : memref<2x2x8x128xf32, #tpu.memory_space<vmem>>, vector<16xf32>,
      %gather3A_415 = tpu.vector_load_idx %arg6[%broadcast_in_dim3A_5, %add3A_405] : memref<16x1216xf32, #tpu.memory_space<vmem>>[vector<16xi32>, vector<16xi32>], vector<16xf32>,
      %swap3A_416 = arith.constant 0 : i32
      %swap3A_417 = arith.constant 0 : i32
      %swap3A_418 = arith.constant 1 : i32
      %swap3A_419 = arith.index_cast %swap3A_416 : i32 to index
      %swap3A_420 = arith.index_cast %swap3A_417 : i32 to index
      %swap3A_421 = arith.index_cast %swap3A_418 : i32 to index
      %swap3A_422 = arith.constant 32 : index
      %swap3A_423 = tpu.vector_load %arg7[%swap3A_419, %swap3A_420, %swap3A_421, %swap3A_422] {strides = array<i32>} : memref<2x2x8x128xf32, #tpu.memory_space<vmem>>, vector<16xf32>,
      tpu.vector_store %arg7[%swap3A_419, %swap3A_420, %swap3A_421, %swap3A_422], %gather3A_415 {strides = array<i32>} : memref<2x2x8x128xf32, #tpu.memory_space<vmem>>, vector<16xf32>,
      %gather3A_424 = tpu.vector_load_idx %arg6[%broadcast_in_dim3A_7, %add3A_405] : memref<16x1216xf32, #tpu.memory_space<vmem>>[vector<16xi32>, vector<16xi32>], vector<16xf32>,
      %swap3A_425 = arith.constant 0 : i32
      %swap3A_426 = arith.constant 0 : i32
      %swap3A_427 = arith.constant 2 : i32
      %swap3A_428 = arith.index_cast %swap3A_425 : i32 to index
      %swap3A_429 = arith.index_cast %swap3A_426 : i32 to index
      %swap3A_430 = arith.index_cast %swap3A_427 : i32 to index
      %swap3A_431 = arith.constant 32 : index
      %swap3A_432 = tpu.vector_load %arg7[%swap3A_428, %swap3A_429, %swap3A_430, %swap3A_431] {strides = array<i32>} : memref<2x2x8x128xf32, #tpu.memory_space<vmem>>, vector<16xf32>,
      tpu.vector_store %arg7[%swap3A_428, %swap3A_429, %swap3A_430, %swap3A_431], %gather3A_424 {strides = array<i32>} : memref<2x2x8x128xf32, #tpu.memory_space<vmem>>, vector<16xf32>,
      %gather3A_433 = tpu.vector_load_idx %arg6[%broadcast_in_dim3A_9, %add3A_405] : memref<16x1216xf32, #tpu.memory_space<vmem>>[vector<16xi32>, vector<16xi32>], vector<16xf32>,
      %swap3A_434 = arith.constant 0 : i32
      %swap3A_435 = arith.constant 0 : i32
      %swap3A_436 = arith.constant 3 : i32
      %swap3A_437 = arith.index_cast %swap3A_434 : i32 to index
      %swap3A_438 = arith.index_cast %swap3A_435 : i32 to index
      %swap3A_439 = arith.index_cast %swap3A_436 : i32 to index
      %swap3A_440 = arith.constant 32 : index
      %swap3A_441 = tpu.vector_load %arg7[%swap3A_437, %swap3A_438, %swap3A_439, %swap3A_440] {strides = array<i32>} : memref<2x2x8x128xf32, #tpu.memory_space<vmem>>, vector<16xf32>,
      tpu.vector_store %arg7[%swap3A_437, %swap3A_438, %swap3A_439, %swap3A_440], %gather3A_433 {strides = array<i32>} : memref<2x2x8x128xf32, #tpu.memory_space<vmem>>, vector<16xf32>,
      %gather3A_442 = tpu.vector_load_idx %arg6[%broadcast_in_dim3A_11, %add3A_405] : memref<16x1216xf32, #tpu.memory_space<vmem>>[vector<16xi32>, vector<16xi32>], vector<16xf32>,
      %swap3A_443 = arith.constant 0 : i32
      %swap3A_444 = arith.constant 0 : i32
      %swap3A_445 = arith.constant 4 : i32
      %swap3A_446 = arith.index_cast %swap3A_443 : i32 to index
      %swap3A_447 = arith.index_cast %swap3A_444 : i32 to index
      %swap3A_448 = arith.index_cast %swap3A_445 : i32 to index
      %swap3A_449 = arith.constant 32 : index
      %swap3A_450 = tpu.vector_load %arg7[%swap3A_446, %swap3A_447, %swap3A_448, %swap3A_449] {strides = array<i32>} : memref<2x2x8x128xf32, #tpu.memory_space<vmem>>, vector<16xf32>,
      tpu.vector_store %arg7[%swap3A_446, %swap3A_447, %swap3A_448, %swap3A_449], %gather3A_442 {strides = array<i32>} : memref<2x2x8x128xf32, #tpu.memory_space<vmem>>, vector<16xf32>,
      %gather3A_451 = tpu.vector_load_idx %arg6[%broadcast_in_dim3A_13, %add3A_405] : memref<16x1216xf32, #tpu.memory_space<vmem>>[vector<16xi32>, vector<16xi32>], vector<16xf32>,
      %swap3A_452 = arith.constant 0 : i32
      %swap3A_453 = arith.constant 0 : i32
      %swap3A_454 = arith.constant 5 : i32
      %swap3A_455 = arith.index_cast %swap3A_452 : i32 to index
      %swap3A_456 = arith.index_cast %swap3A_453 : i32 to index
      %swap3A_457 = arith.index_cast %swap3A_454 : i32 to index
      %swap3A_458 = arith.constant 32 : index
      %swap3A_459 = tpu.vector_load %arg7[%swap3A_455, %swap3A_456, %swap3A_457, %swap3A_458] {strides = array<i32>} : memref<2x2x8x128xf32, #tpu.memory_space<vmem>>, vector<16xf32>,
      tpu.vector_store %arg7[%swap3A_455, %swap3A_456, %swap3A_457, %swap3A_458], %gather3A_451 {strides = array<i32>} : memref<2x2x8x128xf32, #tpu.memory_space<vmem>>, vector<16xf32>,
      %gather3A_460 = tpu.vector_load_idx %arg6[%broadcast_in_dim3A_15, %add3A_405] : memref<16x1216xf32, #tpu.memory_space<vmem>>[vector<16xi32>, vector<16xi32>], vector<16xf32>,
      %swap3A_461 = arith.constant 0 : i32
      %swap3A_462 = arith.constant 0 : i32
      %swap3A_463 = arith.constant 6 : i32
      %swap3A_464 = arith.index_cast %swap3A_461 : i32 to index
      %swap3A_465 = arith.index_cast %swap3A_462 : i32 to index
      %swap3A_466 = arith.index_cast %swap3A_463 : i32 to index
      %swap3A_467 = arith.constant 32 : index
      %swap3A_468 = tpu.vector_load %arg7[%swap3A_464, %swap3A_465, %swap3A_466, %swap3A_467] {strides = array<i32>} : memref<2x2x8x128xf32, #tpu.memory_space<vmem>>, vector<16xf32>,
      tpu.vector_store %arg7[%swap3A_464, %swap3A_465, %swap3A_466, %swap3A_467], %gather3A_460 {strides = array<i32>} : memref<2x2x8x128xf32, #tpu.memory_space<vmem>>, vector<16xf32>,
      %gather3A_469 = tpu.vector_load_idx %arg6[%broadcast_in_dim3A_17, %add3A_405] : memref<16x1216xf32, #tpu.memory_space<vmem>>[vector<16xi32>, vector<16xi32>], vector<16xf32>,
      %swap3A_470 = arith.constant 0 : i32
      %swap3A_471 = arith.constant 0 : i32
      %swap3A_472 = arith.constant 7 : i32
      %swap3A_473 = arith.index_cast %swap3A_470 : i32 to index
      %swap3A_474 = arith.index_cast %swap3A_471 : i32 to index
      %swap3A_475 = arith.index_cast %swap3A_472 : i32 to index
      %swap3A_476 = arith.constant 32 : index
      %swap3A_477 = tpu.vector_load %arg7[%swap3A_473, %swap3A_474, %swap3A_475, %swap3A_476] {strides = array<i32>} : memref<2x2x8x128xf32, #tpu.memory_space<vmem>>, vector<16xf32>,
      tpu.vector_store %arg7[%swap3A_473, %swap3A_474, %swap3A_475, %swap3A_476], %gather3A_469 {strides = array<i32>} : memref<2x2x8x128xf32, #tpu.memory_space<vmem>>, vector<16xf32>,
      %gather3A_478 = tpu.vector_load_idx %arg6[%broadcast_in_dim3A_19, %add3A_405] : memref<16x1216xf32, #tpu.memory_space<vmem>>[vector<16xi32>, vector<16xi32>], vector<16xf32>,
      %swap3A_479 = arith.constant 0 : i32
      %swap3A_480 = arith.constant 1 : i32
      %swap3A_481 = arith.constant 0 : i32
      %swap3A_482 = arith.index_cast %swap3A_479 : i32 to index
      %swap3A_483 = arith.index_cast %swap3A_480 : i32 to index
      %swap3A_484 = arith.index_cast %swap3A_481 : i32 to index
      %swap3A_485 = arith.constant 32 : index
      %swap3A_486 = tpu.vector_load %arg7[%swap3A_482, %swap3A_483, %swap3A_484, %swap3A_485] {strides = array<i32>} : memref<2x2x8x128xf32, #tpu.memory_space<vmem>>, vector<16xf32>,
      tpu.vector_store %arg7[%swap3A_482, %swap3A_483, %swap3A_484, %swap3A_485], %gather3A_478 {strides = array<i32>} : memref<2x2x8x128xf32, #tpu.memory_space<vmem>>, vector<16xf32>,
      %gather3A_487 = tpu.vector_load_idx %arg6[%broadcast_in_dim3A_21, %add3A_405] : memref<16x1216xf32, #tpu.memory_space<vmem>>[vector<16xi32>, vector<16xi32>], vector<16xf32>,
      %swap3A_488 = arith.constant 0 : i32
      %swap3A_489 = arith.constant 1 : i32
      %swap3A_490 = arith.constant 1 : i32
      %swap3A_491 = arith.index_cast %swap3A_488 : i32 to index
      %swap3A_492 = arith.index_cast %swap3A_489 : i32 to index
      %swap3A_493 = arith.index_cast %swap3A_490 : i32 to index
      %swap3A_494 = arith.constant 32 : index
      %swap3A_495 = tpu.vector_load %arg7[%swap3A_491, %swap3A_492, %swap3A_493, %swap3A_494] {strides = array<i32>} : memref<2x2x8x128xf32, #tpu.memory_space<vmem>>, vector<16xf32>,
      tpu.vector_store %arg7[%swap3A_491, %swap3A_492, %swap3A_493, %swap3A_494], %gather3A_487 {strides = array<i32>} : memref<2x2x8x128xf32, #tpu.memory_space<vmem>>, vector<16xf32>,
      %gather3A_496 = tpu.vector_load_idx %arg6[%broadcast_in_dim3A_23, %add3A_405] : memref<16x1216xf32, #tpu.memory_space<vmem>>[vector<16xi32>, vector<16xi32>], vector<16xf32>,
      %swap3A_497 = arith.constant 0 : i32
      %swap3A_498 = arith.constant 1 : i32
      %swap3A_499 = arith.constant 2 : i32
      %swap3A_500 = arith.index_cast %swap3A_497 : i32 to index
      %swap3A_501 = arith.index_cast %swap3A_498 : i32 to index
      %swap3A_502 = arith.index_cast %swap3A_499 : i32 to index
      %swap3A_503 = arith.constant 32 : index
      %swap3A_504 = tpu.vector_load %arg7[%swap3A_500, %swap3A_501, %swap3A_502, %swap3A_503] {strides = array<i32>} : memref<2x2x8x128xf32, #tpu.memory_space<vmem>>, vector<16xf32>,
      tpu.vector_store %arg7[%swap3A_500, %swap3A_501, %swap3A_502, %swap3A_503], %gather3A_496 {strides = array<i32>} : memref<2x2x8x128xf32, #tpu.memory_space<vmem>>, vector<16xf32>,
      %gather3A_505 = tpu.vector_load_idx %arg6[%broadcast_in_dim3A_25, %add3A_405] : memref<16x1216xf32, #tpu.memory_space<vmem>>[vector<16xi32>, vector<16xi32>], vector<16xf32>,
      %swap3A_506 = arith.constant 0 : i32
      %swap3A_507 = arith.constant 1 : i32
      %swap3A_508 = arith.constant 3 : i32
      %swap3A_509 = arith.index_cast %swap3A_506 : i32 to index
      %swap3A_510 = arith.index_cast %swap3A_507 : i32 to index
      %swap3A_511 = arith.index_cast %swap3A_508 : i32 to index
      %swap3A_512 = arith.constant 32 : index
      %swap3A_513 = tpu.vector_load %arg7[%swap3A_509, %swap3A_510, %swap3A_511, %swap3A_512] {strides = array<i32>} : memref<2x2x8x128xf32, #tpu.memory_space<vmem>>, vector<16xf32>,
      tpu.vector_store %arg7[%swap3A_509, %swap3A_510, %swap3A_511, %swap3A_512], %gather3A_505 {strides = array<i32>} : memref<2x2x8x128xf32, #tpu.memory_space<vmem>>, vector<16xf32>,
      %gather3A_514 = tpu.vector_load_idx %arg6[%broadcast_in_dim3A_27, %add3A_405] : memref<16x1216xf32, #tpu.memory_space<vmem>>[vector<16xi32>, vector<16xi32>], vector<16xf32>,
      %swap3A_515 = arith.constant 0 : i32
      %swap3A_516 = arith.constant 1 : i32
      %swap3A_517 = arith.constant 4 : i32
      %swap3A_518 = arith.index_cast %swap3A_515 : i32 to index
      %swap3A_519 = arith.index_cast %swap3A_516 : i32 to index
      %swap3A_520 = arith.index_cast %swap3A_517 : i32 to index
      %swap3A_521 = arith.constant 32 : index
      %swap3A_522 = tpu.vector_load %arg7[%swap3A_518, %swap3A_519, %swap3A_520, %swap3A_521] {strides = array<i32>} : memref<2x2x8x128xf32, #tpu.memory_space<vmem>>, vector<16xf32>,
      tpu.vector_store %arg7[%swap3A_518, %swap3A_519, %swap3A_520, %swap3A_521], %gather3A_514 {strides = array<i32>} : memref<2x2x8x128xf32, #tpu.memory_space<vmem>>, vector<16xf32>,
      %gather3A_523 = tpu.vector_load_idx %arg6[%broadcast_in_dim3A_29, %add3A_405] : memref<16x1216xf32, #tpu.memory_space<vmem>>[vector<16xi32>, vector<16xi32>], vector<16xf32>,
      %swap3A_524 = arith.constant 0 : i32
      %swap3A_525 = arith.constant 1 : i32
      %swap3A_526 = arith.constant 5 : i32
      %swap3A_527 = arith.index_cast %swap3A_524 : i32 to index
      %swap3A_528 = arith.index_cast %swap3A_525 : i32 to index
      %swap3A_529 = arith.index_cast %swap3A_526 : i32 to index
      %swap3A_530 = arith.constant 32 : index
      %swap3A_531 = tpu.vector_load %arg7[%swap3A_527, %swap3A_528, %swap3A_529, %swap3A_530] {strides = array<i32>} : memref<2x2x8x128xf32, #tpu.memory_space<vmem>>, vector<16xf32>,
      tpu.vector_store %arg7[%swap3A_527, %swap3A_528, %swap3A_529, %swap3A_530], %gather3A_523 {strides = array<i32>} : memref<2x2x8x128xf32, #tpu.memory_space<vmem>>, vector<16xf32>,
      %gather3A_532 = tpu.vector_load_idx %arg6[%broadcast_in_dim3A_31, %add3A_405] : memref<16x1216xf32, #tpu.memory_space<vmem>>[vector<16xi32>, vector<16xi32>], vector<16xf32>,
      %swap3A_533 = arith.constant 0 : i32
      %swap3A_534 = arith.constant 1 : i32
      %swap3A_535 = arith.constant 6 : i32
      %swap3A_536 = arith.index_cast %swap3A_533 : i32 to index
      %swap3A_537 = arith.index_cast %swap3A_534 : i32 to index
      %swap3A_538 = arith.index_cast %swap3A_535 : i32 to index
      %swap3A_539 = arith.constant 32 : index
      %swap3A_540 = tpu.vector_load %arg7[%swap3A_536, %swap3A_537, %swap3A_538, %swap3A_539] {strides = array<i32>} : memref<2x2x8x128xf32, #tpu.memory_space<vmem>>, vector<16xf32>,
      tpu.vector_store %arg7[%swap3A_536, %swap3A_537, %swap3A_538, %swap3A_539], %gather3A_532 {strides = array<i32>} : memref<2x2x8x128xf32, #tpu.memory_space<vmem>>, vector<16xf32>,
      %gather3A_541 = tpu.vector_load_idx %arg6[%broadcast_in_dim3A_33, %add3A_405] : memref<16x1216xf32, #tpu.memory_space<vmem>>[vector<16xi32>, vector<16xi32>], vector<16xf32>,
      %swap3A_542 = arith.constant 0 : i32
      %swap3A_543 = arith.constant 1 : i32
      %swap3A_544 = arith.constant 7 : i32
      %swap3A_545 = arith.index_cast %swap3A_542 : i32 to index
      %swap3A_546 = arith.index_cast %swap3A_543 : i32 to index
      %swap3A_547 = arith.index_cast %swap3A_544 : i32 to index
      %swap3A_548 = arith.constant 32 : index
      %swap3A_549 = tpu.vector_load %arg7[%swap3A_545, %swap3A_546, %swap3A_547, %swap3A_548] {strides = array<i32>} : memref<2x2x8x128xf32, #tpu.memory_space<vmem>>, vector<16xf32>,
      tpu.vector_store %arg7[%swap3A_545, %swap3A_546, %swap3A_547, %swap3A_548], %gather3A_541 {strides = array<i32>} : memref<2x2x8x128xf32, #tpu.memory_space<vmem>>, vector<16xf32>,
      %mul3A_550 = arith.constant 128 : i32
      %mul3A_551 = arith.muli %add3A_89, %mul3A_550 : i32
      %add3A_552 = arith.constant 48 : i32
      %add3A_553 = arith.addi %mul3A_551, %add3A_552 : i32
      %get3A_554 = arith.index_cast %add3A_553 : i32 to index
      %get3A_555 = tpu.vector_load %arg5[%get3A_554] {strides = array<i32>} : memref<9728xi32, #tpu.memory_space<vmem>>, vector<16xi32>,
      %add3A_556 = vector.broadcast %mul3A_96 : i32 to vector<16xi32>
      %add3A_557 = arith.addi %get3A_555, %add3A_556 : vector<16xi32>
      %gather3A_558 = tpu.vector_load_idx %arg6[%broadcast_in_dim3A_3, %add3A_557] : memref<16x1216xf32, #tpu.memory_space<vmem>>[vector<16xi32>, vector<16xi32>], vector<16xf32>,
      %swap3A_559 = arith.constant 0 : i32
      %swap3A_560 = arith.constant 0 : i32
      %swap3A_561 = arith.constant 0 : i32
      %swap3A_562 = arith.index_cast %swap3A_559 : i32 to index
      %swap3A_563 = arith.index_cast %swap3A_560 : i32 to index
      %swap3A_564 = arith.index_cast %swap3A_561 : i32 to index
      %swap3A_565 = arith.constant 48 : index
      %swap3A_566 = tpu.vector_load %arg7[%swap3A_562, %swap3A_563, %swap3A_564, %swap3A_565] {strides = array<i32>} : memref<2x2x8x128xf32, #tpu.memory_space<vmem>>, vector<16xf32>,
      tpu.vector_store %arg7[%swap3A_562, %swap3A_563, %swap3A_564, %swap3A_565], %gather3A_558 {strides = array<i32>} : memref<2x2x8x128xf32, #tpu.memory_space<vmem>>, vector<16xf32>,
      %gather3A_567 = tpu.vector_load_idx %arg6[%broadcast_in_dim3A_5, %add3A_557] : memref<16x1216xf32, #tpu.memory_space<vmem>>[vector<16xi32>, vector<16xi32>], vector<16xf32>,
      %swap3A_568 = arith.constant 0 : i32
      %swap3A_569 = arith.constant 0 : i32
      %swap3A_570 = arith.constant 1 : i32
      %swap3A_571 = arith.index_cast %swap3A_568 : i32 to index
      %swap3A_572 = arith.index_cast %swap3A_569 : i32 to index
      %swap3A_573 = arith.index_cast %swap3A_570 : i32 to index
      %swap3A_574 = arith.constant 48 : index
      %swap3A_575 = tpu.vector_load %arg7[%swap3A_571, %swap3A_572, %swap3A_573, %swap3A_574] {strides = array<i32>} : memref<2x2x8x128xf32, #tpu.memory_space<vmem>>, vector<16xf32>,
      tpu.vector_store %arg7[%swap3A_571, %swap3A_572, %swap3A_573, %swap3A_574], %gather3A_567 {strides = array<i32>} : memref<2x2x8x128xf32, #tpu.memory_space<vmem>>, vector<16xf32>,
      %gather3A_576 = tpu.vector_load_idx %arg6[%broadcast_in_dim3A_7, %add3A_557] : memref<16x1216xf32, #tpu.memory_space<vmem>>[vector<16xi32>, vector<16xi32>], vector<16xf32>,
      %swap3A_577 = arith.constant 0 : i32
      %swap3A_578 = arith.constant 0 : i32
      %swap3A_579 = arith.constant 2 : i32
      %swap3A_580 = arith.index_cast %swap3A_577 : i32 to index
      %swap3A_581 = arith.index_cast %swap3A_578 : i32 to index
      %swap3A_582 = arith.index_cast %swap3A_579 : i32 to index
      %swap3A_583 = arith.constant 48 : index
      %swap3A_584 = tpu.vector_load %arg7[%swap3A_580, %swap3A_581, %swap3A_582, %swap3A_583] {strides = array<i32>} : memref<2x2x8x128xf32, #tpu.memory_space<vmem>>, vector<16xf32>,
      tpu.vector_store %arg7[%swap3A_580, %swap3A_581, %swap3A_582, %swap3A_583], %gather3A_576 {strides = array<i32>} : memref<2x2x8x128xf32, #tpu.memory_space<vmem>>, vector<16xf32>,
      %gather3A_585 = tpu.vector_load_idx %arg6[%broadcast_in_dim3A_9, %add3A_557] : memref<16x1216xf32, #tpu.memory_space<vmem>>[vector<16xi32>, vector<16xi32>], vector<16xf32>,
      %swap3A_586 = arith.constant 0 : i32
      %swap3A_587 = arith.constant 0 : i32
      %swap3A_588 = arith.constant 3 : i32
      %swap3A_589 = arith.index_cast %swap3A_586 : i32 to index
      %swap3A_590 = arith.index_cast %swap3A_587 : i32 to index
      %swap3A_591 = arith.index_cast %swap3A_588 : i32 to index
      %swap3A_592 = arith.constant 48 : index
      %swap3A_593 = tpu.vector_load %arg7[%swap3A_589, %swap3A_590, %swap3A_591, %swap3A_592] {strides = array<i32>} : memref<2x2x8x128xf32, #tpu.memory_space<vmem>>, vector<16xf32>,
      tpu.vector_store %arg7[%swap3A_589, %swap3A_590, %swap3A_591, %swap3A_592], %gather3A_585 {strides = array<i32>} : memref<2x2x8x128xf32, #tpu.memory_space<vmem>>, vector<16xf32>,
      %gather3A_594 = tpu.vector_load_idx %arg6[%broadcast_in_dim3A_11, %add3A_557] : memref<16x1216xf32, #tpu.memory_space<vmem>>[vector<16xi32>, vector<16xi32>], vector<16xf32>,
      %swap3A_595 = arith.constant 0 : i32
      %swap3A_596 = arith.constant 0 : i32
      %swap3A_597 = arith.constant 4 : i32
      %swap3A_598 = arith.index_cast %swap3A_595 : i32 to index
      %swap3A_599 = arith.index_cast %swap3A_596 : i32 to index
      %swap3A_600 = arith.index_cast %swap3A_597 : i32 to index
      %swap3A_601 = arith.constant 48 : index
      %swap3A_602 = tpu.vector_load %arg7[%swap3A_598, %swap3A_599, %swap3A_600, %swap3A_601] {strides = array<i32>} : memref<2x2x8x128xf32, #tpu.memory_space<vmem>>, vector<16xf32>,
      tpu.vector_store %arg7[%swap3A_598, %swap3A_599, %swap3A_600, %swap3A_601], %gather3A_594 {strides = array<i32>} : memref<2x2x8x128xf32, #tpu.memory_space<vmem>>, vector<16xf32>,
      %gather3A_603 = tpu.vector_load_idx %arg6[%broadcast_in_dim3A_13, %add3A_557] : memref<16x1216xf32, #tpu.memory_space<vmem>>[vector<16xi32>, vector<16xi32>], vector<16xf32>,
      %swap3A_604 = arith.constant 0 : i32
      %swap3A_605 = arith.constant 0 : i32
      %swap3A_606 = arith.constant 5 : i32
      %swap3A_607 = arith.index_cast %swap3A_604 : i32 to index
      %swap3A_608 = arith.index_cast %swap3A_605 : i32 to index
      %swap3A_609 = arith.index_cast %swap3A_606 : i32 to index
      %swap3A_610 = arith.constant 48 : index
      %swap3A_611 = tpu.vector_load %arg7[%swap3A_607, %swap3A_608, %swap3A_609, %swap3A_610] {strides = array<i32>} : memref<2x2x8x128xf32, #tpu.memory_space<vmem>>, vector<16xf32>,
      tpu.vector_store %arg7[%swap3A_607, %swap3A_608, %swap3A_609, %swap3A_610], %gather3A_603 {strides = array<i32>} : memref<2x2x8x128xf32, #tpu.memory_space<vmem>>, vector<16xf32>,
      %gather3A_612 = tpu.vector_load_idx %arg6[%broadcast_in_dim3A_15, %add3A_557] : memref<16x1216xf32, #tpu.memory_space<vmem>>[vector<16xi32>, vector<16xi32>], vector<16xf32>,
      %swap3A_613 = arith.constant 0 : i32
      %swap3A_614 = arith.constant 0 : i32
      %swap3A_615 = arith.constant 6 : i32
      %swap3A_616 = arith.index_cast %swap3A_613 : i32 to index
      %swap3A_617 = arith.index_cast %swap3A_614 : i32 to index
      %swap3A_618 = arith.index_cast %swap3A_615 : i32 to index
      %swap3A_619 = arith.constant 48 : index
      %swap3A_620 = tpu.vector_load %arg7[%swap3A_616, %swap3A_617, %swap3A_618, %swap3A_619] {strides = array<i32>} : memref<2x2x8x128xf32, #tpu.memory_space<vmem>>, vector<16xf32>,
      tpu.vector_store %arg7[%swap3A_616, %swap3A_617, %swap3A_618, %swap3A_619], %gather3A_612 {strides = array<i32>} : memref<2x2x8x128xf32, #tpu.memory_space<vmem>>, vector<16xf32>,
      %gather3A_621 = tpu.vector_load_idx %arg6[%broadcast_in_dim3A_17, %add3A_557] : memref<16x1216xf32, #tpu.memory_space<vmem>>[vector<16xi32>, vector<16xi32>], vector<16xf32>,
      %swap3A_622 = arith.constant 0 : i32
      %swap3A_623 = arith.constant 0 : i32
      %swap3A_624 = arith.constant 7 : i32
      %swap3A_625 = arith.index_cast %swap3A_622 : i32 to index
      %swap3A_626 = arith.index_cast %swap3A_623 : i32 to index
      %swap3A_627 = arith.index_cast %swap3A_624 : i32 to index
      %swap3A_628 = arith.constant 48 : index
      %swap3A_629 = tpu.vector_load %arg7[%swap3A_625, %swap3A_626, %swap3A_627, %swap3A_628] {strides = array<i32>} : memref<2x2x8x128xf32, #tpu.memory_space<vmem>>, vector<16xf32>,
      tpu.vector_store %arg7[%swap3A_625, %swap3A_626, %swap3A_627, %swap3A_628], %gather3A_621 {strides = array<i32>} : memref<2x2x8x128xf32, #tpu.memory_space<vmem>>, vector<16xf32>,
      %gather3A_630 = tpu.vector_load_idx %arg6[%broadcast_in_dim3A_19, %add3A_557] : memref<16x1216xf32, #tpu.memory_space<vmem>>[vector<16xi32>, vector<16xi32>], vector<16xf32>,
      %swap3A_631 = arith.constant 0 : i32
      %swap3A_632 = arith.constant 1 : i32
      %swap3A_633 = arith.constant 0 : i32
      %swap3A_634 = arith.index_cast %swap3A_631 : i32 to index
      %swap3A_635 = arith.index_cast %swap3A_632 : i32 to index
      %swap3A_636 = arith.index_cast %swap3A_633 : i32 to index
      %swap3A_637 = arith.constant 48 : index
      %swap3A_638 = tpu.vector_load %arg7[%swap3A_634, %swap3A_635, %swap3A_636, %swap3A_637] {strides = array<i32>} : memref<2x2x8x128xf32, #tpu.memory_space<vmem>>, vector<16xf32>,
      tpu.vector_store %arg7[%swap3A_634, %swap3A_635, %swap3A_636, %swap3A_637], %gather3A_630 {strides = array<i32>} : memref<2x2x8x128xf32, #tpu.memory_space<vmem>>, vector<16xf32>,
      %gather3A_639 = tpu.vector_load_idx %arg6[%broadcast_in_dim3A_21, %add3A_557] : memref<16x1216xf32, #tpu.memory_space<vmem>>[vector<16xi32>, vector<16xi32>], vector<16xf32>,
      %swap3A_640 = arith.constant 0 : i32
      %swap3A_641 = arith.constant 1 : i32
      %swap3A_642 = arith.constant 1 : i32
      %swap3A_643 = arith.index_cast %swap3A_640 : i32 to index
      %swap3A_644 = arith.index_cast %swap3A_641 : i32 to index
      %swap3A_645 = arith.index_cast %swap3A_642 : i32 to index
      %swap3A_646 = arith.constant 48 : index
      %swap3A_647 = tpu.vector_load %arg7[%swap3A_643, %swap3A_644, %swap3A_645, %swap3A_646] {strides = array<i32>} : memref<2x2x8x128xf32, #tpu.memory_space<vmem>>, vector<16xf32>,
      tpu.vector_store %arg7[%swap3A_643, %swap3A_644, %swap3A_645, %swap3A_646], %gather3A_639 {strides = array<i32>} : memref<2x2x8x128xf32, #tpu.memory_space<vmem>>, vector<16xf32>,
      %gather3A_648 = tpu.vector_load_idx %arg6[%broadcast_in_dim3A_23, %add3A_557] : memref<16x1216xf32, #tpu.memory_space<vmem>>[vector<16xi32>, vector<16xi32>], vector<16xf32>,
      %swap3A_649 = arith.constant 0 : i32
      %swap3A_650 = arith.constant 1 : i32
      %swap3A_651 = arith.constant 2 : i32
      %swap3A_652 = arith.index_cast %swap3A_649 : i32 to index
      %swap3A_653 = arith.index_cast %swap3A_650 : i32 to index
      %swap3A_654 = arith.index_cast %swap3A_651 : i32 to index
      %swap3A_655 = arith.constant 48 : index
      %swap3A_656 = tpu.vector_load %arg7[%swap3A_652, %swap3A_653, %swap3A_654, %swap3A_655] {strides = array<i32>} : memref<2x2x8x128xf32, #tpu.memory_space<vmem>>, vector<16xf32>,
      tpu.vector_store %arg7[%swap3A_652, %swap3A_653, %swap3A_654, %swap3A_655], %gather3A_648 {strides = array<i32>} : memref<2x2x8x128xf32, #tpu.memory_space<vmem>>, vector<16xf32>,
      %gather3A_657 = tpu.vector_load_idx %arg6[%broadcast_in_dim3A_25, %add3A_557] : memref<16x1216xf32, #tpu.memory_space<vmem>>[vector<16xi32>, vector<16xi32>], vector<16xf32>,
      %swap3A_658 = arith.constant 0 : i32
      %swap3A_659 = arith.constant 1 : i32
      %swap3A_660 = arith.constant 3 : i32
      %swap3A_661 = arith.index_cast %swap3A_658 : i32 to index
      %swap3A_662 = arith.index_cast %swap3A_659 : i32 to index
      %swap3A_663 = arith.index_cast %swap3A_660 : i32 to index
      %swap3A_664 = arith.constant 48 : index
      %swap3A_665 = tpu.vector_load %arg7[%swap3A_661, %swap3A_662, %swap3A_663, %swap3A_664] {strides = array<i32>} : memref<2x2x8x128xf32, #tpu.memory_space<vmem>>, vector<16xf32>,
      tpu.vector_store %arg7[%swap3A_661, %swap3A_662, %swap3A_663, %swap3A_664], %gather3A_657 {strides = array<i32>} : memref<2x2x8x128xf32, #tpu.memory_space<vmem>>, vector<16xf32>,
      %gather3A_666 = tpu.vector_load_idx %arg6[%broadcast_in_dim3A_27, %add3A_557] : memref<16x1216xf32, #tpu.memory_space<vmem>>[vector<16xi32>, vector<16xi32>], vector<16xf32>,
      %swap3A_667 = arith.constant 0 : i32
      %swap3A_668 = arith.constant 1 : i32
      %swap3A_669 = arith.constant 4 : i32
      %swap3A_670 = arith.index_cast %swap3A_667 : i32 to index
      %swap3A_671 = arith.index_cast %swap3A_668 : i32 to index
      %swap3A_672 = arith.index_cast %swap3A_669 : i32 to index
      %swap3A_673 = arith.constant 48 : index
      %swap3A_674 = tpu.vector_load %arg7[%swap3A_670, %swap3A_671, %swap3A_672, %swap3A_673] {strides = array<i32>} : memref<2x2x8x128xf32, #tpu.memory_space<vmem>>, vector<16xf32>,
      tpu.vector_store %arg7[%swap3A_670, %swap3A_671, %swap3A_672, %swap3A_673], %gather3A_666 {strides = array<i32>} : memref<2x2x8x128xf32, #tpu.memory_space<vmem>>, vector<16xf32>,
      %gather3A_675 = tpu.vector_load_idx %arg6[%broadcast_in_dim3A_29, %add3A_557] : memref<16x1216xf32, #tpu.memory_space<vmem>>[vector<16xi32>, vector<16xi32>], vector<16xf32>,
      %swap3A_676 = arith.constant 0 : i32
      %swap3A_677 = arith.constant 1 : i32
      %swap3A_678 = arith.constant 5 : i32
      %swap3A_679 = arith.index_cast %swap3A_676 : i32 to index
      %swap3A_680 = arith.index_cast %swap3A_677 : i32 to index
      %swap3A_681 = arith.index_cast %swap3A_678 : i32 to index
      %swap3A_682 = arith.constant 48 : index
      %swap3A_683 = tpu.vector_load %arg7[%swap3A_679, %swap3A_680, %swap3A_681, %swap3A_682] {strides = array<i32>} : memref<2x2x8x128xf32, #tpu.memory_space<vmem>>, vector<16xf32>,
      tpu.vector_store %arg7[%swap3A_679, %swap3A_680, %swap3A_681, %swap3A_682], %gather3A_675 {strides = array<i32>} : memref<2x2x8x128xf32, #tpu.memory_space<vmem>>, vector<16xf32>,
      %gather3A_684 = tpu.vector_load_idx %arg6[%broadcast_in_dim3A_31, %add3A_557] : memref<16x1216xf32, #tpu.memory_space<vmem>>[vector<16xi32>, vector<16xi32>], vector<16xf32>,
      %swap3A_685 = arith.constant 0 : i32
      %swap3A_686 = arith.constant 1 : i32
      %swap3A_687 = arith.constant 6 : i32
      %swap3A_688 = arith.index_cast %swap3A_685 : i32 to index
      %swap3A_689 = arith.index_cast %swap3A_686 : i32 to index
      %swap3A_690 = arith.index_cast %swap3A_687 : i32 to index
      %swap3A_691 = arith.constant 48 : index
      %swap3A_692 = tpu.vector_load %arg7[%swap3A_688, %swap3A_689, %swap3A_690, %swap3A_691] {strides = array<i32>} : memref<2x2x8x128xf32, #tpu.memory_space<vmem>>, vector<16xf32>,
      tpu.vector_store %arg7[%swap3A_688, %swap3A_689, %swap3A_690, %swap3A_691], %gather3A_684 {strides = array<i32>} : memref<2x2x8x128xf32, #tpu.memory_space<vmem>>, vector<16xf32>,
      %gather3A_693 = tpu.vector_load_idx %arg6[%broadcast_in_dim3A_33, %add3A_557] : memref<16x1216xf32, #tpu.memory_space<vmem>>[vector<16xi32>, vector<16xi32>], vector<16xf32>,
      %swap3A_694 = arith.constant 0 : i32
      %swap3A_695 = arith.constant 1 : i32
      %swap3A_696 = arith.constant 7 : i32
      %swap3A_697 = arith.index_cast %swap3A_694 : i32 to index
      %swap3A_698 = arith.index_cast %swap3A_695 : i32 to index
      %swap3A_699 = arith.index_cast %swap3A_696 : i32 to index
      %swap3A_700 = arith.constant 48 : index
      %swap3A_701 = tpu.vector_load %arg7[%swap3A_697, %swap3A_698, %swap3A_699, %swap3A_700] {strides = array<i32>} : memref<2x2x8x128xf32, #tpu.memory_space<vmem>>, vector<16xf32>,
      tpu.vector_store %arg7[%swap3A_697, %swap3A_698, %swap3A_699, %swap3A_700], %gather3A_693 {strides = array<i32>} : memref<2x2x8x128xf32, #tpu.memory_space<vmem>>, vector<16xf32>,
      %mul3A_702 = arith.constant 128 : i32
      %mul3A_703 = arith.muli %add3A_89, %mul3A_702 : i32
      %add3A_704 = arith.constant 64 : i32
      %add3A_705 = arith.addi %mul3A_703, %add3A_704 : i32
      %get3A_706 = arith.index_cast %add3A_705 : i32 to index
      %get3A_707 = tpu.vector_load %arg5[%get3A_706] {strides = array<i32>} : memref<9728xi32, #tpu.memory_space<vmem>>, vector<16xi32>,
      %add3A_708 = vector.broadcast %mul3A_96 : i32 to vector<16xi32>
      %add3A_709 = arith.addi %get3A_707, %add3A_708 : vector<16xi32>
      %gather3A_710 = tpu.vector_load_idx %arg6[%broadcast_in_dim3A_3, %add3A_709] : memref<16x1216xf32, #tpu.memory_space<vmem>>[vector<16xi32>, vector<16xi32>], vector<16xf32>,
      %swap3A_711 = arith.constant 0 : i32
      %swap3A_712 = arith.constant 0 : i32
      %swap3A_713 = arith.constant 0 : i32
      %swap3A_714 = arith.index_cast %swap3A_711 : i32 to index
      %swap3A_715 = arith.index_cast %swap3A_712 : i32 to index
      %swap3A_716 = arith.index_cast %swap3A_713 : i32 to index
      %swap3A_717 = arith.constant 64 : index
      %swap3A_718 = tpu.vector_load %arg7[%swap3A_714, %swap3A_715, %swap3A_716, %swap3A_717] {strides = array<i32>} : memref<2x2x8x128xf32, #tpu.memory_space<vmem>>, vector<16xf32>,
      tpu.vector_store %arg7[%swap3A_714, %swap3A_715, %swap3A_716, %swap3A_717], %gather3A_710 {strides = array<i32>} : memref<2x2x8x128xf32, #tpu.memory_space<vmem>>, vector<16xf32>,
      %gather3A_719 = tpu.vector_load_idx %arg6[%broadcast_in_dim3A_5, %add3A_709] : memref<16x1216xf32, #tpu.memory_space<vmem>>[vector<16xi32>, vector<16xi32>], vector<16xf32>,
      %swap3A_720 = arith.constant 0 : i32
      %swap3A_721 = arith.constant 0 : i32
      %swap3A_722 = arith.constant 1 : i32
      %swap3A_723 = arith.index_cast %swap3A_720 : i32 to index
      %swap3A_724 = arith.index_cast %swap3A_721 : i32 to index
      %swap3A_725 = arith.index_cast %swap3A_722 : i32 to index
      %swap3A_726 = arith.constant 64 : index
      %swap3A_727 = tpu.vector_load %arg7[%swap3A_723, %swap3A_724, %swap3A_725, %swap3A_726] {strides = array<i32>} : memref<2x2x8x128xf32, #tpu.memory_space<vmem>>, vector<16xf32>,
      tpu.vector_store %arg7[%swap3A_723, %swap3A_724, %swap3A_725, %swap3A_726], %gather3A_719 {strides = array<i32>} : memref<2x2x8x128xf32, #tpu.memory_space<vmem>>, vector<16xf32>,
      %gather3A_728 = tpu.vector_load_idx %arg6[%broadcast_in_dim3A_7, %add3A_709] : memref<16x1216xf32, #tpu.memory_space<vmem>>[vector<16xi32>, vector<16xi32>], vector<16xf32>,
      %swap3A_729 = arith.constant 0 : i32
      %swap3A_730 = arith.constant 0 : i32
      %swap3A_731 = arith.constant 2 : i32
      %swap3A_732 = arith.index_cast %swap3A_729 : i32 to index
      %swap3A_733 = arith.index_cast %swap3A_730 : i32 to index
      %swap3A_734 = arith.index_cast %swap3A_731 : i32 to index
      %swap3A_735 = arith.constant 64 : index
      %swap3A_736 = tpu.vector_load %arg7[%swap3A_732, %swap3A_733, %swap3A_734, %swap3A_735] {strides = array<i32>} : memref<2x2x8x128xf32, #tpu.memory_space<vmem>>, vector<16xf32>,
      tpu.vector_store %arg7[%swap3A_732, %swap3A_733, %swap3A_734, %swap3A_735], %gather3A_728 {strides = array<i32>} : memref<2x2x8x128xf32, #tpu.memory_space<vmem>>, vector<16xf32>,
      %gather3A_737 = tpu.vector_load_idx %arg6[%broadcast_in_dim3A_9, %add3A_709] : memref<16x1216xf32, #tpu.memory_space<vmem>>[vector<16xi32>, vector<16xi32>], vector<16xf32>,
      %swap3A_738 = arith.constant 0 : i32
      %swap3A_739 = arith.constant 0 : i32
      %swap3A_740 = arith.constant 3 : i32
      %swap3A_741 = arith.index_cast %swap3A_738 : i32 to index
      %swap3A_742 = arith.index_cast %swap3A_739 : i32 to index
      %swap3A_743 = arith.index_cast %swap3A_740 : i32 to index
      %swap3A_744 = arith.constant 64 : index
      %swap3A_745 = tpu.vector_load %arg7[%swap3A_741, %swap3A_742, %swap3A_743, %swap3A_744] {strides = array<i32>} : memref<2x2x8x128xf32, #tpu.memory_space<vmem>>, vector<16xf32>,
      tpu.vector_store %arg7[%swap3A_741, %swap3A_742, %swap3A_743, %swap3A_744], %gather3A_737 {strides = array<i32>} : memref<2x2x8x128xf32, #tpu.memory_space<vmem>>, vector<16xf32>,
      %gather3A_746 = tpu.vector_load_idx %arg6[%broadcast_in_dim3A_11, %add3A_709] : memref<16x1216xf32, #tpu.memory_space<vmem>>[vector<16xi32>, vector<16xi32>], vector<16xf32>,
      %swap3A_747 = arith.constant 0 : i32
      %swap3A_748 = arith.constant 0 : i32
      %swap3A_749 = arith.constant 4 : i32
      %swap3A_750 = arith.index_cast %swap3A_747 : i32 to index
      %swap3A_751 = arith.index_cast %swap3A_748 : i32 to index
      %swap3A_752 = arith.index_cast %swap3A_749 : i32 to index
      %swap3A_753 = arith.constant 64 : index
      %swap3A_754 = tpu.vector_load %arg7[%swap3A_750, %swap3A_751, %swap3A_752, %swap3A_753] {strides = array<i32>} : memref<2x2x8x128xf32, #tpu.memory_space<vmem>>, vector<16xf32>,
      tpu.vector_store %arg7[%swap3A_750, %swap3A_751, %swap3A_752, %swap3A_753], %gather3A_746 {strides = array<i32>} : memref<2x2x8x128xf32, #tpu.memory_space<vmem>>, vector<16xf32>,
      %gather3A_755 = tpu.vector_load_idx %arg6[%broadcast_in_dim3A_13, %add3A_709] : memref<16x1216xf32, #tpu.memory_space<vmem>>[vector<16xi32>, vector<16xi32>], vector<16xf32>,
      %swap3A_756 = arith.constant 0 : i32
      %swap3A_757 = arith.constant 0 : i32
      %swap3A_758 = arith.constant 5 : i32
      %swap3A_759 = arith.index_cast %swap3A_756 : i32 to index
      %swap3A_760 = arith.index_cast %swap3A_757 : i32 to index
      %swap3A_761 = arith.index_cast %swap3A_758 : i32 to index
      %swap3A_762 = arith.constant 64 : index
      %swap3A_763 = tpu.vector_load %arg7[%swap3A_759, %swap3A_760, %swap3A_761, %swap3A_762] {strides = array<i32>} : memref<2x2x8x128xf32, #tpu.memory_space<vmem>>, vector<16xf32>,
      tpu.vector_store %arg7[%swap3A_759, %swap3A_760, %swap3A_761, %swap3A_762], %gather3A_755 {strides = array<i32>} : memref<2x2x8x128xf32, #tpu.memory_space<vmem>>, vector<16xf32>,
      %gather3A_764 = tpu.vector_load_idx %arg6[%broadcast_in_dim3A_15, %add3A_709] : memref<16x1216xf32, #tpu.memory_space<vmem>>[vector<16xi32>, vector<16xi32>], vector<16xf32>,
      %swap3A_765 = arith.constant 0 : i32
      %swap3A_766 = arith.constant 0 : i32
      %swap3A_767 = arith.constant 6 : i32
      %swap3A_768 = arith.index_cast %swap3A_765 : i32 to index
      %swap3A_769 = arith.index_cast %swap3A_766 : i32 to index
      %swap3A_770 = arith.index_cast %swap3A_767 : i32 to index
      %swap3A_771 = arith.constant 64 : index
      %swap3A_772 = tpu.vector_load %arg7[%swap3A_768, %swap3A_769, %swap3A_770, %swap3A_771] {strides = array<i32>} : memref<2x2x8x128xf32, #tpu.memory_space<vmem>>, vector<16xf32>,
      tpu.vector_store %arg7[%swap3A_768, %swap3A_769, %swap3A_770, %swap3A_771], %gather3A_764 {strides = array<i32>} : memref<2x2x8x128xf32, #tpu.memory_space<vmem>>, vector<16xf32>,
      %gather3A_773 = tpu.vector_load_idx %arg6[%broadcast_in_dim3A_17, %add3A_709] : memref<16x1216xf32, #tpu.memory_space<vmem>>[vector<16xi32>, vector<16xi32>], vector<16xf32>,
      %swap3A_774 = arith.constant 0 : i32
      %swap3A_775 = arith.constant 0 : i32
      %swap3A_776 = arith.constant 7 : i32
      %swap3A_777 = arith.index_cast %swap3A_774 : i32 to index
      %swap3A_778 = arith.index_cast %swap3A_775 : i32 to index
      %swap3A_779 = arith.index_cast %swap3A_776 : i32 to index
      %swap3A_780 = arith.constant 64 : index
      %swap3A_781 = tpu.vector_load %arg7[%swap3A_777, %swap3A_778, %swap3A_779, %swap3A_780] {strides = array<i32>} : memref<2x2x8x128xf32, #tpu.memory_space<vmem>>, vector<16xf32>,
      tpu.vector_store %arg7[%swap3A_777, %swap3A_778, %swap3A_779, %swap3A_780], %gather3A_773 {strides = array<i32>} : memref<2x2x8x128xf32, #tpu.memory_space<vmem>>, vector<16xf32>,
      %gather3A_782 = tpu.vector_load_idx %arg6[%broadcast_in_dim3A_19, %add3A_709] : memref<16x1216xf32, #tpu.memory_space<vmem>>[vector<16xi32>, vector<16xi32>], vector<16xf32>,
      %swap3A_783 = arith.constant 0 : i32
      %swap3A_784 = arith.constant 1 : i32
      %swap3A_785 = arith.constant 0 : i32
      %swap3A_786 = arith.index_cast %swap3A_783 : i32 to index
      %swap3A_787 = arith.index_cast %swap3A_784 : i32 to index
      %swap3A_788 = arith.index_cast %swap3A_785 : i32 to index
      %swap3A_789 = arith.constant 64 : index
      %swap3A_790 = tpu.vector_load %arg7[%swap3A_786, %swap3A_787, %swap3A_788, %swap3A_789] {strides = array<i32>} : memref<2x2x8x128xf32, #tpu.memory_space<vmem>>, vector<16xf32>,
      tpu.vector_store %arg7[%swap3A_786, %swap3A_787, %swap3A_788, %swap3A_789], %gather3A_782 {strides = array<i32>} : memref<2x2x8x128xf32, #tpu.memory_space<vmem>>, vector<16xf32>,
      %gather3A_791 = tpu.vector_load_idx %arg6[%broadcast_in_dim3A_21, %add3A_709] : memref<16x1216xf32, #tpu.memory_space<vmem>>[vector<16xi32>, vector<16xi32>], vector<16xf32>,
      %swap3A_792 = arith.constant 0 : i32
      %swap3A_793 = arith.constant 1 : i32
      %swap3A_794 = arith.constant 1 : i32
      %swap3A_795 = arith.index_cast %swap3A_792 : i32 to index
      %swap3A_796 = arith.index_cast %swap3A_793 : i32 to index
      %swap3A_797 = arith.index_cast %swap3A_794 : i32 to index
      %swap3A_798 = arith.constant 64 : index
      %swap3A_799 = tpu.vector_load %arg7[%swap3A_795, %swap3A_796, %swap3A_797, %swap3A_798] {strides = array<i32>} : memref<2x2x8x128xf32, #tpu.memory_space<vmem>>, vector<16xf32>,
      tpu.vector_store %arg7[%swap3A_795, %swap3A_796, %swap3A_797, %swap3A_798], %gather3A_791 {strides = array<i32>} : memref<2x2x8x128xf32, #tpu.memory_space<vmem>>, vector<16xf32>,
      %gather3A_800 = tpu.vector_load_idx %arg6[%broadcast_in_dim3A_23, %add3A_709] : memref<16x1216xf32, #tpu.memory_space<vmem>>[vector<16xi32>, vector<16xi32>], vector<16xf32>,
      %swap3A_801 = arith.constant 0 : i32
      %swap3A_802 = arith.constant 1 : i32
      %swap3A_803 = arith.constant 2 : i32
      %swap3A_804 = arith.index_cast %swap3A_801 : i32 to index
      %swap3A_805 = arith.index_cast %swap3A_802 : i32 to index
      %swap3A_806 = arith.index_cast %swap3A_803 : i32 to index
      %swap3A_807 = arith.constant 64 : index
      %swap3A_808 = tpu.vector_load %arg7[%swap3A_804, %swap3A_805, %swap3A_806, %swap3A_807] {strides = array<i32>} : memref<2x2x8x128xf32, #tpu.memory_space<vmem>>, vector<16xf32>,
      tpu.vector_store %arg7[%swap3A_804, %swap3A_805, %swap3A_806, %swap3A_807], %gather3A_800 {strides = array<i32>} : memref<2x2x8x128xf32, #tpu.memory_space<vmem>>, vector<16xf32>,
      %gather3A_809 = tpu.vector_load_idx %arg6[%broadcast_in_dim3A_25, %add3A_709] : memref<16x1216xf32, #tpu.memory_space<vmem>>[vector<16xi32>, vector<16xi32>], vector<16xf32>,
      %swap3A_810 = arith.constant 0 : i32
      %swap3A_811 = arith.constant 1 : i32
      %swap3A_812 = arith.constant 3 : i32
      %swap3A_813 = arith.index_cast %swap3A_810 : i32 to index
      %swap3A_814 = arith.index_cast %swap3A_811 : i32 to index
      %swap3A_815 = arith.index_cast %swap3A_812 : i32 to index
      %swap3A_816 = arith.constant 64 : index
      %swap3A_817 = tpu.vector_load %arg7[%swap3A_813, %swap3A_814, %swap3A_815, %swap3A_816] {strides = array<i32>} : memref<2x2x8x128xf32, #tpu.memory_space<vmem>>, vector<16xf32>,
      tpu.vector_store %arg7[%swap3A_813, %swap3A_814, %swap3A_815, %swap3A_816], %gather3A_809 {strides = array<i32>} : memref<2x2x8x128xf32, #tpu.memory_space<vmem>>, vector<16xf32>,
      %gather3A_818 = tpu.vector_load_idx %arg6[%broadcast_in_dim3A_27, %add3A_709] : memref<16x1216xf32, #tpu.memory_space<vmem>>[vector<16xi32>, vector<16xi32>], vector<16xf32>,
      %swap3A_819 = arith.constant 0 : i32
      %swap3A_820 = arith.constant 1 : i32
      %swap3A_821 = arith.constant 4 : i32
      %swap3A_822 = arith.index_cast %swap3A_819 : i32 to index
      %swap3A_823 = arith.index_cast %swap3A_820 : i32 to index
      %swap3A_824 = arith.index_cast %swap3A_821 : i32 to index
      %swap3A_825 = arith.constant 64 : index
      %swap3A_826 = tpu.vector_load %arg7[%swap3A_822, %swap3A_823, %swap3A_824, %swap3A_825] {strides = array<i32>} : memref<2x2x8x128xf32, #tpu.memory_space<vmem>>, vector<16xf32>,
      tpu.vector_store %arg7[%swap3A_822, %swap3A_823, %swap3A_824, %swap3A_825], %gather3A_818 {strides = array<i32>} : memref<2x2x8x128xf32, #tpu.memory_space<vmem>>, vector<16xf32>,
      %gather3A_827 = tpu.vector_load_idx %arg6[%broadcast_in_dim3A_29, %add3A_709] : memref<16x1216xf32, #tpu.memory_space<vmem>>[vector<16xi32>, vector<16xi32>], vector<16xf32>,
      %swap3A_828 = arith.constant 0 : i32
      %swap3A_829 = arith.constant 1 : i32
      %swap3A_830 = arith.constant 5 : i32
      %swap3A_831 = arith.index_cast %swap3A_828 : i32 to index
      %swap3A_832 = arith.index_cast %swap3A_829 : i32 to index
      %swap3A_833 = arith.index_cast %swap3A_830 : i32 to index
      %swap3A_834 = arith.constant 64 : index
      %swap3A_835 = tpu.vector_load %arg7[%swap3A_831, %swap3A_832, %swap3A_833, %swap3A_834] {strides = array<i32>} : memref<2x2x8x128xf32, #tpu.memory_space<vmem>>, vector<16xf32>,
      tpu.vector_store %arg7[%swap3A_831, %swap3A_832, %swap3A_833, %swap3A_834], %gather3A_827 {strides = array<i32>} : memref<2x2x8x128xf32, #tpu.memory_space<vmem>>, vector<16xf32>,
      %gather3A_836 = tpu.vector_load_idx %arg6[%broadcast_in_dim3A_31, %add3A_709] : memref<16x1216xf32, #tpu.memory_space<vmem>>[vector<16xi32>, vector<16xi32>], vector<16xf32>,
      %swap3A_837 = arith.constant 0 : i32
      %swap3A_838 = arith.constant 1 : i32
      %swap3A_839 = arith.constant 6 : i32
      %swap3A_840 = arith.index_cast %swap3A_837 : i32 to index
      %swap3A_841 = arith.index_cast %swap3A_838 : i32 to index
      %swap3A_842 = arith.index_cast %swap3A_839 : i32 to index
      %swap3A_843 = arith.constant 64 : index
      %swap3A_844 = tpu.vector_load %arg7[%swap3A_840, %swap3A_841, %swap3A_842, %swap3A_843] {strides = array<i32>} : memref<2x2x8x128xf32, #tpu.memory_space<vmem>>, vector<16xf32>,
      tpu.vector_store %arg7[%swap3A_840, %swap3A_841, %swap3A_842, %swap3A_843], %gather3A_836 {strides = array<i32>} : memref<2x2x8x128xf32, #tpu.memory_space<vmem>>, vector<16xf32>,
      %gather3A_845 = tpu.vector_load_idx %arg6[%broadcast_in_dim3A_33, %add3A_709] : memref<16x1216xf32, #tpu.memory_space<vmem>>[vector<16xi32>, vector<16xi32>], vector<16xf32>,
      %swap3A_846 = arith.constant 0 : i32
      %swap3A_847 = arith.constant 1 : i32
      %swap3A_848 = arith.constant 7 : i32
      %swap3A_849 = arith.index_cast %swap3A_846 : i32 to index
      %swap3A_850 = arith.index_cast %swap3A_847 : i32 to index
      %swap3A_851 = arith.index_cast %swap3A_848 : i32 to index
      %swap3A_852 = arith.constant 64 : index
      %swap3A_853 = tpu.vector_load %arg7[%swap3A_849, %swap3A_850, %swap3A_851, %swap3A_852] {strides = array<i32>} : memref<2x2x8x128xf32, #tpu.memory_space<vmem>>, vector<16xf32>,
      tpu.vector_store %arg7[%swap3A_849, %swap3A_850, %swap3A_851, %swap3A_852], %gather3A_845 {strides = array<i32>} : memref<2x2x8x128xf32, #tpu.memory_space<vmem>>, vector<16xf32>,
      %mul3A_854 = arith.constant 128 : i32
      %mul3A_855 = arith.muli %add3A_89, %mul3A_854 : i32
      %add3A_856 = arith.constant 80 : i32
      %add3A_857 = arith.addi %mul3A_855, %add3A_856 : i32
      %get3A_858 = arith.index_cast %add3A_857 : i32 to index
      %get3A_859 = tpu.vector_load %arg5[%get3A_858] {strides = array<i32>} : memref<9728xi32, #tpu.memory_space<vmem>>, vector<16xi32>,
      %add3A_860 = vector.broadcast %mul3A_96 : i32 to vector<16xi32>
      %add3A_861 = arith.addi %get3A_859, %add3A_860 : vector<16xi32>
      %gather3A_862 = tpu.vector_load_idx %arg6[%broadcast_in_dim3A_3, %add3A_861] : memref<16x1216xf32, #tpu.memory_space<vmem>>[vector<16xi32>, vector<16xi32>], vector<16xf32>,
      %swap3A_863 = arith.constant 0 : i32
      %swap3A_864 = arith.constant 0 : i32
      %swap3A_865 = arith.constant 0 : i32
      %swap3A_866 = arith.index_cast %swap3A_863 : i32 to index
      %swap3A_867 = arith.index_cast %swap3A_864 : i32 to index
      %swap3A_868 = arith.index_cast %swap3A_865 : i32 to index
      %swap3A_869 = arith.constant 80 : index
      %swap3A_870 = tpu.vector_load %arg7[%swap3A_866, %swap3A_867, %swap3A_868, %swap3A_869] {strides = array<i32>} : memref<2x2x8x128xf32, #tpu.memory_space<vmem>>, vector<16xf32>,
      tpu.vector_store %arg7[%swap3A_866, %swap3A_867, %swap3A_868, %swap3A_869], %gather3A_862 {strides = array<i32>} : memref<2x2x8x128xf32, #tpu.memory_space<vmem>>, vector<16xf32>,
      %gather3A_871 = tpu.vector_load_idx %arg6[%broadcast_in_dim3A_5, %add3A_861] : memref<16x1216xf32, #tpu.memory_space<vmem>>[vector<16xi32>, vector<16xi32>], vector<16xf32>,
      %swap3A_872 = arith.constant 0 : i32
      %swap3A_873 = arith.constant 0 : i32
      %swap3A_874 = arith.constant 1 : i32
      %swap3A_875 = arith.index_cast %swap3A_872 : i32 to index
      %swap3A_876 = arith.index_cast %swap3A_873 : i32 to index
      %swap3A_877 = arith.index_cast %swap3A_874 : i32 to index
      %swap3A_878 = arith.constant 80 : index
      %swap3A_879 = tpu.vector_load %arg7[%swap3A_875, %swap3A_876, %swap3A_877, %swap3A_878] {strides = array<i32>} : memref<2x2x8x128xf32, #tpu.memory_space<vmem>>, vector<16xf32>,
      tpu.vector_store %arg7[%swap3A_875, %swap3A_876, %swap3A_877, %swap3A_878], %gather3A_871 {strides = array<i32>} : memref<2x2x8x128xf32, #tpu.memory_space<vmem>>, vector<16xf32>,
      %gather3A_880 = tpu.vector_load_idx %arg6[%broadcast_in_dim3A_7, %add3A_861] : memref<16x1216xf32, #tpu.memory_space<vmem>>[vector<16xi32>, vector<16xi32>], vector<16xf32>,
      %swap3A_881 = arith.constant 0 : i32
      %swap3A_882 = arith.constant 0 : i32
      %swap3A_883 = arith.constant 2 : i32
      %swap3A_884 = arith.index_cast %swap3A_881 : i32 to index
      %swap3A_885 = arith.index_cast %swap3A_882 : i32 to index
      %swap3A_886 = arith.index_cast %swap3A_883 : i32 to index
      %swap3A_887 = arith.constant 80 : index
      %swap3A_888 = tpu.vector_load %arg7[%swap3A_884, %swap3A_885, %swap3A_886, %swap3A_887] {strides = array<i32>} : memref<2x2x8x128xf32, #tpu.memory_space<vmem>>, vector<16xf32>,
      tpu.vector_store %arg7[%swap3A_884, %swap3A_885, %swap3A_886, %swap3A_887], %gather3A_880 {strides = array<i32>} : memref<2x2x8x128xf32, #tpu.memory_space<vmem>>, vector<16xf32>,
      %gather3A_889 = tpu.vector_load_idx %arg6[%broadcast_in_dim3A_9, %add3A_861] : memref<16x1216xf32, #tpu.memory_space<vmem>>[vector<16xi32>, vector<16xi32>], vector<16xf32>,
      %swap3A_890 = arith.constant 0 : i32
      %swap3A_891 = arith.constant 0 : i32
      %swap3A_892 = arith.constant 3 : i32
      %swap3A_893 = arith.index_cast %swap3A_890 : i32 to index
      %swap3A_894 = arith.index_cast %swap3A_891 : i32 to index
      %swap3A_895 = arith.index_cast %swap3A_892 : i32 to index
      %swap3A_896 = arith.constant 80 : index
      %swap3A_897 = tpu.vector_load %arg7[%swap3A_893, %swap3A_894, %swap3A_895, %swap3A_896] {strides = array<i32>} : memref<2x2x8x128xf32, #tpu.memory_space<vmem>>, vector<16xf32>,
      tpu.vector_store %arg7[%swap3A_893, %swap3A_894, %swap3A_895, %swap3A_896], %gather3A_889 {strides = array<i32>} : memref<2x2x8x128xf32, #tpu.memory_space<vmem>>, vector<16xf32>,
      %gather3A_898 = tpu.vector_load_idx %arg6[%broadcast_in_dim3A_11, %add3A_861] : memref<16x1216xf32, #tpu.memory_space<vmem>>[vector<16xi32>, vector<16xi32>], vector<16xf32>,
      %swap3A_899 = arith.constant 0 : i32
      %swap3A_900 = arith.constant 0 : i32
      %swap3A_901 = arith.constant 4 : i32
      %swap3A_902 = arith.index_cast %swap3A_899 : i32 to index
      %swap3A_903 = arith.index_cast %swap3A_900 : i32 to index
      %swap3A_904 = arith.index_cast %swap3A_901 : i32 to index
      %swap3A_905 = arith.constant 80 : index
      %swap3A_906 = tpu.vector_load %arg7[%swap3A_902, %swap3A_903, %swap3A_904, %swap3A_905] {strides = array<i32>} : memref<2x2x8x128xf32, #tpu.memory_space<vmem>>, vector<16xf32>,
      tpu.vector_store %arg7[%swap3A_902, %swap3A_903, %swap3A_904, %swap3A_905], %gather3A_898 {strides = array<i32>} : memref<2x2x8x128xf32, #tpu.memory_space<vmem>>, vector<16xf32>,
      %gather3A_907 = tpu.vector_load_idx %arg6[%broadcast_in_dim3A_13, %add3A_861] : memref<16x1216xf32, #tpu.memory_space<vmem>>[vector<16xi32>, vector<16xi32>], vector<16xf32>,
      %swap3A_908 = arith.constant 0 : i32
      %swap3A_909 = arith.constant 0 : i32
      %swap3A_910 = arith.constant 5 : i32
      %swap3A_911 = arith.index_cast %swap3A_908 : i32 to index
      %swap3A_912 = arith.index_cast %swap3A_909 : i32 to index
      %swap3A_913 = arith.index_cast %swap3A_910 : i32 to index
      %swap3A_914 = arith.constant 80 : index
      %swap3A_915 = tpu.vector_load %arg7[%swap3A_911, %swap3A_912, %swap3A_913, %swap3A_914] {strides = array<i32>} : memref<2x2x8x128xf32, #tpu.memory_space<vmem>>, vector<16xf32>,
      tpu.vector_store %arg7[%swap3A_911, %swap3A_912, %swap3A_913, %swap3A_914], %gather3A_907 {strides = array<i32>} : memref<2x2x8x128xf32, #tpu.memory_space<vmem>>, vector<16xf32>,
      %gather3A_916 = tpu.vector_load_idx %arg6[%broadcast_in_dim3A_15, %add3A_861] : memref<16x1216xf32, #tpu.memory_space<vmem>>[vector<16xi32>, vector<16xi32>], vector<16xf32>,
      %swap3A_917 = arith.constant 0 : i32
      %swap3A_918 = arith.constant 0 : i32
      %swap3A_919 = arith.constant 6 : i32
      %swap3A_920 = arith.index_cast %swap3A_917 : i32 to index
      %swap3A_921 = arith.index_cast %swap3A_918 : i32 to index
      %swap3A_922 = arith.index_cast %swap3A_919 : i32 to index
      %swap3A_923 = arith.constant 80 : index
      %swap3A_924 = tpu.vector_load %arg7[%swap3A_920, %swap3A_921, %swap3A_922, %swap3A_923] {strides = array<i32>} : memref<2x2x8x128xf32, #tpu.memory_space<vmem>>, vector<16xf32>,
      tpu.vector_store %arg7[%swap3A_920, %swap3A_921, %swap3A_922, %swap3A_923], %gather3A_916 {strides = array<i32>} : memref<2x2x8x128xf32, #tpu.memory_space<vmem>>, vector<16xf32>,
      %gather3A_925 = tpu.vector_load_idx %arg6[%broadcast_in_dim3A_17, %add3A_861] : memref<16x1216xf32, #tpu.memory_space<vmem>>[vector<16xi32>, vector<16xi32>], vector<16xf32>,
      %swap3A_926 = arith.constant 0 : i32
      %swap3A_927 = arith.constant 0 : i32
      %swap3A_928 = arith.constant 7 : i32
      %swap3A_929 = arith.index_cast %swap3A_926 : i32 to index
      %swap3A_930 = arith.index_cast %swap3A_927 : i32 to index
      %swap3A_931 = arith.index_cast %swap3A_928 : i32 to index
      %swap3A_932 = arith.constant 80 : index
      %swap3A_933 = tpu.vector_load %arg7[%swap3A_929, %swap3A_930, %swap3A_931, %swap3A_932] {strides = array<i32>} : memref<2x2x8x128xf32, #tpu.memory_space<vmem>>, vector<16xf32>,
      tpu.vector_store %arg7[%swap3A_929, %swap3A_930, %swap3A_931, %swap3A_932], %gather3A_925 {strides = array<i32>} : memref<2x2x8x128xf32, #tpu.memory_space<vmem>>, vector<16xf32>,
      %gather3A_934 = tpu.vector_load_idx %arg6[%broadcast_in_dim3A_19, %add3A_861] : memref<16x1216xf32, #tpu.memory_space<vmem>>[vector<16xi32>, vector<16xi32>], vector<16xf32>,
      %swap3A_935 = arith.constant 0 : i32
      %swap3A_936 = arith.constant 1 : i32
      %swap3A_937 = arith.constant 0 : i32
      %swap3A_938 = arith.index_cast %swap3A_935 : i32 to index
      %swap3A_939 = arith.index_cast %swap3A_936 : i32 to index
      %swap3A_940 = arith.index_cast %swap3A_937 : i32 to index
      %swap3A_941 = arith.constant 80 : index
      %swap3A_942 = tpu.vector_load %arg7[%swap3A_938, %swap3A_939, %swap3A_940, %swap3A_941] {strides = array<i32>} : memref<2x2x8x128xf32, #tpu.memory_space<vmem>>, vector<16xf32>,
      tpu.vector_store %arg7[%swap3A_938, %swap3A_939, %swap3A_940, %swap3A_941], %gather3A_934 {strides = array<i32>} : memref<2x2x8x128xf32, #tpu.memory_space<vmem>>, vector<16xf32>,
      %gather3A_943 = tpu.vector_load_idx %arg6[%broadcast_in_dim3A_21, %add3A_861] : memref<16x1216xf32, #tpu.memory_space<vmem>>[vector<16xi32>, vector<16xi32>], vector<16xf32>,
      %swap3A_944 = arith.constant 0 : i32
      %swap3A_945 = arith.constant 1 : i32
      %swap3A_946 = arith.constant 1 : i32
      %swap3A_947 = arith.index_cast %swap3A_944 : i32 to index
      %swap3A_948 = arith.index_cast %swap3A_945 : i32 to index
      %swap3A_949 = arith.index_cast %swap3A_946 : i32 to index
      %swap3A_950 = arith.constant 80 : index
      %swap3A_951 = tpu.vector_load %arg7[%swap3A_947, %swap3A_948, %swap3A_949, %swap3A_950] {strides = array<i32>} : memref<2x2x8x128xf32, #tpu.memory_space<vmem>>, vector<16xf32>,
      tpu.vector_store %arg7[%swap3A_947, %swap3A_948, %swap3A_949, %swap3A_950], %gather3A_943 {strides = array<i32>} : memref<2x2x8x128xf32, #tpu.memory_space<vmem>>, vector<16xf32>,
      %gather3A_952 = tpu.vector_load_idx %arg6[%broadcast_in_dim3A_23, %add3A_861] : memref<16x1216xf32, #tpu.memory_space<vmem>>[vector<16xi32>, vector<16xi32>], vector<16xf32>,
      %swap3A_953 = arith.constant 0 : i32
      %swap3A_954 = arith.constant 1 : i32
      %swap3A_955 = arith.constant 2 : i32
      %swap3A_956 = arith.index_cast %swap3A_953 : i32 to index
      %swap3A_957 = arith.index_cast %swap3A_954 : i32 to index
      %swap3A_958 = arith.index_cast %swap3A_955 : i32 to index
      %swap3A_959 = arith.constant 80 : index
      %swap3A_960 = tpu.vector_load %arg7[%swap3A_956, %swap3A_957, %swap3A_958, %swap3A_959] {strides = array<i32>} : memref<2x2x8x128xf32, #tpu.memory_space<vmem>>, vector<16xf32>,
      tpu.vector_store %arg7[%swap3A_956, %swap3A_957, %swap3A_958, %swap3A_959], %gather3A_952 {strides = array<i32>} : memref<2x2x8x128xf32, #tpu.memory_space<vmem>>, vector<16xf32>,
      %gather3A_961 = tpu.vector_load_idx %arg6[%broadcast_in_dim3A_25, %add3A_861] : memref<16x1216xf32, #tpu.memory_space<vmem>>[vector<16xi32>, vector<16xi32>], vector<16xf32>,
      %swap3A_962 = arith.constant 0 : i32
      %swap3A_963 = arith.constant 1 : i32
      %swap3A_964 = arith.constant 3 : i32
      %swap3A_965 = arith.index_cast %swap3A_962 : i32 to index
      %swap3A_966 = arith.index_cast %swap3A_963 : i32 to index
      %swap3A_967 = arith.index_cast %swap3A_964 : i32 to index
      %swap3A_968 = arith.constant 80 : index
      %swap3A_969 = tpu.vector_load %arg7[%swap3A_965, %swap3A_966, %swap3A_967, %swap3A_968] {strides = array<i32>} : memref<2x2x8x128xf32, #tpu.memory_space<vmem>>, vector<16xf32>,
      tpu.vector_store %arg7[%swap3A_965, %swap3A_966, %swap3A_967, %swap3A_968], %gather3A_961 {strides = array<i32>} : memref<2x2x8x128xf32, #tpu.memory_space<vmem>>, vector<16xf32>,
      %gather3A_970 = tpu.vector_load_idx %arg6[%broadcast_in_dim3A_27, %add3A_861] : memref<16x1216xf32, #tpu.memory_space<vmem>>[vector<16xi32>, vector<16xi32>], vector<16xf32>,
      %swap3A_971 = arith.constant 0 : i32
      %swap3A_972 = arith.constant 1 : i32
      %swap3A_973 = arith.constant 4 : i32
      %swap3A_974 = arith.index_cast %swap3A_971 : i32 to index
      %swap3A_975 = arith.index_cast %swap3A_972 : i32 to index
      %swap3A_976 = arith.index_cast %swap3A_973 : i32 to index
      %swap3A_977 = arith.constant 80 : index
      %swap3A_978 = tpu.vector_load %arg7[%swap3A_974, %swap3A_975, %swap3A_976, %swap3A_977] {strides = array<i32>} : memref<2x2x8x128xf32, #tpu.memory_space<vmem>>, vector<16xf32>,
      tpu.vector_store %arg7[%swap3A_974, %swap3A_975, %swap3A_976, %swap3A_977], %gather3A_970 {strides = array<i32>} : memref<2x2x8x128xf32, #tpu.memory_space<vmem>>, vector<16xf32>,
      %gather3A_979 = tpu.vector_load_idx %arg6[%broadcast_in_dim3A_29, %add3A_861] : memref<16x1216xf32, #tpu.memory_space<vmem>>[vector<16xi32>, vector<16xi32>], vector<16xf32>,
      %swap3A_980 = arith.constant 0 : i32
      %swap3A_981 = arith.constant 1 : i32
      %swap3A_982 = arith.constant 5 : i32
      %swap3A_983 = arith.index_cast %swap3A_980 : i32 to index
      %swap3A_984 = arith.index_cast %swap3A_981 : i32 to index
      %swap3A_985 = arith.index_cast %swap3A_982 : i32 to index
      %swap3A_986 = arith.constant 80 : index
      %swap3A_987 = tpu.vector_load %arg7[%swap3A_983, %swap3A_984, %swap3A_985, %swap3A_986] {strides = array<i32>} : memref<2x2x8x128xf32, #tpu.memory_space<vmem>>, vector<16xf32>,
      tpu.vector_store %arg7[%swap3A_983, %swap3A_984, %swap3A_985, %swap3A_986], %gather3A_979 {strides = array<i32>} : memref<2x2x8x128xf32, #tpu.memory_space<vmem>>, vector<16xf32>,
      %gather3A_988 = tpu.vector_load_idx %arg6[%broadcast_in_dim3A_31, %add3A_861] : memref<16x1216xf32, #tpu.memory_space<vmem>>[vector<16xi32>, vector<16xi32>], vector<16xf32>,
      %swap3A_989 = arith.constant 0 : i32
      %swap3A_990 = arith.constant 1 : i32
      %swap3A_991 = arith.constant 6 : i32
      %swap3A_992 = arith.index_cast %swap3A_989 : i32 to index
      %swap3A_993 = arith.index_cast %swap3A_990 : i32 to index
      %swap3A_994 = arith.index_cast %swap3A_991 : i32 to index
      %swap3A_995 = arith.constant 80 : index
      %swap3A_996 = tpu.vector_load %arg7[%swap3A_992, %swap3A_993, %swap3A_994, %swap3A_995] {strides = array<i32>} : memref<2x2x8x128xf32, #tpu.memory_space<vmem>>, vector<16xf32>,
      tpu.vector_store %arg7[%swap3A_992, %swap3A_993, %swap3A_994, %swap3A_995], %gather3A_988 {strides = array<i32>} : memref<2x2x8x128xf32, #tpu.memory_space<vmem>>, vector<16xf32>,
      %gather3A_997 = tpu.vector_load_idx %arg6[%broadcast_in_dim3A_33, %add3A_861] : memref<16x1216xf32, #tpu.memory_space<vmem>>[vector<16xi32>, vector<16xi32>], vector<16xf32>,
      %swap3A_998 = arith.constant 0 : i32
      %swap3A_999 = arith.constant 1 : i32
      %swap3A_1000 = arith.constant 7 : i32
      %swap3A_1001 = arith.index_cast %swap3A_998 : i32 to index
      %swap3A_1002 = arith.index_cast %swap3A_999 : i32 to index
      %swap3A_1003 = arith.index_cast %swap3A_1000 : i32 to index
      %swap3A_1004 = arith.constant 80 : index
      %swap3A_1005 = tpu.vector_load %arg7[%swap3A_1001, %swap3A_1002, %swap3A_1003, %swap3A_1004] {strides = array<i32>} : memref<2x2x8x128xf32, #tpu.memory_space<vmem>>, vector<16xf32>,
      tpu.vector_store %arg7[%swap3A_1001, %swap3A_1002, %swap3A_1003, %swap3A_1004], %gather3A_997 {strides = array<i32>} : memref<2x2x8x128xf32, #tpu.memory_space<vmem>>, vector<16xf32>,
      %mul3A_1006 = arith.constant 128 : i32
      %mul3A_1007 = arith.muli %add3A_89, %mul3A_1006 : i32
      %add3A_1008 = arith.constant 96 : i32
      %add3A_1009 = arith.addi %mul3A_1007, %add3A_1008 : i32
      %get3A_1010 = arith.index_cast %add3A_1009 : i32 to index
      %get3A_1011 = tpu.vector_load %arg5[%get3A_1010] {strides = array<i32>} : memref<9728xi32, #tpu.memory_space<vmem>>, vector<16xi32>,
      %add3A_1012 = vector.broadcast %mul3A_96 : i32 to vector<16xi32>
      %add3A_1013 = arith.addi %get3A_1011, %add3A_1012 : vector<16xi32>
      %gather3A_1014 = tpu.vector_load_idx %arg6[%broadcast_in_dim3A_3, %add3A_1013] : memref<16x1216xf32, #tpu.memory_space<vmem>>[vector<16xi32>, vector<16xi32>], vector<16xf32>,
      %swap3A_1015 = arith.constant 0 : i32
      %swap3A_1016 = arith.constant 0 : i32
      %swap3A_1017 = arith.constant 0 : i32
      %swap3A_1018 = arith.index_cast %swap3A_1015 : i32 to index
      %swap3A_1019 = arith.index_cast %swap3A_1016 : i32 to index
      %swap3A_1020 = arith.index_cast %swap3A_1017 : i32 to index
      %swap3A_1021 = arith.constant 96 : index
      %swap3A_1022 = tpu.vector_load %arg7[%swap3A_1018, %swap3A_1019, %swap3A_1020, %swap3A_1021] {strides = array<i32>} : memref<2x2x8x128xf32, #tpu.memory_space<vmem>>, vector<16xf32>,
      tpu.vector_store %arg7[%swap3A_1018, %swap3A_1019, %swap3A_1020, %swap3A_1021], %gather3A_1014 {strides = array<i32>} : memref<2x2x8x128xf32, #tpu.memory_space<vmem>>, vector<16xf32>,
      %gather3A_1023 = tpu.vector_load_idx %arg6[%broadcast_in_dim3A_5, %add3A_1013] : memref<16x1216xf32, #tpu.memory_space<vmem>>[vector<16xi32>, vector<16xi32>], vector<16xf32>,
      %swap3A_1024 = arith.constant 0 : i32
      %swap3A_1025 = arith.constant 0 : i32
      %swap3A_1026 = arith.constant 1 : i32
      %swap3A_1027 = arith.index_cast %swap3A_1024 : i32 to index
      %swap3A_1028 = arith.index_cast %swap3A_1025 : i32 to index
      %swap3A_1029 = arith.index_cast %swap3A_1026 : i32 to index
      %swap3A_1030 = arith.constant 96 : index
      %swap3A_1031 = tpu.vector_load %arg7[%swap3A_1027, %swap3A_1028, %swap3A_1029, %swap3A_1030] {strides = array<i32>} : memref<2x2x8x128xf32, #tpu.memory_space<vmem>>, vector<16xf32>,
      tpu.vector_store %arg7[%swap3A_1027, %swap3A_1028, %swap3A_1029, %swap3A_1030], %gather3A_1023 {strides = array<i32>} : memref<2x2x8x128xf32, #tpu.memory_space<vmem>>, vector<16xf32>,
      %gather3A_1032 = tpu.vector_load_idx %arg6[%broadcast_in_dim3A_7, %add3A_1013] : memref<16x1216xf32, #tpu.memory_space<vmem>>[vector<16xi32>, vector<16xi32>], vector<16xf32>,
      %swap3A_1033 = arith.constant 0 : i32
      %swap3A_1034 = arith.constant 0 : i32
      %swap3A_1035 = arith.constant 2 : i32
      %swap3A_1036 = arith.index_cast %swap3A_1033 : i32 to index
      %swap3A_1037 = arith.index_cast %swap3A_1034 : i32 to index
      %swap3A_1038 = arith.index_cast %swap3A_1035 : i32 to index
      %swap3A_1039 = arith.constant 96 : index
      %swap3A_1040 = tpu.vector_load %arg7[%swap3A_1036, %swap3A_1037, %swap3A_1038, %swap3A_1039] {strides = array<i32>} : memref<2x2x8x128xf32, #tpu.memory_space<vmem>>, vector<16xf32>,
      tpu.vector_store %arg7[%swap3A_1036, %swap3A_1037, %swap3A_1038, %swap3A_1039], %gather3A_1032 {strides = array<i32>} : memref<2x2x8x128xf32, #tpu.memory_space<vmem>>, vector<16xf32>,
      %gather3A_1041 = tpu.vector_load_idx %arg6[%broadcast_in_dim3A_9, %add3A_1013] : memref<16x1216xf32, #tpu.memory_space<vmem>>[vector<16xi32>, vector<16xi32>], vector<16xf32>,
      %swap3A_1042 = arith.constant 0 : i32
      %swap3A_1043 = arith.constant 0 : i32
      %swap3A_1044 = arith.constant 3 : i32
      %swap3A_1045 = arith.index_cast %swap3A_1042 : i32 to index
      %swap3A_1046 = arith.index_cast %swap3A_1043 : i32 to index
      %swap3A_1047 = arith.index_cast %swap3A_1044 : i32 to index
      %swap3A_1048 = arith.constant 96 : index
      %swap3A_1049 = tpu.vector_load %arg7[%swap3A_1045, %swap3A_1046, %swap3A_1047, %swap3A_1048] {strides = array<i32>} : memref<2x2x8x128xf32, #tpu.memory_space<vmem>>, vector<16xf32>,
      tpu.vector_store %arg7[%swap3A_1045, %swap3A_1046, %swap3A_1047, %swap3A_1048], %gather3A_1041 {strides = array<i32>} : memref<2x2x8x128xf32, #tpu.memory_space<vmem>>, vector<16xf32>,
      %gather3A_1050 = tpu.vector_load_idx %arg6[%broadcast_in_dim3A_11, %add3A_1013] : memref<16x1216xf32, #tpu.memory_space<vmem>>[vector<16xi32>, vector<16xi32>], vector<16xf32>,
      %swap3A_1051 = arith.constant 0 : i32
      %swap3A_1052 = arith.constant 0 : i32
      %swap3A_1053 = arith.constant 4 : i32
      %swap3A_1054 = arith.index_cast %swap3A_1051 : i32 to index
      %swap3A_1055 = arith.index_cast %swap3A_1052 : i32 to index
      %swap3A_1056 = arith.index_cast %swap3A_1053 : i32 to index
      %swap3A_1057 = arith.constant 96 : index
      %swap3A_1058 = tpu.vector_load %arg7[%swap3A_1054, %swap3A_1055, %swap3A_1056, %swap3A_1057] {strides = array<i32>} : memref<2x2x8x128xf32, #tpu.memory_space<vmem>>, vector<16xf32>,
      tpu.vector_store %arg7[%swap3A_1054, %swap3A_1055, %swap3A_1056, %swap3A_1057], %gather3A_1050 {strides = array<i32>} : memref<2x2x8x128xf32, #tpu.memory_space<vmem>>, vector<16xf32>,
      %gather3A_1059 = tpu.vector_load_idx %arg6[%broadcast_in_dim3A_13, %add3A_1013] : memref<16x1216xf32, #tpu.memory_space<vmem>>[vector<16xi32>, vector<16xi32>], vector<16xf32>,
      %swap3A_1060 = arith.constant 0 : i32
      %swap3A_1061 = arith.constant 0 : i32
      %swap3A_1062 = arith.constant 5 : i32
      %swap3A_1063 = arith.index_cast %swap3A_1060 : i32 to index
      %swap3A_1064 = arith.index_cast %swap3A_1061 : i32 to index
      %swap3A_1065 = arith.index_cast %swap3A_1062 : i32 to index
      %swap3A_1066 = arith.constant 96 : index
      %swap3A_1067 = tpu.vector_load %arg7[%swap3A_1063, %swap3A_1064, %swap3A_1065, %swap3A_1066] {strides = array<i32>} : memref<2x2x8x128xf32, #tpu.memory_space<vmem>>, vector<16xf32>,
      tpu.vector_store %arg7[%swap3A_1063, %swap3A_1064, %swap3A_1065, %swap3A_1066], %gather3A_1059 {strides = array<i32>} : memref<2x2x8x128xf32, #tpu.memory_space<vmem>>, vector<16xf32>,
      %gather3A_1068 = tpu.vector_load_idx %arg6[%broadcast_in_dim3A_15, %add3A_1013] : memref<16x1216xf32, #tpu.memory_space<vmem>>[vector<16xi32>, vector<16xi32>], vector<16xf32>,
      %swap3A_1069 = arith.constant 0 : i32
      %swap3A_1070 = arith.constant 0 : i32
      %swap3A_1071 = arith.constant 6 : i32
      %swap3A_1072 = arith.index_cast %swap3A_1069 : i32 to index
      %swap3A_1073 = arith.index_cast %swap3A_1070 : i32 to index
      %swap3A_1074 = arith.index_cast %swap3A_1071 : i32 to index
      %swap3A_1075 = arith.constant 96 : index
      %swap3A_1076 = tpu.vector_load %arg7[%swap3A_1072, %swap3A_1073, %swap3A_1074, %swap3A_1075] {strides = array<i32>} : memref<2x2x8x128xf32, #tpu.memory_space<vmem>>, vector<16xf32>,
      tpu.vector_store %arg7[%swap3A_1072, %swap3A_1073, %swap3A_1074, %swap3A_1075], %gather3A_1068 {strides = array<i32>} : memref<2x2x8x128xf32, #tpu.memory_space<vmem>>, vector<16xf32>,
      %gather3A_1077 = tpu.vector_load_idx %arg6[%broadcast_in_dim3A_17, %add3A_1013] : memref<16x1216xf32, #tpu.memory_space<vmem>>[vector<16xi32>, vector<16xi32>], vector<16xf32>,
      %swap3A_1078 = arith.constant 0 : i32
      %swap3A_1079 = arith.constant 0 : i32
      %swap3A_1080 = arith.constant 7 : i32
      %swap3A_1081 = arith.index_cast %swap3A_1078 : i32 to index
      %swap3A_1082 = arith.index_cast %swap3A_1079 : i32 to index
      %swap3A_1083 = arith.index_cast %swap3A_1080 : i32 to index
      %swap3A_1084 = arith.constant 96 : index
      %swap3A_1085 = tpu.vector_load %arg7[%swap3A_1081, %swap3A_1082, %swap3A_1083, %swap3A_1084] {strides = array<i32>} : memref<2x2x8x128xf32, #tpu.memory_space<vmem>>, vector<16xf32>,
      tpu.vector_store %arg7[%swap3A_1081, %swap3A_1082, %swap3A_1083, %swap3A_1084], %gather3A_1077 {strides = array<i32>} : memref<2x2x8x128xf32, #tpu.memory_space<vmem>>, vector<16xf32>,
      %gather3A_1086 = tpu.vector_load_idx %arg6[%broadcast_in_dim3A_19, %add3A_1013] : memref<16x1216xf32, #tpu.memory_space<vmem>>[vector<16xi32>, vector<16xi32>], vector<16xf32>,
      %swap3A_1087 = arith.constant 0 : i32
      %swap3A_1088 = arith.constant 1 : i32
      %swap3A_1089 = arith.constant 0 : i32
      %swap3A_1090 = arith.index_cast %swap3A_1087 : i32 to index
      %swap3A_1091 = arith.index_cast %swap3A_1088 : i32 to index
      %swap3A_1092 = arith.index_cast %swap3A_1089 : i32 to index
      %swap3A_1093 = arith.constant 96 : index
      %swap3A_1094 = tpu.vector_load %arg7[%swap3A_1090, %swap3A_1091, %swap3A_1092, %swap3A_1093] {strides = array<i32>} : memref<2x2x8x128xf32, #tpu.memory_space<vmem>>, vector<16xf32>,
      tpu.vector_store %arg7[%swap3A_1090, %swap3A_1091, %swap3A_1092, %swap3A_1093], %gather3A_1086 {strides = array<i32>} : memref<2x2x8x128xf32, #tpu.memory_space<vmem>>, vector<16xf32>,
      %gather3A_1095 = tpu.vector_load_idx %arg6[%broadcast_in_dim3A_21, %add3A_1013] : memref<16x1216xf32, #tpu.memory_space<vmem>>[vector<16xi32>, vector<16xi32>], vector<16xf32>,
      %swap3A_1096 = arith.constant 0 : i32
      %swap3A_1097 = arith.constant 1 : i32
      %swap3A_1098 = arith.constant 1 : i32
      %swap3A_1099 = arith.index_cast %swap3A_1096 : i32 to index
      %swap3A_1100 = arith.index_cast %swap3A_1097 : i32 to index
      %swap3A_1101 = arith.index_cast %swap3A_1098 : i32 to index
      %swap3A_1102 = arith.constant 96 : index
      %swap3A_1103 = tpu.vector_load %arg7[%swap3A_1099, %swap3A_1100, %swap3A_1101, %swap3A_1102] {strides = array<i32>} : memref<2x2x8x128xf32, #tpu.memory_space<vmem>>, vector<16xf32>,
      tpu.vector_store %arg7[%swap3A_1099, %swap3A_1100, %swap3A_1101, %swap3A_1102], %gather3A_1095 {strides = array<i32>} : memref<2x2x8x128xf32, #tpu.memory_space<vmem>>, vector<16xf32>,
      %gather3A_1104 = tpu.vector_load_idx %arg6[%broadcast_in_dim3A_23, %add3A_1013] : memref<16x1216xf32, #tpu.memory_space<vmem>>[vector<16xi32>, vector<16xi32>], vector<16xf32>,
      %swap3A_1105 = arith.constant 0 : i32
      %swap3A_1106 = arith.constant 1 : i32
      %swap3A_1107 = arith.constant 2 : i32
      %swap3A_1108 = arith.index_cast %swap3A_1105 : i32 to index
      %swap3A_1109 = arith.index_cast %swap3A_1106 : i32 to index
      %swap3A_1110 = arith.index_cast %swap3A_1107 : i32 to index
      %swap3A_1111 = arith.constant 96 : index
      %swap3A_1112 = tpu.vector_load %arg7[%swap3A_1108, %swap3A_1109, %swap3A_1110, %swap3A_1111] {strides = array<i32>} : memref<2x2x8x128xf32, #tpu.memory_space<vmem>>, vector<16xf32>,
      tpu.vector_store %arg7[%swap3A_1108, %swap3A_1109, %swap3A_1110, %swap3A_1111], %gather3A_1104 {strides = array<i32>} : memref<2x2x8x128xf32, #tpu.memory_space<vmem>>, vector<16xf32>,
      %gather3A_1113 = tpu.vector_load_idx %arg6[%broadcast_in_dim3A_25, %add3A_1013] : memref<16x1216xf32, #tpu.memory_space<vmem>>[vector<16xi32>, vector<16xi32>], vector<16xf32>,
      %swap3A_1114 = arith.constant 0 : i32
      %swap3A_1115 = arith.constant 1 : i32
      %swap3A_1116 = arith.constant 3 : i32
      %swap3A_1117 = arith.index_cast %swap3A_1114 : i32 to index
      %swap3A_1118 = arith.index_cast %swap3A_1115 : i32 to index
      %swap3A_1119 = arith.index_cast %swap3A_1116 : i32 to index
      %swap3A_1120 = arith.constant 96 : index
      %swap3A_1121 = tpu.vector_load %arg7[%swap3A_1117, %swap3A_1118, %swap3A_1119, %swap3A_1120] {strides = array<i32>} : memref<2x2x8x128xf32, #tpu.memory_space<vmem>>, vector<16xf32>,
      tpu.vector_store %arg7[%swap3A_1117, %swap3A_1118, %swap3A_1119, %swap3A_1120], %gather3A_1113 {strides = array<i32>} : memref<2x2x8x128xf32, #tpu.memory_space<vmem>>, vector<16xf32>,
      %gather3A_1122 = tpu.vector_load_idx %arg6[%broadcast_in_dim3A_27, %add3A_1013] : memref<16x1216xf32, #tpu.memory_space<vmem>>[vector<16xi32>, vector<16xi32>], vector<16xf32>,
      %swap3A_1123 = arith.constant 0 : i32
      %swap3A_1124 = arith.constant 1 : i32
      %swap3A_1125 = arith.constant 4 : i32
      %swap3A_1126 = arith.index_cast %swap3A_1123 : i32 to index
      %swap3A_1127 = arith.index_cast %swap3A_1124 : i32 to index
      %swap3A_1128 = arith.index_cast %swap3A_1125 : i32 to index
      %swap3A_1129 = arith.constant 96 : index
      %swap3A_1130 = tpu.vector_load %arg7[%swap3A_1126, %swap3A_1127, %swap3A_1128, %swap3A_1129] {strides = array<i32>} : memref<2x2x8x128xf32, #tpu.memory_space<vmem>>, vector<16xf32>,
      tpu.vector_store %arg7[%swap3A_1126, %swap3A_1127, %swap3A_1128, %swap3A_1129], %gather3A_1122 {strides = array<i32>} : memref<2x2x8x128xf32, #tpu.memory_space<vmem>>, vector<16xf32>,
      %gather3A_1131 = tpu.vector_load_idx %arg6[%broadcast_in_dim3A_29, %add3A_1013] : memref<16x1216xf32, #tpu.memory_space<vmem>>[vector<16xi32>, vector<16xi32>], vector<16xf32>,
      %swap3A_1132 = arith.constant 0 : i32
      %swap3A_1133 = arith.constant 1 : i32
      %swap3A_1134 = arith.constant 5 : i32
      %swap3A_1135 = arith.index_cast %swap3A_1132 : i32 to index
      %swap3A_1136 = arith.index_cast %swap3A_1133 : i32 to index
      %swap3A_1137 = arith.index_cast %swap3A_1134 : i32 to index
      %swap3A_1138 = arith.constant 96 : index
      %swap3A_1139 = tpu.vector_load %arg7[%swap3A_1135, %swap3A_1136, %swap3A_1137, %swap3A_1138] {strides = array<i32>} : memref<2x2x8x128xf32, #tpu.memory_space<vmem>>, vector<16xf32>,
      tpu.vector_store %arg7[%swap3A_1135, %swap3A_1136, %swap3A_1137, %swap3A_1138], %gather3A_1131 {strides = array<i32>} : memref<2x2x8x128xf32, #tpu.memory_space<vmem>>, vector<16xf32>,
      %gather3A_1140 = tpu.vector_load_idx %arg6[%broadcast_in_dim3A_31, %add3A_1013] : memref<16x1216xf32, #tpu.memory_space<vmem>>[vector<16xi32>, vector<16xi32>], vector<16xf32>,
      %swap3A_1141 = arith.constant 0 : i32
      %swap3A_1142 = arith.constant 1 : i32
      %swap3A_1143 = arith.constant 6 : i32
      %swap3A_1144 = arith.index_cast %swap3A_1141 : i32 to index
      %swap3A_1145 = arith.index_cast %swap3A_1142 : i32 to index
      %swap3A_1146 = arith.index_cast %swap3A_1143 : i32 to index
      %swap3A_1147 = arith.constant 96 : index
      %swap3A_1148 = tpu.vector_load %arg7[%swap3A_1144, %swap3A_1145, %swap3A_1146, %swap3A_1147] {strides = array<i32>} : memref<2x2x8x128xf32, #tpu.memory_space<vmem>>, vector<16xf32>,
      tpu.vector_store %arg7[%swap3A_1144, %swap3A_1145, %swap3A_1146, %swap3A_1147], %gather3A_1140 {strides = array<i32>} : memref<2x2x8x128xf32, #tpu.memory_space<vmem>>, vector<16xf32>,
      %gather3A_1149 = tpu.vector_load_idx %arg6[%broadcast_in_dim3A_33, %add3A_1013] : memref<16x1216xf32, #tpu.memory_space<vmem>>[vector<16xi32>, vector<16xi32>], vector<16xf32>,
      %swap3A_1150 = arith.constant 0 : i32
      %swap3A_1151 = arith.constant 1 : i32
      %swap3A_1152 = arith.constant 7 : i32
      %swap3A_1153 = arith.index_cast %swap3A_1150 : i32 to index
      %swap3A_1154 = arith.index_cast %swap3A_1151 : i32 to index
      %swap3A_1155 = arith.index_cast %swap3A_1152 : i32 to index
      %swap3A_1156 = arith.constant 96 : index
      %swap3A_1157 = tpu.vector_load %arg7[%swap3A_1153, %swap3A_1154, %swap3A_1155, %swap3A_1156] {strides = array<i32>} : memref<2x2x8x128xf32, #tpu.memory_space<vmem>>, vector<16xf32>,
      tpu.vector_store %arg7[%swap3A_1153, %swap3A_1154, %swap3A_1155, %swap3A_1156], %gather3A_1149 {strides = array<i32>} : memref<2x2x8x128xf32, #tpu.memory_space<vmem>>, vector<16xf32>,
      %mul3A_1158 = arith.constant 128 : i32
      %mul3A_1159 = arith.muli %add3A_89, %mul3A_1158 : i32
      %add3A_1160 = arith.constant 112 : i32
      %add3A_1161 = arith.addi %mul3A_1159, %add3A_1160 : i32
      %get3A_1162 = arith.index_cast %add3A_1161 : i32 to index
      %get3A_1163 = tpu.vector_load %arg5[%get3A_1162] {strides = array<i32>} : memref<9728xi32, #tpu.memory_space<vmem>>, vector<16xi32>,
      %add3A_1164 = vector.broadcast %mul3A_96 : i32 to vector<16xi32>
      %add3A_1165 = arith.addi %get3A_1163, %add3A_1164 : vector<16xi32>
      %gather3A_1166 = tpu.vector_load_idx %arg6[%broadcast_in_dim3A_3, %add3A_1165] : memref<16x1216xf32, #tpu.memory_space<vmem>>[vector<16xi32>, vector<16xi32>], vector<16xf32>,
      %swap3A_1167 = arith.constant 0 : i32
      %swap3A_1168 = arith.constant 0 : i32
      %swap3A_1169 = arith.constant 0 : i32
      %swap3A_1170 = arith.index_cast %swap3A_1167 : i32 to index
      %swap3A_1171 = arith.index_cast %swap3A_1168 : i32 to index
      %swap3A_1172 = arith.index_cast %swap3A_1169 : i32 to index
      %swap3A_1173 = arith.constant 112 : index
      %swap3A_1174 = tpu.vector_load %arg7[%swap3A_1170, %swap3A_1171, %swap3A_1172, %swap3A_1173] {strides = array<i32>} : memref<2x2x8x128xf32, #tpu.memory_space<vmem>>, vector<16xf32>,
      tpu.vector_store %arg7[%swap3A_1170, %swap3A_1171, %swap3A_1172, %swap3A_1173], %gather3A_1166 {strides = array<i32>} : memref<2x2x8x128xf32, #tpu.memory_space<vmem>>, vector<16xf32>,
      %gather3A_1175 = tpu.vector_load_idx %arg6[%broadcast_in_dim3A_5, %add3A_1165] : memref<16x1216xf32, #tpu.memory_space<vmem>>[vector<16xi32>, vector<16xi32>], vector<16xf32>,
      %swap3A_1176 = arith.constant 0 : i32
      %swap3A_1177 = arith.constant 0 : i32
      %swap3A_1178 = arith.constant 1 : i32
      %swap3A_1179 = arith.index_cast %swap3A_1176 : i32 to index
      %swap3A_1180 = arith.index_cast %swap3A_1177 : i32 to index
      %swap3A_1181 = arith.index_cast %swap3A_1178 : i32 to index
      %swap3A_1182 = arith.constant 112 : index
      %swap3A_1183 = tpu.vector_load %arg7[%swap3A_1179, %swap3A_1180, %swap3A_1181, %swap3A_1182] {strides = array<i32>} : memref<2x2x8x128xf32, #tpu.memory_space<vmem>>, vector<16xf32>,
      tpu.vector_store %arg7[%swap3A_1179, %swap3A_1180, %swap3A_1181, %swap3A_1182], %gather3A_1175 {strides = array<i32>} : memref<2x2x8x128xf32, #tpu.memory_space<vmem>>, vector<16xf32>,
      %gather3A_1184 = tpu.vector_load_idx %arg6[%broadcast_in_dim3A_7, %add3A_1165] : memref<16x1216xf32, #tpu.memory_space<vmem>>[vector<16xi32>, vector<16xi32>], vector<16xf32>,
      %swap3A_1185 = arith.constant 0 : i32
      %swap3A_1186 = arith.constant 0 : i32
      %swap3A_1187 = arith.constant 2 : i32
      %swap3A_1188 = arith.index_cast %swap3A_1185 : i32 to index
      %swap3A_1189 = arith.index_cast %swap3A_1186 : i32 to index
      %swap3A_1190 = arith.index_cast %swap3A_1187 : i32 to index
      %swap3A_1191 = arith.constant 112 : index
      %swap3A_1192 = tpu.vector_load %arg7[%swap3A_1188, %swap3A_1189, %swap3A_1190, %swap3A_1191] {strides = array<i32>} : memref<2x2x8x128xf32, #tpu.memory_space<vmem>>, vector<16xf32>,
      tpu.vector_store %arg7[%swap3A_1188, %swap3A_1189, %swap3A_1190, %swap3A_1191], %gather3A_1184 {strides = array<i32>} : memref<2x2x8x128xf32, #tpu.memory_space<vmem>>, vector<16xf32>,
      %gather3A_1193 = tpu.vector_load_idx %arg6[%broadcast_in_dim3A_9, %add3A_1165] : memref<16x1216xf32, #tpu.memory_space<vmem>>[vector<16xi32>, vector<16xi32>], vector<16xf32>,
      %swap3A_1194 = arith.constant 0 : i32
      %swap3A_1195 = arith.constant 0 : i32
      %swap3A_1196 = arith.constant 3 : i32
      %swap3A_1197 = arith.index_cast %swap3A_1194 : i32 to index
      %swap3A_1198 = arith.index_cast %swap3A_1195 : i32 to index
      %swap3A_1199 = arith.index_cast %swap3A_1196 : i32 to index
      %swap3A_1200 = arith.constant 112 : index
      %swap3A_1201 = tpu.vector_load %arg7[%swap3A_1197, %swap3A_1198, %swap3A_1199, %swap3A_1200] {strides = array<i32>} : memref<2x2x8x128xf32, #tpu.memory_space<vmem>>, vector<16xf32>,
      tpu.vector_store %arg7[%swap3A_1197, %swap3A_1198, %swap3A_1199, %swap3A_1200], %gather3A_1193 {strides = array<i32>} : memref<2x2x8x128xf32, #tpu.memory_space<vmem>>, vector<16xf32>,
      %gather3A_1202 = tpu.vector_load_idx %arg6[%broadcast_in_dim3A_11, %add3A_1165] : memref<16x1216xf32, #tpu.memory_space<vmem>>[vector<16xi32>, vector<16xi32>], vector<16xf32>,
      %swap3A_1203 = arith.constant 0 : i32
      %swap3A_1204 = arith.constant 0 : i32
      %swap3A_1205 = arith.constant 4 : i32
      %swap3A_1206 = arith.index_cast %swap3A_1203 : i32 to index
      %swap3A_1207 = arith.index_cast %swap3A_1204 : i32 to index
      %swap3A_1208 = arith.index_cast %swap3A_1205 : i32 to index
      %swap3A_1209 = arith.constant 112 : index
      %swap3A_1210 = tpu.vector_load %arg7[%swap3A_1206, %swap3A_1207, %swap3A_1208, %swap3A_1209] {strides = array<i32>} : memref<2x2x8x128xf32, #tpu.memory_space<vmem>>, vector<16xf32>,
      tpu.vector_store %arg7[%swap3A_1206, %swap3A_1207, %swap3A_1208, %swap3A_1209], %gather3A_1202 {strides = array<i32>} : memref<2x2x8x128xf32, #tpu.memory_space<vmem>>, vector<16xf32>,
      %gather3A_1211 = tpu.vector_load_idx %arg6[%broadcast_in_dim3A_13, %add3A_1165] : memref<16x1216xf32, #tpu.memory_space<vmem>>[vector<16xi32>, vector<16xi32>], vector<16xf32>,
      %swap3A_1212 = arith.constant 0 : i32
      %swap3A_1213 = arith.constant 0 : i32
      %swap3A_1214 = arith.constant 5 : i32
      %swap3A_1215 = arith.index_cast %swap3A_1212 : i32 to index
      %swap3A_1216 = arith.index_cast %swap3A_1213 : i32 to index
      %swap3A_1217 = arith.index_cast %swap3A_1214 : i32 to index
      %swap3A_1218 = arith.constant 112 : index
      %swap3A_1219 = tpu.vector_load %arg7[%swap3A_1215, %swap3A_1216, %swap3A_1217, %swap3A_1218] {strides = array<i32>} : memref<2x2x8x128xf32, #tpu.memory_space<vmem>>, vector<16xf32>,
      tpu.vector_store %arg7[%swap3A_1215, %swap3A_1216, %swap3A_1217, %swap3A_1218], %gather3A_1211 {strides = array<i32>} : memref<2x2x8x128xf32, #tpu.memory_space<vmem>>, vector<16xf32>,
      %gather3A_1220 = tpu.vector_load_idx %arg6[%broadcast_in_dim3A_15, %add3A_1165] : memref<16x1216xf32, #tpu.memory_space<vmem>>[vector<16xi32>, vector<16xi32>], vector<16xf32>,
      %swap3A_1221 = arith.constant 0 : i32
      %swap3A_1222 = arith.constant 0 : i32
      %swap3A_1223 = arith.constant 6 : i32
      %swap3A_1224 = arith.index_cast %swap3A_1221 : i32 to index
      %swap3A_1225 = arith.index_cast %swap3A_1222 : i32 to index
      %swap3A_1226 = arith.index_cast %swap3A_1223 : i32 to index
      %swap3A_1227 = arith.constant 112 : index
      %swap3A_1228 = tpu.vector_load %arg7[%swap3A_1224, %swap3A_1225, %swap3A_1226, %swap3A_1227] {strides = array<i32>} : memref<2x2x8x128xf32, #tpu.memory_space<vmem>>, vector<16xf32>,
      tpu.vector_store %arg7[%swap3A_1224, %swap3A_1225, %swap3A_1226, %swap3A_1227], %gather3A_1220 {strides = array<i32>} : memref<2x2x8x128xf32, #tpu.memory_space<vmem>>, vector<16xf32>,
      %gather3A_1229 = tpu.vector_load_idx %arg6[%broadcast_in_dim3A_17, %add3A_1165] : memref<16x1216xf32, #tpu.memory_space<vmem>>[vector<16xi32>, vector<16xi32>], vector<16xf32>,
      %swap3A_1230 = arith.constant 0 : i32
      %swap3A_1231 = arith.constant 0 : i32
      %swap3A_1232 = arith.constant 7 : i32
      %swap3A_1233 = arith.index_cast %swap3A_1230 : i32 to index
      %swap3A_1234 = arith.index_cast %swap3A_1231 : i32 to index
      %swap3A_1235 = arith.index_cast %swap3A_1232 : i32 to index
      %swap3A_1236 = arith.constant 112 : index
      %swap3A_1237 = tpu.vector_load %arg7[%swap3A_1233, %swap3A_1234, %swap3A_1235, %swap3A_1236] {strides = array<i32>} : memref<2x2x8x128xf32, #tpu.memory_space<vmem>>, vector<16xf32>,
      tpu.vector_store %arg7[%swap3A_1233, %swap3A_1234, %swap3A_1235, %swap3A_1236], %gather3A_1229 {strides = array<i32>} : memref<2x2x8x128xf32, #tpu.memory_space<vmem>>, vector<16xf32>,
      %gather3A_1238 = tpu.vector_load_idx %arg6[%broadcast_in_dim3A_19, %add3A_1165] : memref<16x1216xf32, #tpu.memory_space<vmem>>[vector<16xi32>, vector<16xi32>], vector<16xf32>,
      %swap3A_1239 = arith.constant 0 : i32
      %swap3A_1240 = arith.constant 1 : i32
      %swap3A_1241 = arith.constant 0 : i32
      %swap3A_1242 = arith.index_cast %swap3A_1239 : i32 to index
      %swap3A_1243 = arith.index_cast %swap3A_1240 : i32 to index
      %swap3A_1244 = arith.index_cast %swap3A_1241 : i32 to index
      %swap3A_1245 = arith.constant 112 : index
      %swap3A_1246 = tpu.vector_load %arg7[%swap3A_1242, %swap3A_1243, %swap3A_1244, %swap3A_1245] {strides = array<i32>} : memref<2x2x8x128xf32, #tpu.memory_space<vmem>>, vector<16xf32>,
      tpu.vector_store %arg7[%swap3A_1242, %swap3A_1243, %swap3A_1244, %swap3A_1245], %gather3A_1238 {strides = array<i32>} : memref<2x2x8x128xf32, #tpu.memory_space<vmem>>, vector<16xf32>,
      %gather3A_1247 = tpu.vector_load_idx %arg6[%broadcast_in_dim3A_21, %add3A_1165] : memref<16x1216xf32, #tpu.memory_space<vmem>>[vector<16xi32>, vector<16xi32>], vector<16xf32>,
      %swap3A_1248 = arith.constant 0 : i32
      %swap3A_1249 = arith.constant 1 : i32
      %swap3A_1250 = arith.constant 1 : i32
      %swap3A_1251 = arith.index_cast %swap3A_1248 : i32 to index
      %swap3A_1252 = arith.index_cast %swap3A_1249 : i32 to index
      %swap3A_1253 = arith.index_cast %swap3A_1250 : i32 to index
      %swap3A_1254 = arith.constant 112 : index
      %swap3A_1255 = tpu.vector_load %arg7[%swap3A_1251, %swap3A_1252, %swap3A_1253, %swap3A_1254] {strides = array<i32>} : memref<2x2x8x128xf32, #tpu.memory_space<vmem>>, vector<16xf32>,
      tpu.vector_store %arg7[%swap3A_1251, %swap3A_1252, %swap3A_1253, %swap3A_1254], %gather3A_1247 {strides = array<i32>} : memref<2x2x8x128xf32, #tpu.memory_space<vmem>>, vector<16xf32>,
      %gather3A_1256 = tpu.vector_load_idx %arg6[%broadcast_in_dim3A_23, %add3A_1165] : memref<16x1216xf32, #tpu.memory_space<vmem>>[vector<16xi32>, vector<16xi32>], vector<16xf32>,
      %swap3A_1257 = arith.constant 0 : i32
      %swap3A_1258 = arith.constant 1 : i32
      %swap3A_1259 = arith.constant 2 : i32
      %swap3A_1260 = arith.index_cast %swap3A_1257 : i32 to index
      %swap3A_1261 = arith.index_cast %swap3A_1258 : i32 to index
      %swap3A_1262 = arith.index_cast %swap3A_1259 : i32 to index
      %swap3A_1263 = arith.constant 112 : index
      %swap3A_1264 = tpu.vector_load %arg7[%swap3A_1260, %swap3A_1261, %swap3A_1262, %swap3A_1263] {strides = array<i32>} : memref<2x2x8x128xf32, #tpu.memory_space<vmem>>, vector<16xf32>,
      tpu.vector_store %arg7[%swap3A_1260, %swap3A_1261, %swap3A_1262, %swap3A_1263], %gather3A_1256 {strides = array<i32>} : memref<2x2x8x128xf32, #tpu.memory_space<vmem>>, vector<16xf32>,
      %gather3A_1265 = tpu.vector_load_idx %arg6[%broadcast_in_dim3A_25, %add3A_1165] : memref<16x1216xf32, #tpu.memory_space<vmem>>[vector<16xi32>, vector<16xi32>], vector<16xf32>,
      %swap3A_1266 = arith.constant 0 : i32
      %swap3A_1267 = arith.constant 1 : i32
      %swap3A_1268 = arith.constant 3 : i32
      %swap3A_1269 = arith.index_cast %swap3A_1266 : i32 to index
      %swap3A_1270 = arith.index_cast %swap3A_1267 : i32 to index
      %swap3A_1271 = arith.index_cast %swap3A_1268 : i32 to index
      %swap3A_1272 = arith.constant 112 : index
      %swap3A_1273 = tpu.vector_load %arg7[%swap3A_1269, %swap3A_1270, %swap3A_1271, %swap3A_1272] {strides = array<i32>} : memref<2x2x8x128xf32, #tpu.memory_space<vmem>>, vector<16xf32>,
      tpu.vector_store %arg7[%swap3A_1269, %swap3A_1270, %swap3A_1271, %swap3A_1272], %gather3A_1265 {strides = array<i32>} : memref<2x2x8x128xf32, #tpu.memory_space<vmem>>, vector<16xf32>,
      %gather3A_1274 = tpu.vector_load_idx %arg6[%broadcast_in_dim3A_27, %add3A_1165] : memref<16x1216xf32, #tpu.memory_space<vmem>>[vector<16xi32>, vector<16xi32>], vector<16xf32>,
      %swap3A_1275 = arith.constant 0 : i32
      %swap3A_1276 = arith.constant 1 : i32
      %swap3A_1277 = arith.constant 4 : i32
      %swap3A_1278 = arith.index_cast %swap3A_1275 : i32 to index
      %swap3A_1279 = arith.index_cast %swap3A_1276 : i32 to index
      %swap3A_1280 = arith.index_cast %swap3A_1277 : i32 to index
      %swap3A_1281 = arith.constant 112 : index
      %swap3A_1282 = tpu.vector_load %arg7[%swap3A_1278, %swap3A_1279, %swap3A_1280, %swap3A_1281] {strides = array<i32>} : memref<2x2x8x128xf32, #tpu.memory_space<vmem>>, vector<16xf32>,
      tpu.vector_store %arg7[%swap3A_1278, %swap3A_1279, %swap3A_1280, %swap3A_1281], %gather3A_1274 {strides = array<i32>} : memref<2x2x8x128xf32, #tpu.memory_space<vmem>>, vector<16xf32>,
      %gather3A_1283 = tpu.vector_load_idx %arg6[%broadcast_in_dim3A_29, %add3A_1165] : memref<16x1216xf32, #tpu.memory_space<vmem>>[vector<16xi32>, vector<16xi32>], vector<16xf32>,
      %swap3A_1284 = arith.constant 0 : i32
      %swap3A_1285 = arith.constant 1 : i32
      %swap3A_1286 = arith.constant 5 : i32
      %swap3A_1287 = arith.index_cast %swap3A_1284 : i32 to index
      %swap3A_1288 = arith.index_cast %swap3A_1285 : i32 to index
      %swap3A_1289 = arith.index_cast %swap3A_1286 : i32 to index
      %swap3A_1290 = arith.constant 112 : index
      %swap3A_1291 = tpu.vector_load %arg7[%swap3A_1287, %swap3A_1288, %swap3A_1289, %swap3A_1290] {strides = array<i32>} : memref<2x2x8x128xf32, #tpu.memory_space<vmem>>, vector<16xf32>,
      tpu.vector_store %arg7[%swap3A_1287, %swap3A_1288, %swap3A_1289, %swap3A_1290], %gather3A_1283 {strides = array<i32>} : memref<2x2x8x128xf32, #tpu.memory_space<vmem>>, vector<16xf32>,
      %gather3A_1292 = tpu.vector_load_idx %arg6[%broadcast_in_dim3A_31, %add3A_1165] : memref<16x1216xf32, #tpu.memory_space<vmem>>[vector<16xi32>, vector<16xi32>], vector<16xf32>,
      %swap3A_1293 = arith.constant 0 : i32
      %swap3A_1294 = arith.constant 1 : i32
      %swap3A_1295 = arith.constant 6 : i32
      %swap3A_1296 = arith.index_cast %swap3A_1293 : i32 to index
      %swap3A_1297 = arith.index_cast %swap3A_1294 : i32 to index
      %swap3A_1298 = arith.index_cast %swap3A_1295 : i32 to index
      %swap3A_1299 = arith.constant 112 : index
      %swap3A_1300 = tpu.vector_load %arg7[%swap3A_1296, %swap3A_1297, %swap3A_1298, %swap3A_1299] {strides = array<i32>} : memref<2x2x8x128xf32, #tpu.memory_space<vmem>>, vector<16xf32>,
      tpu.vector_store %arg7[%swap3A_1296, %swap3A_1297, %swap3A_1298, %swap3A_1299], %gather3A_1292 {strides = array<i32>} : memref<2x2x8x128xf32, #tpu.memory_space<vmem>>, vector<16xf32>,
      %gather3A_1301 = tpu.vector_load_idx %arg6[%broadcast_in_dim3A_33, %add3A_1165] : memref<16x1216xf32, #tpu.memory_space<vmem>>[vector<16xi32>, vector<16xi32>], vector<16xf32>,
      %swap3A_1302 = arith.constant 0 : i32
      %swap3A_1303 = arith.constant 1 : i32
      %swap3A_1304 = arith.constant 7 : i32
      %swap3A_1305 = arith.index_cast %swap3A_1302 : i32 to index
      %swap3A_1306 = arith.index_cast %swap3A_1303 : i32 to index
      %swap3A_1307 = arith.index_cast %swap3A_1304 : i32 to index
      %swap3A_1308 = arith.constant 112 : index
      %swap3A_1309 = tpu.vector_load %arg7[%swap3A_1305, %swap3A_1306, %swap3A_1307, %swap3A_1308] {strides = array<i32>} : memref<2x2x8x128xf32, #tpu.memory_space<vmem>>, vector<16xf32>,
      tpu.vector_store %arg7[%swap3A_1305, %swap3A_1306, %swap3A_1307, %swap3A_1308], %gather3A_1301 {strides = array<i32>} : memref<2x2x8x128xf32, #tpu.memory_space<vmem>>, vector<16xf32>,
      %dma_start3A = arith.constant 0 : i32
      %dma_start3A_1310 = arith.constant 0 : i32
      %dma_start3A_1311 = arith.constant 0 : i32
      %dma_start3A_1312 = arith.constant 0 : i32
      %dma_start3A_1313 = tpu.memref_slice %arg7[%dma_start3A, %dma_start3A_1310, %dma_start3A_1311, %dma_start3A_1312] : memref<2x2x8x128xf32, #tpu.memory_space<vmem>> -> memref<1x2x8x128xf32, #tpu.memory_space<vmem>>
      %dma_start3A_1314 = tpu.memref_squeeze %dma_start3A_1313 : memref<1x2x8x128xf32, #tpu.memory_space<vmem>> -> memref<2x8x128xf32, #tpu.memory_space<vmem>>
      %dma_start3A_1315 = arith.constant 0 : i32
      %dma_start3A_1316 = arith.constant 0 : i32
      %dma_start3A_1317 = arith.constant 0 : i32
      %dma_start3A_1318 = tpu.memref_slice %arg4[%div3A_93, %dma_start3A_1315, %rem3A_94, %dma_start3A_1316, %dma_start3A_1317] : memref<19x2x128x8x128xf32, #tpu.memory_space<hbm>> -> memref<1x2x1x8x128xf32, #tpu.memory_space<hbm>>
      %dma_start3A_1319 = tpu.memref_squeeze %dma_start3A_1318 : memref<1x2x1x8x128xf32, #tpu.memory_space<hbm>> -> memref<2x8x128xf32, #tpu.memory_space<hbm>>
      %dma_start3A_1320 = arith.constant 0 : i32
      %dma_start3A_1321 = arith.constant 0 : i32
      %dma_start3A_1322 = arith.constant 0 : i32
      %dma_start3A_1323 = tpu.memref_slice %arg4[%div3A_93, %dma_start3A_1320, %rem3A_94, %dma_start3A_1321, %dma_start3A_1322] : memref<19x2x128x8x128xf32, #tpu.memory_space<hbm>> -> memref<1x2x1x8x128xf32, #tpu.memory_space<hbm>>
      %dma_start3A_1324 = tpu.memref_squeeze %dma_start3A_1323 : memref<1x2x1x8x128xf32, #tpu.memory_space<hbm>> -> memref<2x8x128xf32, #tpu.memory_space<hbm>>
      %dma_start3A_1325 = arith.constant 0 : i32
      %dma_start3A_1326 = arith.constant 0 : i32
      %dma_start3A_1327 = arith.constant 0 : i32
      %dma_start3A_1328 = tpu.memref_slice %arg7[%dma_start3A, %dma_start3A_1325, %dma_start3A_1326, %dma_start3A_1327] : memref<2x2x8x128xf32, #tpu.memory_space<vmem>> -> memref<1x2x8x128xf32, #tpu.memory_space<vmem>>
      %dma_start3A_1329 = tpu.memref_squeeze %dma_start3A_1328 : memref<1x2x8x128xf32, #tpu.memory_space<vmem>> -> memref<2x8x128xf32, #tpu.memory_space<vmem>>
      tpu.enqueue_dma source(%dma_start3A_1329 : memref<2x8x128xf32, #tpu.memory_space<vmem>>) target(%dma_start3A_1324 : memref<2x8x128xf32, #tpu.memory_space<hbm>>) target_semaphore(%arg8 : memref<!tpu.dma_semaphore, #tpu.memory_space<semaphore_mem>>)
      %ge3A_1330 = arith.constant 1 : i32
      %ge3A_1331 = arith.cmpi sge, %scan3A_83, %ge3A_1330 : i32
      %convert_element_type3A_1332 = arith.extui %ge3A_1331 : i1 to i32
      %cond3A_1333 = arith.constant 0 : i32
      %cond3A_1334 = arith.cmpi ne, %convert_element_type3A_1332, %cond3A_1333 : i32
      scf.if %cond3A_1334 {
        %dma_wait3A_2585 = arith.constant 0 : i32
        %dma_wait3A_2586 = arith.constant 0 : i32
        %dma_wait3A_2587 = arith.constant 1 : i32
        %dma_wait3A_2588 = arith.constant 0 : i32
        %dma_wait3A_2589 = arith.constant 0 : i32
        %dma_wait3A_2590 = arith.constant 0 : i32
        %dma_wait3A_2591 = tpu.memref_slice %arg7[%dma_wait3A_2587, %dma_wait3A_2588, %dma_wait3A_2589, %dma_wait3A_2590] : memref<2x2x8x128xf32, #tpu.memory_space<vmem>> -> memref<1x2x8x128xf32, #tpu.memory_space<vmem>>
        %dma_wait3A_2592 = tpu.memref_squeeze %dma_wait3A_2591 : memref<1x2x8x128xf32, #tpu.memory_space<vmem>> -> memref<2x8x128xf32, #tpu.memory_space<vmem>>
        %dma_wait3A_2593 = arith.constant 0 : i32
        %dma_wait3A_2594 = arith.constant 0 : i32
        %dma_wait3A_2595 = arith.constant 0 : i32
        %dma_wait3A_2596 = tpu.memref_slice %arg4[%dma_wait3A_2585, %dma_wait3A_2593, %dma_wait3A_2586, %dma_wait3A_2594, %dma_wait3A_2595] : memref<19x2x128x8x128xf32, #tpu.memory_space<hbm>> -> memref<1x2x1x8x128xf32, #tpu.memory_space<hbm>>
        %dma_wait3A_2597 = tpu.memref_squeeze %dma_wait3A_2596 : memref<1x2x1x8x128xf32, #tpu.memory_space<hbm>> -> memref<2x8x128xf32, #tpu.memory_space<hbm>>
        %dma_wait3A_2598 = arith.constant 0 : i32
        %dma_wait3A_2599 = arith.constant 0 : i32
        %dma_wait3A_2600 = arith.constant 0 : i32
        %dma_wait3A_2601 = tpu.memref_slice %arg7[%dma_wait3A_2587, %dma_wait3A_2598, %dma_wait3A_2599, %dma_wait3A_2600] : memref<2x2x8x128xf32, #tpu.memory_space<vmem>> -> memref<1x2x8x128xf32, #tpu.memory_space<vmem>>
        %dma_wait3A_2602 = tpu.memref_squeeze %dma_wait3A_2601 : memref<1x2x8x128xf32, #tpu.memory_space<vmem>> -> memref<2x8x128xf32, #tpu.memory_space<vmem>>
        %dma_wait3A_2603 = arith.constant 0 : i32
        %dma_wait3A_2604 = arith.constant 0 : i32
        %dma_wait3A_2605 = arith.constant 0 : i32
        %dma_wait3A_2606 = tpu.memref_slice %arg4[%dma_wait3A_2585, %dma_wait3A_2603, %dma_wait3A_2586, %dma_wait3A_2604, %dma_wait3A_2605] : memref<19x2x128x8x128xf32, #tpu.memory_space<hbm>> -> memref<1x2x1x8x128xf32, #tpu.memory_space<hbm>>
        %dma_wait3A_2607 = tpu.memref_squeeze %dma_wait3A_2606 : memref<1x2x1x8x128xf32, #tpu.memory_space<hbm>> -> memref<2x8x128xf32, #tpu.memory_space<hbm>>
        tpu.wait_dma2 semaphore(%arg9 : memref<!tpu.dma_semaphore, #tpu.memory_space<semaphore_mem>>) src(%dma_wait3A_2607 : memref<2x8x128xf32, #tpu.memory_space<hbm>>) dst(%dma_wait3A_2602 : memref<2x8x128xf32, #tpu.memory_space<vmem>>)
      } else {
      }
      %mul3A_1335 = arith.constant 2 : i32
      %mul3A_1336 = arith.muli %mul3A_1335, %scan3A_83 : i32
      %add3A_1337 = arith.constant 1 : i32
      %add3A_1338 = arith.addi %mul3A_1336, %add3A_1337 : i32
      %mul3A_1339 = arith.constant 76 : i32
      %mul3A_1340 = arith.muli %add3A, %mul3A_1339 : i32
      %add3A_1341 = arith.addi %mul3A_1340, %add3A_1338 : i32
      %div3A_1342 = arith.constant 128 : i32
      %div3A_1343 = arith.divsi %add3A_1341, %div3A_1342 : i32
      %rem3A_1344 = arith.constant 128 : i32
      %rem3A_1345 = arith.remsi %add3A_1341, %rem3A_1344 : i32
      %mul3A_1346 = arith.constant 64 : i32
      %mul3A_1347 = arith.muli %div3A_1343, %mul3A_1346 : i32
      %mul3A_1348 = arith.constant 128 : i32
      %mul3A_1349 = arith.muli %add3A_1338, %mul3A_1348 : i32
      %add3A_1350 = arith.constant 0 : i32
      %add3A_1351 = arith.addi %mul3A_1349, %add3A_1350 : i32
      %get3A_1352 = arith.index_cast %add3A_1351 : i32 to index
      %get3A_1353 = tpu.vector_load %arg5[%get3A_1352] {strides = array<i32>} : memref<9728xi32, #tpu.memory_space<vmem>>, vector<16xi32>,
      %add3A_1354 = vector.broadcast %mul3A_1347 : i32 to vector<16xi32>
      %add3A_1355 = arith.addi %get3A_1353, %add3A_1354 : vector<16xi32>
      %gather3A_1356 = tpu.vector_load_idx %arg6[%broadcast_in_dim3A_3, %add3A_1355] : memref<16x1216xf32, #tpu.memory_space<vmem>>[vector<16xi32>, vector<16xi32>], vector<16xf32>,
      %swap3A_1357 = arith.constant 1 : i32
      %swap3A_1358 = arith.constant 0 : i32
      %swap3A_1359 = arith.constant 0 : i32
      %swap3A_1360 = arith.index_cast %swap3A_1357 : i32 to index
      %swap3A_1361 = arith.index_cast %swap3A_1358 : i32 to index
      %swap3A_1362 = arith.index_cast %swap3A_1359 : i32 to index
      %swap3A_1363 = arith.constant 0 : index
      %swap3A_1364 = tpu.vector_load %arg7[%swap3A_1360, %swap3A_1361, %swap3A_1362, %swap3A_1363] {strides = array<i32>} : memref<2x2x8x128xf32, #tpu.memory_space<vmem>>, vector<16xf32>,
      tpu.vector_store %arg7[%swap3A_1360, %swap3A_1361, %swap3A_1362, %swap3A_1363], %gather3A_1356 {strides = array<i32>} : memref<2x2x8x128xf32, #tpu.memory_space<vmem>>, vector<16xf32>,
      %gather3A_1365 = tpu.vector_load_idx %arg6[%broadcast_in_dim3A_5, %add3A_1355] : memref<16x1216xf32, #tpu.memory_space<vmem>>[vector<16xi32>, vector<16xi32>], vector<16xf32>,
      %swap3A_1366 = arith.constant 1 : i32
      %swap3A_1367 = arith.constant 0 : i32
      %swap3A_1368 = arith.constant 1 : i32
      %swap3A_1369 = arith.index_cast %swap3A_1366 : i32 to index
      %swap3A_1370 = arith.index_cast %swap3A_1367 : i32 to index
      %swap3A_1371 = arith.index_cast %swap3A_1368 : i32 to index
      %swap3A_1372 = arith.constant 0 : index
      %swap3A_1373 = tpu.vector_load %arg7[%swap3A_1369, %swap3A_1370, %swap3A_1371, %swap3A_1372] {strides = array<i32>} : memref<2x2x8x128xf32, #tpu.memory_space<vmem>>, vector<16xf32>,
      tpu.vector_store %arg7[%swap3A_1369, %swap3A_1370, %swap3A_1371, %swap3A_1372], %gather3A_1365 {strides = array<i32>} : memref<2x2x8x128xf32, #tpu.memory_space<vmem>>, vector<16xf32>,
      %gather3A_1374 = tpu.vector_load_idx %arg6[%broadcast_in_dim3A_7, %add3A_1355] : memref<16x1216xf32, #tpu.memory_space<vmem>>[vector<16xi32>, vector<16xi32>], vector<16xf32>,
      %swap3A_1375 = arith.constant 1 : i32
      %swap3A_1376 = arith.constant 0 : i32
      %swap3A_1377 = arith.constant 2 : i32
      %swap3A_1378 = arith.index_cast %swap3A_1375 : i32 to index
      %swap3A_1379 = arith.index_cast %swap3A_1376 : i32 to index
      %swap3A_1380 = arith.index_cast %swap3A_1377 : i32 to index
      %swap3A_1381 = arith.constant 0 : index
      %swap3A_1382 = tpu.vector_load %arg7[%swap3A_1378, %swap3A_1379, %swap3A_1380, %swap3A_1381] {strides = array<i32>} : memref<2x2x8x128xf32, #tpu.memory_space<vmem>>, vector<16xf32>,
      tpu.vector_store %arg7[%swap3A_1378, %swap3A_1379, %swap3A_1380, %swap3A_1381], %gather3A_1374 {strides = array<i32>} : memref<2x2x8x128xf32, #tpu.memory_space<vmem>>, vector<16xf32>,
      %gather3A_1383 = tpu.vector_load_idx %arg6[%broadcast_in_dim3A_9, %add3A_1355] : memref<16x1216xf32, #tpu.memory_space<vmem>>[vector<16xi32>, vector<16xi32>], vector<16xf32>,
      %swap3A_1384 = arith.constant 1 : i32
      %swap3A_1385 = arith.constant 0 : i32
      %swap3A_1386 = arith.constant 3 : i32
      %swap3A_1387 = arith.index_cast %swap3A_1384 : i32 to index
      %swap3A_1388 = arith.index_cast %swap3A_1385 : i32 to index
      %swap3A_1389 = arith.index_cast %swap3A_1386 : i32 to index
      %swap3A_1390 = arith.constant 0 : index
      %swap3A_1391 = tpu.vector_load %arg7[%swap3A_1387, %swap3A_1388, %swap3A_1389, %swap3A_1390] {strides = array<i32>} : memref<2x2x8x128xf32, #tpu.memory_space<vmem>>, vector<16xf32>,
      tpu.vector_store %arg7[%swap3A_1387, %swap3A_1388, %swap3A_1389, %swap3A_1390], %gather3A_1383 {strides = array<i32>} : memref<2x2x8x128xf32, #tpu.memory_space<vmem>>, vector<16xf32>,
      %gather3A_1392 = tpu.vector_load_idx %arg6[%broadcast_in_dim3A_11, %add3A_1355] : memref<16x1216xf32, #tpu.memory_space<vmem>>[vector<16xi32>, vector<16xi32>], vector<16xf32>,
      %swap3A_1393 = arith.constant 1 : i32
      %swap3A_1394 = arith.constant 0 : i32
      %swap3A_1395 = arith.constant 4 : i32
      %swap3A_1396 = arith.index_cast %swap3A_1393 : i32 to index
      %swap3A_1397 = arith.index_cast %swap3A_1394 : i32 to index
      %swap3A_1398 = arith.index_cast %swap3A_1395 : i32 to index
      %swap3A_1399 = arith.constant 0 : index
      %swap3A_1400 = tpu.vector_load %arg7[%swap3A_1396, %swap3A_1397, %swap3A_1398, %swap3A_1399] {strides = array<i32>} : memref<2x2x8x128xf32, #tpu.memory_space<vmem>>, vector<16xf32>,
      tpu.vector_store %arg7[%swap3A_1396, %swap3A_1397, %swap3A_1398, %swap3A_1399], %gather3A_1392 {strides = array<i32>} : memref<2x2x8x128xf32, #tpu.memory_space<vmem>>, vector<16xf32>,
      %gather3A_1401 = tpu.vector_load_idx %arg6[%broadcast_in_dim3A_13, %add3A_1355] : memref<16x1216xf32, #tpu.memory_space<vmem>>[vector<16xi32>, vector<16xi32>], vector<16xf32>,
      %swap3A_1402 = arith.constant 1 : i32
      %swap3A_1403 = arith.constant 0 : i32
      %swap3A_1404 = arith.constant 5 : i32
      %swap3A_1405 = arith.index_cast %swap3A_1402 : i32 to index
      %swap3A_1406 = arith.index_cast %swap3A_1403 : i32 to index
      %swap3A_1407 = arith.index_cast %swap3A_1404 : i32 to index
      %swap3A_1408 = arith.constant 0 : index
      %swap3A_1409 = tpu.vector_load %arg7[%swap3A_1405, %swap3A_1406, %swap3A_1407, %swap3A_1408] {strides = array<i32>} : memref<2x2x8x128xf32, #tpu.memory_space<vmem>>, vector<16xf32>,
      tpu.vector_store %arg7[%swap3A_1405, %swap3A_1406, %swap3A_1407, %swap3A_1408], %gather3A_1401 {strides = array<i32>} : memref<2x2x8x128xf32, #tpu.memory_space<vmem>>, vector<16xf32>,
      %gather3A_1410 = tpu.vector_load_idx %arg6[%broadcast_in_dim3A_15, %add3A_1355] : memref<16x1216xf32, #tpu.memory_space<vmem>>[vector<16xi32>, vector<16xi32>], vector<16xf32>,
      %swap3A_1411 = arith.constant 1 : i32
      %swap3A_1412 = arith.constant 0 : i32
      %swap3A_1413 = arith.constant 6 : i32
      %swap3A_1414 = arith.index_cast %swap3A_1411 : i32 to index
      %swap3A_1415 = arith.index_cast %swap3A_1412 : i32 to index
      %swap3A_1416 = arith.index_cast %swap3A_1413 : i32 to index
      %swap3A_1417 = arith.constant 0 : index
      %swap3A_1418 = tpu.vector_load %arg7[%swap3A_1414, %swap3A_1415, %swap3A_1416, %swap3A_1417] {strides = array<i32>} : memref<2x2x8x128xf32, #tpu.memory_space<vmem>>, vector<16xf32>,
      tpu.vector_store %arg7[%swap3A_1414, %swap3A_1415, %swap3A_1416, %swap3A_1417], %gather3A_1410 {strides = array<i32>} : memref<2x2x8x128xf32, #tpu.memory_space<vmem>>, vector<16xf32>,
      %gather3A_1419 = tpu.vector_load_idx %arg6[%broadcast_in_dim3A_17, %add3A_1355] : memref<16x1216xf32, #tpu.memory_space<vmem>>[vector<16xi32>, vector<16xi32>], vector<16xf32>,
      %swap3A_1420 = arith.constant 1 : i32
      %swap3A_1421 = arith.constant 0 : i32
      %swap3A_1422 = arith.constant 7 : i32
      %swap3A_1423 = arith.index_cast %swap3A_1420 : i32 to index
      %swap3A_1424 = arith.index_cast %swap3A_1421 : i32 to index
      %swap3A_1425 = arith.index_cast %swap3A_1422 : i32 to index
      %swap3A_1426 = arith.constant 0 : index
      %swap3A_1427 = tpu.vector_load %arg7[%swap3A_1423, %swap3A_1424, %swap3A_1425, %swap3A_1426] {strides = array<i32>} : memref<2x2x8x128xf32, #tpu.memory_space<vmem>>, vector<16xf32>,
      tpu.vector_store %arg7[%swap3A_1423, %swap3A_1424, %swap3A_1425, %swap3A_1426], %gather3A_1419 {strides = array<i32>} : memref<2x2x8x128xf32, #tpu.memory_space<vmem>>, vector<16xf32>,
      %gather3A_1428 = tpu.vector_load_idx %arg6[%broadcast_in_dim3A_19, %add3A_1355] : memref<16x1216xf32, #tpu.memory_space<vmem>>[vector<16xi32>, vector<16xi32>], vector<16xf32>,
      %swap3A_1429 = arith.constant 1 : i32
      %swap3A_1430 = arith.constant 1 : i32
      %swap3A_1431 = arith.constant 0 : i32
      %swap3A_1432 = arith.index_cast %swap3A_1429 : i32 to index
      %swap3A_1433 = arith.index_cast %swap3A_1430 : i32 to index
      %swap3A_1434 = arith.index_cast %swap3A_1431 : i32 to index
      %swap3A_1435 = arith.constant 0 : index
      %swap3A_1436 = tpu.vector_load %arg7[%swap3A_1432, %swap3A_1433, %swap3A_1434, %swap3A_1435] {strides = array<i32>} : memref<2x2x8x128xf32, #tpu.memory_space<vmem>>, vector<16xf32>,
      tpu.vector_store %arg7[%swap3A_1432, %swap3A_1433, %swap3A_1434, %swap3A_1435], %gather3A_1428 {strides = array<i32>} : memref<2x2x8x128xf32, #tpu.memory_space<vmem>>, vector<16xf32>,
      %gather3A_1437 = tpu.vector_load_idx %arg6[%broadcast_in_dim3A_21, %add3A_1355] : memref<16x1216xf32, #tpu.memory_space<vmem>>[vector<16xi32>, vector<16xi32>], vector<16xf32>,
      %swap3A_1438 = arith.constant 1 : i32
      %swap3A_1439 = arith.constant 1 : i32
      %swap3A_1440 = arith.constant 1 : i32
      %swap3A_1441 = arith.index_cast %swap3A_1438 : i32 to index
      %swap3A_1442 = arith.index_cast %swap3A_1439 : i32 to index
      %swap3A_1443 = arith.index_cast %swap3A_1440 : i32 to index
      %swap3A_1444 = arith.constant 0 : index
      %swap3A_1445 = tpu.vector_load %arg7[%swap3A_1441, %swap3A_1442, %swap3A_1443, %swap3A_1444] {strides = array<i32>} : memref<2x2x8x128xf32, #tpu.memory_space<vmem>>, vector<16xf32>,
      tpu.vector_store %arg7[%swap3A_1441, %swap3A_1442, %swap3A_1443, %swap3A_1444], %gather3A_1437 {strides = array<i32>} : memref<2x2x8x128xf32, #tpu.memory_space<vmem>>, vector<16xf32>,
      %gather3A_1446 = tpu.vector_load_idx %arg6[%broadcast_in_dim3A_23, %add3A_1355] : memref<16x1216xf32, #tpu.memory_space<vmem>>[vector<16xi32>, vector<16xi32>], vector<16xf32>,
      %swap3A_1447 = arith.constant 1 : i32
      %swap3A_1448 = arith.constant 1 : i32
      %swap3A_1449 = arith.constant 2 : i32
      %swap3A_1450 = arith.index_cast %swap3A_1447 : i32 to index
      %swap3A_1451 = arith.index_cast %swap3A_1448 : i32 to index
      %swap3A_1452 = arith.index_cast %swap3A_1449 : i32 to index
      %swap3A_1453 = arith.constant 0 : index
      %swap3A_1454 = tpu.vector_load %arg7[%swap3A_1450, %swap3A_1451, %swap3A_1452, %swap3A_1453] {strides = array<i32>} : memref<2x2x8x128xf32, #tpu.memory_space<vmem>>, vector<16xf32>,
      tpu.vector_store %arg7[%swap3A_1450, %swap3A_1451, %swap3A_1452, %swap3A_1453], %gather3A_1446 {strides = array<i32>} : memref<2x2x8x128xf32, #tpu.memory_space<vmem>>, vector<16xf32>,
      %gather3A_1455 = tpu.vector_load_idx %arg6[%broadcast_in_dim3A_25, %add3A_1355] : memref<16x1216xf32, #tpu.memory_space<vmem>>[vector<16xi32>, vector<16xi32>], vector<16xf32>,
      %swap3A_1456 = arith.constant 1 : i32
      %swap3A_1457 = arith.constant 1 : i32
      %swap3A_1458 = arith.constant 3 : i32
      %swap3A_1459 = arith.index_cast %swap3A_1456 : i32 to index
      %swap3A_1460 = arith.index_cast %swap3A_1457 : i32 to index
      %swap3A_1461 = arith.index_cast %swap3A_1458 : i32 to index
      %swap3A_1462 = arith.constant 0 : index
      %swap3A_1463 = tpu.vector_load %arg7[%swap3A_1459, %swap3A_1460, %swap3A_1461, %swap3A_1462] {strides = array<i32>} : memref<2x2x8x128xf32, #tpu.memory_space<vmem>>, vector<16xf32>,
      tpu.vector_store %arg7[%swap3A_1459, %swap3A_1460, %swap3A_1461, %swap3A_1462], %gather3A_1455 {strides = array<i32>} : memref<2x2x8x128xf32, #tpu.memory_space<vmem>>, vector<16xf32>,
      %gather3A_1464 = tpu.vector_load_idx %arg6[%broadcast_in_dim3A_27, %add3A_1355] : memref<16x1216xf32, #tpu.memory_space<vmem>>[vector<16xi32>, vector<16xi32>], vector<16xf32>,
      %swap3A_1465 = arith.constant 1 : i32
      %swap3A_1466 = arith.constant 1 : i32
      %swap3A_1467 = arith.constant 4 : i32
      %swap3A_1468 = arith.index_cast %swap3A_1465 : i32 to index
      %swap3A_1469 = arith.index_cast %swap3A_1466 : i32 to index
      %swap3A_1470 = arith.index_cast %swap3A_1467 : i32 to index
      %swap3A_1471 = arith.constant 0 : index
      %swap3A_1472 = tpu.vector_load %arg7[%swap3A_1468, %swap3A_1469, %swap3A_1470, %swap3A_1471] {strides = array<i32>} : memref<2x2x8x128xf32, #tpu.memory_space<vmem>>, vector<16xf32>,
      tpu.vector_store %arg7[%swap3A_1468, %swap3A_1469, %swap3A_1470, %swap3A_1471], %gather3A_1464 {strides = array<i32>} : memref<2x2x8x128xf32, #tpu.memory_space<vmem>>, vector<16xf32>,
      %gather3A_1473 = tpu.vector_load_idx %arg6[%broadcast_in_dim3A_29, %add3A_1355] : memref<16x1216xf32, #tpu.memory_space<vmem>>[vector<16xi32>, vector<16xi32>], vector<16xf32>,
      %swap3A_1474 = arith.constant 1 : i32
      %swap3A_1475 = arith.constant 1 : i32
      %swap3A_1476 = arith.constant 5 : i32
      %swap3A_1477 = arith.index_cast %swap3A_1474 : i32 to index
      %swap3A_1478 = arith.index_cast %swap3A_1475 : i32 to index
      %swap3A_1479 = arith.index_cast %swap3A_1476 : i32 to index
      %swap3A_1480 = arith.constant 0 : index
      %swap3A_1481 = tpu.vector_load %arg7[%swap3A_1477, %swap3A_1478, %swap3A_1479, %swap3A_1480] {strides = array<i32>} : memref<2x2x8x128xf32, #tpu.memory_space<vmem>>, vector<16xf32>,
      tpu.vector_store %arg7[%swap3A_1477, %swap3A_1478, %swap3A_1479, %swap3A_1480], %gather3A_1473 {strides = array<i32>} : memref<2x2x8x128xf32, #tpu.memory_space<vmem>>, vector<16xf32>,
      %gather3A_1482 = tpu.vector_load_idx %arg6[%broadcast_in_dim3A_31, %add3A_1355] : memref<16x1216xf32, #tpu.memory_space<vmem>>[vector<16xi32>, vector<16xi32>], vector<16xf32>,
      %swap3A_1483 = arith.constant 1 : i32
      %swap3A_1484 = arith.constant 1 : i32
      %swap3A_1485 = arith.constant 6 : i32
      %swap3A_1486 = arith.index_cast %swap3A_1483 : i32 to index
      %swap3A_1487 = arith.index_cast %swap3A_1484 : i32 to index
      %swap3A_1488 = arith.index_cast %swap3A_1485 : i32 to index
      %swap3A_1489 = arith.constant 0 : index
      %swap3A_1490 = tpu.vector_load %arg7[%swap3A_1486, %swap3A_1487, %swap3A_1488, %swap3A_1489] {strides = array<i32>} : memref<2x2x8x128xf32, #tpu.memory_space<vmem>>, vector<16xf32>,
      tpu.vector_store %arg7[%swap3A_1486, %swap3A_1487, %swap3A_1488, %swap3A_1489], %gather3A_1482 {strides = array<i32>} : memref<2x2x8x128xf32, #tpu.memory_space<vmem>>, vector<16xf32>,
      %gather3A_1491 = tpu.vector_load_idx %arg6[%broadcast_in_dim3A_33, %add3A_1355] : memref<16x1216xf32, #tpu.memory_space<vmem>>[vector<16xi32>, vector<16xi32>], vector<16xf32>,
      %swap3A_1492 = arith.constant 1 : i32
      %swap3A_1493 = arith.constant 1 : i32
      %swap3A_1494 = arith.constant 7 : i32
      %swap3A_1495 = arith.index_cast %swap3A_1492 : i32 to index
      %swap3A_1496 = arith.index_cast %swap3A_1493 : i32 to index
      %swap3A_1497 = arith.index_cast %swap3A_1494 : i32 to index
      %swap3A_1498 = arith.constant 0 : index
      %swap3A_1499 = tpu.vector_load %arg7[%swap3A_1495, %swap3A_1496, %swap3A_1497, %swap3A_1498] {strides = array<i32>} : memref<2x2x8x128xf32, #tpu.memory_space<vmem>>, vector<16xf32>,
      tpu.vector_store %arg7[%swap3A_1495, %swap3A_1496, %swap3A_1497, %swap3A_1498], %gather3A_1491 {strides = array<i32>} : memref<2x2x8x128xf32, #tpu.memory_space<vmem>>, vector<16xf32>,
      %mul3A_1500 = arith.constant 128 : i32
      %mul3A_1501 = arith.muli %add3A_1338, %mul3A_1500 : i32
      %add3A_1502 = arith.constant 16 : i32
      %add3A_1503 = arith.addi %mul3A_1501, %add3A_1502 : i32
      %get3A_1504 = arith.index_cast %add3A_1503 : i32 to index
      %get3A_1505 = tpu.vector_load %arg5[%get3A_1504] {strides = array<i32>} : memref<9728xi32, #tpu.memory_space<vmem>>, vector<16xi32>,
      %add3A_1506 = vector.broadcast %mul3A_1347 : i32 to vector<16xi32>
      %add3A_1507 = arith.addi %get3A_1505, %add3A_1506 : vector<16xi32>
      %gather3A_1508 = tpu.vector_load_idx %arg6[%broadcast_in_dim3A_3, %add3A_1507] : memref<16x1216xf32, #tpu.memory_space<vmem>>[vector<16xi32>, vector<16xi32>], vector<16xf32>,
      %swap3A_1509 = arith.constant 1 : i32
      %swap3A_1510 = arith.constant 0 : i32
      %swap3A_1511 = arith.constant 0 : i32
      %swap3A_1512 = arith.index_cast %swap3A_1509 : i32 to index
      %swap3A_1513 = arith.index_cast %swap3A_1510 : i32 to index
      %swap3A_1514 = arith.index_cast %swap3A_1511 : i32 to index
      %swap3A_1515 = arith.constant 16 : index
      %swap3A_1516 = tpu.vector_load %arg7[%swap3A_1512, %swap3A_1513, %swap3A_1514, %swap3A_1515] {strides = array<i32>} : memref<2x2x8x128xf32, #tpu.memory_space<vmem>>, vector<16xf32>,
      tpu.vector_store %arg7[%swap3A_1512, %swap3A_1513, %swap3A_1514, %swap3A_1515], %gather3A_1508 {strides = array<i32>} : memref<2x2x8x128xf32, #tpu.memory_space<vmem>>, vector<16xf32>,
      %gather3A_1517 = tpu.vector_load_idx %arg6[%broadcast_in_dim3A_5, %add3A_1507] : memref<16x1216xf32, #tpu.memory_space<vmem>>[vector<16xi32>, vector<16xi32>], vector<16xf32>,
      %swap3A_1518 = arith.constant 1 : i32
      %swap3A_1519 = arith.constant 0 : i32
      %swap3A_1520 = arith.constant 1 : i32
      %swap3A_1521 = arith.index_cast %swap3A_1518 : i32 to index
      %swap3A_1522 = arith.index_cast %swap3A_1519 : i32 to index
      %swap3A_1523 = arith.index_cast %swap3A_1520 : i32 to index
      %swap3A_1524 = arith.constant 16 : index
      %swap3A_1525 = tpu.vector_load %arg7[%swap3A_1521, %swap3A_1522, %swap3A_1523, %swap3A_1524] {strides = array<i32>} : memref<2x2x8x128xf32, #tpu.memory_space<vmem>>, vector<16xf32>,
      tpu.vector_store %arg7[%swap3A_1521, %swap3A_1522, %swap3A_1523, %swap3A_1524], %gather3A_1517 {strides = array<i32>} : memref<2x2x8x128xf32, #tpu.memory_space<vmem>>, vector<16xf32>,
      %gather3A_1526 = tpu.vector_load_idx %arg6[%broadcast_in_dim3A_7, %add3A_1507] : memref<16x1216xf32, #tpu.memory_space<vmem>>[vector<16xi32>, vector<16xi32>], vector<16xf32>,
      %swap3A_1527 = arith.constant 1 : i32
      %swap3A_1528 = arith.constant 0 : i32
      %swap3A_1529 = arith.constant 2 : i32
      %swap3A_1530 = arith.index_cast %swap3A_1527 : i32 to index
      %swap3A_1531 = arith.index_cast %swap3A_1528 : i32 to index
      %swap3A_1532 = arith.index_cast %swap3A_1529 : i32 to index
      %swap3A_1533 = arith.constant 16 : index
      %swap3A_1534 = tpu.vector_load %arg7[%swap3A_1530, %swap3A_1531, %swap3A_1532, %swap3A_1533] {strides = array<i32>} : memref<2x2x8x128xf32, #tpu.memory_space<vmem>>, vector<16xf32>,
      tpu.vector_store %arg7[%swap3A_1530, %swap3A_1531, %swap3A_1532, %swap3A_1533], %gather3A_1526 {strides = array<i32>} : memref<2x2x8x128xf32, #tpu.memory_space<vmem>>, vector<16xf32>,
      %gather3A_1535 = tpu.vector_load_idx %arg6[%broadcast_in_dim3A_9, %add3A_1507] : memref<16x1216xf32, #tpu.memory_space<vmem>>[vector<16xi32>, vector<16xi32>], vector<16xf32>,
      %swap3A_1536 = arith.constant 1 : i32
      %swap3A_1537 = arith.constant 0 : i32
      %swap3A_1538 = arith.constant 3 : i32
      %swap3A_1539 = arith.index_cast %swap3A_1536 : i32 to index
      %swap3A_1540 = arith.index_cast %swap3A_1537 : i32 to index
      %swap3A_1541 = arith.index_cast %swap3A_1538 : i32 to index
      %swap3A_1542 = arith.constant 16 : index
      %swap3A_1543 = tpu.vector_load %arg7[%swap3A_1539, %swap3A_1540, %swap3A_1541, %swap3A_1542] {strides = array<i32>} : memref<2x2x8x128xf32, #tpu.memory_space<vmem>>, vector<16xf32>,
      tpu.vector_store %arg7[%swap3A_1539, %swap3A_1540, %swap3A_1541, %swap3A_1542], %gather3A_1535 {strides = array<i32>} : memref<2x2x8x128xf32, #tpu.memory_space<vmem>>, vector<16xf32>,
      %gather3A_1544 = tpu.vector_load_idx %arg6[%broadcast_in_dim3A_11, %add3A_1507] : memref<16x1216xf32, #tpu.memory_space<vmem>>[vector<16xi32>, vector<16xi32>], vector<16xf32>,
      %swap3A_1545 = arith.constant 1 : i32
      %swap3A_1546 = arith.constant 0 : i32
      %swap3A_1547 = arith.constant 4 : i32
      %swap3A_1548 = arith.index_cast %swap3A_1545 : i32 to index
      %swap3A_1549 = arith.index_cast %swap3A_1546 : i32 to index
      %swap3A_1550 = arith.index_cast %swap3A_1547 : i32 to index
      %swap3A_1551 = arith.constant 16 : index
      %swap3A_1552 = tpu.vector_load %arg7[%swap3A_1548, %swap3A_1549, %swap3A_1550, %swap3A_1551] {strides = array<i32>} : memref<2x2x8x128xf32, #tpu.memory_space<vmem>>, vector<16xf32>,
      tpu.vector_store %arg7[%swap3A_1548, %swap3A_1549, %swap3A_1550, %swap3A_1551], %gather3A_1544 {strides = array<i32>} : memref<2x2x8x128xf32, #tpu.memory_space<vmem>>, vector<16xf32>,
      %gather3A_1553 = tpu.vector_load_idx %arg6[%broadcast_in_dim3A_13, %add3A_1507] : memref<16x1216xf32, #tpu.memory_space<vmem>>[vector<16xi32>, vector<16xi32>], vector<16xf32>,
      %swap3A_1554 = arith.constant 1 : i32
      %swap3A_1555 = arith.constant 0 : i32
      %swap3A_1556 = arith.constant 5 : i32
      %swap3A_1557 = arith.index_cast %swap3A_1554 : i32 to index
      %swap3A_1558 = arith.index_cast %swap3A_1555 : i32 to index
      %swap3A_1559 = arith.index_cast %swap3A_1556 : i32 to index
      %swap3A_1560 = arith.constant 16 : index
      %swap3A_1561 = tpu.vector_load %arg7[%swap3A_1557, %swap3A_1558, %swap3A_1559, %swap3A_1560] {strides = array<i32>} : memref<2x2x8x128xf32, #tpu.memory_space<vmem>>, vector<16xf32>,
      tpu.vector_store %arg7[%swap3A_1557, %swap3A_1558, %swap3A_1559, %swap3A_1560], %gather3A_1553 {strides = array<i32>} : memref<2x2x8x128xf32, #tpu.memory_space<vmem>>, vector<16xf32>,
      %gather3A_1562 = tpu.vector_load_idx %arg6[%broadcast_in_dim3A_15, %add3A_1507] : memref<16x1216xf32, #tpu.memory_space<vmem>>[vector<16xi32>, vector<16xi32>], vector<16xf32>,
      %swap3A_1563 = arith.constant 1 : i32
      %swap3A_1564 = arith.constant 0 : i32
      %swap3A_1565 = arith.constant 6 : i32
      %swap3A_1566 = arith.index_cast %swap3A_1563 : i32 to index
      %swap3A_1567 = arith.index_cast %swap3A_1564 : i32 to index
      %swap3A_1568 = arith.index_cast %swap3A_1565 : i32 to index
      %swap3A_1569 = arith.constant 16 : index
      %swap3A_1570 = tpu.vector_load %arg7[%swap3A_1566, %swap3A_1567, %swap3A_1568, %swap3A_1569] {strides = array<i32>} : memref<2x2x8x128xf32, #tpu.memory_space<vmem>>, vector<16xf32>,
      tpu.vector_store %arg7[%swap3A_1566, %swap3A_1567, %swap3A_1568, %swap3A_1569], %gather3A_1562 {strides = array<i32>} : memref<2x2x8x128xf32, #tpu.memory_space<vmem>>, vector<16xf32>,
      %gather3A_1571 = tpu.vector_load_idx %arg6[%broadcast_in_dim3A_17, %add3A_1507] : memref<16x1216xf32, #tpu.memory_space<vmem>>[vector<16xi32>, vector<16xi32>], vector<16xf32>,
      %swap3A_1572 = arith.constant 1 : i32
      %swap3A_1573 = arith.constant 0 : i32
      %swap3A_1574 = arith.constant 7 : i32
      %swap3A_1575 = arith.index_cast %swap3A_1572 : i32 to index
      %swap3A_1576 = arith.index_cast %swap3A_1573 : i32 to index
      %swap3A_1577 = arith.index_cast %swap3A_1574 : i32 to index
      %swap3A_1578 = arith.constant 16 : index
      %swap3A_1579 = tpu.vector_load %arg7[%swap3A_1575, %swap3A_1576, %swap3A_1577, %swap3A_1578] {strides = array<i32>} : memref<2x2x8x128xf32, #tpu.memory_space<vmem>>, vector<16xf32>,
      tpu.vector_store %arg7[%swap3A_1575, %swap3A_1576, %swap3A_1577, %swap3A_1578], %gather3A_1571 {strides = array<i32>} : memref<2x2x8x128xf32, #tpu.memory_space<vmem>>, vector<16xf32>,
      %gather3A_1580 = tpu.vector_load_idx %arg6[%broadcast_in_dim3A_19, %add3A_1507] : memref<16x1216xf32, #tpu.memory_space<vmem>>[vector<16xi32>, vector<16xi32>], vector<16xf32>,
      %swap3A_1581 = arith.constant 1 : i32
      %swap3A_1582 = arith.constant 1 : i32
      %swap3A_1583 = arith.constant 0 : i32
      %swap3A_1584 = arith.index_cast %swap3A_1581 : i32 to index
      %swap3A_1585 = arith.index_cast %swap3A_1582 : i32 to index
      %swap3A_1586 = arith.index_cast %swap3A_1583 : i32 to index
      %swap3A_1587 = arith.constant 16 : index
      %swap3A_1588 = tpu.vector_load %arg7[%swap3A_1584, %swap3A_1585, %swap3A_1586, %swap3A_1587] {strides = array<i32>} : memref<2x2x8x128xf32, #tpu.memory_space<vmem>>, vector<16xf32>,
      tpu.vector_store %arg7[%swap3A_1584, %swap3A_1585, %swap3A_1586, %swap3A_1587], %gather3A_1580 {strides = array<i32>} : memref<2x2x8x128xf32, #tpu.memory_space<vmem>>, vector<16xf32>,
      %gather3A_1589 = tpu.vector_load_idx %arg6[%broadcast_in_dim3A_21, %add3A_1507] : memref<16x1216xf32, #tpu.memory_space<vmem>>[vector<16xi32>, vector<16xi32>], vector<16xf32>,
      %swap3A_1590 = arith.constant 1 : i32
      %swap3A_1591 = arith.constant 1 : i32
      %swap3A_1592 = arith.constant 1 : i32
      %swap3A_1593 = arith.index_cast %swap3A_1590 : i32 to index
      %swap3A_1594 = arith.index_cast %swap3A_1591 : i32 to index
      %swap3A_1595 = arith.index_cast %swap3A_1592 : i32 to index
      %swap3A_1596 = arith.constant 16 : index
      %swap3A_1597 = tpu.vector_load %arg7[%swap3A_1593, %swap3A_1594, %swap3A_1595, %swap3A_1596] {strides = array<i32>} : memref<2x2x8x128xf32, #tpu.memory_space<vmem>>, vector<16xf32>,
      tpu.vector_store %arg7[%swap3A_1593, %swap3A_1594, %swap3A_1595, %swap3A_1596], %gather3A_1589 {strides = array<i32>} : memref<2x2x8x128xf32, #tpu.memory_space<vmem>>, vector<16xf32>,
      %gather3A_1598 = tpu.vector_load_idx %arg6[%broadcast_in_dim3A_23, %add3A_1507] : memref<16x1216xf32, #tpu.memory_space<vmem>>[vector<16xi32>, vector<16xi32>], vector<16xf32>,
      %swap3A_1599 = arith.constant 1 : i32
      %swap3A_1600 = arith.constant 1 : i32
      %swap3A_1601 = arith.constant 2 : i32
      %swap3A_1602 = arith.index_cast %swap3A_1599 : i32 to index
      %swap3A_1603 = arith.index_cast %swap3A_1600 : i32 to index
      %swap3A_1604 = arith.index_cast %swap3A_1601 : i32 to index
      %swap3A_1605 = arith.constant 16 : index
      %swap3A_1606 = tpu.vector_load %arg7[%swap3A_1602, %swap3A_1603, %swap3A_1604, %swap3A_1605] {strides = array<i32>} : memref<2x2x8x128xf32, #tpu.memory_space<vmem>>, vector<16xf32>,
      tpu.vector_store %arg7[%swap3A_1602, %swap3A_1603, %swap3A_1604, %swap3A_1605], %gather3A_1598 {strides = array<i32>} : memref<2x2x8x128xf32, #tpu.memory_space<vmem>>, vector<16xf32>,
      %gather3A_1607 = tpu.vector_load_idx %arg6[%broadcast_in_dim3A_25, %add3A_1507] : memref<16x1216xf32, #tpu.memory_space<vmem>>[vector<16xi32>, vector<16xi32>], vector<16xf32>,
      %swap3A_1608 = arith.constant 1 : i32
      %swap3A_1609 = arith.constant 1 : i32
      %swap3A_1610 = arith.constant 3 : i32
      %swap3A_1611 = arith.index_cast %swap3A_1608 : i32 to index
      %swap3A_1612 = arith.index_cast %swap3A_1609 : i32 to index
      %swap3A_1613 = arith.index_cast %swap3A_1610 : i32 to index
      %swap3A_1614 = arith.constant 16 : index
      %swap3A_1615 = tpu.vector_load %arg7[%swap3A_1611, %swap3A_1612, %swap3A_1613, %swap3A_1614] {strides = array<i32>} : memref<2x2x8x128xf32, #tpu.memory_space<vmem>>, vector<16xf32>,
      tpu.vector_store %arg7[%swap3A_1611, %swap3A_1612, %swap3A_1613, %swap3A_1614], %gather3A_1607 {strides = array<i32>} : memref<2x2x8x128xf32, #tpu.memory_space<vmem>>, vector<16xf32>,
      %gather3A_1616 = tpu.vector_load_idx %arg6[%broadcast_in_dim3A_27, %add3A_1507] : memref<16x1216xf32, #tpu.memory_space<vmem>>[vector<16xi32>, vector<16xi32>], vector<16xf32>,
      %swap3A_1617 = arith.constant 1 : i32
      %swap3A_1618 = arith.constant 1 : i32
      %swap3A_1619 = arith.constant 4 : i32
      %swap3A_1620 = arith.index_cast %swap3A_1617 : i32 to index
      %swap3A_1621 = arith.index_cast %swap3A_1618 : i32 to index
      %swap3A_1622 = arith.index_cast %swap3A_1619 : i32 to index
      %swap3A_1623 = arith.constant 16 : index
      %swap3A_1624 = tpu.vector_load %arg7[%swap3A_1620, %swap3A_1621, %swap3A_1622, %swap3A_1623] {strides = array<i32>} : memref<2x2x8x128xf32, #tpu.memory_space<vmem>>, vector<16xf32>,
      tpu.vector_store %arg7[%swap3A_1620, %swap3A_1621, %swap3A_1622, %swap3A_1623], %gather3A_1616 {strides = array<i32>} : memref<2x2x8x128xf32, #tpu.memory_space<vmem>>, vector<16xf32>,
      %gather3A_1625 = tpu.vector_load_idx %arg6[%broadcast_in_dim3A_29, %add3A_1507] : memref<16x1216xf32, #tpu.memory_space<vmem>>[vector<16xi32>, vector<16xi32>], vector<16xf32>,
      %swap3A_1626 = arith.constant 1 : i32
      %swap3A_1627 = arith.constant 1 : i32
      %swap3A_1628 = arith.constant 5 : i32
      %swap3A_1629 = arith.index_cast %swap3A_1626 : i32 to index
      %swap3A_1630 = arith.index_cast %swap3A_1627 : i32 to index
      %swap3A_1631 = arith.index_cast %swap3A_1628 : i32 to index
      %swap3A_1632 = arith.constant 16 : index
      %swap3A_1633 = tpu.vector_load %arg7[%swap3A_1629, %swap3A_1630, %swap3A_1631, %swap3A_1632] {strides = array<i32>} : memref<2x2x8x128xf32, #tpu.memory_space<vmem>>, vector<16xf32>,
      tpu.vector_store %arg7[%swap3A_1629, %swap3A_1630, %swap3A_1631, %swap3A_1632], %gather3A_1625 {strides = array<i32>} : memref<2x2x8x128xf32, #tpu.memory_space<vmem>>, vector<16xf32>,
      %gather3A_1634 = tpu.vector_load_idx %arg6[%broadcast_in_dim3A_31, %add3A_1507] : memref<16x1216xf32, #tpu.memory_space<vmem>>[vector<16xi32>, vector<16xi32>], vector<16xf32>,
      %swap3A_1635 = arith.constant 1 : i32
      %swap3A_1636 = arith.constant 1 : i32
      %swap3A_1637 = arith.constant 6 : i32
      %swap3A_1638 = arith.index_cast %swap3A_1635 : i32 to index
      %swap3A_1639 = arith.index_cast %swap3A_1636 : i32 to index
      %swap3A_1640 = arith.index_cast %swap3A_1637 : i32 to index
      %swap3A_1641 = arith.constant 16 : index
      %swap3A_1642 = tpu.vector_load %arg7[%swap3A_1638, %swap3A_1639, %swap3A_1640, %swap3A_1641] {strides = array<i32>} : memref<2x2x8x128xf32, #tpu.memory_space<vmem>>, vector<16xf32>,
      tpu.vector_store %arg7[%swap3A_1638, %swap3A_1639, %swap3A_1640, %swap3A_1641], %gather3A_1634 {strides = array<i32>} : memref<2x2x8x128xf32, #tpu.memory_space<vmem>>, vector<16xf32>,
      %gather3A_1643 = tpu.vector_load_idx %arg6[%broadcast_in_dim3A_33, %add3A_1507] : memref<16x1216xf32, #tpu.memory_space<vmem>>[vector<16xi32>, vector<16xi32>], vector<16xf32>,
      %swap3A_1644 = arith.constant 1 : i32
      %swap3A_1645 = arith.constant 1 : i32
      %swap3A_1646 = arith.constant 7 : i32
      %swap3A_1647 = arith.index_cast %swap3A_1644 : i32 to index
      %swap3A_1648 = arith.index_cast %swap3A_1645 : i32 to index
      %swap3A_1649 = arith.index_cast %swap3A_1646 : i32 to index
      %swap3A_1650 = arith.constant 16 : index
      %swap3A_1651 = tpu.vector_load %arg7[%swap3A_1647, %swap3A_1648, %swap3A_1649, %swap3A_1650] {strides = array<i32>} : memref<2x2x8x128xf32, #tpu.memory_space<vmem>>, vector<16xf32>,
      tpu.vector_store %arg7[%swap3A_1647, %swap3A_1648, %swap3A_1649, %swap3A_1650], %gather3A_1643 {strides = array<i32>} : memref<2x2x8x128xf32, #tpu.memory_space<vmem>>, vector<16xf32>,
      %mul3A_1652 = arith.constant 128 : i32
      %mul3A_1653 = arith.muli %add3A_1338, %mul3A_1652 : i32
      %add3A_1654 = arith.constant 32 : i32
      %add3A_1655 = arith.addi %mul3A_1653, %add3A_1654 : i32
      %get3A_1656 = arith.index_cast %add3A_1655 : i32 to index
      %get3A_1657 = tpu.vector_load %arg5[%get3A_1656] {strides = array<i32>} : memref<9728xi32, #tpu.memory_space<vmem>>, vector<16xi32>,
      %add3A_1658 = vector.broadcast %mul3A_1347 : i32 to vector<16xi32>
      %add3A_1659 = arith.addi %get3A_1657, %add3A_1658 : vector<16xi32>
      %gather3A_1660 = tpu.vector_load_idx %arg6[%broadcast_in_dim3A_3, %add3A_1659] : memref<16x1216xf32, #tpu.memory_space<vmem>>[vector<16xi32>, vector<16xi32>], vector<16xf32>,
      %swap3A_1661 = arith.constant 1 : i32
      %swap3A_1662 = arith.constant 0 : i32
      %swap3A_1663 = arith.constant 0 : i32
      %swap3A_1664 = arith.index_cast %swap3A_1661 : i32 to index
      %swap3A_1665 = arith.index_cast %swap3A_1662 : i32 to index
      %swap3A_1666 = arith.index_cast %swap3A_1663 : i32 to index
      %swap3A_1667 = arith.constant 32 : index
      %swap3A_1668 = tpu.vector_load %arg7[%swap3A_1664, %swap3A_1665, %swap3A_1666, %swap3A_1667] {strides = array<i32>} : memref<2x2x8x128xf32, #tpu.memory_space<vmem>>, vector<16xf32>,
      tpu.vector_store %arg7[%swap3A_1664, %swap3A_1665, %swap3A_1666, %swap3A_1667], %gather3A_1660 {strides = array<i32>} : memref<2x2x8x128xf32, #tpu.memory_space<vmem>>, vector<16xf32>,
      %gather3A_1669 = tpu.vector_load_idx %arg6[%broadcast_in_dim3A_5, %add3A_1659] : memref<16x1216xf32, #tpu.memory_space<vmem>>[vector<16xi32>, vector<16xi32>], vector<16xf32>,
      %swap3A_1670 = arith.constant 1 : i32
      %swap3A_1671 = arith.constant 0 : i32
      %swap3A_1672 = arith.constant 1 : i32
      %swap3A_1673 = arith.index_cast %swap3A_1670 : i32 to index
      %swap3A_1674 = arith.index_cast %swap3A_1671 : i32 to index
      %swap3A_1675 = arith.index_cast %swap3A_1672 : i32 to index
      %swap3A_1676 = arith.constant 32 : index
      %swap3A_1677 = tpu.vector_load %arg7[%swap3A_1673, %swap3A_1674, %swap3A_1675, %swap3A_1676] {strides = array<i32>} : memref<2x2x8x128xf32, #tpu.memory_space<vmem>>, vector<16xf32>,
      tpu.vector_store %arg7[%swap3A_1673, %swap3A_1674, %swap3A_1675, %swap3A_1676], %gather3A_1669 {strides = array<i32>} : memref<2x2x8x128xf32, #tpu.memory_space<vmem>>, vector<16xf32>,
      %gather3A_1678 = tpu.vector_load_idx %arg6[%broadcast_in_dim3A_7, %add3A_1659] : memref<16x1216xf32, #tpu.memory_space<vmem>>[vector<16xi32>, vector<16xi32>], vector<16xf32>,
      %swap3A_1679 = arith.constant 1 : i32
      %swap3A_1680 = arith.constant 0 : i32
      %swap3A_1681 = arith.constant 2 : i32
      %swap3A_1682 = arith.index_cast %swap3A_1679 : i32 to index
      %swap3A_1683 = arith.index_cast %swap3A_1680 : i32 to index
      %swap3A_1684 = arith.index_cast %swap3A_1681 : i32 to index
      %swap3A_1685 = arith.constant 32 : index
      %swap3A_1686 = tpu.vector_load %arg7[%swap3A_1682, %swap3A_1683, %swap3A_1684, %swap3A_1685] {strides = array<i32>} : memref<2x2x8x128xf32, #tpu.memory_space<vmem>>, vector<16xf32>,
      tpu.vector_store %arg7[%swap3A_1682, %swap3A_1683, %swap3A_1684, %swap3A_1685], %gather3A_1678 {strides = array<i32>} : memref<2x2x8x128xf32, #tpu.memory_space<vmem>>, vector<16xf32>,
      %gather3A_1687 = tpu.vector_load_idx %arg6[%broadcast_in_dim3A_9, %add3A_1659] : memref<16x1216xf32, #tpu.memory_space<vmem>>[vector<16xi32>, vector<16xi32>], vector<16xf32>,
      %swap3A_1688 = arith.constant 1 : i32
      %swap3A_1689 = arith.constant 0 : i32
      %swap3A_1690 = arith.constant 3 : i32
      %swap3A_1691 = arith.index_cast %swap3A_1688 : i32 to index
      %swap3A_1692 = arith.index_cast %swap3A_1689 : i32 to index
      %swap3A_1693 = arith.index_cast %swap3A_1690 : i32 to index
      %swap3A_1694 = arith.constant 32 : index
      %swap3A_1695 = tpu.vector_load %arg7[%swap3A_1691, %swap3A_1692, %swap3A_1693, %swap3A_1694] {strides = array<i32>} : memref<2x2x8x128xf32, #tpu.memory_space<vmem>>, vector<16xf32>,
      tpu.vector_store %arg7[%swap3A_1691, %swap3A_1692, %swap3A_1693, %swap3A_1694], %gather3A_1687 {strides = array<i32>} : memref<2x2x8x128xf32, #tpu.memory_space<vmem>>, vector<16xf32>,
      %gather3A_1696 = tpu.vector_load_idx %arg6[%broadcast_in_dim3A_11, %add3A_1659] : memref<16x1216xf32, #tpu.memory_space<vmem>>[vector<16xi32>, vector<16xi32>], vector<16xf32>,
      %swap3A_1697 = arith.constant 1 : i32
      %swap3A_1698 = arith.constant 0 : i32
      %swap3A_1699 = arith.constant 4 : i32
      %swap3A_1700 = arith.index_cast %swap3A_1697 : i32 to index
      %swap3A_1701 = arith.index_cast %swap3A_1698 : i32 to index
      %swap3A_1702 = arith.index_cast %swap3A_1699 : i32 to index
      %swap3A_1703 = arith.constant 32 : index
      %swap3A_1704 = tpu.vector_load %arg7[%swap3A_1700, %swap3A_1701, %swap3A_1702, %swap3A_1703] {strides = array<i32>} : memref<2x2x8x128xf32, #tpu.memory_space<vmem>>, vector<16xf32>,
      tpu.vector_store %arg7[%swap3A_1700, %swap3A_1701, %swap3A_1702, %swap3A_1703], %gather3A_1696 {strides = array<i32>} : memref<2x2x8x128xf32, #tpu.memory_space<vmem>>, vector<16xf32>,
      %gather3A_1705 = tpu.vector_load_idx %arg6[%broadcast_in_dim3A_13, %add3A_1659] : memref<16x1216xf32, #tpu.memory_space<vmem>>[vector<16xi32>, vector<16xi32>], vector<16xf32>,
      %swap3A_1706 = arith.constant 1 : i32
      %swap3A_1707 = arith.constant 0 : i32
      %swap3A_1708 = arith.constant 5 : i32
      %swap3A_1709 = arith.index_cast %swap3A_1706 : i32 to index
      %swap3A_1710 = arith.index_cast %swap3A_1707 : i32 to index
      %swap3A_1711 = arith.index_cast %swap3A_1708 : i32 to index
      %swap3A_1712 = arith.constant 32 : index
      %swap3A_1713 = tpu.vector_load %arg7[%swap3A_1709, %swap3A_1710, %swap3A_1711, %swap3A_1712] {strides = array<i32>} : memref<2x2x8x128xf32, #tpu.memory_space<vmem>>, vector<16xf32>,
      tpu.vector_store %arg7[%swap3A_1709, %swap3A_1710, %swap3A_1711, %swap3A_1712], %gather3A_1705 {strides = array<i32>} : memref<2x2x8x128xf32, #tpu.memory_space<vmem>>, vector<16xf32>,
      %gather3A_1714 = tpu.vector_load_idx %arg6[%broadcast_in_dim3A_15, %add3A_1659] : memref<16x1216xf32, #tpu.memory_space<vmem>>[vector<16xi32>, vector<16xi32>], vector<16xf32>,
      %swap3A_1715 = arith.constant 1 : i32
      %swap3A_1716 = arith.constant 0 : i32
      %swap3A_1717 = arith.constant 6 : i32
      %swap3A_1718 = arith.index_cast %swap3A_1715 : i32 to index
      %swap3A_1719 = arith.index_cast %swap3A_1716 : i32 to index
      %swap3A_1720 = arith.index_cast %swap3A_1717 : i32 to index
      %swap3A_1721 = arith.constant 32 : index
      %swap3A_1722 = tpu.vector_load %arg7[%swap3A_1718, %swap3A_1719, %swap3A_1720, %swap3A_1721] {strides = array<i32>} : memref<2x2x8x128xf32, #tpu.memory_space<vmem>>, vector<16xf32>,
      tpu.vector_store %arg7[%swap3A_1718, %swap3A_1719, %swap3A_1720, %swap3A_1721], %gather3A_1714 {strides = array<i32>} : memref<2x2x8x128xf32, #tpu.memory_space<vmem>>, vector<16xf32>,
      %gather3A_1723 = tpu.vector_load_idx %arg6[%broadcast_in_dim3A_17, %add3A_1659] : memref<16x1216xf32, #tpu.memory_space<vmem>>[vector<16xi32>, vector<16xi32>], vector<16xf32>,
      %swap3A_1724 = arith.constant 1 : i32
      %swap3A_1725 = arith.constant 0 : i32
      %swap3A_1726 = arith.constant 7 : i32
      %swap3A_1727 = arith.index_cast %swap3A_1724 : i32 to index
      %swap3A_1728 = arith.index_cast %swap3A_1725 : i32 to index
      %swap3A_1729 = arith.index_cast %swap3A_1726 : i32 to index
      %swap3A_1730 = arith.constant 32 : index
      %swap3A_1731 = tpu.vector_load %arg7[%swap3A_1727, %swap3A_1728, %swap3A_1729, %swap3A_1730] {strides = array<i32>} : memref<2x2x8x128xf32, #tpu.memory_space<vmem>>, vector<16xf32>,
      tpu.vector_store %arg7[%swap3A_1727, %swap3A_1728, %swap3A_1729, %swap3A_1730], %gather3A_1723 {strides = array<i32>} : memref<2x2x8x128xf32, #tpu.memory_space<vmem>>, vector<16xf32>,
      %gather3A_1732 = tpu.vector_load_idx %arg6[%broadcast_in_dim3A_19, %add3A_1659] : memref<16x1216xf32, #tpu.memory_space<vmem>>[vector<16xi32>, vector<16xi32>], vector<16xf32>,
      %swap3A_1733 = arith.constant 1 : i32
      %swap3A_1734 = arith.constant 1 : i32
      %swap3A_1735 = arith.constant 0 : i32
      %swap3A_1736 = arith.index_cast %swap3A_1733 : i32 to index
      %swap3A_1737 = arith.index_cast %swap3A_1734 : i32 to index
      %swap3A_1738 = arith.index_cast %swap3A_1735 : i32 to index
      %swap3A_1739 = arith.constant 32 : index
      %swap3A_1740 = tpu.vector_load %arg7[%swap3A_1736, %swap3A_1737, %swap3A_1738, %swap3A_1739] {strides = array<i32>} : memref<2x2x8x128xf32, #tpu.memory_space<vmem>>, vector<16xf32>,
      tpu.vector_store %arg7[%swap3A_1736, %swap3A_1737, %swap3A_1738, %swap3A_1739], %gather3A_1732 {strides = array<i32>} : memref<2x2x8x128xf32, #tpu.memory_space<vmem>>, vector<16xf32>,
      %gather3A_1741 = tpu.vector_load_idx %arg6[%broadcast_in_dim3A_21, %add3A_1659] : memref<16x1216xf32, #tpu.memory_space<vmem>>[vector<16xi32>, vector<16xi32>], vector<16xf32>,
      %swap3A_1742 = arith.constant 1 : i32
      %swap3A_1743 = arith.constant 1 : i32
      %swap3A_1744 = arith.constant 1 : i32
      %swap3A_1745 = arith.index_cast %swap3A_1742 : i32 to index
      %swap3A_1746 = arith.index_cast %swap3A_1743 : i32 to index
      %swap3A_1747 = arith.index_cast %swap3A_1744 : i32 to index
      %swap3A_1748 = arith.constant 32 : index
      %swap3A_1749 = tpu.vector_load %arg7[%swap3A_1745, %swap3A_1746, %swap3A_1747, %swap3A_1748] {strides = array<i32>} : memref<2x2x8x128xf32, #tpu.memory_space<vmem>>, vector<16xf32>,
      tpu.vector_store %arg7[%swap3A_1745, %swap3A_1746, %swap3A_1747, %swap3A_1748], %gather3A_1741 {strides = array<i32>} : memref<2x2x8x128xf32, #tpu.memory_space<vmem>>, vector<16xf32>,
      %gather3A_1750 = tpu.vector_load_idx %arg6[%broadcast_in_dim3A_23, %add3A_1659] : memref<16x1216xf32, #tpu.memory_space<vmem>>[vector<16xi32>, vector<16xi32>], vector<16xf32>,
      %swap3A_1751 = arith.constant 1 : i32
      %swap3A_1752 = arith.constant 1 : i32
      %swap3A_1753 = arith.constant 2 : i32
      %swap3A_1754 = arith.index_cast %swap3A_1751 : i32 to index
      %swap3A_1755 = arith.index_cast %swap3A_1752 : i32 to index
      %swap3A_1756 = arith.index_cast %swap3A_1753 : i32 to index
      %swap3A_1757 = arith.constant 32 : index
      %swap3A_1758 = tpu.vector_load %arg7[%swap3A_1754, %swap3A_1755, %swap3A_1756, %swap3A_1757] {strides = array<i32>} : memref<2x2x8x128xf32, #tpu.memory_space<vmem>>, vector<16xf32>,
      tpu.vector_store %arg7[%swap3A_1754, %swap3A_1755, %swap3A_1756, %swap3A_1757], %gather3A_1750 {strides = array<i32>} : memref<2x2x8x128xf32, #tpu.memory_space<vmem>>, vector<16xf32>,
      %gather3A_1759 = tpu.vector_load_idx %arg6[%broadcast_in_dim3A_25, %add3A_1659] : memref<16x1216xf32, #tpu.memory_space<vmem>>[vector<16xi32>, vector<16xi32>], vector<16xf32>,
      %swap3A_1760 = arith.constant 1 : i32
      %swap3A_1761 = arith.constant 1 : i32
      %swap3A_1762 = arith.constant 3 : i32
      %swap3A_1763 = arith.index_cast %swap3A_1760 : i32 to index
      %swap3A_1764 = arith.index_cast %swap3A_1761 : i32 to index
      %swap3A_1765 = arith.index_cast %swap3A_1762 : i32 to index
      %swap3A_1766 = arith.constant 32 : index
      %swap3A_1767 = tpu.vector_load %arg7[%swap3A_1763, %swap3A_1764, %swap3A_1765, %swap3A_1766] {strides = array<i32>} : memref<2x2x8x128xf32, #tpu.memory_space<vmem>>, vector<16xf32>,
      tpu.vector_store %arg7[%swap3A_1763, %swap3A_1764, %swap3A_1765, %swap3A_1766], %gather3A_1759 {strides = array<i32>} : memref<2x2x8x128xf32, #tpu.memory_space<vmem>>, vector<16xf32>,
      %gather3A_1768 = tpu.vector_load_idx %arg6[%broadcast_in_dim3A_27, %add3A_1659] : memref<16x1216xf32, #tpu.memory_space<vmem>>[vector<16xi32>, vector<16xi32>], vector<16xf32>,
      %swap3A_1769 = arith.constant 1 : i32
      %swap3A_1770 = arith.constant 1 : i32
      %swap3A_1771 = arith.constant 4 : i32
      %swap3A_1772 = arith.index_cast %swap3A_1769 : i32 to index
      %swap3A_1773 = arith.index_cast %swap3A_1770 : i32 to index
      %swap3A_1774 = arith.index_cast %swap3A_1771 : i32 to index
      %swap3A_1775 = arith.constant 32 : index
      %swap3A_1776 = tpu.vector_load %arg7[%swap3A_1772, %swap3A_1773, %swap3A_1774, %swap3A_1775] {strides = array<i32>} : memref<2x2x8x128xf32, #tpu.memory_space<vmem>>, vector<16xf32>,
      tpu.vector_store %arg7[%swap3A_1772, %swap3A_1773, %swap3A_1774, %swap3A_1775], %gather3A_1768 {strides = array<i32>} : memref<2x2x8x128xf32, #tpu.memory_space<vmem>>, vector<16xf32>,
      %gather3A_1777 = tpu.vector_load_idx %arg6[%broadcast_in_dim3A_29, %add3A_1659] : memref<16x1216xf32, #tpu.memory_space<vmem>>[vector<16xi32>, vector<16xi32>], vector<16xf32>,
      %swap3A_1778 = arith.constant 1 : i32
      %swap3A_1779 = arith.constant 1 : i32
      %swap3A_1780 = arith.constant 5 : i32
      %swap3A_1781 = arith.index_cast %swap3A_1778 : i32 to index
      %swap3A_1782 = arith.index_cast %swap3A_1779 : i32 to index
      %swap3A_1783 = arith.index_cast %swap3A_1780 : i32 to index
      %swap3A_1784 = arith.constant 32 : index
      %swap3A_1785 = tpu.vector_load %arg7[%swap3A_1781, %swap3A_1782, %swap3A_1783, %swap3A_1784] {strides = array<i32>} : memref<2x2x8x128xf32, #tpu.memory_space<vmem>>, vector<16xf32>,
      tpu.vector_store %arg7[%swap3A_1781, %swap3A_1782, %swap3A_1783, %swap3A_1784], %gather3A_1777 {strides = array<i32>} : memref<2x2x8x128xf32, #tpu.memory_space<vmem>>, vector<16xf32>,
      %gather3A_1786 = tpu.vector_load_idx %arg6[%broadcast_in_dim3A_31, %add3A_1659] : memref<16x1216xf32, #tpu.memory_space<vmem>>[vector<16xi32>, vector<16xi32>], vector<16xf32>,
      %swap3A_1787 = arith.constant 1 : i32
      %swap3A_1788 = arith.constant 1 : i32
      %swap3A_1789 = arith.constant 6 : i32
      %swap3A_1790 = arith.index_cast %swap3A_1787 : i32 to index
      %swap3A_1791 = arith.index_cast %swap3A_1788 : i32 to index
      %swap3A_1792 = arith.index_cast %swap3A_1789 : i32 to index
      %swap3A_1793 = arith.constant 32 : index
      %swap3A_1794 = tpu.vector_load %arg7[%swap3A_1790, %swap3A_1791, %swap3A_1792, %swap3A_1793] {strides = array<i32>} : memref<2x2x8x128xf32, #tpu.memory_space<vmem>>, vector<16xf32>,
      tpu.vector_store %arg7[%swap3A_1790, %swap3A_1791, %swap3A_1792, %swap3A_1793], %gather3A_1786 {strides = array<i32>} : memref<2x2x8x128xf32, #tpu.memory_space<vmem>>, vector<16xf32>,
      %gather3A_1795 = tpu.vector_load_idx %arg6[%broadcast_in_dim3A_33, %add3A_1659] : memref<16x1216xf32, #tpu.memory_space<vmem>>[vector<16xi32>, vector<16xi32>], vector<16xf32>,
      %swap3A_1796 = arith.constant 1 : i32
      %swap3A_1797 = arith.constant 1 : i32
      %swap3A_1798 = arith.constant 7 : i32
      %swap3A_1799 = arith.index_cast %swap3A_1796 : i32 to index
      %swap3A_1800 = arith.index_cast %swap3A_1797 : i32 to index
      %swap3A_1801 = arith.index_cast %swap3A_1798 : i32 to index
      %swap3A_1802 = arith.constant 32 : index
      %swap3A_1803 = tpu.vector_load %arg7[%swap3A_1799, %swap3A_1800, %swap3A_1801, %swap3A_1802] {strides = array<i32>} : memref<2x2x8x128xf32, #tpu.memory_space<vmem>>, vector<16xf32>,
      tpu.vector_store %arg7[%swap3A_1799, %swap3A_1800, %swap3A_1801, %swap3A_1802], %gather3A_1795 {strides = array<i32>} : memref<2x2x8x128xf32, #tpu.memory_space<vmem>>, vector<16xf32>,
      %mul3A_1804 = arith.constant 128 : i32
      %mul3A_1805 = arith.muli %add3A_1338, %mul3A_1804 : i32
      %add3A_1806 = arith.constant 48 : i32
      %add3A_1807 = arith.addi %mul3A_1805, %add3A_1806 : i32
      %get3A_1808 = arith.index_cast %add3A_1807 : i32 to index
      %get3A_1809 = tpu.vector_load %arg5[%get3A_1808] {strides = array<i32>} : memref<9728xi32, #tpu.memory_space<vmem>>, vector<16xi32>,
      %add3A_1810 = vector.broadcast %mul3A_1347 : i32 to vector<16xi32>
      %add3A_1811 = arith.addi %get3A_1809, %add3A_1810 : vector<16xi32>
      %gather3A_1812 = tpu.vector_load_idx %arg6[%broadcast_in_dim3A_3, %add3A_1811] : memref<16x1216xf32, #tpu.memory_space<vmem>>[vector<16xi32>, vector<16xi32>], vector<16xf32>,
      %swap3A_1813 = arith.constant 1 : i32
      %swap3A_1814 = arith.constant 0 : i32
      %swap3A_1815 = arith.constant 0 : i32
      %swap3A_1816 = arith.index_cast %swap3A_1813 : i32 to index
      %swap3A_1817 = arith.index_cast %swap3A_1814 : i32 to index
      %swap3A_1818 = arith.index_cast %swap3A_1815 : i32 to index
      %swap3A_1819 = arith.constant 48 : index
      %swap3A_1820 = tpu.vector_load %arg7[%swap3A_1816, %swap3A_1817, %swap3A_1818, %swap3A_1819] {strides = array<i32>} : memref<2x2x8x128xf32, #tpu.memory_space<vmem>>, vector<16xf32>,
      tpu.vector_store %arg7[%swap3A_1816, %swap3A_1817, %swap3A_1818, %swap3A_1819], %gather3A_1812 {strides = array<i32>} : memref<2x2x8x128xf32, #tpu.memory_space<vmem>>, vector<16xf32>,
      %gather3A_1821 = tpu.vector_load_idx %arg6[%broadcast_in_dim3A_5, %add3A_1811] : memref<16x1216xf32, #tpu.memory_space<vmem>>[vector<16xi32>, vector<16xi32>], vector<16xf32>,
      %swap3A_1822 = arith.constant 1 : i32
      %swap3A_1823 = arith.constant 0 : i32
      %swap3A_1824 = arith.constant 1 : i32
      %swap3A_1825 = arith.index_cast %swap3A_1822 : i32 to index
      %swap3A_1826 = arith.index_cast %swap3A_1823 : i32 to index
      %swap3A_1827 = arith.index_cast %swap3A_1824 : i32 to index
      %swap3A_1828 = arith.constant 48 : index
      %swap3A_1829 = tpu.vector_load %arg7[%swap3A_1825, %swap3A_1826, %swap3A_1827, %swap3A_1828] {strides = array<i32>} : memref<2x2x8x128xf32, #tpu.memory_space<vmem>>, vector<16xf32>,
      tpu.vector_store %arg7[%swap3A_1825, %swap3A_1826, %swap3A_1827, %swap3A_1828], %gather3A_1821 {strides = array<i32>} : memref<2x2x8x128xf32, #tpu.memory_space<vmem>>, vector<16xf32>,
      %gather3A_1830 = tpu.vector_load_idx %arg6[%broadcast_in_dim3A_7, %add3A_1811] : memref<16x1216xf32, #tpu.memory_space<vmem>>[vector<16xi32>, vector<16xi32>], vector<16xf32>,
      %swap3A_1831 = arith.constant 1 : i32
      %swap3A_1832 = arith.constant 0 : i32
      %swap3A_1833 = arith.constant 2 : i32
      %swap3A_1834 = arith.index_cast %swap3A_1831 : i32 to index
      %swap3A_1835 = arith.index_cast %swap3A_1832 : i32 to index
      %swap3A_1836 = arith.index_cast %swap3A_1833 : i32 to index
      %swap3A_1837 = arith.constant 48 : index
      %swap3A_1838 = tpu.vector_load %arg7[%swap3A_1834, %swap3A_1835, %swap3A_1836, %swap3A_1837] {strides = array<i32>} : memref<2x2x8x128xf32, #tpu.memory_space<vmem>>, vector<16xf32>,
      tpu.vector_store %arg7[%swap3A_1834, %swap3A_1835, %swap3A_1836, %swap3A_1837], %gather3A_1830 {strides = array<i32>} : memref<2x2x8x128xf32, #tpu.memory_space<vmem>>, vector<16xf32>,
      %gather3A_1839 = tpu.vector_load_idx %arg6[%broadcast_in_dim3A_9, %add3A_1811] : memref<16x1216xf32, #tpu.memory_space<vmem>>[vector<16xi32>, vector<16xi32>], vector<16xf32>,
      %swap3A_1840 = arith.constant 1 : i32
      %swap3A_1841 = arith.constant 0 : i32
      %swap3A_1842 = arith.constant 3 : i32
      %swap3A_1843 = arith.index_cast %swap3A_1840 : i32 to index
      %swap3A_1844 = arith.index_cast %swap3A_1841 : i32 to index
      %swap3A_1845 = arith.index_cast %swap3A_1842 : i32 to index
      %swap3A_1846 = arith.constant 48 : index
      %swap3A_1847 = tpu.vector_load %arg7[%swap3A_1843, %swap3A_1844, %swap3A_1845, %swap3A_1846] {strides = array<i32>} : memref<2x2x8x128xf32, #tpu.memory_space<vmem>>, vector<16xf32>,
      tpu.vector_store %arg7[%swap3A_1843, %swap3A_1844, %swap3A_1845, %swap3A_1846], %gather3A_1839 {strides = array<i32>} : memref<2x2x8x128xf32, #tpu.memory_space<vmem>>, vector<16xf32>,
      %gather3A_1848 = tpu.vector_load_idx %arg6[%broadcast_in_dim3A_11, %add3A_1811] : memref<16x1216xf32, #tpu.memory_space<vmem>>[vector<16xi32>, vector<16xi32>], vector<16xf32>,
      %swap3A_1849 = arith.constant 1 : i32
      %swap3A_1850 = arith.constant 0 : i32
      %swap3A_1851 = arith.constant 4 : i32
      %swap3A_1852 = arith.index_cast %swap3A_1849 : i32 to index
      %swap3A_1853 = arith.index_cast %swap3A_1850 : i32 to index
      %swap3A_1854 = arith.index_cast %swap3A_1851 : i32 to index
      %swap3A_1855 = arith.constant 48 : index
      %swap3A_1856 = tpu.vector_load %arg7[%swap3A_1852, %swap3A_1853, %swap3A_1854, %swap3A_1855] {strides = array<i32>} : memref<2x2x8x128xf32, #tpu.memory_space<vmem>>, vector<16xf32>,
      tpu.vector_store %arg7[%swap3A_1852, %swap3A_1853, %swap3A_1854, %swap3A_1855], %gather3A_1848 {strides = array<i32>} : memref<2x2x8x128xf32, #tpu.memory_space<vmem>>, vector<16xf32>,
      %gather3A_1857 = tpu.vector_load_idx %arg6[%broadcast_in_dim3A_13, %add3A_1811] : memref<16x1216xf32, #tpu.memory_space<vmem>>[vector<16xi32>, vector<16xi32>], vector<16xf32>,
      %swap3A_1858 = arith.constant 1 : i32
      %swap3A_1859 = arith.constant 0 : i32
      %swap3A_1860 = arith.constant 5 : i32
      %swap3A_1861 = arith.index_cast %swap3A_1858 : i32 to index
      %swap3A_1862 = arith.index_cast %swap3A_1859 : i32 to index
      %swap3A_1863 = arith.index_cast %swap3A_1860 : i32 to index
      %swap3A_1864 = arith.constant 48 : index
      %swap3A_1865 = tpu.vector_load %arg7[%swap3A_1861, %swap3A_1862, %swap3A_1863, %swap3A_1864] {strides = array<i32>} : memref<2x2x8x128xf32, #tpu.memory_space<vmem>>, vector<16xf32>,
      tpu.vector_store %arg7[%swap3A_1861, %swap3A_1862, %swap3A_1863, %swap3A_1864], %gather3A_1857 {strides = array<i32>} : memref<2x2x8x128xf32, #tpu.memory_space<vmem>>, vector<16xf32>,
      %gather3A_1866 = tpu.vector_load_idx %arg6[%broadcast_in_dim3A_15, %add3A_1811] : memref<16x1216xf32, #tpu.memory_space<vmem>>[vector<16xi32>, vector<16xi32>], vector<16xf32>,
      %swap3A_1867 = arith.constant 1 : i32
      %swap3A_1868 = arith.constant 0 : i32
      %swap3A_1869 = arith.constant 6 : i32
      %swap3A_1870 = arith.index_cast %swap3A_1867 : i32 to index
      %swap3A_1871 = arith.index_cast %swap3A_1868 : i32 to index
      %swap3A_1872 = arith.index_cast %swap3A_1869 : i32 to index
      %swap3A_1873 = arith.constant 48 : index
      %swap3A_1874 = tpu.vector_load %arg7[%swap3A_1870, %swap3A_1871, %swap3A_1872, %swap3A_1873] {strides = array<i32>} : memref<2x2x8x128xf32, #tpu.memory_space<vmem>>, vector<16xf32>,
      tpu.vector_store %arg7[%swap3A_1870, %swap3A_1871, %swap3A_1872, %swap3A_1873], %gather3A_1866 {strides = array<i32>} : memref<2x2x8x128xf32, #tpu.memory_space<vmem>>, vector<16xf32>,
      %gather3A_1875 = tpu.vector_load_idx %arg6[%broadcast_in_dim3A_17, %add3A_1811] : memref<16x1216xf32, #tpu.memory_space<vmem>>[vector<16xi32>, vector<16xi32>], vector<16xf32>,
      %swap3A_1876 = arith.constant 1 : i32
      %swap3A_1877 = arith.constant 0 : i32
      %swap3A_1878 = arith.constant 7 : i32
      %swap3A_1879 = arith.index_cast %swap3A_1876 : i32 to index
      %swap3A_1880 = arith.index_cast %swap3A_1877 : i32 to index
      %swap3A_1881 = arith.index_cast %swap3A_1878 : i32 to index
      %swap3A_1882 = arith.constant 48 : index
      %swap3A_1883 = tpu.vector_load %arg7[%swap3A_1879, %swap3A_1880, %swap3A_1881, %swap3A_1882] {strides = array<i32>} : memref<2x2x8x128xf32, #tpu.memory_space<vmem>>, vector<16xf32>,
      tpu.vector_store %arg7[%swap3A_1879, %swap3A_1880, %swap3A_1881, %swap3A_1882], %gather3A_1875 {strides = array<i32>} : memref<2x2x8x128xf32, #tpu.memory_space<vmem>>, vector<16xf32>,
      %gather3A_1884 = tpu.vector_load_idx %arg6[%broadcast_in_dim3A_19, %add3A_1811] : memref<16x1216xf32, #tpu.memory_space<vmem>>[vector<16xi32>, vector<16xi32>], vector<16xf32>,
      %swap3A_1885 = arith.constant 1 : i32
      %swap3A_1886 = arith.constant 1 : i32
      %swap3A_1887 = arith.constant 0 : i32
      %swap3A_1888 = arith.index_cast %swap3A_1885 : i32 to index
      %swap3A_1889 = arith.index_cast %swap3A_1886 : i32 to index
      %swap3A_1890 = arith.index_cast %swap3A_1887 : i32 to index
      %swap3A_1891 = arith.constant 48 : index
      %swap3A_1892 = tpu.vector_load %arg7[%swap3A_1888, %swap3A_1889, %swap3A_1890, %swap3A_1891] {strides = array<i32>} : memref<2x2x8x128xf32, #tpu.memory_space<vmem>>, vector<16xf32>,
      tpu.vector_store %arg7[%swap3A_1888, %swap3A_1889, %swap3A_1890, %swap3A_1891], %gather3A_1884 {strides = array<i32>} : memref<2x2x8x128xf32, #tpu.memory_space<vmem>>, vector<16xf32>,
      %gather3A_1893 = tpu.vector_load_idx %arg6[%broadcast_in_dim3A_21, %add3A_1811] : memref<16x1216xf32, #tpu.memory_space<vmem>>[vector<16xi32>, vector<16xi32>], vector<16xf32>,
      %swap3A_1894 = arith.constant 1 : i32
      %swap3A_1895 = arith.constant 1 : i32
      %swap3A_1896 = arith.constant 1 : i32
      %swap3A_1897 = arith.index_cast %swap3A_1894 : i32 to index
      %swap3A_1898 = arith.index_cast %swap3A_1895 : i32 to index
      %swap3A_1899 = arith.index_cast %swap3A_1896 : i32 to index
      %swap3A_1900 = arith.constant 48 : index
      %swap3A_1901 = tpu.vector_load %arg7[%swap3A_1897, %swap3A_1898, %swap3A_1899, %swap3A_1900] {strides = array<i32>} : memref<2x2x8x128xf32, #tpu.memory_space<vmem>>, vector<16xf32>,
      tpu.vector_store %arg7[%swap3A_1897, %swap3A_1898, %swap3A_1899, %swap3A_1900], %gather3A_1893 {strides = array<i32>} : memref<2x2x8x128xf32, #tpu.memory_space<vmem>>, vector<16xf32>,
      %gather3A_1902 = tpu.vector_load_idx %arg6[%broadcast_in_dim3A_23, %add3A_1811] : memref<16x1216xf32, #tpu.memory_space<vmem>>[vector<16xi32>, vector<16xi32>], vector<16xf32>,
      %swap3A_1903 = arith.constant 1 : i32
      %swap3A_1904 = arith.constant 1 : i32
      %swap3A_1905 = arith.constant 2 : i32
      %swap3A_1906 = arith.index_cast %swap3A_1903 : i32 to index
      %swap3A_1907 = arith.index_cast %swap3A_1904 : i32 to index
      %swap3A_1908 = arith.index_cast %swap3A_1905 : i32 to index
      %swap3A_1909 = arith.constant 48 : index
      %swap3A_1910 = tpu.vector_load %arg7[%swap3A_1906, %swap3A_1907, %swap3A_1908, %swap3A_1909] {strides = array<i32>} : memref<2x2x8x128xf32, #tpu.memory_space<vmem>>, vector<16xf32>,
      tpu.vector_store %arg7[%swap3A_1906, %swap3A_1907, %swap3A_1908, %swap3A_1909], %gather3A_1902 {strides = array<i32>} : memref<2x2x8x128xf32, #tpu.memory_space<vmem>>, vector<16xf32>,
      %gather3A_1911 = tpu.vector_load_idx %arg6[%broadcast_in_dim3A_25, %add3A_1811] : memref<16x1216xf32, #tpu.memory_space<vmem>>[vector<16xi32>, vector<16xi32>], vector<16xf32>,
      %swap3A_1912 = arith.constant 1 : i32
      %swap3A_1913 = arith.constant 1 : i32
      %swap3A_1914 = arith.constant 3 : i32
      %swap3A_1915 = arith.index_cast %swap3A_1912 : i32 to index
      %swap3A_1916 = arith.index_cast %swap3A_1913 : i32 to index
      %swap3A_1917 = arith.index_cast %swap3A_1914 : i32 to index
      %swap3A_1918 = arith.constant 48 : index
      %swap3A_1919 = tpu.vector_load %arg7[%swap3A_1915, %swap3A_1916, %swap3A_1917, %swap3A_1918] {strides = array<i32>} : memref<2x2x8x128xf32, #tpu.memory_space<vmem>>, vector<16xf32>,
      tpu.vector_store %arg7[%swap3A_1915, %swap3A_1916, %swap3A_1917, %swap3A_1918], %gather3A_1911 {strides = array<i32>} : memref<2x2x8x128xf32, #tpu.memory_space<vmem>>, vector<16xf32>,
      %gather3A_1920 = tpu.vector_load_idx %arg6[%broadcast_in_dim3A_27, %add3A_1811] : memref<16x1216xf32, #tpu.memory_space<vmem>>[vector<16xi32>, vector<16xi32>], vector<16xf32>,
      %swap3A_1921 = arith.constant 1 : i32
      %swap3A_1922 = arith.constant 1 : i32
      %swap3A_1923 = arith.constant 4 : i32
      %swap3A_1924 = arith.index_cast %swap3A_1921 : i32 to index
      %swap3A_1925 = arith.index_cast %swap3A_1922 : i32 to index
      %swap3A_1926 = arith.index_cast %swap3A_1923 : i32 to index
      %swap3A_1927 = arith.constant 48 : index
      %swap3A_1928 = tpu.vector_load %arg7[%swap3A_1924, %swap3A_1925, %swap3A_1926, %swap3A_1927] {strides = array<i32>} : memref<2x2x8x128xf32, #tpu.memory_space<vmem>>, vector<16xf32>,
      tpu.vector_store %arg7[%swap3A_1924, %swap3A_1925, %swap3A_1926, %swap3A_1927], %gather3A_1920 {strides = array<i32>} : memref<2x2x8x128xf32, #tpu.memory_space<vmem>>, vector<16xf32>,
      %gather3A_1929 = tpu.vector_load_idx %arg6[%broadcast_in_dim3A_29, %add3A_1811] : memref<16x1216xf32, #tpu.memory_space<vmem>>[vector<16xi32>, vector<16xi32>], vector<16xf32>,
      %swap3A_1930 = arith.constant 1 : i32
      %swap3A_1931 = arith.constant 1 : i32
      %swap3A_1932 = arith.constant 5 : i32
      %swap3A_1933 = arith.index_cast %swap3A_1930 : i32 to index
      %swap3A_1934 = arith.index_cast %swap3A_1931 : i32 to index
      %swap3A_1935 = arith.index_cast %swap3A_1932 : i32 to index
      %swap3A_1936 = arith.constant 48 : index
      %swap3A_1937 = tpu.vector_load %arg7[%swap3A_1933, %swap3A_1934, %swap3A_1935, %swap3A_1936] {strides = array<i32>} : memref<2x2x8x128xf32, #tpu.memory_space<vmem>>, vector<16xf32>,
      tpu.vector_store %arg7[%swap3A_1933, %swap3A_1934, %swap3A_1935, %swap3A_1936], %gather3A_1929 {strides = array<i32>} : memref<2x2x8x128xf32, #tpu.memory_space<vmem>>, vector<16xf32>,
      %gather3A_1938 = tpu.vector_load_idx %arg6[%broadcast_in_dim3A_31, %add3A_1811] : memref<16x1216xf32, #tpu.memory_space<vmem>>[vector<16xi32>, vector<16xi32>], vector<16xf32>,
      %swap3A_1939 = arith.constant 1 : i32
      %swap3A_1940 = arith.constant 1 : i32
      %swap3A_1941 = arith.constant 6 : i32
      %swap3A_1942 = arith.index_cast %swap3A_1939 : i32 to index
      %swap3A_1943 = arith.index_cast %swap3A_1940 : i32 to index
      %swap3A_1944 = arith.index_cast %swap3A_1941 : i32 to index
      %swap3A_1945 = arith.constant 48 : index
      %swap3A_1946 = tpu.vector_load %arg7[%swap3A_1942, %swap3A_1943, %swap3A_1944, %swap3A_1945] {strides = array<i32>} : memref<2x2x8x128xf32, #tpu.memory_space<vmem>>, vector<16xf32>,
      tpu.vector_store %arg7[%swap3A_1942, %swap3A_1943, %swap3A_1944, %swap3A_1945], %gather3A_1938 {strides = array<i32>} : memref<2x2x8x128xf32, #tpu.memory_space<vmem>>, vector<16xf32>,
      %gather3A_1947 = tpu.vector_load_idx %arg6[%broadcast_in_dim3A_33, %add3A_1811] : memref<16x1216xf32, #tpu.memory_space<vmem>>[vector<16xi32>, vector<16xi32>], vector<16xf32>,
      %swap3A_1948 = arith.constant 1 : i32
      %swap3A_1949 = arith.constant 1 : i32
      %swap3A_1950 = arith.constant 7 : i32
      %swap3A_1951 = arith.index_cast %swap3A_1948 : i32 to index
      %swap3A_1952 = arith.index_cast %swap3A_1949 : i32 to index
      %swap3A_1953 = arith.index_cast %swap3A_1950 : i32 to index
      %swap3A_1954 = arith.constant 48 : index
      %swap3A_1955 = tpu.vector_load %arg7[%swap3A_1951, %swap3A_1952, %swap3A_1953, %swap3A_1954] {strides = array<i32>} : memref<2x2x8x128xf32, #tpu.memory_space<vmem>>, vector<16xf32>,
      tpu.vector_store %arg7[%swap3A_1951, %swap3A_1952, %swap3A_1953, %swap3A_1954], %gather3A_1947 {strides = array<i32>} : memref<2x2x8x128xf32, #tpu.memory_space<vmem>>, vector<16xf32>,
      %mul3A_1956 = arith.constant 128 : i32
      %mul3A_1957 = arith.muli %add3A_1338, %mul3A_1956 : i32
      %add3A_1958 = arith.constant 64 : i32
      %add3A_1959 = arith.addi %mul3A_1957, %add3A_1958 : i32
      %get3A_1960 = arith.index_cast %add3A_1959 : i32 to index
      %get3A_1961 = tpu.vector_load %arg5[%get3A_1960] {strides = array<i32>} : memref<9728xi32, #tpu.memory_space<vmem>>, vector<16xi32>,
      %add3A_1962 = vector.broadcast %mul3A_1347 : i32 to vector<16xi32>
      %add3A_1963 = arith.addi %get3A_1961, %add3A_1962 : vector<16xi32>
      %gather3A_1964 = tpu.vector_load_idx %arg6[%broadcast_in_dim3A_3, %add3A_1963] : memref<16x1216xf32, #tpu.memory_space<vmem>>[vector<16xi32>, vector<16xi32>], vector<16xf32>,
      %swap3A_1965 = arith.constant 1 : i32
      %swap3A_1966 = arith.constant 0 : i32
      %swap3A_1967 = arith.constant 0 : i32
      %swap3A_1968 = arith.index_cast %swap3A_1965 : i32 to index
      %swap3A_1969 = arith.index_cast %swap3A_1966 : i32 to index
      %swap3A_1970 = arith.index_cast %swap3A_1967 : i32 to index
      %swap3A_1971 = arith.constant 64 : index
      %swap3A_1972 = tpu.vector_load %arg7[%swap3A_1968, %swap3A_1969, %swap3A_1970, %swap3A_1971] {strides = array<i32>} : memref<2x2x8x128xf32, #tpu.memory_space<vmem>>, vector<16xf32>,
      tpu.vector_store %arg7[%swap3A_1968, %swap3A_1969, %swap3A_1970, %swap3A_1971], %gather3A_1964 {strides = array<i32>} : memref<2x2x8x128xf32, #tpu.memory_space<vmem>>, vector<16xf32>,
      %gather3A_1973 = tpu.vector_load_idx %arg6[%broadcast_in_dim3A_5, %add3A_1963] : memref<16x1216xf32, #tpu.memory_space<vmem>>[vector<16xi32>, vector<16xi32>], vector<16xf32>,
      %swap3A_1974 = arith.constant 1 : i32
      %swap3A_1975 = arith.constant 0 : i32
      %swap3A_1976 = arith.constant 1 : i32
      %swap3A_1977 = arith.index_cast %swap3A_1974 : i32 to index
      %swap3A_1978 = arith.index_cast %swap3A_1975 : i32 to index
      %swap3A_1979 = arith.index_cast %swap3A_1976 : i32 to index
      %swap3A_1980 = arith.constant 64 : index
      %swap3A_1981 = tpu.vector_load %arg7[%swap3A_1977, %swap3A_1978, %swap3A_1979, %swap3A_1980] {strides = array<i32>} : memref<2x2x8x128xf32, #tpu.memory_space<vmem>>, vector<16xf32>,
      tpu.vector_store %arg7[%swap3A_1977, %swap3A_1978, %swap3A_1979, %swap3A_1980], %gather3A_1973 {strides = array<i32>} : memref<2x2x8x128xf32, #tpu.memory_space<vmem>>, vector<16xf32>,
      %gather3A_1982 = tpu.vector_load_idx %arg6[%broadcast_in_dim3A_7, %add3A_1963] : memref<16x1216xf32, #tpu.memory_space<vmem>>[vector<16xi32>, vector<16xi32>], vector<16xf32>,
      %swap3A_1983 = arith.constant 1 : i32
      %swap3A_1984 = arith.constant 0 : i32
      %swap3A_1985 = arith.constant 2 : i32
      %swap3A_1986 = arith.index_cast %swap3A_1983 : i32 to index
      %swap3A_1987 = arith.index_cast %swap3A_1984 : i32 to index
      %swap3A_1988 = arith.index_cast %swap3A_1985 : i32 to index
      %swap3A_1989 = arith.constant 64 : index
      %swap3A_1990 = tpu.vector_load %arg7[%swap3A_1986, %swap3A_1987, %swap3A_1988, %swap3A_1989] {strides = array<i32>} : memref<2x2x8x128xf32, #tpu.memory_space<vmem>>, vector<16xf32>,
      tpu.vector_store %arg7[%swap3A_1986, %swap3A_1987, %swap3A_1988, %swap3A_1989], %gather3A_1982 {strides = array<i32>} : memref<2x2x8x128xf32, #tpu.memory_space<vmem>>, vector<16xf32>,
      %gather3A_1991 = tpu.vector_load_idx %arg6[%broadcast_in_dim3A_9, %add3A_1963] : memref<16x1216xf32, #tpu.memory_space<vmem>>[vector<16xi32>, vector<16xi32>], vector<16xf32>,
      %swap3A_1992 = arith.constant 1 : i32
      %swap3A_1993 = arith.constant 0 : i32
      %swap3A_1994 = arith.constant 3 : i32
      %swap3A_1995 = arith.index_cast %swap3A_1992 : i32 to index
      %swap3A_1996 = arith.index_cast %swap3A_1993 : i32 to index
      %swap3A_1997 = arith.index_cast %swap3A_1994 : i32 to index
      %swap3A_1998 = arith.constant 64 : index
      %swap3A_1999 = tpu.vector_load %arg7[%swap3A_1995, %swap3A_1996, %swap3A_1997, %swap3A_1998] {strides = array<i32>} : memref<2x2x8x128xf32, #tpu.memory_space<vmem>>, vector<16xf32>,
      tpu.vector_store %arg7[%swap3A_1995, %swap3A_1996, %swap3A_1997, %swap3A_1998], %gather3A_1991 {strides = array<i32>} : memref<2x2x8x128xf32, #tpu.memory_space<vmem>>, vector<16xf32>,
      %gather3A_2000 = tpu.vector_load_idx %arg6[%broadcast_in_dim3A_11, %add3A_1963] : memref<16x1216xf32, #tpu.memory_space<vmem>>[vector<16xi32>, vector<16xi32>], vector<16xf32>,
      %swap3A_2001 = arith.constant 1 : i32
      %swap3A_2002 = arith.constant 0 : i32
      %swap3A_2003 = arith.constant 4 : i32
      %swap3A_2004 = arith.index_cast %swap3A_2001 : i32 to index
      %swap3A_2005 = arith.index_cast %swap3A_2002 : i32 to index
      %swap3A_2006 = arith.index_cast %swap3A_2003 : i32 to index
      %swap3A_2007 = arith.constant 64 : index
      %swap3A_2008 = tpu.vector_load %arg7[%swap3A_2004, %swap3A_2005, %swap3A_2006, %swap3A_2007] {strides = array<i32>} : memref<2x2x8x128xf32, #tpu.memory_space<vmem>>, vector<16xf32>,
      tpu.vector_store %arg7[%swap3A_2004, %swap3A_2005, %swap3A_2006, %swap3A_2007], %gather3A_2000 {strides = array<i32>} : memref<2x2x8x128xf32, #tpu.memory_space<vmem>>, vector<16xf32>,
      %gather3A_2009 = tpu.vector_load_idx %arg6[%broadcast_in_dim3A_13, %add3A_1963] : memref<16x1216xf32, #tpu.memory_space<vmem>>[vector<16xi32>, vector<16xi32>], vector<16xf32>,
      %swap3A_2010 = arith.constant 1 : i32
      %swap3A_2011 = arith.constant 0 : i32
      %swap3A_2012 = arith.constant 5 : i32
      %swap3A_2013 = arith.index_cast %swap3A_2010 : i32 to index
      %swap3A_2014 = arith.index_cast %swap3A_2011 : i32 to index
      %swap3A_2015 = arith.index_cast %swap3A_2012 : i32 to index
      %swap3A_2016 = arith.constant 64 : index
      %swap3A_2017 = tpu.vector_load %arg7[%swap3A_2013, %swap3A_2014, %swap3A_2015, %swap3A_2016] {strides = array<i32>} : memref<2x2x8x128xf32, #tpu.memory_space<vmem>>, vector<16xf32>,
      tpu.vector_store %arg7[%swap3A_2013, %swap3A_2014, %swap3A_2015, %swap3A_2016], %gather3A_2009 {strides = array<i32>} : memref<2x2x8x128xf32, #tpu.memory_space<vmem>>, vector<16xf32>,
      %gather3A_2018 = tpu.vector_load_idx %arg6[%broadcast_in_dim3A_15, %add3A_1963] : memref<16x1216xf32, #tpu.memory_space<vmem>>[vector<16xi32>, vector<16xi32>], vector<16xf32>,
      %swap3A_2019 = arith.constant 1 : i32
      %swap3A_2020 = arith.constant 0 : i32
      %swap3A_2021 = arith.constant 6 : i32
      %swap3A_2022 = arith.index_cast %swap3A_2019 : i32 to index
      %swap3A_2023 = arith.index_cast %swap3A_2020 : i32 to index
      %swap3A_2024 = arith.index_cast %swap3A_2021 : i32 to index
      %swap3A_2025 = arith.constant 64 : index
      %swap3A_2026 = tpu.vector_load %arg7[%swap3A_2022, %swap3A_2023, %swap3A_2024, %swap3A_2025] {strides = array<i32>} : memref<2x2x8x128xf32, #tpu.memory_space<vmem>>, vector<16xf32>,
      tpu.vector_store %arg7[%swap3A_2022, %swap3A_2023, %swap3A_2024, %swap3A_2025], %gather3A_2018 {strides = array<i32>} : memref<2x2x8x128xf32, #tpu.memory_space<vmem>>, vector<16xf32>,
      %gather3A_2027 = tpu.vector_load_idx %arg6[%broadcast_in_dim3A_17, %add3A_1963] : memref<16x1216xf32, #tpu.memory_space<vmem>>[vector<16xi32>, vector<16xi32>], vector<16xf32>,
      %swap3A_2028 = arith.constant 1 : i32
      %swap3A_2029 = arith.constant 0 : i32
      %swap3A_2030 = arith.constant 7 : i32
      %swap3A_2031 = arith.index_cast %swap3A_2028 : i32 to index
      %swap3A_2032 = arith.index_cast %swap3A_2029 : i32 to index
      %swap3A_2033 = arith.index_cast %swap3A_2030 : i32 to index
      %swap3A_2034 = arith.constant 64 : index
      %swap3A_2035 = tpu.vector_load %arg7[%swap3A_2031, %swap3A_2032, %swap3A_2033, %swap3A_2034] {strides = array<i32>} : memref<2x2x8x128xf32, #tpu.memory_space<vmem>>, vector<16xf32>,
      tpu.vector_store %arg7[%swap3A_2031, %swap3A_2032, %swap3A_2033, %swap3A_2034], %gather3A_2027 {strides = array<i32>} : memref<2x2x8x128xf32, #tpu.memory_space<vmem>>, vector<16xf32>,
      %gather3A_2036 = tpu.vector_load_idx %arg6[%broadcast_in_dim3A_19, %add3A_1963] : memref<16x1216xf32, #tpu.memory_space<vmem>>[vector<16xi32>, vector<16xi32>], vector<16xf32>,
      %swap3A_2037 = arith.constant 1 : i32
      %swap3A_2038 = arith.constant 1 : i32
      %swap3A_2039 = arith.constant 0 : i32
      %swap3A_2040 = arith.index_cast %swap3A_2037 : i32 to index
      %swap3A_2041 = arith.index_cast %swap3A_2038 : i32 to index
      %swap3A_2042 = arith.index_cast %swap3A_2039 : i32 to index
      %swap3A_2043 = arith.constant 64 : index
      %swap3A_2044 = tpu.vector_load %arg7[%swap3A_2040, %swap3A_2041, %swap3A_2042, %swap3A_2043] {strides = array<i32>} : memref<2x2x8x128xf32, #tpu.memory_space<vmem>>, vector<16xf32>,
      tpu.vector_store %arg7[%swap3A_2040, %swap3A_2041, %swap3A_2042, %swap3A_2043], %gather3A_2036 {strides = array<i32>} : memref<2x2x8x128xf32, #tpu.memory_space<vmem>>, vector<16xf32>,
      %gather3A_2045 = tpu.vector_load_idx %arg6[%broadcast_in_dim3A_21, %add3A_1963] : memref<16x1216xf32, #tpu.memory_space<vmem>>[vector<16xi32>, vector<16xi32>], vector<16xf32>,
      %swap3A_2046 = arith.constant 1 : i32
      %swap3A_2047 = arith.constant 1 : i32
      %swap3A_2048 = arith.constant 1 : i32
      %swap3A_2049 = arith.index_cast %swap3A_2046 : i32 to index
      %swap3A_2050 = arith.index_cast %swap3A_2047 : i32 to index
      %swap3A_2051 = arith.index_cast %swap3A_2048 : i32 to index
      %swap3A_2052 = arith.constant 64 : index
      %swap3A_2053 = tpu.vector_load %arg7[%swap3A_2049, %swap3A_2050, %swap3A_2051, %swap3A_2052] {strides = array<i32>} : memref<2x2x8x128xf32, #tpu.memory_space<vmem>>, vector<16xf32>,
      tpu.vector_store %arg7[%swap3A_2049, %swap3A_2050, %swap3A_2051, %swap3A_2052], %gather3A_2045 {strides = array<i32>} : memref<2x2x8x128xf32, #tpu.memory_space<vmem>>, vector<16xf32>,
      %gather3A_2054 = tpu.vector_load_idx %arg6[%broadcast_in_dim3A_23, %add3A_1963] : memref<16x1216xf32, #tpu.memory_space<vmem>>[vector<16xi32>, vector<16xi32>], vector<16xf32>,
      %swap3A_2055 = arith.constant 1 : i32
      %swap3A_2056 = arith.constant 1 : i32
      %swap3A_2057 = arith.constant 2 : i32
      %swap3A_2058 = arith.index_cast %swap3A_2055 : i32 to index
      %swap3A_2059 = arith.index_cast %swap3A_2056 : i32 to index
      %swap3A_2060 = arith.index_cast %swap3A_2057 : i32 to index
      %swap3A_2061 = arith.constant 64 : index
      %swap3A_2062 = tpu.vector_load %arg7[%swap3A_2058, %swap3A_2059, %swap3A_2060, %swap3A_2061] {strides = array<i32>} : memref<2x2x8x128xf32, #tpu.memory_space<vmem>>, vector<16xf32>,
      tpu.vector_store %arg7[%swap3A_2058, %swap3A_2059, %swap3A_2060, %swap3A_2061], %gather3A_2054 {strides = array<i32>} : memref<2x2x8x128xf32, #tpu.memory_space<vmem>>, vector<16xf32>,
      %gather3A_2063 = tpu.vector_load_idx %arg6[%broadcast_in_dim3A_25, %add3A_1963] : memref<16x1216xf32, #tpu.memory_space<vmem>>[vector<16xi32>, vector<16xi32>], vector<16xf32>,
      %swap3A_2064 = arith.constant 1 : i32
      %swap3A_2065 = arith.constant 1 : i32
      %swap3A_2066 = arith.constant 3 : i32
      %swap3A_2067 = arith.index_cast %swap3A_2064 : i32 to index
      %swap3A_2068 = arith.index_cast %swap3A_2065 : i32 to index
      %swap3A_2069 = arith.index_cast %swap3A_2066 : i32 to index
      %swap3A_2070 = arith.constant 64 : index
      %swap3A_2071 = tpu.vector_load %arg7[%swap3A_2067, %swap3A_2068, %swap3A_2069, %swap3A_2070] {strides = array<i32>} : memref<2x2x8x128xf32, #tpu.memory_space<vmem>>, vector<16xf32>,
      tpu.vector_store %arg7[%swap3A_2067, %swap3A_2068, %swap3A_2069, %swap3A_2070], %gather3A_2063 {strides = array<i32>} : memref<2x2x8x128xf32, #tpu.memory_space<vmem>>, vector<16xf32>,
      %gather3A_2072 = tpu.vector_load_idx %arg6[%broadcast_in_dim3A_27, %add3A_1963] : memref<16x1216xf32, #tpu.memory_space<vmem>>[vector<16xi32>, vector<16xi32>], vector<16xf32>,
      %swap3A_2073 = arith.constant 1 : i32
      %swap3A_2074 = arith.constant 1 : i32
      %swap3A_2075 = arith.constant 4 : i32
      %swap3A_2076 = arith.index_cast %swap3A_2073 : i32 to index
      %swap3A_2077 = arith.index_cast %swap3A_2074 : i32 to index
      %swap3A_2078 = arith.index_cast %swap3A_2075 : i32 to index
      %swap3A_2079 = arith.constant 64 : index
      %swap3A_2080 = tpu.vector_load %arg7[%swap3A_2076, %swap3A_2077, %swap3A_2078, %swap3A_2079] {strides = array<i32>} : memref<2x2x8x128xf32, #tpu.memory_space<vmem>>, vector<16xf32>,
      tpu.vector_store %arg7[%swap3A_2076, %swap3A_2077, %swap3A_2078, %swap3A_2079], %gather3A_2072 {strides = array<i32>} : memref<2x2x8x128xf32, #tpu.memory_space<vmem>>, vector<16xf32>,
      %gather3A_2081 = tpu.vector_load_idx %arg6[%broadcast_in_dim3A_29, %add3A_1963] : memref<16x1216xf32, #tpu.memory_space<vmem>>[vector<16xi32>, vector<16xi32>], vector<16xf32>,
      %swap3A_2082 = arith.constant 1 : i32
      %swap3A_2083 = arith.constant 1 : i32
      %swap3A_2084 = arith.constant 5 : i32
      %swap3A_2085 = arith.index_cast %swap3A_2082 : i32 to index
      %swap3A_2086 = arith.index_cast %swap3A_2083 : i32 to index
      %swap3A_2087 = arith.index_cast %swap3A_2084 : i32 to index
      %swap3A_2088 = arith.constant 64 : index
      %swap3A_2089 = tpu.vector_load %arg7[%swap3A_2085, %swap3A_2086, %swap3A_2087, %swap3A_2088] {strides = array<i32>} : memref<2x2x8x128xf32, #tpu.memory_space<vmem>>, vector<16xf32>,
      tpu.vector_store %arg7[%swap3A_2085, %swap3A_2086, %swap3A_2087, %swap3A_2088], %gather3A_2081 {strides = array<i32>} : memref<2x2x8x128xf32, #tpu.memory_space<vmem>>, vector<16xf32>,
      %gather3A_2090 = tpu.vector_load_idx %arg6[%broadcast_in_dim3A_31, %add3A_1963] : memref<16x1216xf32, #tpu.memory_space<vmem>>[vector<16xi32>, vector<16xi32>], vector<16xf32>,
      %swap3A_2091 = arith.constant 1 : i32
      %swap3A_2092 = arith.constant 1 : i32
      %swap3A_2093 = arith.constant 6 : i32
      %swap3A_2094 = arith.index_cast %swap3A_2091 : i32 to index
      %swap3A_2095 = arith.index_cast %swap3A_2092 : i32 to index
      %swap3A_2096 = arith.index_cast %swap3A_2093 : i32 to index
      %swap3A_2097 = arith.constant 64 : index
      %swap3A_2098 = tpu.vector_load %arg7[%swap3A_2094, %swap3A_2095, %swap3A_2096, %swap3A_2097] {strides = array<i32>} : memref<2x2x8x128xf32, #tpu.memory_space<vmem>>, vector<16xf32>,
      tpu.vector_store %arg7[%swap3A_2094, %swap3A_2095, %swap3A_2096, %swap3A_2097], %gather3A_2090 {strides = array<i32>} : memref<2x2x8x128xf32, #tpu.memory_space<vmem>>, vector<16xf32>,
      %gather3A_2099 = tpu.vector_load_idx %arg6[%broadcast_in_dim3A_33, %add3A_1963] : memref<16x1216xf32, #tpu.memory_space<vmem>>[vector<16xi32>, vector<16xi32>], vector<16xf32>,
      %swap3A_2100 = arith.constant 1 : i32
      %swap3A_2101 = arith.constant 1 : i32
      %swap3A_2102 = arith.constant 7 : i32
      %swap3A_2103 = arith.index_cast %swap3A_2100 : i32 to index
      %swap3A_2104 = arith.index_cast %swap3A_2101 : i32 to index
      %swap3A_2105 = arith.index_cast %swap3A_2102 : i32 to index
      %swap3A_2106 = arith.constant 64 : index
      %swap3A_2107 = tpu.vector_load %arg7[%swap3A_2103, %swap3A_2104, %swap3A_2105, %swap3A_2106] {strides = array<i32>} : memref<2x2x8x128xf32, #tpu.memory_space<vmem>>, vector<16xf32>,
      tpu.vector_store %arg7[%swap3A_2103, %swap3A_2104, %swap3A_2105, %swap3A_2106], %gather3A_2099 {strides = array<i32>} : memref<2x2x8x128xf32, #tpu.memory_space<vmem>>, vector<16xf32>,
      %mul3A_2108 = arith.constant 128 : i32
      %mul3A_2109 = arith.muli %add3A_1338, %mul3A_2108 : i32
      %add3A_2110 = arith.constant 80 : i32
      %add3A_2111 = arith.addi %mul3A_2109, %add3A_2110 : i32
      %get3A_2112 = arith.index_cast %add3A_2111 : i32 to index
      %get3A_2113 = tpu.vector_load %arg5[%get3A_2112] {strides = array<i32>} : memref<9728xi32, #tpu.memory_space<vmem>>, vector<16xi32>,
      %add3A_2114 = vector.broadcast %mul3A_1347 : i32 to vector<16xi32>
      %add3A_2115 = arith.addi %get3A_2113, %add3A_2114 : vector<16xi32>
      %gather3A_2116 = tpu.vector_load_idx %arg6[%broadcast_in_dim3A_3, %add3A_2115] : memref<16x1216xf32, #tpu.memory_space<vmem>>[vector<16xi32>, vector<16xi32>], vector<16xf32>,
      %swap3A_2117 = arith.constant 1 : i32
      %swap3A_2118 = arith.constant 0 : i32
      %swap3A_2119 = arith.constant 0 : i32
      %swap3A_2120 = arith.index_cast %swap3A_2117 : i32 to index
      %swap3A_2121 = arith.index_cast %swap3A_2118 : i32 to index
      %swap3A_2122 = arith.index_cast %swap3A_2119 : i32 to index
      %swap3A_2123 = arith.constant 80 : index
      %swap3A_2124 = tpu.vector_load %arg7[%swap3A_2120, %swap3A_2121, %swap3A_2122, %swap3A_2123] {strides = array<i32>} : memref<2x2x8x128xf32, #tpu.memory_space<vmem>>, vector<16xf32>,
      tpu.vector_store %arg7[%swap3A_2120, %swap3A_2121, %swap3A_2122, %swap3A_2123], %gather3A_2116 {strides = array<i32>} : memref<2x2x8x128xf32, #tpu.memory_space<vmem>>, vector<16xf32>,
      %gather3A_2125 = tpu.vector_load_idx %arg6[%broadcast_in_dim3A_5, %add3A_2115] : memref<16x1216xf32, #tpu.memory_space<vmem>>[vector<16xi32>, vector<16xi32>], vector<16xf32>,
      %swap3A_2126 = arith.constant 1 : i32
      %swap3A_2127 = arith.constant 0 : i32
      %swap3A_2128 = arith.constant 1 : i32
      %swap3A_2129 = arith.index_cast %swap3A_2126 : i32 to index
      %swap3A_2130 = arith.index_cast %swap3A_2127 : i32 to index
      %swap3A_2131 = arith.index_cast %swap3A_2128 : i32 to index
      %swap3A_2132 = arith.constant 80 : index
      %swap3A_2133 = tpu.vector_load %arg7[%swap3A_2129, %swap3A_2130, %swap3A_2131, %swap3A_2132] {strides = array<i32>} : memref<2x2x8x128xf32, #tpu.memory_space<vmem>>, vector<16xf32>,
      tpu.vector_store %arg7[%swap3A_2129, %swap3A_2130, %swap3A_2131, %swap3A_2132], %gather3A_2125 {strides = array<i32>} : memref<2x2x8x128xf32, #tpu.memory_space<vmem>>, vector<16xf32>,
      %gather3A_2134 = tpu.vector_load_idx %arg6[%broadcast_in_dim3A_7, %add3A_2115] : memref<16x1216xf32, #tpu.memory_space<vmem>>[vector<16xi32>, vector<16xi32>], vector<16xf32>,
      %swap3A_2135 = arith.constant 1 : i32
      %swap3A_2136 = arith.constant 0 : i32
      %swap3A_2137 = arith.constant 2 : i32
      %swap3A_2138 = arith.index_cast %swap3A_2135 : i32 to index
      %swap3A_2139 = arith.index_cast %swap3A_2136 : i32 to index
      %swap3A_2140 = arith.index_cast %swap3A_2137 : i32 to index
      %swap3A_2141 = arith.constant 80 : index
      %swap3A_2142 = tpu.vector_load %arg7[%swap3A_2138, %swap3A_2139, %swap3A_2140, %swap3A_2141] {strides = array<i32>} : memref<2x2x8x128xf32, #tpu.memory_space<vmem>>, vector<16xf32>,
      tpu.vector_store %arg7[%swap3A_2138, %swap3A_2139, %swap3A_2140, %swap3A_2141], %gather3A_2134 {strides = array<i32>} : memref<2x2x8x128xf32, #tpu.memory_space<vmem>>, vector<16xf32>,
      %gather3A_2143 = tpu.vector_load_idx %arg6[%broadcast_in_dim3A_9, %add3A_2115] : memref<16x1216xf32, #tpu.memory_space<vmem>>[vector<16xi32>, vector<16xi32>], vector<16xf32>,
      %swap3A_2144 = arith.constant 1 : i32
      %swap3A_2145 = arith.constant 0 : i32
      %swap3A_2146 = arith.constant 3 : i32
      %swap3A_2147 = arith.index_cast %swap3A_2144 : i32 to index
      %swap3A_2148 = arith.index_cast %swap3A_2145 : i32 to index
      %swap3A_2149 = arith.index_cast %swap3A_2146 : i32 to index
      %swap3A_2150 = arith.constant 80 : index
      %swap3A_2151 = tpu.vector_load %arg7[%swap3A_2147, %swap3A_2148, %swap3A_2149, %swap3A_2150] {strides = array<i32>} : memref<2x2x8x128xf32, #tpu.memory_space<vmem>>, vector<16xf32>,
      tpu.vector_store %arg7[%swap3A_2147, %swap3A_2148, %swap3A_2149, %swap3A_2150], %gather3A_2143 {strides = array<i32>} : memref<2x2x8x128xf32, #tpu.memory_space<vmem>>, vector<16xf32>,
      %gather3A_2152 = tpu.vector_load_idx %arg6[%broadcast_in_dim3A_11, %add3A_2115] : memref<16x1216xf32, #tpu.memory_space<vmem>>[vector<16xi32>, vector<16xi32>], vector<16xf32>,
      %swap3A_2153 = arith.constant 1 : i32
      %swap3A_2154 = arith.constant 0 : i32
      %swap3A_2155 = arith.constant 4 : i32
      %swap3A_2156 = arith.index_cast %swap3A_2153 : i32 to index
      %swap3A_2157 = arith.index_cast %swap3A_2154 : i32 to index
      %swap3A_2158 = arith.index_cast %swap3A_2155 : i32 to index
      %swap3A_2159 = arith.constant 80 : index
      %swap3A_2160 = tpu.vector_load %arg7[%swap3A_2156, %swap3A_2157, %swap3A_2158, %swap3A_2159] {strides = array<i32>} : memref<2x2x8x128xf32, #tpu.memory_space<vmem>>, vector<16xf32>,
      tpu.vector_store %arg7[%swap3A_2156, %swap3A_2157, %swap3A_2158, %swap3A_2159], %gather3A_2152 {strides = array<i32>} : memref<2x2x8x128xf32, #tpu.memory_space<vmem>>, vector<16xf32>,
      %gather3A_2161 = tpu.vector_load_idx %arg6[%broadcast_in_dim3A_13, %add3A_2115] : memref<16x1216xf32, #tpu.memory_space<vmem>>[vector<16xi32>, vector<16xi32>], vector<16xf32>,
      %swap3A_2162 = arith.constant 1 : i32
      %swap3A_2163 = arith.constant 0 : i32
      %swap3A_2164 = arith.constant 5 : i32
      %swap3A_2165 = arith.index_cast %swap3A_2162 : i32 to index
      %swap3A_2166 = arith.index_cast %swap3A_2163 : i32 to index
      %swap3A_2167 = arith.index_cast %swap3A_2164 : i32 to index
      %swap3A_2168 = arith.constant 80 : index
      %swap3A_2169 = tpu.vector_load %arg7[%swap3A_2165, %swap3A_2166, %swap3A_2167, %swap3A_2168] {strides = array<i32>} : memref<2x2x8x128xf32, #tpu.memory_space<vmem>>, vector<16xf32>,
      tpu.vector_store %arg7[%swap3A_2165, %swap3A_2166, %swap3A_2167, %swap3A_2168], %gather3A_2161 {strides = array<i32>} : memref<2x2x8x128xf32, #tpu.memory_space<vmem>>, vector<16xf32>,
      %gather3A_2170 = tpu.vector_load_idx %arg6[%broadcast_in_dim3A_15, %add3A_2115] : memref<16x1216xf32, #tpu.memory_space<vmem>>[vector<16xi32>, vector<16xi32>], vector<16xf32>,
      %swap3A_2171 = arith.constant 1 : i32
      %swap3A_2172 = arith.constant 0 : i32
      %swap3A_2173 = arith.constant 6 : i32
      %swap3A_2174 = arith.index_cast %swap3A_2171 : i32 to index
      %swap3A_2175 = arith.index_cast %swap3A_2172 : i32 to index
      %swap3A_2176 = arith.index_cast %swap3A_2173 : i32 to index
      %swap3A_2177 = arith.constant 80 : index
      %swap3A_2178 = tpu.vector_load %arg7[%swap3A_2174, %swap3A_2175, %swap3A_2176, %swap3A_2177] {strides = array<i32>} : memref<2x2x8x128xf32, #tpu.memory_space<vmem>>, vector<16xf32>,
      tpu.vector_store %arg7[%swap3A_2174, %swap3A_2175, %swap3A_2176, %swap3A_2177], %gather3A_2170 {strides = array<i32>} : memref<2x2x8x128xf32, #tpu.memory_space<vmem>>, vector<16xf32>,
      %gather3A_2179 = tpu.vector_load_idx %arg6[%broadcast_in_dim3A_17, %add3A_2115] : memref<16x1216xf32, #tpu.memory_space<vmem>>[vector<16xi32>, vector<16xi32>], vector<16xf32>,
      %swap3A_2180 = arith.constant 1 : i32
      %swap3A_2181 = arith.constant 0 : i32
      %swap3A_2182 = arith.constant 7 : i32
      %swap3A_2183 = arith.index_cast %swap3A_2180 : i32 to index
      %swap3A_2184 = arith.index_cast %swap3A_2181 : i32 to index
      %swap3A_2185 = arith.index_cast %swap3A_2182 : i32 to index
      %swap3A_2186 = arith.constant 80 : index
      %swap3A_2187 = tpu.vector_load %arg7[%swap3A_2183, %swap3A_2184, %swap3A_2185, %swap3A_2186] {strides = array<i32>} : memref<2x2x8x128xf32, #tpu.memory_space<vmem>>, vector<16xf32>,
      tpu.vector_store %arg7[%swap3A_2183, %swap3A_2184, %swap3A_2185, %swap3A_2186], %gather3A_2179 {strides = array<i32>} : memref<2x2x8x128xf32, #tpu.memory_space<vmem>>, vector<16xf32>,
      %gather3A_2188 = tpu.vector_load_idx %arg6[%broadcast_in_dim3A_19, %add3A_2115] : memref<16x1216xf32, #tpu.memory_space<vmem>>[vector<16xi32>, vector<16xi32>], vector<16xf32>,
      %swap3A_2189 = arith.constant 1 : i32
      %swap3A_2190 = arith.constant 1 : i32
      %swap3A_2191 = arith.constant 0 : i32
      %swap3A_2192 = arith.index_cast %swap3A_2189 : i32 to index
      %swap3A_2193 = arith.index_cast %swap3A_2190 : i32 to index
      %swap3A_2194 = arith.index_cast %swap3A_2191 : i32 to index
      %swap3A_2195 = arith.constant 80 : index
      %swap3A_2196 = tpu.vector_load %arg7[%swap3A_2192, %swap3A_2193, %swap3A_2194, %swap3A_2195] {strides = array<i32>} : memref<2x2x8x128xf32, #tpu.memory_space<vmem>>, vector<16xf32>,
      tpu.vector_store %arg7[%swap3A_2192, %swap3A_2193, %swap3A_2194, %swap3A_2195], %gather3A_2188 {strides = array<i32>} : memref<2x2x8x128xf32, #tpu.memory_space<vmem>>, vector<16xf32>,
      %gather3A_2197 = tpu.vector_load_idx %arg6[%broadcast_in_dim3A_21, %add3A_2115] : memref<16x1216xf32, #tpu.memory_space<vmem>>[vector<16xi32>, vector<16xi32>], vector<16xf32>,
      %swap3A_2198 = arith.constant 1 : i32
      %swap3A_2199 = arith.constant 1 : i32
      %swap3A_2200 = arith.constant 1 : i32
      %swap3A_2201 = arith.index_cast %swap3A_2198 : i32 to index
      %swap3A_2202 = arith.index_cast %swap3A_2199 : i32 to index
      %swap3A_2203 = arith.index_cast %swap3A_2200 : i32 to index
      %swap3A_2204 = arith.constant 80 : index
      %swap3A_2205 = tpu.vector_load %arg7[%swap3A_2201, %swap3A_2202, %swap3A_2203, %swap3A_2204] {strides = array<i32>} : memref<2x2x8x128xf32, #tpu.memory_space<vmem>>, vector<16xf32>,
      tpu.vector_store %arg7[%swap3A_2201, %swap3A_2202, %swap3A_2203, %swap3A_2204], %gather3A_2197 {strides = array<i32>} : memref<2x2x8x128xf32, #tpu.memory_space<vmem>>, vector<16xf32>,
      %gather3A_2206 = tpu.vector_load_idx %arg6[%broadcast_in_dim3A_23, %add3A_2115] : memref<16x1216xf32, #tpu.memory_space<vmem>>[vector<16xi32>, vector<16xi32>], vector<16xf32>,
      %swap3A_2207 = arith.constant 1 : i32
      %swap3A_2208 = arith.constant 1 : i32
      %swap3A_2209 = arith.constant 2 : i32
      %swap3A_2210 = arith.index_cast %swap3A_2207 : i32 to index
      %swap3A_2211 = arith.index_cast %swap3A_2208 : i32 to index
      %swap3A_2212 = arith.index_cast %swap3A_2209 : i32 to index
      %swap3A_2213 = arith.constant 80 : index
      %swap3A_2214 = tpu.vector_load %arg7[%swap3A_2210, %swap3A_2211, %swap3A_2212, %swap3A_2213] {strides = array<i32>} : memref<2x2x8x128xf32, #tpu.memory_space<vmem>>, vector<16xf32>,
      tpu.vector_store %arg7[%swap3A_2210, %swap3A_2211, %swap3A_2212, %swap3A_2213], %gather3A_2206 {strides = array<i32>} : memref<2x2x8x128xf32, #tpu.memory_space<vmem>>, vector<16xf32>,
      %gather3A_2215 = tpu.vector_load_idx %arg6[%broadcast_in_dim3A_25, %add3A_2115] : memref<16x1216xf32, #tpu.memory_space<vmem>>[vector<16xi32>, vector<16xi32>], vector<16xf32>,
      %swap3A_2216 = arith.constant 1 : i32
      %swap3A_2217 = arith.constant 1 : i32
      %swap3A_2218 = arith.constant 3 : i32
      %swap3A_2219 = arith.index_cast %swap3A_2216 : i32 to index
      %swap3A_2220 = arith.index_cast %swap3A_2217 : i32 to index
      %swap3A_2221 = arith.index_cast %swap3A_2218 : i32 to index
      %swap3A_2222 = arith.constant 80 : index
      %swap3A_2223 = tpu.vector_load %arg7[%swap3A_2219, %swap3A_2220, %swap3A_2221, %swap3A_2222] {strides = array<i32>} : memref<2x2x8x128xf32, #tpu.memory_space<vmem>>, vector<16xf32>,
      tpu.vector_store %arg7[%swap3A_2219, %swap3A_2220, %swap3A_2221, %swap3A_2222], %gather3A_2215 {strides = array<i32>} : memref<2x2x8x128xf32, #tpu.memory_space<vmem>>, vector<16xf32>,
      %gather3A_2224 = tpu.vector_load_idx %arg6[%broadcast_in_dim3A_27, %add3A_2115] : memref<16x1216xf32, #tpu.memory_space<vmem>>[vector<16xi32>, vector<16xi32>], vector<16xf32>,
      %swap3A_2225 = arith.constant 1 : i32
      %swap3A_2226 = arith.constant 1 : i32
      %swap3A_2227 = arith.constant 4 : i32
      %swap3A_2228 = arith.index_cast %swap3A_2225 : i32 to index
      %swap3A_2229 = arith.index_cast %swap3A_2226 : i32 to index
      %swap3A_2230 = arith.index_cast %swap3A_2227 : i32 to index
      %swap3A_2231 = arith.constant 80 : index
      %swap3A_2232 = tpu.vector_load %arg7[%swap3A_2228, %swap3A_2229, %swap3A_2230, %swap3A_2231] {strides = array<i32>} : memref<2x2x8x128xf32, #tpu.memory_space<vmem>>, vector<16xf32>,
      tpu.vector_store %arg7[%swap3A_2228, %swap3A_2229, %swap3A_2230, %swap3A_2231], %gather3A_2224 {strides = array<i32>} : memref<2x2x8x128xf32, #tpu.memory_space<vmem>>, vector<16xf32>,
      %gather3A_2233 = tpu.vector_load_idx %arg6[%broadcast_in_dim3A_29, %add3A_2115] : memref<16x1216xf32, #tpu.memory_space<vmem>>[vector<16xi32>, vector<16xi32>], vector<16xf32>,
      %swap3A_2234 = arith.constant 1 : i32
      %swap3A_2235 = arith.constant 1 : i32
      %swap3A_2236 = arith.constant 5 : i32
      %swap3A_2237 = arith.index_cast %swap3A_2234 : i32 to index
      %swap3A_2238 = arith.index_cast %swap3A_2235 : i32 to index
      %swap3A_2239 = arith.index_cast %swap3A_2236 : i32 to index
      %swap3A_2240 = arith.constant 80 : index
      %swap3A_2241 = tpu.vector_load %arg7[%swap3A_2237, %swap3A_2238, %swap3A_2239, %swap3A_2240] {strides = array<i32>} : memref<2x2x8x128xf32, #tpu.memory_space<vmem>>, vector<16xf32>,
      tpu.vector_store %arg7[%swap3A_2237, %swap3A_2238, %swap3A_2239, %swap3A_2240], %gather3A_2233 {strides = array<i32>} : memref<2x2x8x128xf32, #tpu.memory_space<vmem>>, vector<16xf32>,
      %gather3A_2242 = tpu.vector_load_idx %arg6[%broadcast_in_dim3A_31, %add3A_2115] : memref<16x1216xf32, #tpu.memory_space<vmem>>[vector<16xi32>, vector<16xi32>], vector<16xf32>,
      %swap3A_2243 = arith.constant 1 : i32
      %swap3A_2244 = arith.constant 1 : i32
      %swap3A_2245 = arith.constant 6 : i32
      %swap3A_2246 = arith.index_cast %swap3A_2243 : i32 to index
      %swap3A_2247 = arith.index_cast %swap3A_2244 : i32 to index
      %swap3A_2248 = arith.index_cast %swap3A_2245 : i32 to index
      %swap3A_2249 = arith.constant 80 : index
      %swap3A_2250 = tpu.vector_load %arg7[%swap3A_2246, %swap3A_2247, %swap3A_2248, %swap3A_2249] {strides = array<i32>} : memref<2x2x8x128xf32, #tpu.memory_space<vmem>>, vector<16xf32>,
      tpu.vector_store %arg7[%swap3A_2246, %swap3A_2247, %swap3A_2248, %swap3A_2249], %gather3A_2242 {strides = array<i32>} : memref<2x2x8x128xf32, #tpu.memory_space<vmem>>, vector<16xf32>,
      %gather3A_2251 = tpu.vector_load_idx %arg6[%broadcast_in_dim3A_33, %add3A_2115] : memref<16x1216xf32, #tpu.memory_space<vmem>>[vector<16xi32>, vector<16xi32>], vector<16xf32>,
      %swap3A_2252 = arith.constant 1 : i32
      %swap3A_2253 = arith.constant 1 : i32
      %swap3A_2254 = arith.constant 7 : i32
      %swap3A_2255 = arith.index_cast %swap3A_2252 : i32 to index
      %swap3A_2256 = arith.index_cast %swap3A_2253 : i32 to index
      %swap3A_2257 = arith.index_cast %swap3A_2254 : i32 to index
      %swap3A_2258 = arith.constant 80 : index
      %swap3A_2259 = tpu.vector_load %arg7[%swap3A_2255, %swap3A_2256, %swap3A_2257, %swap3A_2258] {strides = array<i32>} : memref<2x2x8x128xf32, #tpu.memory_space<vmem>>, vector<16xf32>,
      tpu.vector_store %arg7[%swap3A_2255, %swap3A_2256, %swap3A_2257, %swap3A_2258], %gather3A_2251 {strides = array<i32>} : memref<2x2x8x128xf32, #tpu.memory_space<vmem>>, vector<16xf32>,
      %mul3A_2260 = arith.constant 128 : i32
      %mul3A_2261 = arith.muli %add3A_1338, %mul3A_2260 : i32
      %add3A_2262 = arith.constant 96 : i32
      %add3A_2263 = arith.addi %mul3A_2261, %add3A_2262 : i32
      %get3A_2264 = arith.index_cast %add3A_2263 : i32 to index
      %get3A_2265 = tpu.vector_load %arg5[%get3A_2264] {strides = array<i32>} : memref<9728xi32, #tpu.memory_space<vmem>>, vector<16xi32>,
      %add3A_2266 = vector.broadcast %mul3A_1347 : i32 to vector<16xi32>
      %add3A_2267 = arith.addi %get3A_2265, %add3A_2266 : vector<16xi32>
      %gather3A_2268 = tpu.vector_load_idx %arg6[%broadcast_in_dim3A_3, %add3A_2267] : memref<16x1216xf32, #tpu.memory_space<vmem>>[vector<16xi32>, vector<16xi32>], vector<16xf32>,
      %swap3A_2269 = arith.constant 1 : i32
      %swap3A_2270 = arith.constant 0 : i32
      %swap3A_2271 = arith.constant 0 : i32
      %swap3A_2272 = arith.index_cast %swap3A_2269 : i32 to index
      %swap3A_2273 = arith.index_cast %swap3A_2270 : i32 to index
      %swap3A_2274 = arith.index_cast %swap3A_2271 : i32 to index
      %swap3A_2275 = arith.constant 96 : index
      %swap3A_2276 = tpu.vector_load %arg7[%swap3A_2272, %swap3A_2273, %swap3A_2274, %swap3A_2275] {strides = array<i32>} : memref<2x2x8x128xf32, #tpu.memory_space<vmem>>, vector<16xf32>,
      tpu.vector_store %arg7[%swap3A_2272, %swap3A_2273, %swap3A_2274, %swap3A_2275], %gather3A_2268 {strides = array<i32>} : memref<2x2x8x128xf32, #tpu.memory_space<vmem>>, vector<16xf32>,
      %gather3A_2277 = tpu.vector_load_idx %arg6[%broadcast_in_dim3A_5, %add3A_2267] : memref<16x1216xf32, #tpu.memory_space<vmem>>[vector<16xi32>, vector<16xi32>], vector<16xf32>,
      %swap3A_2278 = arith.constant 1 : i32
      %swap3A_2279 = arith.constant 0 : i32
      %swap3A_2280 = arith.constant 1 : i32
      %swap3A_2281 = arith.index_cast %swap3A_2278 : i32 to index
      %swap3A_2282 = arith.index_cast %swap3A_2279 : i32 to index
      %swap3A_2283 = arith.index_cast %swap3A_2280 : i32 to index
      %swap3A_2284 = arith.constant 96 : index
      %swap3A_2285 = tpu.vector_load %arg7[%swap3A_2281, %swap3A_2282, %swap3A_2283, %swap3A_2284] {strides = array<i32>} : memref<2x2x8x128xf32, #tpu.memory_space<vmem>>, vector<16xf32>,
      tpu.vector_store %arg7[%swap3A_2281, %swap3A_2282, %swap3A_2283, %swap3A_2284], %gather3A_2277 {strides = array<i32>} : memref<2x2x8x128xf32, #tpu.memory_space<vmem>>, vector<16xf32>,
      %gather3A_2286 = tpu.vector_load_idx %arg6[%broadcast_in_dim3A_7, %add3A_2267] : memref<16x1216xf32, #tpu.memory_space<vmem>>[vector<16xi32>, vector<16xi32>], vector<16xf32>,
      %swap3A_2287 = arith.constant 1 : i32
      %swap3A_2288 = arith.constant 0 : i32
      %swap3A_2289 = arith.constant 2 : i32
      %swap3A_2290 = arith.index_cast %swap3A_2287 : i32 to index
      %swap3A_2291 = arith.index_cast %swap3A_2288 : i32 to index
      %swap3A_2292 = arith.index_cast %swap3A_2289 : i32 to index
      %swap3A_2293 = arith.constant 96 : index
      %swap3A_2294 = tpu.vector_load %arg7[%swap3A_2290, %swap3A_2291, %swap3A_2292, %swap3A_2293] {strides = array<i32>} : memref<2x2x8x128xf32, #tpu.memory_space<vmem>>, vector<16xf32>,
      tpu.vector_store %arg7[%swap3A_2290, %swap3A_2291, %swap3A_2292, %swap3A_2293], %gather3A_2286 {strides = array<i32>} : memref<2x2x8x128xf32, #tpu.memory_space<vmem>>, vector<16xf32>,
      %gather3A_2295 = tpu.vector_load_idx %arg6[%broadcast_in_dim3A_9, %add3A_2267] : memref<16x1216xf32, #tpu.memory_space<vmem>>[vector<16xi32>, vector<16xi32>], vector<16xf32>,
      %swap3A_2296 = arith.constant 1 : i32
      %swap3A_2297 = arith.constant 0 : i32
      %swap3A_2298 = arith.constant 3 : i32
      %swap3A_2299 = arith.index_cast %swap3A_2296 : i32 to index
      %swap3A_2300 = arith.index_cast %swap3A_2297 : i32 to index
      %swap3A_2301 = arith.index_cast %swap3A_2298 : i32 to index
      %swap3A_2302 = arith.constant 96 : index
      %swap3A_2303 = tpu.vector_load %arg7[%swap3A_2299, %swap3A_2300, %swap3A_2301, %swap3A_2302] {strides = array<i32>} : memref<2x2x8x128xf32, #tpu.memory_space<vmem>>, vector<16xf32>,
      tpu.vector_store %arg7[%swap3A_2299, %swap3A_2300, %swap3A_2301, %swap3A_2302], %gather3A_2295 {strides = array<i32>} : memref<2x2x8x128xf32, #tpu.memory_space<vmem>>, vector<16xf32>,
      %gather3A_2304 = tpu.vector_load_idx %arg6[%broadcast_in_dim3A_11, %add3A_2267] : memref<16x1216xf32, #tpu.memory_space<vmem>>[vector<16xi32>, vector<16xi32>], vector<16xf32>,
      %swap3A_2305 = arith.constant 1 : i32
      %swap3A_2306 = arith.constant 0 : i32
      %swap3A_2307 = arith.constant 4 : i32
      %swap3A_2308 = arith.index_cast %swap3A_2305 : i32 to index
      %swap3A_2309 = arith.index_cast %swap3A_2306 : i32 to index
      %swap3A_2310 = arith.index_cast %swap3A_2307 : i32 to index
      %swap3A_2311 = arith.constant 96 : index
      %swap3A_2312 = tpu.vector_load %arg7[%swap3A_2308, %swap3A_2309, %swap3A_2310, %swap3A_2311] {strides = array<i32>} : memref<2x2x8x128xf32, #tpu.memory_space<vmem>>, vector<16xf32>,
      tpu.vector_store %arg7[%swap3A_2308, %swap3A_2309, %swap3A_2310, %swap3A_2311], %gather3A_2304 {strides = array<i32>} : memref<2x2x8x128xf32, #tpu.memory_space<vmem>>, vector<16xf32>,
      %gather3A_2313 = tpu.vector_load_idx %arg6[%broadcast_in_dim3A_13, %add3A_2267] : memref<16x1216xf32, #tpu.memory_space<vmem>>[vector<16xi32>, vector<16xi32>], vector<16xf32>,
      %swap3A_2314 = arith.constant 1 : i32
      %swap3A_2315 = arith.constant 0 : i32
      %swap3A_2316 = arith.constant 5 : i32
      %swap3A_2317 = arith.index_cast %swap3A_2314 : i32 to index
      %swap3A_2318 = arith.index_cast %swap3A_2315 : i32 to index
      %swap3A_2319 = arith.index_cast %swap3A_2316 : i32 to index
      %swap3A_2320 = arith.constant 96 : index
      %swap3A_2321 = tpu.vector_load %arg7[%swap3A_2317, %swap3A_2318, %swap3A_2319, %swap3A_2320] {strides = array<i32>} : memref<2x2x8x128xf32, #tpu.memory_space<vmem>>, vector<16xf32>,
      tpu.vector_store %arg7[%swap3A_2317, %swap3A_2318, %swap3A_2319, %swap3A_2320], %gather3A_2313 {strides = array<i32>} : memref<2x2x8x128xf32, #tpu.memory_space<vmem>>, vector<16xf32>,
      %gather3A_2322 = tpu.vector_load_idx %arg6[%broadcast_in_dim3A_15, %add3A_2267] : memref<16x1216xf32, #tpu.memory_space<vmem>>[vector<16xi32>, vector<16xi32>], vector<16xf32>,
      %swap3A_2323 = arith.constant 1 : i32
      %swap3A_2324 = arith.constant 0 : i32
      %swap3A_2325 = arith.constant 6 : i32
      %swap3A_2326 = arith.index_cast %swap3A_2323 : i32 to index
      %swap3A_2327 = arith.index_cast %swap3A_2324 : i32 to index
      %swap3A_2328 = arith.index_cast %swap3A_2325 : i32 to index
      %swap3A_2329 = arith.constant 96 : index
      %swap3A_2330 = tpu.vector_load %arg7[%swap3A_2326, %swap3A_2327, %swap3A_2328, %swap3A_2329] {strides = array<i32>} : memref<2x2x8x128xf32, #tpu.memory_space<vmem>>, vector<16xf32>,
      tpu.vector_store %arg7[%swap3A_2326, %swap3A_2327, %swap3A_2328, %swap3A_2329], %gather3A_2322 {strides = array<i32>} : memref<2x2x8x128xf32, #tpu.memory_space<vmem>>, vector<16xf32>,
      %gather3A_2331 = tpu.vector_load_idx %arg6[%broadcast_in_dim3A_17, %add3A_2267] : memref<16x1216xf32, #tpu.memory_space<vmem>>[vector<16xi32>, vector<16xi32>], vector<16xf32>,
      %swap3A_2332 = arith.constant 1 : i32
      %swap3A_2333 = arith.constant 0 : i32
      %swap3A_2334 = arith.constant 7 : i32
      %swap3A_2335 = arith.index_cast %swap3A_2332 : i32 to index
      %swap3A_2336 = arith.index_cast %swap3A_2333 : i32 to index
      %swap3A_2337 = arith.index_cast %swap3A_2334 : i32 to index
      %swap3A_2338 = arith.constant 96 : index
      %swap3A_2339 = tpu.vector_load %arg7[%swap3A_2335, %swap3A_2336, %swap3A_2337, %swap3A_2338] {strides = array<i32>} : memref<2x2x8x128xf32, #tpu.memory_space<vmem>>, vector<16xf32>,
      tpu.vector_store %arg7[%swap3A_2335, %swap3A_2336, %swap3A_2337, %swap3A_2338], %gather3A_2331 {strides = array<i32>} : memref<2x2x8x128xf32, #tpu.memory_space<vmem>>, vector<16xf32>,
      %gather3A_2340 = tpu.vector_load_idx %arg6[%broadcast_in_dim3A_19, %add3A_2267] : memref<16x1216xf32, #tpu.memory_space<vmem>>[vector<16xi32>, vector<16xi32>], vector<16xf32>,
      %swap3A_2341 = arith.constant 1 : i32
      %swap3A_2342 = arith.constant 1 : i32
      %swap3A_2343 = arith.constant 0 : i32
      %swap3A_2344 = arith.index_cast %swap3A_2341 : i32 to index
      %swap3A_2345 = arith.index_cast %swap3A_2342 : i32 to index
      %swap3A_2346 = arith.index_cast %swap3A_2343 : i32 to index
      %swap3A_2347 = arith.constant 96 : index
      %swap3A_2348 = tpu.vector_load %arg7[%swap3A_2344, %swap3A_2345, %swap3A_2346, %swap3A_2347] {strides = array<i32>} : memref<2x2x8x128xf32, #tpu.memory_space<vmem>>, vector<16xf32>,
      tpu.vector_store %arg7[%swap3A_2344, %swap3A_2345, %swap3A_2346, %swap3A_2347], %gather3A_2340 {strides = array<i32>} : memref<2x2x8x128xf32, #tpu.memory_space<vmem>>, vector<16xf32>,
      %gather3A_2349 = tpu.vector_load_idx %arg6[%broadcast_in_dim3A_21, %add3A_2267] : memref<16x1216xf32, #tpu.memory_space<vmem>>[vector<16xi32>, vector<16xi32>], vector<16xf32>,
      %swap3A_2350 = arith.constant 1 : i32
      %swap3A_2351 = arith.constant 1 : i32
      %swap3A_2352 = arith.constant 1 : i32
      %swap3A_2353 = arith.index_cast %swap3A_2350 : i32 to index
      %swap3A_2354 = arith.index_cast %swap3A_2351 : i32 to index
      %swap3A_2355 = arith.index_cast %swap3A_2352 : i32 to index
      %swap3A_2356 = arith.constant 96 : index
      %swap3A_2357 = tpu.vector_load %arg7[%swap3A_2353, %swap3A_2354, %swap3A_2355, %swap3A_2356] {strides = array<i32>} : memref<2x2x8x128xf32, #tpu.memory_space<vmem>>, vector<16xf32>,
      tpu.vector_store %arg7[%swap3A_2353, %swap3A_2354, %swap3A_2355, %swap3A_2356], %gather3A_2349 {strides = array<i32>} : memref<2x2x8x128xf32, #tpu.memory_space<vmem>>, vector<16xf32>,
      %gather3A_2358 = tpu.vector_load_idx %arg6[%broadcast_in_dim3A_23, %add3A_2267] : memref<16x1216xf32, #tpu.memory_space<vmem>>[vector<16xi32>, vector<16xi32>], vector<16xf32>,
      %swap3A_2359 = arith.constant 1 : i32
      %swap3A_2360 = arith.constant 1 : i32
      %swap3A_2361 = arith.constant 2 : i32
      %swap3A_2362 = arith.index_cast %swap3A_2359 : i32 to index
      %swap3A_2363 = arith.index_cast %swap3A_2360 : i32 to index
      %swap3A_2364 = arith.index_cast %swap3A_2361 : i32 to index
      %swap3A_2365 = arith.constant 96 : index
      %swap3A_2366 = tpu.vector_load %arg7[%swap3A_2362, %swap3A_2363, %swap3A_2364, %swap3A_2365] {strides = array<i32>} : memref<2x2x8x128xf32, #tpu.memory_space<vmem>>, vector<16xf32>,
      tpu.vector_store %arg7[%swap3A_2362, %swap3A_2363, %swap3A_2364, %swap3A_2365], %gather3A_2358 {strides = array<i32>} : memref<2x2x8x128xf32, #tpu.memory_space<vmem>>, vector<16xf32>,
      %gather3A_2367 = tpu.vector_load_idx %arg6[%broadcast_in_dim3A_25, %add3A_2267] : memref<16x1216xf32, #tpu.memory_space<vmem>>[vector<16xi32>, vector<16xi32>], vector<16xf32>,
      %swap3A_2368 = arith.constant 1 : i32
      %swap3A_2369 = arith.constant 1 : i32
      %swap3A_2370 = arith.constant 3 : i32
      %swap3A_2371 = arith.index_cast %swap3A_2368 : i32 to index
      %swap3A_2372 = arith.index_cast %swap3A_2369 : i32 to index
      %swap3A_2373 = arith.index_cast %swap3A_2370 : i32 to index
      %swap3A_2374 = arith.constant 96 : index
      %swap3A_2375 = tpu.vector_load %arg7[%swap3A_2371, %swap3A_2372, %swap3A_2373, %swap3A_2374] {strides = array<i32>} : memref<2x2x8x128xf32, #tpu.memory_space<vmem>>, vector<16xf32>,
      tpu.vector_store %arg7[%swap3A_2371, %swap3A_2372, %swap3A_2373, %swap3A_2374], %gather3A_2367 {strides = array<i32>} : memref<2x2x8x128xf32, #tpu.memory_space<vmem>>, vector<16xf32>,
      %gather3A_2376 = tpu.vector_load_idx %arg6[%broadcast_in_dim3A_27, %add3A_2267] : memref<16x1216xf32, #tpu.memory_space<vmem>>[vector<16xi32>, vector<16xi32>], vector<16xf32>,
      %swap3A_2377 = arith.constant 1 : i32
      %swap3A_2378 = arith.constant 1 : i32
      %swap3A_2379 = arith.constant 4 : i32
      %swap3A_2380 = arith.index_cast %swap3A_2377 : i32 to index
      %swap3A_2381 = arith.index_cast %swap3A_2378 : i32 to index
      %swap3A_2382 = arith.index_cast %swap3A_2379 : i32 to index
      %swap3A_2383 = arith.constant 96 : index
      %swap3A_2384 = tpu.vector_load %arg7[%swap3A_2380, %swap3A_2381, %swap3A_2382, %swap3A_2383] {strides = array<i32>} : memref<2x2x8x128xf32, #tpu.memory_space<vmem>>, vector<16xf32>,
      tpu.vector_store %arg7[%swap3A_2380, %swap3A_2381, %swap3A_2382, %swap3A_2383], %gather3A_2376 {strides = array<i32>} : memref<2x2x8x128xf32, #tpu.memory_space<vmem>>, vector<16xf32>,
      %gather3A_2385 = tpu.vector_load_idx %arg6[%broadcast_in_dim3A_29, %add3A_2267] : memref<16x1216xf32, #tpu.memory_space<vmem>>[vector<16xi32>, vector<16xi32>], vector<16xf32>,
      %swap3A_2386 = arith.constant 1 : i32
      %swap3A_2387 = arith.constant 1 : i32
      %swap3A_2388 = arith.constant 5 : i32
      %swap3A_2389 = arith.index_cast %swap3A_2386 : i32 to index
      %swap3A_2390 = arith.index_cast %swap3A_2387 : i32 to index
      %swap3A_2391 = arith.index_cast %swap3A_2388 : i32 to index
      %swap3A_2392 = arith.constant 96 : index
      %swap3A_2393 = tpu.vector_load %arg7[%swap3A_2389, %swap3A_2390, %swap3A_2391, %swap3A_2392] {strides = array<i32>} : memref<2x2x8x128xf32, #tpu.memory_space<vmem>>, vector<16xf32>,
      tpu.vector_store %arg7[%swap3A_2389, %swap3A_2390, %swap3A_2391, %swap3A_2392], %gather3A_2385 {strides = array<i32>} : memref<2x2x8x128xf32, #tpu.memory_space<vmem>>, vector<16xf32>,
      %gather3A_2394 = tpu.vector_load_idx %arg6[%broadcast_in_dim3A_31, %add3A_2267] : memref<16x1216xf32, #tpu.memory_space<vmem>>[vector<16xi32>, vector<16xi32>], vector<16xf32>,
      %swap3A_2395 = arith.constant 1 : i32
      %swap3A_2396 = arith.constant 1 : i32
      %swap3A_2397 = arith.constant 6 : i32
      %swap3A_2398 = arith.index_cast %swap3A_2395 : i32 to index
      %swap3A_2399 = arith.index_cast %swap3A_2396 : i32 to index
      %swap3A_2400 = arith.index_cast %swap3A_2397 : i32 to index
      %swap3A_2401 = arith.constant 96 : index
      %swap3A_2402 = tpu.vector_load %arg7[%swap3A_2398, %swap3A_2399, %swap3A_2400, %swap3A_2401] {strides = array<i32>} : memref<2x2x8x128xf32, #tpu.memory_space<vmem>>, vector<16xf32>,
      tpu.vector_store %arg7[%swap3A_2398, %swap3A_2399, %swap3A_2400, %swap3A_2401], %gather3A_2394 {strides = array<i32>} : memref<2x2x8x128xf32, #tpu.memory_space<vmem>>, vector<16xf32>,
      %gather3A_2403 = tpu.vector_load_idx %arg6[%broadcast_in_dim3A_33, %add3A_2267] : memref<16x1216xf32, #tpu.memory_space<vmem>>[vector<16xi32>, vector<16xi32>], vector<16xf32>,
      %swap3A_2404 = arith.constant 1 : i32
      %swap3A_2405 = arith.constant 1 : i32
      %swap3A_2406 = arith.constant 7 : i32
      %swap3A_2407 = arith.index_cast %swap3A_2404 : i32 to index
      %swap3A_2408 = arith.index_cast %swap3A_2405 : i32 to index
      %swap3A_2409 = arith.index_cast %swap3A_2406 : i32 to index
      %swap3A_2410 = arith.constant 96 : index
      %swap3A_2411 = tpu.vector_load %arg7[%swap3A_2407, %swap3A_2408, %swap3A_2409, %swap3A_2410] {strides = array<i32>} : memref<2x2x8x128xf32, #tpu.memory_space<vmem>>, vector<16xf32>,
      tpu.vector_store %arg7[%swap3A_2407, %swap3A_2408, %swap3A_2409, %swap3A_2410], %gather3A_2403 {strides = array<i32>} : memref<2x2x8x128xf32, #tpu.memory_space<vmem>>, vector<16xf32>,
      %mul3A_2412 = arith.constant 128 : i32
      %mul3A_2413 = arith.muli %add3A_1338, %mul3A_2412 : i32
      %add3A_2414 = arith.constant 112 : i32
      %add3A_2415 = arith.addi %mul3A_2413, %add3A_2414 : i32
      %get3A_2416 = arith.index_cast %add3A_2415 : i32 to index
      %get3A_2417 = tpu.vector_load %arg5[%get3A_2416] {strides = array<i32>} : memref<9728xi32, #tpu.memory_space<vmem>>, vector<16xi32>,
      %add3A_2418 = vector.broadcast %mul3A_1347 : i32 to vector<16xi32>
      %add3A_2419 = arith.addi %get3A_2417, %add3A_2418 : vector<16xi32>
      %gather3A_2420 = tpu.vector_load_idx %arg6[%broadcast_in_dim3A_3, %add3A_2419] : memref<16x1216xf32, #tpu.memory_space<vmem>>[vector<16xi32>, vector<16xi32>], vector<16xf32>,
      %swap3A_2421 = arith.constant 1 : i32
      %swap3A_2422 = arith.constant 0 : i32
      %swap3A_2423 = arith.constant 0 : i32
      %swap3A_2424 = arith.index_cast %swap3A_2421 : i32 to index
      %swap3A_2425 = arith.index_cast %swap3A_2422 : i32 to index
      %swap3A_2426 = arith.index_cast %swap3A_2423 : i32 to index
      %swap3A_2427 = arith.constant 112 : index
      %swap3A_2428 = tpu.vector_load %arg7[%swap3A_2424, %swap3A_2425, %swap3A_2426, %swap3A_2427] {strides = array<i32>} : memref<2x2x8x128xf32, #tpu.memory_space<vmem>>, vector<16xf32>,
      tpu.vector_store %arg7[%swap3A_2424, %swap3A_2425, %swap3A_2426, %swap3A_2427], %gather3A_2420 {strides = array<i32>} : memref<2x2x8x128xf32, #tpu.memory_space<vmem>>, vector<16xf32>,
      %gather3A_2429 = tpu.vector_load_idx %arg6[%broadcast_in_dim3A_5, %add3A_2419] : memref<16x1216xf32, #tpu.memory_space<vmem>>[vector<16xi32>, vector<16xi32>], vector<16xf32>,
      %swap3A_2430 = arith.constant 1 : i32
      %swap3A_2431 = arith.constant 0 : i32
      %swap3A_2432 = arith.constant 1 : i32
      %swap3A_2433 = arith.index_cast %swap3A_2430 : i32 to index
      %swap3A_2434 = arith.index_cast %swap3A_2431 : i32 to index
      %swap3A_2435 = arith.index_cast %swap3A_2432 : i32 to index
      %swap3A_2436 = arith.constant 112 : index
      %swap3A_2437 = tpu.vector_load %arg7[%swap3A_2433, %swap3A_2434, %swap3A_2435, %swap3A_2436] {strides = array<i32>} : memref<2x2x8x128xf32, #tpu.memory_space<vmem>>, vector<16xf32>,
      tpu.vector_store %arg7[%swap3A_2433, %swap3A_2434, %swap3A_2435, %swap3A_2436], %gather3A_2429 {strides = array<i32>} : memref<2x2x8x128xf32, #tpu.memory_space<vmem>>, vector<16xf32>,
      %gather3A_2438 = tpu.vector_load_idx %arg6[%broadcast_in_dim3A_7, %add3A_2419] : memref<16x1216xf32, #tpu.memory_space<vmem>>[vector<16xi32>, vector<16xi32>], vector<16xf32>,
      %swap3A_2439 = arith.constant 1 : i32
      %swap3A_2440 = arith.constant 0 : i32
      %swap3A_2441 = arith.constant 2 : i32
      %swap3A_2442 = arith.index_cast %swap3A_2439 : i32 to index
      %swap3A_2443 = arith.index_cast %swap3A_2440 : i32 to index
      %swap3A_2444 = arith.index_cast %swap3A_2441 : i32 to index
      %swap3A_2445 = arith.constant 112 : index
      %swap3A_2446 = tpu.vector_load %arg7[%swap3A_2442, %swap3A_2443, %swap3A_2444, %swap3A_2445] {strides = array<i32>} : memref<2x2x8x128xf32, #tpu.memory_space<vmem>>, vector<16xf32>,
      tpu.vector_store %arg7[%swap3A_2442, %swap3A_2443, %swap3A_2444, %swap3A_2445], %gather3A_2438 {strides = array<i32>} : memref<2x2x8x128xf32, #tpu.memory_space<vmem>>, vector<16xf32>,
      %gather3A_2447 = tpu.vector_load_idx %arg6[%broadcast_in_dim3A_9, %add3A_2419] : memref<16x1216xf32, #tpu.memory_space<vmem>>[vector<16xi32>, vector<16xi32>], vector<16xf32>,
      %swap3A_2448 = arith.constant 1 : i32
      %swap3A_2449 = arith.constant 0 : i32
      %swap3A_2450 = arith.constant 3 : i32
      %swap3A_2451 = arith.index_cast %swap3A_2448 : i32 to index
      %swap3A_2452 = arith.index_cast %swap3A_2449 : i32 to index
      %swap3A_2453 = arith.index_cast %swap3A_2450 : i32 to index
      %swap3A_2454 = arith.constant 112 : index
      %swap3A_2455 = tpu.vector_load %arg7[%swap3A_2451, %swap3A_2452, %swap3A_2453, %swap3A_2454] {strides = array<i32>} : memref<2x2x8x128xf32, #tpu.memory_space<vmem>>, vector<16xf32>,
      tpu.vector_store %arg7[%swap3A_2451, %swap3A_2452, %swap3A_2453, %swap3A_2454], %gather3A_2447 {strides = array<i32>} : memref<2x2x8x128xf32, #tpu.memory_space<vmem>>, vector<16xf32>,
      %gather3A_2456 = tpu.vector_load_idx %arg6[%broadcast_in_dim3A_11, %add3A_2419] : memref<16x1216xf32, #tpu.memory_space<vmem>>[vector<16xi32>, vector<16xi32>], vector<16xf32>,
      %swap3A_2457 = arith.constant 1 : i32
      %swap3A_2458 = arith.constant 0 : i32
      %swap3A_2459 = arith.constant 4 : i32
      %swap3A_2460 = arith.index_cast %swap3A_2457 : i32 to index
      %swap3A_2461 = arith.index_cast %swap3A_2458 : i32 to index
      %swap3A_2462 = arith.index_cast %swap3A_2459 : i32 to index
      %swap3A_2463 = arith.constant 112 : index
      %swap3A_2464 = tpu.vector_load %arg7[%swap3A_2460, %swap3A_2461, %swap3A_2462, %swap3A_2463] {strides = array<i32>} : memref<2x2x8x128xf32, #tpu.memory_space<vmem>>, vector<16xf32>,
      tpu.vector_store %arg7[%swap3A_2460, %swap3A_2461, %swap3A_2462, %swap3A_2463], %gather3A_2456 {strides = array<i32>} : memref<2x2x8x128xf32, #tpu.memory_space<vmem>>, vector<16xf32>,
      %gather3A_2465 = tpu.vector_load_idx %arg6[%broadcast_in_dim3A_13, %add3A_2419] : memref<16x1216xf32, #tpu.memory_space<vmem>>[vector<16xi32>, vector<16xi32>], vector<16xf32>,
      %swap3A_2466 = arith.constant 1 : i32
      %swap3A_2467 = arith.constant 0 : i32
      %swap3A_2468 = arith.constant 5 : i32
      %swap3A_2469 = arith.index_cast %swap3A_2466 : i32 to index
      %swap3A_2470 = arith.index_cast %swap3A_2467 : i32 to index
      %swap3A_2471 = arith.index_cast %swap3A_2468 : i32 to index
      %swap3A_2472 = arith.constant 112 : index
      %swap3A_2473 = tpu.vector_load %arg7[%swap3A_2469, %swap3A_2470, %swap3A_2471, %swap3A_2472] {strides = array<i32>} : memref<2x2x8x128xf32, #tpu.memory_space<vmem>>, vector<16xf32>,
      tpu.vector_store %arg7[%swap3A_2469, %swap3A_2470, %swap3A_2471, %swap3A_2472], %gather3A_2465 {strides = array<i32>} : memref<2x2x8x128xf32, #tpu.memory_space<vmem>>, vector<16xf32>,
      %gather3A_2474 = tpu.vector_load_idx %arg6[%broadcast_in_dim3A_15, %add3A_2419] : memref<16x1216xf32, #tpu.memory_space<vmem>>[vector<16xi32>, vector<16xi32>], vector<16xf32>,
      %swap3A_2475 = arith.constant 1 : i32
      %swap3A_2476 = arith.constant 0 : i32
      %swap3A_2477 = arith.constant 6 : i32
      %swap3A_2478 = arith.index_cast %swap3A_2475 : i32 to index
      %swap3A_2479 = arith.index_cast %swap3A_2476 : i32 to index
      %swap3A_2480 = arith.index_cast %swap3A_2477 : i32 to index
      %swap3A_2481 = arith.constant 112 : index
      %swap3A_2482 = tpu.vector_load %arg7[%swap3A_2478, %swap3A_2479, %swap3A_2480, %swap3A_2481] {strides = array<i32>} : memref<2x2x8x128xf32, #tpu.memory_space<vmem>>, vector<16xf32>,
      tpu.vector_store %arg7[%swap3A_2478, %swap3A_2479, %swap3A_2480, %swap3A_2481], %gather3A_2474 {strides = array<i32>} : memref<2x2x8x128xf32, #tpu.memory_space<vmem>>, vector<16xf32>,
      %gather3A_2483 = tpu.vector_load_idx %arg6[%broadcast_in_dim3A_17, %add3A_2419] : memref<16x1216xf32, #tpu.memory_space<vmem>>[vector<16xi32>, vector<16xi32>], vector<16xf32>,
      %swap3A_2484 = arith.constant 1 : i32
      %swap3A_2485 = arith.constant 0 : i32
      %swap3A_2486 = arith.constant 7 : i32
      %swap3A_2487 = arith.index_cast %swap3A_2484 : i32 to index
      %swap3A_2488 = arith.index_cast %swap3A_2485 : i32 to index
      %swap3A_2489 = arith.index_cast %swap3A_2486 : i32 to index
      %swap3A_2490 = arith.constant 112 : index
      %swap3A_2491 = tpu.vector_load %arg7[%swap3A_2487, %swap3A_2488, %swap3A_2489, %swap3A_2490] {strides = array<i32>} : memref<2x2x8x128xf32, #tpu.memory_space<vmem>>, vector<16xf32>,
      tpu.vector_store %arg7[%swap3A_2487, %swap3A_2488, %swap3A_2489, %swap3A_2490], %gather3A_2483 {strides = array<i32>} : memref<2x2x8x128xf32, #tpu.memory_space<vmem>>, vector<16xf32>,
      %gather3A_2492 = tpu.vector_load_idx %arg6[%broadcast_in_dim3A_19, %add3A_2419] : memref<16x1216xf32, #tpu.memory_space<vmem>>[vector<16xi32>, vector<16xi32>], vector<16xf32>,
      %swap3A_2493 = arith.constant 1 : i32
      %swap3A_2494 = arith.constant 1 : i32
      %swap3A_2495 = arith.constant 0 : i32
      %swap3A_2496 = arith.index_cast %swap3A_2493 : i32 to index
      %swap3A_2497 = arith.index_cast %swap3A_2494 : i32 to index
      %swap3A_2498 = arith.index_cast %swap3A_2495 : i32 to index
      %swap3A_2499 = arith.constant 112 : index
      %swap3A_2500 = tpu.vector_load %arg7[%swap3A_2496, %swap3A_2497, %swap3A_2498, %swap3A_2499] {strides = array<i32>} : memref<2x2x8x128xf32, #tpu.memory_space<vmem>>, vector<16xf32>,
      tpu.vector_store %arg7[%swap3A_2496, %swap3A_2497, %swap3A_2498, %swap3A_2499], %gather3A_2492 {strides = array<i32>} : memref<2x2x8x128xf32, #tpu.memory_space<vmem>>, vector<16xf32>,
      %gather3A_2501 = tpu.vector_load_idx %arg6[%broadcast_in_dim3A_21, %add3A_2419] : memref<16x1216xf32, #tpu.memory_space<vmem>>[vector<16xi32>, vector<16xi32>], vector<16xf32>,
      %swap3A_2502 = arith.constant 1 : i32
      %swap3A_2503 = arith.constant 1 : i32
      %swap3A_2504 = arith.constant 1 : i32
      %swap3A_2505 = arith.index_cast %swap3A_2502 : i32 to index
      %swap3A_2506 = arith.index_cast %swap3A_2503 : i32 to index
      %swap3A_2507 = arith.index_cast %swap3A_2504 : i32 to index
      %swap3A_2508 = arith.constant 112 : index
      %swap3A_2509 = tpu.vector_load %arg7[%swap3A_2505, %swap3A_2506, %swap3A_2507, %swap3A_2508] {strides = array<i32>} : memref<2x2x8x128xf32, #tpu.memory_space<vmem>>, vector<16xf32>,
      tpu.vector_store %arg7[%swap3A_2505, %swap3A_2506, %swap3A_2507, %swap3A_2508], %gather3A_2501 {strides = array<i32>} : memref<2x2x8x128xf32, #tpu.memory_space<vmem>>, vector<16xf32>,
      %gather3A_2510 = tpu.vector_load_idx %arg6[%broadcast_in_dim3A_23, %add3A_2419] : memref<16x1216xf32, #tpu.memory_space<vmem>>[vector<16xi32>, vector<16xi32>], vector<16xf32>,
      %swap3A_2511 = arith.constant 1 : i32
      %swap3A_2512 = arith.constant 1 : i32
      %swap3A_2513 = arith.constant 2 : i32
      %swap3A_2514 = arith.index_cast %swap3A_2511 : i32 to index
      %swap3A_2515 = arith.index_cast %swap3A_2512 : i32 to index
      %swap3A_2516 = arith.index_cast %swap3A_2513 : i32 to index
      %swap3A_2517 = arith.constant 112 : index
      %swap3A_2518 = tpu.vector_load %arg7[%swap3A_2514, %swap3A_2515, %swap3A_2516, %swap3A_2517] {strides = array<i32>} : memref<2x2x8x128xf32, #tpu.memory_space<vmem>>, vector<16xf32>,
      tpu.vector_store %arg7[%swap3A_2514, %swap3A_2515, %swap3A_2516, %swap3A_2517], %gather3A_2510 {strides = array<i32>} : memref<2x2x8x128xf32, #tpu.memory_space<vmem>>, vector<16xf32>,
      %gather3A_2519 = tpu.vector_load_idx %arg6[%broadcast_in_dim3A_25, %add3A_2419] : memref<16x1216xf32, #tpu.memory_space<vmem>>[vector<16xi32>, vector<16xi32>], vector<16xf32>,
      %swap3A_2520 = arith.constant 1 : i32
      %swap3A_2521 = arith.constant 1 : i32
      %swap3A_2522 = arith.constant 3 : i32
      %swap3A_2523 = arith.index_cast %swap3A_2520 : i32 to index
      %swap3A_2524 = arith.index_cast %swap3A_2521 : i32 to index
      %swap3A_2525 = arith.index_cast %swap3A_2522 : i32 to index
      %swap3A_2526 = arith.constant 112 : index
      %swap3A_2527 = tpu.vector_load %arg7[%swap3A_2523, %swap3A_2524, %swap3A_2525, %swap3A_2526] {strides = array<i32>} : memref<2x2x8x128xf32, #tpu.memory_space<vmem>>, vector<16xf32>,
      tpu.vector_store %arg7[%swap3A_2523, %swap3A_2524, %swap3A_2525, %swap3A_2526], %gather3A_2519 {strides = array<i32>} : memref<2x2x8x128xf32, #tpu.memory_space<vmem>>, vector<16xf32>,
      %gather3A_2528 = tpu.vector_load_idx %arg6[%broadcast_in_dim3A_27, %add3A_2419] : memref<16x1216xf32, #tpu.memory_space<vmem>>[vector<16xi32>, vector<16xi32>], vector<16xf32>,
      %swap3A_2529 = arith.constant 1 : i32
      %swap3A_2530 = arith.constant 1 : i32
      %swap3A_2531 = arith.constant 4 : i32
      %swap3A_2532 = arith.index_cast %swap3A_2529 : i32 to index
      %swap3A_2533 = arith.index_cast %swap3A_2530 : i32 to index
      %swap3A_2534 = arith.index_cast %swap3A_2531 : i32 to index
      %swap3A_2535 = arith.constant 112 : index
      %swap3A_2536 = tpu.vector_load %arg7[%swap3A_2532, %swap3A_2533, %swap3A_2534, %swap3A_2535] {strides = array<i32>} : memref<2x2x8x128xf32, #tpu.memory_space<vmem>>, vector<16xf32>,
      tpu.vector_store %arg7[%swap3A_2532, %swap3A_2533, %swap3A_2534, %swap3A_2535], %gather3A_2528 {strides = array<i32>} : memref<2x2x8x128xf32, #tpu.memory_space<vmem>>, vector<16xf32>,
      %gather3A_2537 = tpu.vector_load_idx %arg6[%broadcast_in_dim3A_29, %add3A_2419] : memref<16x1216xf32, #tpu.memory_space<vmem>>[vector<16xi32>, vector<16xi32>], vector<16xf32>,
      %swap3A_2538 = arith.constant 1 : i32
      %swap3A_2539 = arith.constant 1 : i32
      %swap3A_2540 = arith.constant 5 : i32
      %swap3A_2541 = arith.index_cast %swap3A_2538 : i32 to index
      %swap3A_2542 = arith.index_cast %swap3A_2539 : i32 to index
      %swap3A_2543 = arith.index_cast %swap3A_2540 : i32 to index
      %swap3A_2544 = arith.constant 112 : index
      %swap3A_2545 = tpu.vector_load %arg7[%swap3A_2541, %swap3A_2542, %swap3A_2543, %swap3A_2544] {strides = array<i32>} : memref<2x2x8x128xf32, #tpu.memory_space<vmem>>, vector<16xf32>,
      tpu.vector_store %arg7[%swap3A_2541, %swap3A_2542, %swap3A_2543, %swap3A_2544], %gather3A_2537 {strides = array<i32>} : memref<2x2x8x128xf32, #tpu.memory_space<vmem>>, vector<16xf32>,
      %gather3A_2546 = tpu.vector_load_idx %arg6[%broadcast_in_dim3A_31, %add3A_2419] : memref<16x1216xf32, #tpu.memory_space<vmem>>[vector<16xi32>, vector<16xi32>], vector<16xf32>,
      %swap3A_2547 = arith.constant 1 : i32
      %swap3A_2548 = arith.constant 1 : i32
      %swap3A_2549 = arith.constant 6 : i32
      %swap3A_2550 = arith.index_cast %swap3A_2547 : i32 to index
      %swap3A_2551 = arith.index_cast %swap3A_2548 : i32 to index
      %swap3A_2552 = arith.index_cast %swap3A_2549 : i32 to index
      %swap3A_2553 = arith.constant 112 : index
      %swap3A_2554 = tpu.vector_load %arg7[%swap3A_2550, %swap3A_2551, %swap3A_2552, %swap3A_2553] {strides = array<i32>} : memref<2x2x8x128xf32, #tpu.memory_space<vmem>>, vector<16xf32>,
      tpu.vector_store %arg7[%swap3A_2550, %swap3A_2551, %swap3A_2552, %swap3A_2553], %gather3A_2546 {strides = array<i32>} : memref<2x2x8x128xf32, #tpu.memory_space<vmem>>, vector<16xf32>,
      %gather3A_2555 = tpu.vector_load_idx %arg6[%broadcast_in_dim3A_33, %add3A_2419] : memref<16x1216xf32, #tpu.memory_space<vmem>>[vector<16xi32>, vector<16xi32>], vector<16xf32>,
      %swap3A_2556 = arith.constant 1 : i32
      %swap3A_2557 = arith.constant 1 : i32
      %swap3A_2558 = arith.constant 7 : i32
      %swap3A_2559 = arith.index_cast %swap3A_2556 : i32 to index
      %swap3A_2560 = arith.index_cast %swap3A_2557 : i32 to index
      %swap3A_2561 = arith.index_cast %swap3A_2558 : i32 to index
      %swap3A_2562 = arith.constant 112 : index
      %swap3A_2563 = tpu.vector_load %arg7[%swap3A_2559, %swap3A_2560, %swap3A_2561, %swap3A_2562] {strides = array<i32>} : memref<2x2x8x128xf32, #tpu.memory_space<vmem>>, vector<16xf32>,
      tpu.vector_store %arg7[%swap3A_2559, %swap3A_2560, %swap3A_2561, %swap3A_2562], %gather3A_2555 {strides = array<i32>} : memref<2x2x8x128xf32, #tpu.memory_space<vmem>>, vector<16xf32>,
      %dma_start3A_2564 = arith.constant 1 : i32
      %dma_start3A_2565 = arith.constant 0 : i32
      %dma_start3A_2566 = arith.constant 0 : i32
      %dma_start3A_2567 = arith.constant 0 : i32
      %dma_start3A_2568 = tpu.memref_slice %arg7[%dma_start3A_2564, %dma_start3A_2565, %dma_start3A_2566, %dma_start3A_2567] : memref<2x2x8x128xf32, #tpu.memory_space<vmem>> -> memref<1x2x8x128xf32, #tpu.memory_space<vmem>>
      %dma_start3A_2569 = tpu.memref_squeeze %dma_start3A_2568 : memref<1x2x8x128xf32, #tpu.memory_space<vmem>> -> memref<2x8x128xf32, #tpu.memory_space<vmem>>
      %dma_start3A_2570 = arith.constant 0 : i32
      %dma_start3A_2571 = arith.constant 0 : i32
      %dma_start3A_2572 = arith.constant 0 : i32
      %dma_start3A_2573 = tpu.memref_slice %arg4[%div3A_1343, %dma_start3A_2570, %rem3A_1345, %dma_start3A_2571, %dma_start3A_2572] : memref<19x2x128x8x128xf32, #tpu.memory_space<hbm>> -> memref<1x2x1x8x128xf32, #tpu.memory_space<hbm>>
      %dma_start3A_2574 = tpu.memref_squeeze %dma_start3A_2573 : memref<1x2x1x8x128xf32, #tpu.memory_space<hbm>> -> memref<2x8x128xf32, #tpu.memory_space<hbm>>
      %dma_start3A_2575 = arith.constant 0 : i32
      %dma_start3A_2576 = arith.constant 0 : i32
      %dma_start3A_2577 = arith.constant 0 : i32
      %dma_start3A_2578 = tpu.memref_slice %arg4[%div3A_1343, %dma_start3A_2575, %rem3A_1345, %dma_start3A_2576, %dma_start3A_2577] : memref<19x2x128x8x128xf32, #tpu.memory_space<hbm>> -> memref<1x2x1x8x128xf32, #tpu.memory_space<hbm>>
      %dma_start3A_2579 = tpu.memref_squeeze %dma_start3A_2578 : memref<1x2x1x8x128xf32, #tpu.memory_space<hbm>> -> memref<2x8x128xf32, #tpu.memory_space<hbm>>
      %dma_start3A_2580 = arith.constant 0 : i32
      %dma_start3A_2581 = arith.constant 0 : i32
      %dma_start3A_2582 = arith.constant 0 : i32
      %dma_start3A_2583 = tpu.memref_slice %arg7[%dma_start3A_2564, %dma_start3A_2580, %dma_start3A_2581, %dma_start3A_2582] : memref<2x2x8x128xf32, #tpu.memory_space<vmem>> -> memref<1x2x8x128xf32, #tpu.memory_space<vmem>>
      %dma_start3A_2584 = tpu.memref_squeeze %dma_start3A_2583 : memref<1x2x8x128xf32, #tpu.memory_space<vmem>> -> memref<2x8x128xf32, #tpu.memory_space<vmem>>
      tpu.enqueue_dma source(%dma_start3A_2584 : memref<2x8x128xf32, #tpu.memory_space<vmem>>) target(%dma_start3A_2579 : memref<2x8x128xf32, #tpu.memory_space<hbm>>) target_semaphore(%arg9 : memref<!tpu.dma_semaphore, #tpu.memory_space<semaphore_mem>>)
    }
    %scan3A_37 = arith.constant 38 : i32
    %dma_wait3A = arith.constant 0 : i32
    %dma_wait3A_38 = arith.constant 0 : i32
    %dma_wait3A_39 = arith.constant 0 : i32
    %dma_wait3A_40 = arith.constant 0 : i32
    %dma_wait3A_41 = arith.constant 0 : i32
    %dma_wait3A_42 = arith.constant 0 : i32
    %dma_wait3A_43 = tpu.memref_slice %arg7[%dma_wait3A_39, %dma_wait3A_40, %dma_wait3A_41, %dma_wait3A_42] : memref<2x2x8x128xf32, #tpu.memory_space<vmem>> -> memref<1x2x8x128xf32, #tpu.memory_space<vmem>>
    %dma_wait3A_44 = tpu.memref_squeeze %dma_wait3A_43 : memref<1x2x8x128xf32, #tpu.memory_space<vmem>> -> memref<2x8x128xf32, #tpu.memory_space<vmem>>
    %dma_wait3A_45 = arith.constant 0 : i32
    %dma_wait3A_46 = arith.constant 0 : i32
    %dma_wait3A_47 = arith.constant 0 : i32
    %dma_wait3A_48 = tpu.memref_slice %arg4[%dma_wait3A, %dma_wait3A_45, %dma_wait3A_38, %dma_wait3A_46, %dma_wait3A_47] : memref<19x2x128x8x128xf32, #tpu.memory_space<hbm>> -> memref<1x2x1x8x128xf32, #tpu.memory_space<hbm>>
    %dma_wait3A_49 = tpu.memref_squeeze %dma_wait3A_48 : memref<1x2x1x8x128xf32, #tpu.memory_space<hbm>> -> memref<2x8x128xf32, #tpu.memory_space<hbm>>
    %dma_wait3A_50 = arith.constant 0 : i32
    %dma_wait3A_51 = arith.constant 0 : i32
    %dma_wait3A_52 = arith.constant 0 : i32
    %dma_wait3A_53 = tpu.memref_slice %arg7[%dma_wait3A_39, %dma_wait3A_50, %dma_wait3A_51, %dma_wait3A_52] : memref<2x2x8x128xf32, #tpu.memory_space<vmem>> -> memref<1x2x8x128xf32, #tpu.memory_space<vmem>>
    %dma_wait3A_54 = tpu.memref_squeeze %dma_wait3A_53 : memref<1x2x8x128xf32, #tpu.memory_space<vmem>> -> memref<2x8x128xf32, #tpu.memory_space<vmem>>
    %dma_wait3A_55 = arith.constant 0 : i32
    %dma_wait3A_56 = arith.constant 0 : i32
    %dma_wait3A_57 = arith.constant 0 : i32
    %dma_wait3A_58 = tpu.memref_slice %arg4[%dma_wait3A, %dma_wait3A_55, %dma_wait3A_38, %dma_wait3A_56, %dma_wait3A_57] : memref<19x2x128x8x128xf32, #tpu.memory_space<hbm>> -> memref<1x2x1x8x128xf32, #tpu.memory_space<hbm>>
    %dma_wait3A_59 = tpu.memref_squeeze %dma_wait3A_58 : memref<1x2x1x8x128xf32, #tpu.memory_space<hbm>> -> memref<2x8x128xf32, #tpu.memory_space<hbm>>
    tpu.wait_dma2 semaphore(%arg8 : memref<!tpu.dma_semaphore, #tpu.memory_space<semaphore_mem>>) src(%dma_wait3A_59 : memref<2x8x128xf32, #tpu.memory_space<hbm>>) dst(%dma_wait3A_54 : memref<2x8x128xf32, #tpu.memory_space<vmem>>)
    %dma_wait3A_60 = arith.constant 0 : i32
    %dma_wait3A_61 = arith.constant 0 : i32
    %dma_wait3A_62 = arith.constant 1 : i32
    %dma_wait3A_63 = arith.constant 0 : i32
    %dma_wait3A_64 = arith.constant 0 : i32
    %dma_wait3A_65 = arith.constant 0 : i32
    %dma_wait3A_66 = tpu.memref_slice %arg7[%dma_wait3A_62, %dma_wait3A_63, %dma_wait3A_64, %dma_wait3A_65] : memref<2x2x8x128xf32, #tpu.memory_space<vmem>> -> memref<1x2x8x128xf32, #tpu.memory_space<vmem>>
    %dma_wait3A_67 = tpu.memref_squeeze %dma_wait3A_66 : memref<1x2x8x128xf32, #tpu.memory_space<vmem>> -> memref<2x8x128xf32, #tpu.memory_space<vmem>>
    %dma_wait3A_68 = arith.constant 0 : i32
    %dma_wait3A_69 = arith.constant 0 : i32
    %dma_wait3A_70 = arith.constant 0 : i32
    %dma_wait3A_71 = tpu.memref_slice %arg4[%dma_wait3A_60, %dma_wait3A_68, %dma_wait3A_61, %dma_wait3A_69, %dma_wait3A_70] : memref<19x2x128x8x128xf32, #tpu.memory_space<hbm>> -> memref<1x2x1x8x128xf32, #tpu.memory_space<hbm>>
    %dma_wait3A_72 = tpu.memref_squeeze %dma_wait3A_71 : memref<1x2x1x8x128xf32, #tpu.memory_space<hbm>> -> memref<2x8x128xf32, #tpu.memory_space<hbm>>
    %dma_wait3A_73 = arith.constant 0 : i32
    %dma_wait3A_74 = arith.constant 0 : i32
    %dma_wait3A_75 = arith.constant 0 : i32
    %dma_wait3A_76 = tpu.memref_slice %arg7[%dma_wait3A_62, %dma_wait3A_73, %dma_wait3A_74, %dma_wait3A_75] : memref<2x2x8x128xf32, #tpu.memory_space<vmem>> -> memref<1x2x8x128xf32, #tpu.memory_space<vmem>>
    %dma_wait3A_77 = tpu.memref_squeeze %dma_wait3A_76 : memref<1x2x8x128xf32, #tpu.memory_space<vmem>> -> memref<2x8x128xf32, #tpu.memory_space<vmem>>
    %dma_wait3A_78 = arith.constant 0 : i32
    %dma_wait3A_79 = arith.constant 0 : i32
    %dma_wait3A_80 = arith.constant 0 : i32
    %dma_wait3A_81 = tpu.memref_slice %arg4[%dma_wait3A_60, %dma_wait3A_78, %dma_wait3A_61, %dma_wait3A_79, %dma_wait3A_80] : memref<19x2x128x8x128xf32, #tpu.memory_space<hbm>> -> memref<1x2x1x8x128xf32, #tpu.memory_space<hbm>>
    %dma_wait3A_82 = tpu.memref_squeeze %dma_wait3A_81 : memref<1x2x1x8x128xf32, #tpu.memory_space<hbm>> -> memref<2x8x128xf32, #tpu.memory_space<hbm>>
    tpu.wait_dma2 semaphore(%arg9 : memref<!tpu.dma_semaphore, #tpu.memory_space<semaphore_mem>>) src(%dma_wait3A_82 : memref<2x8x128xf32, #tpu.memory_space<hbm>>) dst(%dma_wait3A_77 : memref<2x8x128xf32, #tpu.memory_space<vmem>>)
    return
  }
}

module attributes {stable_mosaic.version = 14 : i64} {
  func.func @_fuse_body(%arg0: memref<64x16xf32, #tpu.memory_space<vmem>>, %arg1: memref<19x16xf32, #tpu.memory_space<vmem>>, %arg2: memref<16x19x64xf32, #tpu.memory_space<vmem>>) attributes {dimension_semantics = [], scalar_prefetch = 0 : i64, scratch_operands = 0 : i64, tpu.core_type = #tpu.core_type<tc>} {
    %get3A = arith.constant 0 : index
    %get3A_0 = arith.constant 0 : index
    %get3A_1 = vector.load %arg0[%get3A, %get3A_0] : memref<64x16xf32, #tpu.memory_space<vmem>>, vector<64x16xf32>
    %transpose3A = tpu.transpose %get3A_1, [1, 0] : vector<64x16xf32> -> vector<16x64xf32>
    %get3A_2 = arith.constant 0 : index
    %get3A_3 = arith.constant 0 : index
    %get3A_4 = vector.load %arg1[%get3A_2, %get3A_3] : memref<19x16xf32, #tpu.memory_space<vmem>>, vector<19x16xf32>
    %transpose3A_5 = tpu.transpose %get3A_4, [1, 0] : vector<19x16xf32> -> vector<16x19xf32>
    %broadcast_in_dim3A = vector.shape_cast %transpose3A_5 : vector<16x19xf32> to vector<16x19x1xf32>
    %broadcast_in_dim3A_6 = vector.shape_cast %transpose3A : vector<16x64xf32> to vector<16x1x64xf32>
    %add3A = vector.broadcast %broadcast_in_dim3A : vector<16x19x1xf32> to vector<16x19x64xf32>
    %add3A_7 = vector.broadcast %broadcast_in_dim3A_6 : vector<16x1x64xf32> to vector<16x19x64xf32>
    %add3A_8 = arith.addf %add3A, %add3A_7 : vector<16x19x64xf32>
    %swap3A = arith.constant 0 : index
    %swap3A_9 = arith.constant 0 : index
    %swap3A_10 = arith.constant 0 : index
    %swap3A_11 = vector.load %arg2[%swap3A, %swap3A_9, %swap3A_10] : memref<16x19x64xf32, #tpu.memory_space<vmem>>, vector<16x19x64xf32>
    tpu.vector_store %arg2[%swap3A, %swap3A_9, %swap3A_10], %add3A_8 {strides = array<i32>} : memref<16x19x64xf32, #tpu.memory_space<vmem>>, vector<16x19x64xf32>,
    return
  }
}

</mosaic_0001>

<sc_bundles>
// kernel: kernel.4.cloned.1.call-start
scs
__scs_entry_jumppad:
0x0: {  	(pc) =	sbr.rel $0x88, $3  }
0x1: {  	(tag) =	ssettag $0x0;
	lr =	simm.s32 $0x1  }
0x2: {  	[smem:$0x3F9F] =	sst lr;
	_ =	strace $0xD0000000  }
0x3: {  	_ = 	snop  }
0x4: {  	_ = 	snop  }
0x5: {  	_ = 	snop  }
0x6: {  	_ = 	snop  }
0x7: {  	_ = 	snop  }
__scs_overlays_trampoline_lowered:
0x8: {  	[smem:$0x3FAE] =	sst s0  }
0x9: {  	[smem:$0x3FAF] =	sst s1  }
0xa: {  	[smem:$0x3FB0] =	sst s2  }
0xb: {  	[smem:$0x3FB1] =	sst s3  }
0xc: {  	[smem:$0x3FB2] =	sst s4  }
0xd: {  	[smem:$0x3FB3] =	sst s5  }
0xe: {  	[smem:$0x3FB4] =	sst s6  }
0xf: {  	[smem:$0x3FB5] =	sst s7  }
0x10: {  	[smem:$0x3FB6] =	sst s8  }
0x11: {  	[smem:$0x3FB7] =	sst s9;
	s0 =	simm.s32 @!p0 $0x0  }
0x12: {  	s1 =	sld [smem:$0x3F9D];
	s0 =	simm.s32 @p0 $0x1  }
0x13: {  	[smem:$0x3FB8] =	sst s0;
	s0 =	simm.s32 @!p1 $0x0  }
0x14: {  	s2 =	sld [smem:$0x3F9C];
	s0 =	simm.s32 @p1 $0x1  }
0x15: {  	[smem:$0x3FB9] =	sst s0;
	s0 =	simm.s32 @!p2 $0x0  }
0x16: {  	s3 =	sld [smem:$0x3FDB];
	s0 =	simm.s32 @p2 $0x1  }
0x17: {  	s4 =	simm.s32 $0x1BF5;
	[smem:$0x3FBB] =	sst s0  }
0x18: {  	s0 =	sld [smem:$0x3F9E];
	_ =	swait.ge [sflag:s4], $0x0  }
0x19: {  	s7 =	sld [smem:$0x3F9F]  }
0x1a: {  	s8 =	sadd.s32 $0xFFFFE003, lr  }
0x1b: {  	s9 =	sadd.s32 $0xFFFFFEF7, lr;
	s5 =	simm.s32 $0xFFFFFFFF;
	p2 =	slt.u32 s8, $0xFFFFF086  }
0x1c: {  	p1 =	slt.u32 s9, $0xF7A;
	s5 =	simm.s32 @!p2 $0x0  }
0x1d: {  	s5 =	simm.s32 @p1 $0x1;
	p0 =	seq.s32 s7, s2  }
0x1e: {  	s7 =	smul.u32 @!p0 $0xF7A, s2;
	p2 =	seq.s32 @!p0 s5, $0x0  }
0x1f: {  	s9 =	smul.u32 $0xF7A, s1;
	s8 =	simm.s32 @!p0 $0x1BF5;
	p2 =	por !p2, p0  }
0x20: {  	[sflag:s8] =	ssyncset.s32 @!p0 $0xFFFFF086;
	s6 =	sadd.s32 @!p0 s3, s7;
	s7 =	simm.s32 @!p0 $0x108  }
0x21: {  	s3 =	sadd.s32 s3, s9;
	s6 =	sadd.s32 @!p0 $0x88, s6;
	s7 =	simm.s32 @p2 $0x1082  }
0x22: {  	[simem:s7], [sflag:s8] =	dma.local @!p0 [hbm:s6], $0xF7A  }
0x23: {  	s9 =	sor.u32 $0xD0000000, s2;
	s6 =	simm.s32 $0x108;
	_ =	swait.ge @!p0 [sflag:s8], $0x0  }
0x24: {  	s3 =	sadd.s32 $0x88, s3;
	s6 =	simm.s32 @!p1 $0x1082;
	[sflag:s4] =	ssyncset.s32 $0xFFFFF086  }
0x25: {  	[simem:s6], [sflag:s4] =	dma.local [hbm:s3], $0xF7A  }
0x26: {  	[smem:$0x3F9F] =	sst s1;
	(tag) =	ssettag s2;
	_ =	strace s9  }
0x27: {  	s1 =	sld [smem:$0x3FAF]  }
0x28: {  	s2 =	sld [smem:$0x3FB0]  }
0x29: {  	s4 =	sld [smem:$0x3FB2]  }
0x2a: {  	p0 =	seq.s32 s5, $0x0;
	s5 =	sld [smem:$0x3FB3]  }
0x2b: {  	s6 =	sld [smem:$0x3FB4]  }
0x2c: {  	s7 =	sld [smem:$0x3FB5]  }
0x2d: {  	s3 =	simm.s32 $0x108;
	s8 =	sld [smem:$0x3FB6]  }
0x2e: {  	s3 =	simm.s32 @!p0 $0x1082;
	s9 =	sld [smem:$0x3FB7]  }
0x2f: {  	lr =	sadd.s32 s0, s3;
	s0 =	sld [smem:$0x3FAE]  }
0x30: {  	s3 =	sld [smem:$0x3FB1]  }
0x31: {  	[smem:$0x3FBA] =	sst s10  }
0x32: {  	s10 =	sld [smem:$0x3FB8];
	_ =	sdelay $0x3  }
0x33: {  	p0 =	seq.s32 s10, $0x1;
	s10 =	sld [smem:$0x3FBA];
	_ =	sdelay $0x3  }
0x34: {  	[smem:$0x3FBA] =	sst s10  }
0x35: {  	s10 =	sld [smem:$0x3FB9];
	_ =	sdelay $0x3  }
0x36: {  	p1 =	seq.s32 s10, $0x1;
	s10 =	sld [smem:$0x3FBA];
	_ =	sdelay $0x3  }
0x37: {  	[smem:$0x3FBA] =	sst s10  }
0x38: {  	s10 =	sld [smem:$0x3FBB]  }
0x39: {  	_ = 	snop;
	(pc) =	sbr.ind lr, $3  }
0x3a: {  	_ = 	snop  }
0x3b: {  	_ = 	snop  }
0x3c: {  	p2 =	seq.s32 s10, $0x1;
	s10 =	sld [smem:$0x3FBA]  }
0x3d: {  	_ =	shalt  }
0x3e: {  	_ =	shalt  }
0x3f: {  	_ =	shalt  }
0x40: {  	_ =	shalt  }
0x41: {  	_ =	shalt  }
0x42: {  	_ =	shalt  }
0x43: {  	_ =	shalt  }
0x44: {  	_ =	shalt  }
0x45: {  	_ =	shalt  }
0x46: {  	_ =	shalt  }
0x47: {  	_ =	shalt  }
0x48: {  	_ =	shalt  }
0x49: {  	_ =	shalt  }
0x4a: {  	_ =	shalt  }
0x4b: {  	_ =	shalt  }
0x4c: {  	_ =	shalt  }
0x4d: {  	_ =	shalt  }
0x4e: {  	_ =	shalt  }
0x4f: {  	_ =	shalt  }
0x50: {  	_ =	shalt  }
0x51: {  	_ =	shalt  }
0x52: {  	_ =	shalt  }
0x53: {  	_ =	shalt  }
0x54: {  	_ =	shalt  }
0x55: {  	_ =	shalt  }
0x56: {  	_ =	shalt  }
0x57: {  	_ =	shalt  }
0x58: {  	_ =	shalt  }
0x59: {  	_ =	shalt  }
0x5a: {  	_ =	shalt  }
0x5b: {  	_ =	shalt  }
0x5c: {  	_ =	shalt  }
0x5d: {  	_ =	shalt  }
0x5e: {  	_ =	shalt  }
0x5f: {  	_ =	shalt  }
0x60: {  	_ =	shalt  }
0x61: {  	_ =	shalt  }
0x62: {  	_ =	shalt  }
0x63: {  	_ =	shalt  }
0x64: {  	_ =	shalt  }
0x65: {  	_ =	shalt  }
0x66: {  	_ =	shalt  }
0x67: {  	_ =	shalt  }
0x68: {  	_ =	shalt  }
0x69: {  	_ =	shalt  }
0x6a: {  	_ =	shalt  }
0x6b: {  	_ =	shalt  }
0x6c: {  	_ =	shalt  }
0x6d: {  	_ =	shalt  }
0x6e: {  	_ =	shalt  }
0x6f: {  	_ =	shalt  }
0x70: {  	_ =	shalt  }
0x71: {  	_ =	shalt  }
0x72: {  	_ =	shalt  }
0x73: {  	_ =	shalt  }
0x74: {  	_ =	shalt  }
0x75: {  	_ =	shalt  }
0x76: {  	_ =	shalt  }
0x77: {  	_ =	shalt  }
0x78: {  	_ =	shalt  }
0x79: {  	_ =	shalt  }
0x7a: {  	_ =	shalt  }
0x7b: {  	_ =	shalt  }
0x7c: {  	_ =	shalt  }
0x7d: {  	_ =	shalt  }
0x7e: {  	_ =	shalt  }
0x7f: {  	_ =	shalt  }
0x80: {  	_ =	shalt  }
0x81: {  	_ =	shalt  }
0x82: {  	_ =	shalt  }
0x83: {  	_ =	shalt  }
0x84: {  	_ =	shalt  }
0x85: {  	_ =	shalt  }
0x86: {  	_ =	shalt  }
0x87: {  	_ =	shalt  }
.Lfunc_end0:
.L_simem_size_0:
called_computation_lowered:
.L_overlay_start_0:
0x88: {  	s2 =	sld [smem:$0x3FD9]  }
0x89: {  	s3 =	sld [smem:$0x3FFE];
	_ =	sdelay $0x1  }
0x8a: {  	s1 =	srdreg.scid  }
0x8b: {  	s0 =	sand.u32 $0x1, s1  }
0x8c: {  	s17 =	sshll.u32 s0, $0xA;
	s2 =	sadd.s32 s3, s2  }
0x8d: {  	s2 =	sadd.s32 s2, s17  }
0x8e: {  	[smem:$0x3FC6] =	sst s2  }
0x8f: {  	_ = 	snop  }
0x90: {  	s2 =	sld [smem:$0x3FD0];
	(tm) =	ssettm $0x1  }
0x91: {  	s18 =	sld [smem:$0x3FFB];
	_ =	sdelay $0x3  }
0x92: {  	_ =	strace s18  }
0x93: {  	s3 =	sld [smem:$0x3FFC];
	_ =	sdelay $0x3  }
0x94: {  	_ =	strace s3  }
0x95: {  	s3 =	sld [smem:$0x3FFD];
	_ =	sdelay $0x3  }
0x96: {  	_ =	strace s3  }
0x97: {  	_ =	strace $0x8FFFFFFF  }
0x98: {  	s19 =	sld [smem:$0x3FDB];
	_ =	sdelay $0x1  }
0x99: {  	s4 =	simm.s32 $_scs_section_size  }
0x9a: {  	s5 =	simm.s32 $_size__tile_overlayer_lowered;
	s6 =	simm.s32 $_tile_overlayer_lowered  }
0x9b: {  	s22 =	simm.s32 $0x1BFF;
	s21 =	sshll.u32 s6, $0x1;
	s3 =	sadd.s32 s4, s19  }
0x9c: {  	s7 =	simm.s32 $0x0;
	s20 =	sshll.u32 s5, $0x1;
	s5 =	sadd.s32 s21, s3  }
0x9d: {  	[timem:s7], [sflag:s22] =	dma.local [hbm:s5], s20  }
0x9e: {  	_ =	swait.ge [sflag:s22], s20  }
0x9f: {  	s4 =	ssub.s32 $0x0, s20;
	[sflag:s22] =	ssyncset.done $0x0  }
0xa0: {  	[sflag:s22] =	ssyncadd.s32 s4;
	_ =	sdelay $0x1  }
0xa1: {  	s23 =	simm.s32 $0x1B8B  }
0xa2: {  	_ =	swait.ge [sflag:s23], $0x1  }
0xa3: {  	[sflag:s23] =	ssyncset.done $0x0  }
0xa4: {  	s25 =	simm.s32 $0x1B8E;
	s24 =	sld [smem:$0x3FFE];
	[sflag:s23] =	ssyncadd.s32 $0xFFFFFFFF  }
0xa5: {  	s26 =	simm.s32 $execute0_lowered;
	[smem:$0x3FD2] =	sst s25  }
0xa6: {  	s5 =	sshll.u32 s26, $0x1;
	_ =	strace $0x80000046;
	[dreg:$0x1] =	wrdreg $0xFFFFFFFF  }
0xa7: {  	s28 =	simm.s32 $_size_execute0_lowered;
	s3 =	sadd.s32 s3, s5;
	[dreg:$0x0] =	wrdreg $0x0  }
0xa8: {  	s5 =	sshll.u32 s28, $0x1;
	[dreg:$0x2] =	wrdreg s3  }
0xa9: {  	[dreg:$0x3] =	wrdreg s5  }
0xaa: {  	[dreg:$0x4] =	wrdreg $0xC0  }
0xab: {  	_ =	task [dreg:s7], $0x5FFFF  }
0xac: {  	[dreg:$0x1] =	wrdreg $0xFFFFFFFF  }
0xad: {  	[dreg:$0x0] =	wrdreg $0x60  }
0xae: {  	[dreg:$0x2] =	wrdreg s24  }
0xaf: {  	[dreg:$0x3] =	wrdreg s2  }
0xb0: {  	[dreg:$0x4] =	wrdreg $0x9  }
0xb1: {  	_ =	task.clear_ibuf [dreg:s7], $0x5FFFF;
	_ =	strace $0x90000046  }
0xb2: {  	s29 =	simm.s32 $0x9;
	_ =	strace $0x80000048  }
0xb3: {  	_ =	swait.ge [sflag:s29], $0x1  }
0xb4: {  	[sflag:s29] =	ssyncadd.s32 $0xFFFFFFFF  }
0xb5: {  	_ =	strace $0x90000048  }
0xb6: {  	_ =	sfence  }
0xb7: {  	s30 =	sld [smem:$0x0];
	_ =	sdelay $0x2  }
0xb8: {  	s31 =	sshll.u32 s1, $0xD;
	s1 =	sshrl.u32 s1, $0x2  }
0xb9: {  	s3 =	sand.u32 $0x4000, s31;
	s1 =	sadd.s32 s1, s30  }
0xba: {  	s0 =	sor.u32 s3, s0;
	s1 =	sshll.u32 s1, $0x11  }
0xbb: {  	s0 =	sor.u32 s1, s0  }
0xbc: {  	s0 =	sadd.s32 $0x8F2B, s0  }
0xbd: {  	[sflag:s0] =	ssyncadd.remote.s32 $0x1  }
0xbe: {  	_ =	sfence.sel $0xFFFF  }
0xbf: {  	[dreg:$0x0] =	wrdreg $0xFFFFFFFF;
	(pc) =	sbr.abs _section_cstart, $3  }
0xc0: {  	[dreg:$0x1] =	wrdreg $0xFFFFFFFF  }
0xc1: {  	_ =	task.clear_ibuf [dreg:s7], $0x2FFFF;
	_ =	strace $0x9FFFFFFF  }
0xc2: {  	(tm) =	ssettm $0x7FFFFFFF  }
0xc3: {  	_ =	shalt  }
tec
execute0_lowered:
.L_overlay_start_1:
0x0: {  	(tag) =	ssettag $0x1  }
0x1: {  	s1 =	srdreg.scid;
	s5 =	rddreg [dreg:$0x0]  }
0x2: {  	s0 =	stileid.u32;
	s2 =	rddreg [dreg:$0x1]  }
0x3: {  	s3 =	simm.s32 $0x0;
	s13 =	simm.s32 $0x7200;
	s14 =	simm.s32 $0x7A00  }
0x4: {  	s15 =	simm.s32 $0x1;
	s16 =	simm.s32 $0x2;
	s7 =	smul.u32 $0x98, s0  }
0x5: {  	s17 =	simm.s32 $0x0;
	s4 =	sand.u32 $0x1, s1;
	s10 =	smul.u32 $0x4C00, s0  }
0x6: {  	s31 =	sshll.u32 s0, $0x1;
	[smem:$0x7FF] =	sst s3;
	s8 =	smul.u32 $0x4C, s4  }
0x7: {  	s1 =	sor.u32 s4, s31;
	s9 =	ssub.s32 $0x2, s4;
	s12 =	smul.u32 $0x2600, s4  }
0x8: {  	s4 =	sadd.s32 $0x600, s5;
	s6 =	smul.u32 $0x4C0, s1;
	s11 =	sshrl.u32 s9, $0x1  }
0x9: {  	s1 =	rddreg [dreg:$0x2];
	_ =	strace $0x80000047;
	s9 =	ssub.s32 s9, s11  }
0xa: {  	s7 =	sadd.s32 s8, s7;
	s8 =	sadd.s32 s12, s10;
	s10 =	simm.s32 $0x2600  }
0xb: {  	s11 =	simm.s32 $0x400;
	s12 =	simm.s32 $0x20000;
	s6 =	sadd.s32 s6, s5  }
0xc: {  	s5 =	sadd.s32 $0x1000, s6;
	s6 =	smax.u32 s9, $0x1;
	s9 =	simm.s32 $0x3  }
.LBB2_1:
0xd: {  	[tilespmem:s3], [sflag:$0x3] =	stream.linear.gather [hbm4b:s5+s3], $0x2600, $0x38;
	[tilespmem:$0x8200] =	vst v63  }
0xe: {  	_ =	swait.ge [sflag:s9], $0x2600  }
0xf: {  	[sflag:s9] =	ssyncset.done $0x0  }
0x10: {  	[sflag:s9] =	ssyncadd.s32 $0xFFFFDA00  }
0x11: {  	[tilespmem:s10], [sflag:$0x3] =	stream.linear.gather [hbm4b:s4+s3], $0x4C00, $0x38;
	[tilespmem:$0x8200] =	vst v63  }
0x12: {  	_ =	swait.ge [sflag:s9], $0x4C00  }
0x13: {  	s18 =	simm.s32 $0x80;
	[sflag:s9] =	ssyncset.done $0x0  }
0x14: {  	s19 =	smov.u32 s7;
	s20 =	simm.s32 $0x0;
	[sflag:s9] =	ssyncadd.s32 $0xFFFFB400  }
.LBB2_2:
0x15: {  	p0 =	seq.s32 s20, $0x0  }
0x16: {  	s21 =	simm.s32 @!p0 $0x1  }
0x17: {  	_ =	swait.ge @!p0 [sflag:s21], $0x800  }
0x18: {  	[sflag:s21] =	ssyncset.done @!p0 $0x0  }
0x19: {  	[sflag:s21] =	ssyncadd.s32 @!p0 $0xFFFFF800  }
0x1a: {  	v0 =	vld [tilespmem:s18+$0xFFFFFF80];
	_ =	sdelay $0x2  }
0x1b: {  	s22 =	sshrl.u32 s19, $0x7  }
0x1c: {  	s28 =	sshll.u32 s22, $0x6  }
0x1d: {  	v1 =	vadd.s32 s28, v0;
	_ =	sdelay $0x3  }
0x1e: {  	v0 =	vand.u32 $0x7, v0;
	v2 =	vand.u32 $0xFFFFFFF8, v1  }
0x1f: {  	v0 =	vor.u32 v0, v2;
	v1 =	vld.idx.msk [tilespmem:v1+s10+$0x0], $0xffff  }
0x20: {  	v2 =	vadd.s32 $0x4C0, v0;
	_ =	sdelay $0x3  }
0x21: {  	[tilespmem:$0x7200] =	vst v1  }
0x22: {  	v1 =	vld.idx.msk [tilespmem:v2+s10+$0x0], $0xffff  }
0x23: {  	v5 =	vadd.s32 $0x980, v0;
	_ =	sdelay $0x3  }
0x24: {  	[tilespmem:$0x7280] =	vst v1  }
0x25: {  	v1 =	vld.idx.msk [tilespmem:v5+s10+$0x0], $0xffff  }
0x26: {  	v6 =	vadd.s32 $0xE40, v0;
	_ =	sdelay $0x3  }
0x27: {  	[tilespmem:$0x7300] =	vst v1  }
0x28: {  	v1 =	vld.idx.msk [tilespmem:v6+s10+$0x0], $0xffff  }
0x29: {  	v7 =	vadd.s32 $0x1300, v0;
	_ =	sdelay $0x3  }
0x2a: {  	[tilespmem:$0x7380] =	vst v1  }
0x2b: {  	v1 =	vld.idx.msk [tilespmem:v7+s10+$0x0], $0xffff  }
0x2c: {  	v8 =	vadd.s32 $0x17C0, v0;
	_ =	sdelay $0x3  }
0x2d: {  	[tilespmem:$0x7400] =	vst v1  }
0x2e: {  	v1 =	vld.idx.msk [tilespmem:v8+s10+$0x0], $0xffff  }
0x2f: {  	v9 =	vadd.s32 $0x1C80, v0;
	_ =	sdelay $0x3  }
0x30: {  	[tilespmem:$0x7480] =	vst v1  }
0x31: {  	v1 =	vld.idx.msk [tilespmem:v9+s10+$0x0], $0xffff  }
0x32: {  	v10 =	vadd.s32 $0x2140, v0;
	_ =	sdelay $0x3  }
0x33: {  	[tilespmem:$0x7500] =	vst v1  }
0x34: {  	v1 =	vld.idx.msk [tilespmem:v10+s10+$0x0], $0xffff  }
0x35: {  	v11 =	vadd.s32 $0x2600, v0;
	_ =	sdelay $0x3  }
0x36: {  	[tilespmem:$0x7580] =	vst v1  }
0x37: {  	v1 =	vld.idx.msk [tilespmem:v11+s10+$0x0], $0xffff  }
0x38: {  	v12 =	vadd.s32 $0x2AC0, v0;
	_ =	sdelay $0x3  }
0x39: {  	[tilespmem:$0x7600] =	vst v1  }
0x3a: {  	v1 =	vld.idx.msk [tilespmem:v12+s10+$0x0], $0xffff  }
0x3b: {  	v13 =	vadd.s32 $0x2F80, v0;
	_ =	sdelay $0x3  }
0x3c: {  	[tilespmem:$0x7680] =	vst v1  }
0x3d: {  	v1 =	vld.idx.msk [tilespmem:v13+s10+$0x0], $0xffff  }
0x3e: {  	v14 =	vadd.s32 $0x3440, v0;
	_ =	sdelay $0x3  }
0x3f: {  	[tilespmem:$0x7700] =	vst v1  }
0x40: {  	v1 =	vld.idx.msk [tilespmem:v14+s10+$0x0], $0xffff  }
0x41: {  	v15 =	vadd.s32 $0x3900, v0;
	_ =	sdelay $0x3  }
0x42: {  	[tilespmem:$0x7780] =	vst v1  }
0x43: {  	v1 =	vld.idx.msk [tilespmem:v15+s10+$0x0], $0xffff  }
0x44: {  	v16 =	vadd.s32 $0x3DC0, v0;
	_ =	sdelay $0x3  }
0x45: {  	[tilespmem:$0x7800] =	vst v1  }
0x46: {  	v1 =	vld.idx.msk [tilespmem:v16+s10+$0x0], $0xffff  }
0x47: {  	v17 =	vadd.s32 $0x4280, v0;
	_ =	sdelay $0x3  }
0x48: {  	[tilespmem:$0x7880] =	vst v1  }
0x49: {  	v1 =	vld.idx.msk [tilespmem:v17+s10+$0x0], $0xffff  }
0x4a: {  	v0 =	vadd.s32 $0x4740, v0;
	_ =	sdelay $0x3  }
0x4b: {  	[tilespmem:$0x7900] =	vst v1  }
0x4c: {  	v0 =	vld.idx.msk [tilespmem:v0+s10+$0x0], $0xffff;
	_ =	sdelay $0x4  }
0x4d: {  	[tilespmem:$0x7980] =	vst v0  }
0x4e: {  	v0 =	vld [tilespmem:s18+$0xFFFFFF90];
	_ =	sdelay $0x4  }
0x4f: {  	v18 =	vadd.s32 s28, v0;
	_ =	sdelay $0x3  }
0x50: {  	v0 =	vand.u32 $0x7, v0;
	v19 =	vand.u32 $0xFFFFFFF8, v18  }
0x51: {  	v0 =	vor.u32 v0, v19;
	v1 =	vld.idx.msk [tilespmem:v18+s10+$0x0], $0xffff  }
0x52: {  	v2 =	vadd.s32 $0x4C0, v0;
	_ =	sdelay $0x3  }
0x53: {  	[tilespmem:$0x7210] =	vst v1  }
0x54: {  	v1 =	vld.idx.msk [tilespmem:v2+s10+$0x0], $0xffff  }
0x55: {  	v20 =	vadd.s32 $0x980, v0;
	_ =	sdelay $0x3  }
0x56: {  	[tilespmem:$0x7290] =	vst v1  }
0x57: {  	v1 =	vld.idx.msk [tilespmem:v20+s10+$0x0], $0xffff  }
0x58: {  	v21 =	vadd.s32 $0xE40, v0;
	_ =	sdelay $0x3  }
0x59: {  	[tilespmem:$0x7310] =	vst v1  }
0x5a: {  	v1 =	vld.idx.msk [tilespmem:v21+s10+$0x0], $0xffff  }
0x5b: {  	v22 =	vadd.s32 $0x1300, v0;
	_ =	sdelay $0x3  }
0x5c: {  	[tilespmem:$0x7390] =	vst v1  }
0x5d: {  	v1 =	vld.idx.msk [tilespmem:v22+s10+$0x0], $0xffff  }
0x5e: {  	v23 =	vadd.s32 $0x17C0, v0;
	_ =	sdelay $0x3  }
0x5f: {  	[tilespmem:$0x7410] =	vst v1  }
0x60: {  	v1 =	vld.idx.msk [tilespmem:v23+s10+$0x0], $0xffff  }
0x61: {  	v24 =	vadd.s32 $0x1C80, v0;
	_ =	sdelay $0x3  }
0x62: {  	[tilespmem:$0x7490] =	vst v1  }
0x63: {  	v1 =	vld.idx.msk [tilespmem:v24+s10+$0x0], $0xffff  }
0x64: {  	v25 =	vadd.s32 $0x2140, v0;
	_ =	sdelay $0x3  }
0x65: {  	[tilespmem:$0x7510] =	vst v1  }
0x66: {  	v1 =	vld.idx.msk [tilespmem:v25+s10+$0x0], $0xffff  }
0x67: {  	v26 =	vadd.s32 $0x2600, v0;
	_ =	sdelay $0x3  }
0x68: {  	[tilespmem:$0x7590] =	vst v1  }
0x69: {  	v1 =	vld.idx.msk [tilespmem:v26+s10+$0x0], $0xffff  }
0x6a: {  	v27 =	vadd.s32 $0x2AC0, v0;
	_ =	sdelay $0x3  }
0x6b: {  	[tilespmem:$0x7610] =	vst v1  }
0x6c: {  	v1 =	vld.idx.msk [tilespmem:v27+s10+$0x0], $0xffff  }
0x6d: {  	v28 =	vadd.s32 $0x2F80, v0;
	_ =	sdelay $0x3  }
0x6e: {  	[tilespmem:$0x7690] =	vst v1  }
0x6f: {  	v1 =	vld.idx.msk [tilespmem:v28+s10+$0x0], $0xffff  }
0x70: {  	v29 =	vadd.s32 $0x3440, v0;
	_ =	sdelay $0x3  }
0x71: {  	[tilespmem:$0x7710] =	vst v1  }
0x72: {  	v1 =	vld.idx.msk [tilespmem:v29+s10+$0x0], $0xffff  }
0x73: {  	v30 =	vadd.s32 $0x3900, v0;
	_ =	sdelay $0x3  }
0x74: {  	[tilespmem:$0x7790] =	vst v1  }
0x75: {  	v1 =	vld.idx.msk [tilespmem:v30+s10+$0x0], $0xffff  }
0x76: {  	v31 =	vadd.s32 $0x3DC0, v0;
	_ =	sdelay $0x3  }
0x77: {  	[tilespmem:$0x7810] =	vst v1  }
0x78: {  	v1 =	vld.idx.msk [tilespmem:v31+s10+$0x0], $0xffff  }
0x79: {  	v32 =	vadd.s32 $0x4280, v0;
	_ =	sdelay $0x3  }
0x7a: {  	[tilespmem:$0x7890] =	vst v1  }
0x7b: {  	v1 =	vld.idx.msk [tilespmem:v32+s10+$0x0], $0xffff  }
0x7c: {  	v0 =	vadd.s32 $0x4740, v0;
	_ =	sdelay $0x3  }
0x7d: {  	[tilespmem:$0x7910] =	vst v1  }
0x7e: {  	v0 =	vld.idx.msk [tilespmem:v0+s10+$0x0], $0xffff;
	_ =	sdelay $0x4  }
0x7f: {  	[tilespmem:$0x7990] =	vst v0  }
0x80: {  	v0 =	vld [tilespmem:s18+$0xFFFFFFA0];
	_ =	sdelay $0x4  }
0x81: {  	v33 =	vadd.s32 s28, v0;
	_ =	sdelay $0x3  }
0x82: {  	v0 =	vand.u32 $0x7, v0;
	v34 =	vand.u32 $0xFFFFFFF8, v33  }
0x83: {  	v0 =	vor.u32 v0, v34;
	v1 =	vld.idx.msk [tilespmem:v33+s10+$0x0], $0xffff  }
0x84: {  	v2 =	vadd.s32 $0x4C0, v0;
	_ =	sdelay $0x3  }
0x85: {  	[tilespmem:$0x7220] =	vst v1  }
0x86: {  	v1 =	vld.idx.msk [tilespmem:v2+s10+$0x0], $0xffff  }
0x87: {  	v35 =	vadd.s32 $0x980, v0;
	_ =	sdelay $0x3  }
0x88: {  	[tilespmem:$0x72A0] =	vst v1  }
0x89: {  	v1 =	vld.idx.msk [tilespmem:v35+s10+$0x0], $0xffff  }
0x8a: {  	v36 =	vadd.s32 $0xE40, v0;
	_ =	sdelay $0x3  }
0x8b: {  	[tilespmem:$0x7320] =	vst v1  }
0x8c: {  	v1 =	vld.idx.msk [tilespmem:v36+s10+$0x0], $0xffff  }
0x8d: {  	v37 =	vadd.s32 $0x1300, v0;
	_ =	sdelay $0x3  }
0x8e: {  	[tilespmem:$0x73A0] =	vst v1  }
0x8f: {  	v1 =	vld.idx.msk [tilespmem:v37+s10+$0x0], $0xffff  }
0x90: {  	v38 =	vadd.s32 $0x17C0, v0;
	_ =	sdelay $0x3  }
0x91: {  	[tilespmem:$0x7420] =	vst v1  }
0x92: {  	v1 =	vld.idx.msk [tilespmem:v38+s10+$0x0], $0xffff  }
0x93: {  	v39 =	vadd.s32 $0x1C80, v0;
	_ =	sdelay $0x3  }
0x94: {  	[tilespmem:$0x74A0] =	vst v1  }
0x95: {  	v1 =	vld.idx.msk [tilespmem:v39+s10+$0x0], $0xffff  }
0x96: {  	v40 =	vadd.s32 $0x2140, v0;
	_ =	sdelay $0x3  }
0x97: {  	[tilespmem:$0x7520] =	vst v1  }
0x98: {  	v1 =	vld.idx.msk [tilespmem:v40+s10+$0x0], $0xffff  }
0x99: {  	v41 =	vadd.s32 $0x2600, v0;
	_ =	sdelay $0x3  }
0x9a: {  	[tilespmem:$0x75A0] =	vst v1  }
0x9b: {  	v1 =	vld.idx.msk [tilespmem:v41+s10+$0x0], $0xffff  }
0x9c: {  	v42 =	vadd.s32 $0x2AC0, v0;
	_ =	sdelay $0x3  }
0x9d: {  	[tilespmem:$0x7620] =	vst v1  }
0x9e: {  	v1 =	vld.idx.msk [tilespmem:v42+s10+$0x0], $0xffff  }
0x9f: {  	v43 =	vadd.s32 $0x2F80, v0;
	_ =	sdelay $0x3  }
0xa0: {  	[tilespmem:$0x76A0] =	vst v1  }
0xa1: {  	v1 =	vld.idx.msk [tilespmem:v43+s10+$0x0], $0xffff  }
0xa2: {  	v44 =	vadd.s32 $0x3440, v0;
	_ =	sdelay $0x3  }
0xa3: {  	[tilespmem:$0x7720] =	vst v1  }
0xa4: {  	v1 =	vld.idx.msk [tilespmem:v44+s10+$0x0], $0xffff  }
0xa5: {  	v45 =	vadd.s32 $0x3900, v0;
	_ =	sdelay $0x3  }
0xa6: {  	[tilespmem:$0x77A0] =	vst v1  }
0xa7: {  	v1 =	vld.idx.msk [tilespmem:v45+s10+$0x0], $0xffff  }
0xa8: {  	v46 =	vadd.s32 $0x3DC0, v0;
	_ =	sdelay $0x3  }
0xa9: {  	[tilespmem:$0x7820] =	vst v1  }
0xaa: {  	v1 =	vld.idx.msk [tilespmem:v46+s10+$0x0], $0xffff  }
0xab: {  	v47 =	vadd.s32 $0x4280, v0;
	_ =	sdelay $0x3  }
0xac: {  	[tilespmem:$0x78A0] =	vst v1  }
0xad: {  	v1 =	vld.idx.msk [tilespmem:v47+s10+$0x0], $0xffff  }
0xae: {  	v0 =	vadd.s32 $0x4740, v0;
	_ =	sdelay $0x3  }
0xaf: {  	[tilespmem:$0x7920] =	vst v1  }
0xb0: {  	v0 =	vld.idx.msk [tilespmem:v0+s10+$0x0], $0xffff;
	_ =	sdelay $0x4  }
0xb1: {  	[tilespmem:$0x79A0] =	vst v0  }
0xb2: {  	v0 =	vld [tilespmem:s18+$0xFFFFFFB0];
	_ =	sdelay $0x4  }
0xb3: {  	v48 =	vadd.s32 s28, v0;
	_ =	sdelay $0x3  }
0xb4: {  	v0 =	vand.u32 $0x7, v0;
	v49 =	vand.u32 $0xFFFFFFF8, v48  }
0xb5: {  	v0 =	vor.u32 v0, v49;
	v1 =	vld.idx.msk [tilespmem:v48+s10+$0x0], $0xffff  }
0xb6: {  	v2 =	vadd.s32 $0x4C0, v0;
	_ =	sdelay $0x3  }
0xb7: {  	[tilespmem:$0x7230] =	vst v1  }
0xb8: {  	v1 =	vld.idx.msk [tilespmem:v2+s10+$0x0], $0xffff  }
0xb9: {  	v50 =	vadd.s32 $0x980, v0;
	_ =	sdelay $0x3  }
0xba: {  	[tilespmem:$0x72B0] =	vst v1  }
0xbb: {  	v1 =	vld.idx.msk [tilespmem:v50+s10+$0x0], $0xffff  }
0xbc: {  	v51 =	vadd.s32 $0xE40, v0;
	_ =	sdelay $0x3  }
0xbd: {  	[tilespmem:$0x7330] =	vst v1  }
0xbe: {  	v1 =	vld.idx.msk [tilespmem:v51+s10+$0x0], $0xffff  }
0xbf: {  	v52 =	vadd.s32 $0x1300, v0;
	_ =	sdelay $0x3  }
0xc0: {  	[tilespmem:$0x73B0] =	vst v1  }
0xc1: {  	v1 =	vld.idx.msk [tilespmem:v52+s10+$0x0], $0xffff  }
0xc2: {  	v53 =	vadd.s32 $0x17C0, v0;
	_ =	sdelay $0x3  }
0xc3: {  	[tilespmem:$0x7430] =	vst v1  }
0xc4: {  	v1 =	vld.idx.msk [tilespmem:v53+s10+$0x0], $0xffff  }
0xc5: {  	v54 =	vadd.s32 $0x1C80, v0;
	_ =	sdelay $0x3  }
0xc6: {  	[tilespmem:$0x74B0] =	vst v1  }
0xc7: {  	v1 =	vld.idx.msk [tilespmem:v54+s10+$0x0], $0xffff  }
0xc8: {  	v55 =	vadd.s32 $0x2140, v0;
	_ =	sdelay $0x3  }
0xc9: {  	[tilespmem:$0x7530] =	vst v1  }
0xca: {  	v1 =	vld.idx.msk [tilespmem:v55+s10+$0x0], $0xffff  }
0xcb: {  	v56 =	vadd.s32 $0x2600, v0;
	_ =	sdelay $0x3  }
0xcc: {  	[tilespmem:$0x75B0] =	vst v1  }
0xcd: {  	v1 =	vld.idx.msk [tilespmem:v56+s10+$0x0], $0xffff  }
0xce: {  	v57 =	vadd.s32 $0x2AC0, v0;
	_ =	sdelay $0x3  }
0xcf: {  	[tilespmem:$0x7630] =	vst v1  }
0xd0: {  	v1 =	vld.idx.msk [tilespmem:v57+s10+$0x0], $0xffff  }
0xd1: {  	v58 =	vadd.s32 $0x2F80, v0;
	_ =	sdelay $0x3  }
0xd2: {  	[tilespmem:$0x76B0] =	vst v1  }
0xd3: {  	v1 =	vld.idx.msk [tilespmem:v58+s10+$0x0], $0xffff  }
0xd4: {  	v59 =	vadd.s32 $0x3440, v0;
	_ =	sdelay $0x3  }
0xd5: {  	[tilespmem:$0x7730] =	vst v1  }
0xd6: {  	v1 =	vld.idx.msk [tilespmem:v59+s10+$0x0], $0xffff  }
0xd7: {  	v60 =	vadd.s32 $0x3900, v0;
	_ =	sdelay $0x3  }
0xd8: {  	[tilespmem:$0x77B0] =	vst v1  }
0xd9: {  	v1 =	vld.idx.msk [tilespmem:v60+s10+$0x0], $0xffff  }
0xda: {  	v61 =	vadd.s32 $0x3DC0, v0;
	_ =	sdelay $0x3  }
0xdb: {  	[tilespmem:$0x7830] =	vst v1  }
0xdc: {  	v1 =	vld.idx.msk [tilespmem:v61+s10+$0x0], $0xffff  }
0xdd: {  	v62 =	vadd.s32 $0x4280, v0;
	_ =	sdelay $0x3  }
0xde: {  	[tilespmem:$0x78B0] =	vst v1  }
0xdf: {  	v1 =	vld.idx.msk [tilespmem:v62+s10+$0x0], $0xffff  }
0xe0: {  	v0 =	vadd.s32 $0x4740, v0;
	_ =	sdelay $0x3  }
0xe1: {  	[tilespmem:$0x7930] =	vst v1  }
0xe2: {  	v0 =	vld.idx.msk [tilespmem:v0+s10+$0x0], $0xffff;
	_ =	sdelay $0x4  }
0xe3: {  	[tilespmem:$0x79B0] =	vst v0  }
0xe4: {  	v0 =	vld [tilespmem:s18+$0xFFFFFFC0];
	_ =	sdelay $0x4  }
0xe5: {  	v63 =	vadd.s32 s28, v0;
	_ =	sdelay $0x3  }
0xe6: {  	v0 =	vand.u32 $0x7, v0;
	v4 =	vand.u32 $0xFFFFFFF8, v63  }
0xe7: {  	v0 =	vor.u32 v0, v4;
	v1 =	vld.idx.msk [tilespmem:v63+s10+$0x0], $0xffff  }
0xe8: {  	v2 =	vadd.s32 $0x4C0, v0;
	_ =	sdelay $0x3  }
0xe9: {  	[tilespmem:$0x7240] =	vst v1  }
0xea: {  	v1 =	vld.idx.msk [tilespmem:v2+s10+$0x0], $0xffff  }
0xeb: {  	v5 =	vadd.s32 $0x980, v0;
	_ =	sdelay $0x3  }
0xec: {  	[tilespmem:$0x72C0] =	vst v1  }
0xed: {  	v1 =	vld.idx.msk [tilespmem:v5+s10+$0x0], $0xffff  }
0xee: {  	v6 =	vadd.s32 $0xE40, v0;
	_ =	sdelay $0x3  }
0xef: {  	[tilespmem:$0x7340] =	vst v1  }
0xf0: {  	v1 =	vld.idx.msk [tilespmem:v6+s10+$0x0], $0xffff  }
0xf1: {  	v7 =	vadd.s32 $0x1300, v0;
	_ =	sdelay $0x3  }
0xf2: {  	[tilespmem:$0x73C0] =	vst v1  }
0xf3: {  	v1 =	vld.idx.msk [tilespmem:v7+s10+$0x0], $0xffff  }
0xf4: {  	v8 =	vadd.s32 $0x17C0, v0;
	_ =	sdelay $0x3  }
0xf5: {  	[tilespmem:$0x7440] =	vst v1  }
0xf6: {  	v1 =	vld.idx.msk [tilespmem:v8+s10+$0x0], $0xffff  }
0xf7: {  	v9 =	vadd.s32 $0x1C80, v0;
	_ =	sdelay $0x3  }
0xf8: {  	[tilespmem:$0x74C0] =	vst v1  }
0xf9: {  	v1 =	vld.idx.msk [tilespmem:v9+s10+$0x0], $0xffff  }
0xfa: {  	v10 =	vadd.s32 $0x2140, v0;
	_ =	sdelay $0x3  }
0xfb: {  	[tilespmem:$0x7540] =	vst v1  }
0xfc: {  	v1 =	vld.idx.msk [tilespmem:v10+s10+$0x0], $0xffff  }
0xfd: {  	v11 =	vadd.s32 $0x2600, v0;
	_ =	sdelay $0x3  }
0xfe: {  	[tilespmem:$0x75C0] =	vst v1  }
0xff: {  	v1 =	vld.idx.msk [tilespmem:v11+s10+$0x0], $0xffff  }
0x100: {  	v12 =	vadd.s32 $0x2AC0, v0;
	_ =	sdelay $0x3  }
0x101: {  	[tilespmem:$0x7640] =	vst v1  }
0x102: {  	v1 =	vld.idx.msk [tilespmem:v12+s10+$0x0], $0xffff  }
0x103: {  	v13 =	vadd.s32 $0x2F80, v0;
	_ =	sdelay $0x3  }
0x104: {  	[tilespmem:$0x76C0] =	vst v1  }
0x105: {  	v1 =	vld.idx.msk [tilespmem:v13+s10+$0x0], $0xffff  }
0x106: {  	v14 =	vadd.s32 $0x3440, v0;
	_ =	sdelay $0x3  }
0x107: {  	[tilespmem:$0x7740] =	vst v1  }
0x108: {  	v1 =	vld.idx.msk [tilespmem:v14+s10+$0x0], $0xffff  }
0x109: {  	v15 =	vadd.s32 $0x3900, v0;
	_ =	sdelay $0x3  }
0x10a: {  	[tilespmem:$0x77C0] =	vst v1  }
0x10b: {  	v1 =	vld.idx.msk [tilespmem:v15+s10+$0x0], $0xffff  }
0x10c: {  	v16 =	vadd.s32 $0x3DC0, v0;
	_ =	sdelay $0x3  }
0x10d: {  	[tilespmem:$0x7840] =	vst v1  }
0x10e: {  	v1 =	vld.idx.msk [tilespmem:v16+s10+$0x0], $0xffff  }
0x10f: {  	v17 =	vadd.s32 $0x4280, v0;
	_ =	sdelay $0x3  }
0x110: {  	[tilespmem:$0x78C0] =	vst v1  }
0x111: {  	v1 =	vld.idx.msk [tilespmem:v17+s10+$0x0], $0xffff  }
0x112: {  	v0 =	vadd.s32 $0x4740, v0;
	_ =	sdelay $0x3  }
0x113: {  	[tilespmem:$0x7940] =	vst v1  }
0x114: {  	v0 =	vld.idx.msk [tilespmem:v0+s10+$0x0], $0xffff;
	_ =	sdelay $0x4  }
0x115: {  	[tilespmem:$0x79C0] =	vst v0  }
0x116: {  	v0 =	vld [tilespmem:s18+$0xFFFFFFD0];
	_ =	sdelay $0x4  }
0x117: {  	v18 =	vadd.s32 s28, v0;
	_ =	sdelay $0x3  }
0x118: {  	v0 =	vand.u32 $0x7, v0;
	v19 =	vand.u32 $0xFFFFFFF8, v18  }
0x119: {  	v0 =	vor.u32 v0, v19;
	v1 =	vld.idx.msk [tilespmem:v18+s10+$0x0], $0xffff  }
0x11a: {  	v2 =	vadd.s32 $0x4C0, v0;
	_ =	sdelay $0x3  }
0x11b: {  	[tilespmem:$0x7250] =	vst v1  }
0x11c: {  	v1 =	vld.idx.msk [tilespmem:v2+s10+$0x0], $0xffff  }
0x11d: {  	v20 =	vadd.s32 $0x980, v0;
	_ =	sdelay $0x3  }
0x11e: {  	[tilespmem:$0x72D0] =	vst v1  }
0x11f: {  	v1 =	vld.idx.msk [tilespmem:v20+s10+$0x0], $0xffff  }
0x120: {  	v21 =	vadd.s32 $0xE40, v0;
	_ =	sdelay $0x3  }
0x121: {  	[tilespmem:$0x7350] =	vst v1  }
0x122: {  	v1 =	vld.idx.msk [tilespmem:v21+s10+$0x0], $0xffff  }
0x123: {  	v22 =	vadd.s32 $0x1300, v0;
	_ =	sdelay $0x3  }
0x124: {  	[tilespmem:$0x73D0] =	vst v1  }
0x125: {  	v1 =	vld.idx.msk [tilespmem:v22+s10+$0x0], $0xffff  }
0x126: {  	v23 =	vadd.s32 $0x17C0, v0;
	_ =	sdelay $0x3  }
0x127: {  	[tilespmem:$0x7450] =	vst v1  }
0x128: {  	v1 =	vld.idx.msk [tilespmem:v23+s10+$0x0], $0xffff  }
0x129: {  	v24 =	vadd.s32 $0x1C80, v0;
	_ =	sdelay $0x3  }
0x12a: {  	[tilespmem:$0x74D0] =	vst v1  }
0x12b: {  	v1 =	vld.idx.msk [tilespmem:v24+s10+$0x0], $0xffff  }
0x12c: {  	v25 =	vadd.s32 $0x2140, v0;
	_ =	sdelay $0x3  }
0x12d: {  	[tilespmem:$0x7550] =	vst v1  }
0x12e: {  	v1 =	vld.idx.msk [tilespmem:v25+s10+$0x0], $0xffff  }
0x12f: {  	v26 =	vadd.s32 $0x2600, v0;
	_ =	sdelay $0x3  }
0x130: {  	[tilespmem:$0x75D0] =	vst v1  }
0x131: {  	v1 =	vld.idx.msk [tilespmem:v26+s10+$0x0], $0xffff  }
0x132: {  	v27 =	vadd.s32 $0x2AC0, v0;
	_ =	sdelay $0x3  }
0x133: {  	[tilespmem:$0x7650] =	vst v1  }
0x134: {  	v1 =	vld.idx.msk [tilespmem:v27+s10+$0x0], $0xffff  }
0x135: {  	v28 =	vadd.s32 $0x2F80, v0;
	_ =	sdelay $0x3  }
0x136: {  	[tilespmem:$0x76D0] =	vst v1  }
0x137: {  	v1 =	vld.idx.msk [tilespmem:v28+s10+$0x0], $0xffff  }
0x138: {  	v29 =	vadd.s32 $0x3440, v0;
	_ =	sdelay $0x3  }
0x139: {  	[tilespmem:$0x7750] =	vst v1  }
0x13a: {  	v1 =	vld.idx.msk [tilespmem:v29+s10+$0x0], $0xffff  }
0x13b: {  	v30 =	vadd.s32 $0x3900, v0;
	_ =	sdelay $0x3  }
0x13c: {  	[tilespmem:$0x77D0] =	vst v1  }
0x13d: {  	v1 =	vld.idx.msk [tilespmem:v30+s10+$0x0], $0xffff  }
0x13e: {  	v31 =	vadd.s32 $0x3DC0, v0;
	_ =	sdelay $0x3  }
0x13f: {  	[tilespmem:$0x7850] =	vst v1  }
0x140: {  	v1 =	vld.idx.msk [tilespmem:v31+s10+$0x0], $0xffff  }
0x141: {  	v32 =	vadd.s32 $0x4280, v0;
	_ =	sdelay $0x3  }
0x142: {  	[tilespmem:$0x78D0] =	vst v1  }
0x143: {  	v1 =	vld.idx.msk [tilespmem:v32+s10+$0x0], $0xffff  }
0x144: {  	v0 =	vadd.s32 $0x4740, v0;
	_ =	sdelay $0x3  }
0x145: {  	[tilespmem:$0x7950] =	vst v1  }
0x146: {  	v0 =	vld.idx.msk [tilespmem:v0+s10+$0x0], $0xffff;
	_ =	sdelay $0x4  }
0x147: {  	[tilespmem:$0x79D0] =	vst v0  }
0x148: {  	v0 =	vld [tilespmem:s18+$0xFFFFFFE0];
	_ =	sdelay $0x4  }
0x149: {  	v33 =	vadd.s32 s28, v0;
	_ =	sdelay $0x3  }
0x14a: {  	v0 =	vand.u32 $0x7, v0;
	v34 =	vand.u32 $0xFFFFFFF8, v33  }
0x14b: {  	v0 =	vor.u32 v0, v34;
	v1 =	vld.idx.msk [tilespmem:v33+s10+$0x0], $0xffff  }
0x14c: {  	v2 =	vadd.s32 $0x4C0, v0;
	_ =	sdelay $0x3  }
0x14d: {  	[tilespmem:$0x7260] =	vst v1  }
0x14e: {  	v1 =	vld.idx.msk [tilespmem:v2+s10+$0x0], $0xffff  }
0x14f: {  	v35 =	vadd.s32 $0x980, v0;
	_ =	sdelay $0x3  }
0x150: {  	[tilespmem:$0x72E0] =	vst v1  }
0x151: {  	v1 =	vld.idx.msk [tilespmem:v35+s10+$0x0], $0xffff  }
0x152: {  	v36 =	vadd.s32 $0xE40, v0;
	_ =	sdelay $0x3  }
0x153: {  	[tilespmem:$0x7360] =	vst v1  }
0x154: {  	v1 =	vld.idx.msk [tilespmem:v36+s10+$0x0], $0xffff  }
0x155: {  	v37 =	vadd.s32 $0x1300, v0;
	_ =	sdelay $0x3  }
0x156: {  	[tilespmem:$0x73E0] =	vst v1  }
0x157: {  	v1 =	vld.idx.msk [tilespmem:v37+s10+$0x0], $0xffff  }
0x158: {  	v38 =	vadd.s32 $0x17C0, v0;
	_ =	sdelay $0x3  }
0x159: {  	[tilespmem:$0x7460] =	vst v1  }
0x15a: {  	v1 =	vld.idx.msk [tilespmem:v38+s10+$0x0], $0xffff  }
0x15b: {  	v39 =	vadd.s32 $0x1C80, v0;
	_ =	sdelay $0x3  }
0x15c: {  	[tilespmem:$0x74E0] =	vst v1  }
0x15d: {  	v1 =	vld.idx.msk [tilespmem:v39+s10+$0x0], $0xffff  }
0x15e: {  	v40 =	vadd.s32 $0x2140, v0;
	_ =	sdelay $0x3  }
0x15f: {  	[tilespmem:$0x7560] =	vst v1  }
0x160: {  	v1 =	vld.idx.msk [tilespmem:v40+s10+$0x0], $0xffff  }
0x161: {  	v41 =	vadd.s32 $0x2600, v0;
	_ =	sdelay $0x3  }
0x162: {  	[tilespmem:$0x75E0] =	vst v1  }
0x163: {  	v1 =	vld.idx.msk [tilespmem:v41+s10+$0x0], $0xffff  }
0x164: {  	v42 =	vadd.s32 $0x2AC0, v0;
	_ =	sdelay $0x3  }
0x165: {  	[tilespmem:$0x7660] =	vst v1  }
0x166: {  	v1 =	vld.idx.msk [tilespmem:v42+s10+$0x0], $0xffff  }
0x167: {  	v43 =	vadd.s32 $0x2F80, v0;
	_ =	sdelay $0x3  }
0x168: {  	[tilespmem:$0x76E0] =	vst v1  }
0x169: {  	v1 =	vld.idx.msk [tilespmem:v43+s10+$0x0], $0xffff  }
0x16a: {  	v44 =	vadd.s32 $0x3440, v0;
	_ =	sdelay $0x3  }
0x16b: {  	[tilespmem:$0x7760] =	vst v1  }
0x16c: {  	v1 =	vld.idx.msk [tilespmem:v44+s10+$0x0], $0xffff  }
0x16d: {  	v45 =	vadd.s32 $0x3900, v0;
	_ =	sdelay $0x3  }
0x16e: {  	[tilespmem:$0x77E0] =	vst v1  }
0x16f: {  	v1 =	vld.idx.msk [tilespmem:v45+s10+$0x0], $0xffff  }
0x170: {  	v46 =	vadd.s32 $0x3DC0, v0;
	_ =	sdelay $0x3  }
0x171: {  	[tilespmem:$0x7860] =	vst v1  }
0x172: {  	v1 =	vld.idx.msk [tilespmem:v46+s10+$0x0], $0xffff  }
0x173: {  	v47 =	vadd.s32 $0x4280, v0;
	_ =	sdelay $0x3  }
0x174: {  	[tilespmem:$0x78E0] =	vst v1  }
0x175: {  	v1 =	vld.idx.msk [tilespmem:v47+s10+$0x0], $0xffff  }
0x176: {  	v0 =	vadd.s32 $0x4740, v0;
	_ =	sdelay $0x3  }
0x177: {  	[tilespmem:$0x7960] =	vst v1  }
0x178: {  	v0 =	vld.idx.msk [tilespmem:v0+s10+$0x0], $0xffff;
	_ =	sdelay $0x4  }
0x179: {  	[tilespmem:$0x79E0] =	vst v0  }
0x17a: {  	v0 =	vld [tilespmem:s18+$0xFFFFFFF0];
	_ =	sdelay $0x4  }
0x17b: {  	v48 =	vadd.s32 s28, v0;
	_ =	sdelay $0x3  }
0x17c: {  	v0 =	vand.u32 $0x7, v0;
	v49 =	vand.u32 $0xFFFFFFF8, v48  }
0x17d: {  	v0 =	vor.u32 v0, v49;
	v1 =	vld.idx.msk [tilespmem:v48+s10+$0x0], $0xffff  }
0x17e: {  	v2 =	vadd.s32 $0x4C0, v0;
	_ =	sdelay $0x3  }
0x17f: {  	[tilespmem:$0x7270] =	vst v1  }
0x180: {  	v1 =	vld.idx.msk [tilespmem:v2+s10+$0x0], $0xffff  }
0x181: {  	v50 =	vadd.s32 $0x980, v0;
	_ =	sdelay $0x3  }
0x182: {  	[tilespmem:$0x72F0] =	vst v1  }
0x183: {  	v1 =	vld.idx.msk [tilespmem:v50+s10+$0x0], $0xffff  }
0x184: {  	v51 =	vadd.s32 $0xE40, v0;
	_ =	sdelay $0x3  }
0x185: {  	[tilespmem:$0x7370] =	vst v1  }
0x186: {  	v1 =	vld.idx.msk [tilespmem:v51+s10+$0x0], $0xffff  }
0x187: {  	v52 =	vadd.s32 $0x1300, v0;
	_ =	sdelay $0x3  }
0x188: {  	[tilespmem:$0x73F0] =	vst v1  }
0x189: {  	v1 =	vld.idx.msk [tilespmem:v52+s10+$0x0], $0xffff  }
0x18a: {  	v53 =	vadd.s32 $0x17C0, v0;
	_ =	sdelay $0x3  }
0x18b: {  	[tilespmem:$0x7470] =	vst v1  }
0x18c: {  	v1 =	vld.idx.msk [tilespmem:v53+s10+$0x0], $0xffff  }
0x18d: {  	v54 =	vadd.s32 $0x1C80, v0;
	_ =	sdelay $0x3  }
0x18e: {  	[tilespmem:$0x74F0] =	vst v1  }
0x18f: {  	v1 =	vld.idx.msk [tilespmem:v54+s10+$0x0], $0xffff  }
0x190: {  	v55 =	vadd.s32 $0x2140, v0;
	_ =	sdelay $0x3  }
0x191: {  	[tilespmem:$0x7570] =	vst v1  }
0x192: {  	v1 =	vld.idx.msk [tilespmem:v55+s10+$0x0], $0xffff  }
0x193: {  	v56 =	vadd.s32 $0x2600, v0;
	_ =	sdelay $0x3  }
0x194: {  	[tilespmem:$0x75F0] =	vst v1  }
0x195: {  	v1 =	vld.idx.msk [tilespmem:v56+s10+$0x0], $0xffff  }
0x196: {  	v57 =	vadd.s32 $0x2AC0, v0;
	_ =	sdelay $0x3  }
0x197: {  	[tilespmem:$0x7670] =	vst v1  }
0x198: {  	v1 =	vld.idx.msk [tilespmem:v57+s10+$0x0], $0xffff  }
0x199: {  	v58 =	vadd.s32 $0x2F80, v0;
	_ =	sdelay $0x3  }
0x19a: {  	[tilespmem:$0x76F0] =	vst v1  }
0x19b: {  	v1 =	vld.idx.msk [tilespmem:v58+s10+$0x0], $0xffff  }
0x19c: {  	v59 =	vadd.s32 $0x3440, v0;
	_ =	sdelay $0x3  }
0x19d: {  	[tilespmem:$0x7770] =	vst v1  }
0x19e: {  	v1 =	vld.idx.msk [tilespmem:v59+s10+$0x0], $0xffff  }
0x19f: {  	v60 =	vadd.s32 $0x3900, v0;
	_ =	sdelay $0x3  }
0x1a0: {  	[tilespmem:$0x77F0] =	vst v1  }
0x1a1: {  	v1 =	vld.idx.msk [tilespmem:v60+s10+$0x0], $0xffff  }
0x1a2: {  	v61 =	vadd.s32 $0x3DC0, v0;
	_ =	sdelay $0x3  }
0x1a3: {  	[tilespmem:$0x7870] =	vst v1  }
0x1a4: {  	v1 =	vld.idx.msk [tilespmem:v61+s10+$0x0], $0xffff  }
0x1a5: {  	v62 =	vadd.s32 $0x4280, v0;
	_ =	sdelay $0x3  }
0x1a6: {  	[tilespmem:$0x78F0] =	vst v1  }
0x1a7: {  	v1 =	vld.idx.msk [tilespmem:v62+s10+$0x0], $0xffff  }
0x1a8: {  	v0 =	vadd.s32 $0x4740, v0;
	_ =	sdelay $0x3  }
0x1a9: {  	[tilespmem:$0x7970] =	vst v1  }
0x1aa: {  	v0 =	vld.idx.msk [tilespmem:v0+s10+$0x0], $0xffff;
	_ =	sdelay $0x1  }
0x1ab: {  	s29 =	sadd.s32 s20, s8  }
0x1ac: {  	s23 =	sand.u32 $0x3F00, s29  }
0x1ad: {  	s22 =	sshll.u32 s22, $0xF;
	s23 =	sadd.s32 s2, s23  }
0x1ae: {  	s22 =	sadd.s32 s22, s23;
	[tilespmem:$0x79F0] =	vst v0  }
0x1af: {  	[hbm4b:s22+s11] =	stream.strided.scatter [tilespmem:s13], [sflag:$0x1], $0x800, s12, s11, $0x38;
	[tilespmem:$0x8200] =	vst v63  }
0x1b0: {  	s22 =	simm.s32 @!p0 $0x2  }
0x1b1: {  	_ =	swait.ge @!p0 [sflag:s22], $0x800  }
0x1b2: {  	[sflag:s22] =	ssyncset.done @!p0 $0x0  }
0x1b3: {  	[sflag:s22] =	ssyncadd.s32 @!p0 $0xFFFFF800  }
0x1b4: {  	v63 =	vld [tilespmem:s18+$0x0];
	_ =	sdelay $0x1  }
0x1b5: {  	s30 =	sadd.s32 $0x1, s19  }
0x1b6: {  	s22 =	sshrl.u32 s30, $0x7  }
0x1b7: {  	s31 =	sshll.u32 s22, $0x6  }
0x1b8: {  	v4 =	vadd.s32 s31, v63;
	_ =	sdelay $0x3  }
0x1b9: {  	v0 =	vand.u32 $0x7, v63;
	v5 =	vand.u32 $0xFFFFFFF8, v4  }
0x1ba: {  	v0 =	vor.u32 v0, v5;
	v1 =	vld.idx.msk [tilespmem:v4+s10+$0x0], $0xffff  }
0x1bb: {  	v2 =	vadd.s32 $0x4C0, v0;
	_ =	sdelay $0x3  }
0x1bc: {  	[tilespmem:$0x7A00] =	vst v1  }
0x1bd: {  	v1 =	vld.idx.msk [tilespmem:v2+s10+$0x0], $0xffff  }
0x1be: {  	v6 =	vadd.s32 $0x980, v0;
	_ =	sdelay $0x3  }
0x1bf: {  	[tilespmem:$0x7A80] =	vst v1  }
0x1c0: {  	v1 =	vld.idx.msk [tilespmem:v6+s10+$0x0], $0xffff  }
0x1c1: {  	v7 =	vadd.s32 $0xE40, v0;
	_ =	sdelay $0x3  }
0x1c2: {  	[tilespmem:$0x7B00] =	vst v1  }
0x1c3: {  	v1 =	vld.idx.msk [tilespmem:v7+s10+$0x0], $0xffff  }
0x1c4: {  	v8 =	vadd.s32 $0x1300, v0;
	_ =	sdelay $0x3  }
0x1c5: {  	[tilespmem:$0x7B80] =	vst v1  }
0x1c6: {  	v1 =	vld.idx.msk [tilespmem:v8+s10+$0x0], $0xffff  }
0x1c7: {  	v9 =	vadd.s32 $0x17C0, v0;
	_ =	sdelay $0x3  }
0x1c8: {  	[tilespmem:$0x7C00] =	vst v1  }
0x1c9: {  	v1 =	vld.idx.msk [tilespmem:v9+s10+$0x0], $0xffff  }
0x1ca: {  	v10 =	vadd.s32 $0x1C80, v0;
	_ =	sdelay $0x3  }
0x1cb: {  	[tilespmem:$0x7C80] =	vst v1  }
0x1cc: {  	v1 =	vld.idx.msk [tilespmem:v10+s10+$0x0], $0xffff  }
0x1cd: {  	v11 =	vadd.s32 $0x2140, v0;
	_ =	sdelay $0x3  }
0x1ce: {  	[tilespmem:$0x7D00] =	vst v1  }
0x1cf: {  	v1 =	vld.idx.msk [tilespmem:v11+s10+$0x0], $0xffff  }
0x1d0: {  	v12 =	vadd.s32 $0x2600, v0;
	_ =	sdelay $0x3  }
0x1d1: {  	[tilespmem:$0x7D80] =	vst v1  }
0x1d2: {  	v1 =	vld.idx.msk [tilespmem:v12+s10+$0x0], $0xffff  }
0x1d3: {  	v13 =	vadd.s32 $0x2AC0, v0;
	_ =	sdelay $0x3  }
0x1d4: {  	[tilespmem:$0x7E00] =	vst v1  }
0x1d5: {  	v1 =	vld.idx.msk [tilespmem:v13+s10+$0x0], $0xffff  }
0x1d6: {  	v14 =	vadd.s32 $0x2F80, v0;
	_ =	sdelay $0x3  }
0x1d7: {  	[tilespmem:$0x7E80] =	vst v1  }
0x1d8: {  	v1 =	vld.idx.msk [tilespmem:v14+s10+$0x0], $0xffff  }
0x1d9: {  	v15 =	vadd.s32 $0x3440, v0;
	_ =	sdelay $0x3  }
0x1da: {  	[tilespmem:$0x7F00] =	vst v1  }
0x1db: {  	v1 =	vld.idx.msk [tilespmem:v15+s10+$0x0], $0xffff  }
0x1dc: {  	v16 =	vadd.s32 $0x3900, v0;
	_ =	sdelay $0x3  }
0x1dd: {  	[tilespmem:$0x7F80] =	vst v1  }
0x1de: {  	v1 =	vld.idx.msk [tilespmem:v16+s10+$0x0], $0xffff  }
0x1df: {  	v17 =	vadd.s32 $0x3DC0, v0;
	_ =	sdelay $0x3  }
0x1e0: {  	[tilespmem:$0x8000] =	vst v1  }
0x1e1: {  	v1 =	vld.idx.msk [tilespmem:v17+s10+$0x0], $0xffff  }
0x1e2: {  	v18 =	vadd.s32 $0x4280, v0;
	_ =	sdelay $0x3  }
0x1e3: {  	[tilespmem:$0x8080] =	vst v1  }
0x1e4: {  	v1 =	vld.idx.msk [tilespmem:v18+s10+$0x0], $0xffff  }
0x1e5: {  	v0 =	vadd.s32 $0x4740, v0;
	_ =	sdelay $0x3  }
0x1e6: {  	[tilespmem:$0x8100] =	vst v1  }
0x1e7: {  	v0 =	vld.idx.msk [tilespmem:v0+s10+$0x0], $0xffff;
	_ =	sdelay $0x4  }
0x1e8: {  	[tilespmem:$0x8180] =	vst v0  }
0x1e9: {  	v0 =	vld [tilespmem:s18+$0x10];
	_ =	sdelay $0x4  }
0x1ea: {  	v19 =	vadd.s32 s31, v0;
	_ =	sdelay $0x3  }
0x1eb: {  	v0 =	vand.u32 $0x7, v0;
	v20 =	vand.u32 $0xFFFFFFF8, v19  }
0x1ec: {  	v0 =	vor.u32 v0, v20;
	v1 =	vld.idx.msk [tilespmem:v19+s10+$0x0], $0xffff  }
0x1ed: {  	v2 =	vadd.s32 $0x4C0, v0;
	_ =	sdelay $0x3  }
0x1ee: {  	[tilespmem:$0x7A10] =	vst v1  }
0x1ef: {  	v1 =	vld.idx.msk [tilespmem:v2+s10+$0x0], $0xffff  }
0x1f0: {  	v21 =	vadd.s32 $0x980, v0;
	_ =	sdelay $0x3  }
0x1f1: {  	[tilespmem:$0x7A90] =	vst v1  }
0x1f2: {  	v1 =	vld.idx.msk [tilespmem:v21+s10+$0x0], $0xffff  }
0x1f3: {  	v22 =	vadd.s32 $0xE40, v0;
	_ =	sdelay $0x3  }
0x1f4: {  	[tilespmem:$0x7B10] =	vst v1  }
0x1f5: {  	v1 =	vld.idx.msk [tilespmem:v22+s10+$0x0], $0xffff  }
0x1f6: {  	v23 =	vadd.s32 $0x1300, v0;
	_ =	sdelay $0x3  }
0x1f7: {  	[tilespmem:$0x7B90] =	vst v1  }
0x1f8: {  	v1 =	vld.idx.msk [tilespmem:v23+s10+$0x0], $0xffff  }
0x1f9: {  	v24 =	vadd.s32 $0x17C0, v0;
	_ =	sdelay $0x3  }
0x1fa: {  	[tilespmem:$0x7C10] =	vst v1  }
0x1fb: {  	v1 =	vld.idx.msk [tilespmem:v24+s10+$0x0], $0xffff  }
0x1fc: {  	v25 =	vadd.s32 $0x1C80, v0;
	_ =	sdelay $0x3  }
0x1fd: {  	[tilespmem:$0x7C90] =	vst v1  }
0x1fe: {  	v1 =	vld.idx.msk [tilespmem:v25+s10+$0x0], $0xffff  }
0x1ff: {  	v26 =	vadd.s32 $0x2140, v0;
	_ =	sdelay $0x3  }
0x200: {  	[tilespmem:$0x7D10] =	vst v1  }
0x201: {  	v1 =	vld.idx.msk [tilespmem:v26+s10+$0x0], $0xffff  }
0x202: {  	v27 =	vadd.s32 $0x2600, v0;
	_ =	sdelay $0x3  }
0x203: {  	[tilespmem:$0x7D90] =	vst v1  }
0x204: {  	v1 =	vld.idx.msk [tilespmem:v27+s10+$0x0], $0xffff  }
0x205: {  	v28 =	vadd.s32 $0x2AC0, v0;
	_ =	sdelay $0x3  }
0x206: {  	[tilespmem:$0x7E10] =	vst v1  }
0x207: {  	v1 =	vld.idx.msk [tilespmem:v28+s10+$0x0], $0xffff  }
0x208: {  	v29 =	vadd.s32 $0x2F80, v0;
	_ =	sdelay $0x3  }
0x209: {  	[tilespmem:$0x7E90] =	vst v1  }
0x20a: {  	v1 =	vld.idx.msk [tilespmem:v29+s10+$0x0], $0xffff  }
0x20b: {  	v30 =	vadd.s32 $0x3440, v0;
	_ =	sdelay $0x3  }
0x20c: {  	[tilespmem:$0x7F10] =	vst v1  }
0x20d: {  	v1 =	vld.idx.msk [tilespmem:v30+s10+$0x0], $0xffff  }
0x20e: {  	v31 =	vadd.s32 $0x3900, v0;
	_ =	sdelay $0x3  }
0x20f: {  	[tilespmem:$0x7F90] =	vst v1  }
0x210: {  	v1 =	vld.idx.msk [tilespmem:v31+s10+$0x0], $0xffff  }
0x211: {  	v32 =	vadd.s32 $0x3DC0, v0;
	_ =	sdelay $0x3  }
0x212: {  	[tilespmem:$0x8010] =	vst v1  }
0x213: {  	v1 =	vld.idx.msk [tilespmem:v32+s10+$0x0], $0xffff  }
0x214: {  	v33 =	vadd.s32 $0x4280, v0;
	_ =	sdelay $0x3  }
0x215: {  	[tilespmem:$0x8090] =	vst v1  }
0x216: {  	v1 =	vld.idx.msk [tilespmem:v33+s10+$0x0], $0xffff  }
0x217: {  	v0 =	vadd.s32 $0x4740, v0;
	_ =	sdelay $0x3  }
0x218: {  	[tilespmem:$0x8110] =	vst v1  }
0x219: {  	v0 =	vld.idx.msk [tilespmem:v0+s10+$0x0], $0xffff;
	_ =	sdelay $0x4  }
0x21a: {  	[tilespmem:$0x8190] =	vst v0  }
0x21b: {  	v0 =	vld [tilespmem:s18+$0x20];
	_ =	sdelay $0x4  }
0x21c: {  	v34 =	vadd.s32 s31, v0;
	_ =	sdelay $0x3  }
0x21d: {  	v0 =	vand.u32 $0x7, v0;
	v35 =	vand.u32 $0xFFFFFFF8, v34  }
0x21e: {  	v0 =	vor.u32 v0, v35;
	v1 =	vld.idx.msk [tilespmem:v34+s10+$0x0], $0xffff  }
0x21f: {  	v2 =	vadd.s32 $0x4C0, v0;
	_ =	sdelay $0x3  }
0x220: {  	[tilespmem:$0x7A20] =	vst v1  }
0x221: {  	v1 =	vld.idx.msk [tilespmem:v2+s10+$0x0], $0xffff  }
0x222: {  	v36 =	vadd.s32 $0x980, v0;
	_ =	sdelay $0x3  }
0x223: {  	[tilespmem:$0x7AA0] =	vst v1  }
0x224: {  	v1 =	vld.idx.msk [tilespmem:v36+s10+$0x0], $0xffff  }
0x225: {  	v37 =	vadd.s32 $0xE40, v0;
	_ =	sdelay $0x3  }
0x226: {  	[tilespmem:$0x7B20] =	vst v1  }
0x227: {  	v1 =	vld.idx.msk [tilespmem:v37+s10+$0x0], $0xffff  }
0x228: {  	v38 =	vadd.s32 $0x1300, v0;
	_ =	sdelay $0x3  }
0x229: {  	[tilespmem:$0x7BA0] =	vst v1  }
0x22a: {  	v1 =	vld.idx.msk [tilespmem:v38+s10+$0x0], $0xffff  }
0x22b: {  	v39 =	vadd.s32 $0x17C0, v0;
	_ =	sdelay $0x3  }
0x22c: {  	[tilespmem:$0x7C20] =	vst v1  }
0x22d: {  	v1 =	vld.idx.msk [tilespmem:v39+s10+$0x0], $0xffff  }
0x22e: {  	v40 =	vadd.s32 $0x1C80, v0;
	_ =	sdelay $0x3  }
0x22f: {  	[tilespmem:$0x7CA0] =	vst v1  }
0x230: {  	v1 =	vld.idx.msk [tilespmem:v40+s10+$0x0], $0xffff  }
0x231: {  	v41 =	vadd.s32 $0x2140, v0;
	_ =	sdelay $0x3  }
0x232: {  	[tilespmem:$0x7D20] =	vst v1  }
0x233: {  	v1 =	vld.idx.msk [tilespmem:v41+s10+$0x0], $0xffff  }
0x234: {  	v42 =	vadd.s32 $0x2600, v0;
	_ =	sdelay $0x3  }
0x235: {  	[tilespmem:$0x7DA0] =	vst v1  }
0x236: {  	v1 =	vld.idx.msk [tilespmem:v42+s10+$0x0], $0xffff  }
0x237: {  	v43 =	vadd.s32 $0x2AC0, v0;
	_ =	sdelay $0x3  }
0x238: {  	[tilespmem:$0x7E20] =	vst v1  }
0x239: {  	v1 =	vld.idx.msk [tilespmem:v43+s10+$0x0], $0xffff  }
0x23a: {  	v44 =	vadd.s32 $0x2F80, v0;
	_ =	sdelay $0x3  }
0x23b: {  	[tilespmem:$0x7EA0] =	vst v1  }
0x23c: {  	v1 =	vld.idx.msk [tilespmem:v44+s10+$0x0], $0xffff  }
0x23d: {  	v45 =	vadd.s32 $0x3440, v0;
	_ =	sdelay $0x3  }
0x23e: {  	[tilespmem:$0x7F20] =	vst v1  }
0x23f: {  	v1 =	vld.idx.msk [tilespmem:v45+s10+$0x0], $0xffff  }
0x240: {  	v46 =	vadd.s32 $0x3900, v0;
	_ =	sdelay $0x3  }
0x241: {  	[tilespmem:$0x7FA0] =	vst v1  }
0x242: {  	v1 =	vld.idx.msk [tilespmem:v46+s10+$0x0], $0xffff  }
0x243: {  	v47 =	vadd.s32 $0x3DC0, v0;
	_ =	sdelay $0x3  }
0x244: {  	[tilespmem:$0x8020] =	vst v1  }
0x245: {  	v1 =	vld.idx.msk [tilespmem:v47+s10+$0x0], $0xffff  }
0x246: {  	v48 =	vadd.s32 $0x4280, v0;
	_ =	sdelay $0x3  }
0x247: {  	[tilespmem:$0x80A0] =	vst v1  }
0x248: {  	v1 =	vld.idx.msk [tilespmem:v48+s10+$0x0], $0xffff  }
0x249: {  	v0 =	vadd.s32 $0x4740, v0;
	_ =	sdelay $0x3  }
0x24a: {  	[tilespmem:$0x8120] =	vst v1  }
0x24b: {  	v0 =	vld.idx.msk [tilespmem:v0+s10+$0x0], $0xffff;
	_ =	sdelay $0x4  }
0x24c: {  	[tilespmem:$0x81A0] =	vst v0  }
0x24d: {  	v0 =	vld [tilespmem:s18+$0x30];
	_ =	sdelay $0x4  }
0x24e: {  	v49 =	vadd.s32 s31, v0;
	_ =	sdelay $0x3  }
0x24f: {  	v0 =	vand.u32 $0x7, v0;
	v50 =	vand.u32 $0xFFFFFFF8, v49  }
0x250: {  	v0 =	vor.u32 v0, v50;
	v1 =	vld.idx.msk [tilespmem:v49+s10+$0x0], $0xffff  }
0x251: {  	v2 =	vadd.s32 $0x4C0, v0;
	_ =	sdelay $0x3  }
0x252: {  	[tilespmem:$0x7A30] =	vst v1  }
0x253: {  	v1 =	vld.idx.msk [tilespmem:v2+s10+$0x0], $0xffff  }
0x254: {  	v51 =	vadd.s32 $0x980, v0;
	_ =	sdelay $0x3  }
0x255: {  	[tilespmem:$0x7AB0] =	vst v1  }
0x256: {  	v1 =	vld.idx.msk [tilespmem:v51+s10+$0x0], $0xffff  }
0x257: {  	v52 =	vadd.s32 $0xE40, v0;
	_ =	sdelay $0x3  }
0x258: {  	[tilespmem:$0x7B30] =	vst v1  }
0x259: {  	v1 =	vld.idx.msk [tilespmem:v52+s10+$0x0], $0xffff  }
0x25a: {  	v53 =	vadd.s32 $0x1300, v0;
	_ =	sdelay $0x3  }
0x25b: {  	[tilespmem:$0x7BB0] =	vst v1  }
0x25c: {  	v1 =	vld.idx.msk [tilespmem:v53+s10+$0x0], $0xffff  }
0x25d: {  	v54 =	vadd.s32 $0x17C0, v0;
	_ =	sdelay $0x3  }
0x25e: {  	[tilespmem:$0x7C30] =	vst v1  }
0x25f: {  	v1 =	vld.idx.msk [tilespmem:v54+s10+$0x0], $0xffff  }
0x260: {  	v55 =	vadd.s32 $0x1C80, v0;
	_ =	sdelay $0x3  }
0x261: {  	[tilespmem:$0x7CB0] =	vst v1  }
0x262: {  	v1 =	vld.idx.msk [tilespmem:v55+s10+$0x0], $0xffff  }
0x263: {  	v56 =	vadd.s32 $0x2140, v0;
	_ =	sdelay $0x3  }
0x264: {  	[tilespmem:$0x7D30] =	vst v1  }
0x265: {  	v1 =	vld.idx.msk [tilespmem:v56+s10+$0x0], $0xffff  }
0x266: {  	v57 =	vadd.s32 $0x2600, v0;
	_ =	sdelay $0x3  }
0x267: {  	[tilespmem:$0x7DB0] =	vst v1  }
0x268: {  	v1 =	vld.idx.msk [tilespmem:v57+s10+$0x0], $0xffff  }
0x269: {  	v58 =	vadd.s32 $0x2AC0, v0;
	_ =	sdelay $0x3  }
0x26a: {  	[tilespmem:$0x7E30] =	vst v1  }
0x26b: {  	v1 =	vld.idx.msk [tilespmem:v58+s10+$0x0], $0xffff  }
0x26c: {  	v59 =	vadd.s32 $0x2F80, v0;
	_ =	sdelay $0x3  }
0x26d: {  	[tilespmem:$0x7EB0] =	vst v1  }
0x26e: {  	v1 =	vld.idx.msk [tilespmem:v59+s10+$0x0], $0xffff  }
0x26f: {  	v60 =	vadd.s32 $0x3440, v0;
	_ =	sdelay $0x3  }
0x270: {  	[tilespmem:$0x7F30] =	vst v1  }
0x271: {  	v1 =	vld.idx.msk [tilespmem:v60+s10+$0x0], $0xffff  }
0x272: {  	v61 =	vadd.s32 $0x3900, v0;
	_ =	sdelay $0x3  }
0x273: {  	[tilespmem:$0x7FB0] =	vst v1  }
0x274: {  	v1 =	vld.idx.msk [tilespmem:v61+s10+$0x0], $0xffff  }
0x275: {  	v62 =	vadd.s32 $0x3DC0, v0;
	_ =	sdelay $0x3  }
0x276: {  	[tilespmem:$0x8030] =	vst v1  }
0x277: {  	v1 =	vld.idx.msk [tilespmem:v62+s10+$0x0], $0xffff  }
0x278: {  	v63 =	vadd.s32 $0x4280, v0;
	_ =	sdelay $0x3  }
0x279: {  	[tilespmem:$0x80B0] =	vst v1  }
0x27a: {  	v1 =	vld.idx.msk [tilespmem:v63+s10+$0x0], $0xffff  }
0x27b: {  	v0 =	vadd.s32 $0x4740, v0;
	_ =	sdelay $0x3  }
0x27c: {  	[tilespmem:$0x8130] =	vst v1  }
0x27d: {  	v0 =	vld.idx.msk [tilespmem:v0+s10+$0x0], $0xffff;
	_ =	sdelay $0x4  }
0x27e: {  	[tilespmem:$0x81B0] =	vst v0  }
0x27f: {  	v0 =	vld [tilespmem:s18+$0x40];
	_ =	sdelay $0x4  }
0x280: {  	v4 =	vadd.s32 s31, v0;
	_ =	sdelay $0x3  }
0x281: {  	v0 =	vand.u32 $0x7, v0;
	v5 =	vand.u32 $0xFFFFFFF8, v4  }
0x282: {  	v0 =	vor.u32 v0, v5;
	v1 =	vld.idx.msk [tilespmem:v4+s10+$0x0], $0xffff  }
0x283: {  	v2 =	vadd.s32 $0x4C0, v0;
	_ =	sdelay $0x3  }
0x284: {  	[tilespmem:$0x7A40] =	vst v1  }
0x285: {  	v1 =	vld.idx.msk [tilespmem:v2+s10+$0x0], $0xffff  }
0x286: {  	v6 =	vadd.s32 $0x980, v0;
	_ =	sdelay $0x3  }
0x287: {  	[tilespmem:$0x7AC0] =	vst v1  }
0x288: {  	v1 =	vld.idx.msk [tilespmem:v6+s10+$0x0], $0xffff  }
0x289: {  	v7 =	vadd.s32 $0xE40, v0;
	_ =	sdelay $0x3  }
0x28a: {  	[tilespmem:$0x7B40] =	vst v1  }
0x28b: {  	v1 =	vld.idx.msk [tilespmem:v7+s10+$0x0], $0xffff  }
0x28c: {  	v8 =	vadd.s32 $0x1300, v0;
	_ =	sdelay $0x3  }
0x28d: {  	[tilespmem:$0x7BC0] =	vst v1  }
0x28e: {  	v1 =	vld.idx.msk [tilespmem:v8+s10+$0x0], $0xffff  }
0x28f: {  	v9 =	vadd.s32 $0x17C0, v0;
	_ =	sdelay $0x3  }
0x290: {  	[tilespmem:$0x7C40] =	vst v1  }
0x291: {  	v1 =	vld.idx.msk [tilespmem:v9+s10+$0x0], $0xffff  }
0x292: {  	v10 =	vadd.s32 $0x1C80, v0;
	_ =	sdelay $0x3  }
0x293: {  	[tilespmem:$0x7CC0] =	vst v1  }
0x294: {  	v1 =	vld.idx.msk [tilespmem:v10+s10+$0x0], $0xffff  }
0x295: {  	v11 =	vadd.s32 $0x2140, v0;
	_ =	sdelay $0x3  }
0x296: {  	[tilespmem:$0x7D40] =	vst v1  }
0x297: {  	v1 =	vld.idx.msk [tilespmem:v11+s10+$0x0], $0xffff  }
0x298: {  	v12 =	vadd.s32 $0x2600, v0;
	_ =	sdelay $0x3  }
0x299: {  	[tilespmem:$0x7DC0] =	vst v1  }
0x29a: {  	v1 =	vld.idx.msk [tilespmem:v12+s10+$0x0], $0xffff  }
0x29b: {  	v13 =	vadd.s32 $0x2AC0, v0;
	_ =	sdelay $0x3  }
0x29c: {  	[tilespmem:$0x7E40] =	vst v1  }
0x29d: {  	v1 =	vld.idx.msk [tilespmem:v13+s10+$0x0], $0xffff  }
0x29e: {  	v14 =	vadd.s32 $0x2F80, v0;
	_ =	sdelay $0x3  }
0x29f: {  	[tilespmem:$0x7EC0] =	vst v1  }
0x2a0: {  	v1 =	vld.idx.msk [tilespmem:v14+s10+$0x0], $0xffff  }
0x2a1: {  	v15 =	vadd.s32 $0x3440, v0;
	_ =	sdelay $0x3  }
0x2a2: {  	[tilespmem:$0x7F40] =	vst v1  }
0x2a3: {  	v1 =	vld.idx.msk [tilespmem:v15+s10+$0x0], $0xffff  }
0x2a4: {  	v16 =	vadd.s32 $0x3900, v0;
	_ =	sdelay $0x3  }
0x2a5: {  	[tilespmem:$0x7FC0] =	vst v1  }
0x2a6: {  	v1 =	vld.idx.msk [tilespmem:v16+s10+$0x0], $0xffff  }
0x2a7: {  	v17 =	vadd.s32 $0x3DC0, v0;
	_ =	sdelay $0x3  }
0x2a8: {  	[tilespmem:$0x8040] =	vst v1  }
0x2a9: {  	v1 =	vld.idx.msk [tilespmem:v17+s10+$0x0], $0xffff  }
0x2aa: {  	v18 =	vadd.s32 $0x4280, v0;
	_ =	sdelay $0x3  }
0x2ab: {  	[tilespmem:$0x80C0] =	vst v1  }
0x2ac: {  	v1 =	vld.idx.msk [tilespmem:v18+s10+$0x0], $0xffff  }
0x2ad: {  	v0 =	vadd.s32 $0x4740, v0;
	_ =	sdelay $0x3  }
0x2ae: {  	[tilespmem:$0x8140] =	vst v1  }
0x2af: {  	v0 =	vld.idx.msk [tilespmem:v0+s10+$0x0], $0xffff;
	_ =	sdelay $0x4  }
0x2b0: {  	[tilespmem:$0x81C0] =	vst v0  }
0x2b1: {  	v0 =	vld [tilespmem:s18+$0x50];
	_ =	sdelay $0x4  }
0x2b2: {  	v19 =	vadd.s32 s31, v0;
	_ =	sdelay $0x3  }
0x2b3: {  	v0 =	vand.u32 $0x7, v0;
	v20 =	vand.u32 $0xFFFFFFF8, v19  }
0x2b4: {  	v0 =	vor.u32 v0, v20;
	v1 =	vld.idx.msk [tilespmem:v19+s10+$0x0], $0xffff  }
0x2b5: {  	v2 =	vadd.s32 $0x4C0, v0;
	_ =	sdelay $0x3  }
0x2b6: {  	[tilespmem:$0x7A50] =	vst v1  }
0x2b7: {  	v1 =	vld.idx.msk [tilespmem:v2+s10+$0x0], $0xffff  }
0x2b8: {  	v21 =	vadd.s32 $0x980, v0;
	_ =	sdelay $0x3  }
0x2b9: {  	[tilespmem:$0x7AD0] =	vst v1  }
0x2ba: {  	v1 =	vld.idx.msk [tilespmem:v21+s10+$0x0], $0xffff  }
0x2bb: {  	v22 =	vadd.s32 $0xE40, v0;
	_ =	sdelay $0x3  }
0x2bc: {  	[tilespmem:$0x7B50] =	vst v1  }
0x2bd: {  	v1 =	vld.idx.msk [tilespmem:v22+s10+$0x0], $0xffff  }
0x2be: {  	v23 =	vadd.s32 $0x1300, v0;
	_ =	sdelay $0x3  }
0x2bf: {  	[tilespmem:$0x7BD0] =	vst v1  }
0x2c0: {  	v1 =	vld.idx.msk [tilespmem:v23+s10+$0x0], $0xffff  }
0x2c1: {  	v24 =	vadd.s32 $0x17C0, v0;
	_ =	sdelay $0x3  }
0x2c2: {  	[tilespmem:$0x7C50] =	vst v1  }
0x2c3: {  	v1 =	vld.idx.msk [tilespmem:v24+s10+$0x0], $0xffff  }
0x2c4: {  	v25 =	vadd.s32 $0x1C80, v0;
	_ =	sdelay $0x3  }
0x2c5: {  	[tilespmem:$0x7CD0] =	vst v1  }
0x2c6: {  	v1 =	vld.idx.msk [tilespmem:v25+s10+$0x0], $0xffff  }
0x2c7: {  	v26 =	vadd.s32 $0x2140, v0;
	_ =	sdelay $0x3  }
0x2c8: {  	[tilespmem:$0x7D50] =	vst v1  }
0x2c9: {  	v1 =	vld.idx.msk [tilespmem:v26+s10+$0x0], $0xffff  }
0x2ca: {  	v27 =	vadd.s32 $0x2600, v0;
	_ =	sdelay $0x3  }
0x2cb: {  	[tilespmem:$0x7DD0] =	vst v1  }
0x2cc: {  	v1 =	vld.idx.msk [tilespmem:v27+s10+$0x0], $0xffff  }
0x2cd: {  	v28 =	vadd.s32 $0x2AC0, v0;
	_ =	sdelay $0x3  }
0x2ce: {  	[tilespmem:$0x7E50] =	vst v1  }
0x2cf: {  	v1 =	vld.idx.msk [tilespmem:v28+s10+$0x0], $0xffff  }
0x2d0: {  	v29 =	vadd.s32 $0x2F80, v0;
	_ =	sdelay $0x3  }
0x2d1: {  	[tilespmem:$0x7ED0] =	vst v1  }
0x2d2: {  	v1 =	vld.idx.msk [tilespmem:v29+s10+$0x0], $0xffff  }
0x2d3: {  	v30 =	vadd.s32 $0x3440, v0;
	_ =	sdelay $0x3  }
0x2d4: {  	[tilespmem:$0x7F50] =	vst v1  }
0x2d5: {  	v1 =	vld.idx.msk [tilespmem:v30+s10+$0x0], $0xffff  }
0x2d6: {  	v31 =	vadd.s32 $0x3900, v0;
	_ =	sdelay $0x3  }
0x2d7: {  	[tilespmem:$0x7FD0] =	vst v1  }
0x2d8: {  	v1 =	vld.idx.msk [tilespmem:v31+s10+$0x0], $0xffff  }
0x2d9: {  	v32 =	vadd.s32 $0x3DC0, v0;
	_ =	sdelay $0x3  }
0x2da: {  	[tilespmem:$0x8050] =	vst v1  }
0x2db: {  	v1 =	vld.idx.msk [tilespmem:v32+s10+$0x0], $0xffff  }
0x2dc: {  	v33 =	vadd.s32 $0x4280, v0;
	_ =	sdelay $0x3  }
0x2dd: {  	[tilespmem:$0x80D0] =	vst v1  }
0x2de: {  	v1 =	vld.idx.msk [tilespmem:v33+s10+$0x0], $0xffff  }
0x2df: {  	v0 =	vadd.s32 $0x4740, v0;
	_ =	sdelay $0x3  }
0x2e0: {  	[tilespmem:$0x8150] =	vst v1  }
0x2e1: {  	v0 =	vld.idx.msk [tilespmem:v0+s10+$0x0], $0xffff;
	_ =	sdelay $0x4  }
0x2e2: {  	[tilespmem:$0x81D0] =	vst v0  }
0x2e3: {  	v0 =	vld [tilespmem:s18+$0x60];
	_ =	sdelay $0x4  }
0x2e4: {  	v34 =	vadd.s32 s31, v0;
	_ =	sdelay $0x3  }
0x2e5: {  	v0 =	vand.u32 $0x7, v0;
	v35 =	vand.u32 $0xFFFFFFF8, v34  }
0x2e6: {  	v0 =	vor.u32 v0, v35;
	v1 =	vld.idx.msk [tilespmem:v34+s10+$0x0], $0xffff  }
0x2e7: {  	v2 =	vadd.s32 $0x4C0, v0;
	_ =	sdelay $0x3  }
0x2e8: {  	[tilespmem:$0x7A60] =	vst v1  }
0x2e9: {  	v1 =	vld.idx.msk [tilespmem:v2+s10+$0x0], $0xffff  }
0x2ea: {  	v36 =	vadd.s32 $0x980, v0;
	_ =	sdelay $0x3  }
0x2eb: {  	[tilespmem:$0x7AE0] =	vst v1  }
0x2ec: {  	v1 =	vld.idx.msk [tilespmem:v36+s10+$0x0], $0xffff  }
0x2ed: {  	v37 =	vadd.s32 $0xE40, v0;
	_ =	sdelay $0x3  }
0x2ee: {  	[tilespmem:$0x7B60] =	vst v1  }
0x2ef: {  	v1 =	vld.idx.msk [tilespmem:v37+s10+$0x0], $0xffff  }
0x2f0: {  	v38 =	vadd.s32 $0x1300, v0;
	_ =	sdelay $0x3  }
0x2f1: {  	[tilespmem:$0x7BE0] =	vst v1  }
0x2f2: {  	v1 =	vld.idx.msk [tilespmem:v38+s10+$0x0], $0xffff  }
0x2f3: {  	v39 =	vadd.s32 $0x17C0, v0;
	_ =	sdelay $0x3  }
0x2f4: {  	[tilespmem:$0x7C60] =	vst v1  }
0x2f5: {  	v1 =	vld.idx.msk [tilespmem:v39+s10+$0x0], $0xffff  }
0x2f6: {  	v40 =	vadd.s32 $0x1C80, v0;
	_ =	sdelay $0x3  }
0x2f7: {  	[tilespmem:$0x7CE0] =	vst v1  }
0x2f8: {  	v1 =	vld.idx.msk [tilespmem:v40+s10+$0x0], $0xffff  }
0x2f9: {  	v41 =	vadd.s32 $0x2140, v0;
	_ =	sdelay $0x3  }
0x2fa: {  	[tilespmem:$0x7D60] =	vst v1  }
0x2fb: {  	v1 =	vld.idx.msk [tilespmem:v41+s10+$0x0], $0xffff  }
0x2fc: {  	v42 =	vadd.s32 $0x2600, v0;
	_ =	sdelay $0x3  }
0x2fd: {  	[tilespmem:$0x7DE0] =	vst v1  }
0x2fe: {  	v1 =	vld.idx.msk [tilespmem:v42+s10+$0x0], $0xffff  }
0x2ff: {  	v43 =	vadd.s32 $0x2AC0, v0;
	_ =	sdelay $0x3  }
0x300: {  	[tilespmem:$0x7E60] =	vst v1  }
0x301: {  	v1 =	vld.idx.msk [tilespmem:v43+s10+$0x0], $0xffff  }
0x302: {  	v44 =	vadd.s32 $0x2F80, v0;
	_ =	sdelay $0x3  }
0x303: {  	[tilespmem:$0x7EE0] =	vst v1  }
0x304: {  	v1 =	vld.idx.msk [tilespmem:v44+s10+$0x0], $0xffff  }
0x305: {  	v45 =	vadd.s32 $0x3440, v0;
	_ =	sdelay $0x3  }
0x306: {  	[tilespmem:$0x7F60] =	vst v1  }
0x307: {  	v1 =	vld.idx.msk [tilespmem:v45+s10+$0x0], $0xffff  }
0x308: {  	v46 =	vadd.s32 $0x3900, v0;
	_ =	sdelay $0x3  }
0x309: {  	[tilespmem:$0x7FE0] =	vst v1  }
0x30a: {  	v1 =	vld.idx.msk [tilespmem:v46+s10+$0x0], $0xffff  }
0x30b: {  	v47 =	vadd.s32 $0x3DC0, v0;
	_ =	sdelay $0x3  }
0x30c: {  	[tilespmem:$0x8060] =	vst v1  }
0x30d: {  	v1 =	vld.idx.msk [tilespmem:v47+s10+$0x0], $0xffff  }
0x30e: {  	v48 =	vadd.s32 $0x4280, v0;
	_ =	sdelay $0x3  }
0x30f: {  	[tilespmem:$0x80E0] =	vst v1  }
0x310: {  	v1 =	vld.idx.msk [tilespmem:v48+s10+$0x0], $0xffff  }
0x311: {  	v0 =	vadd.s32 $0x4740, v0;
	_ =	sdelay $0x3  }
0x312: {  	[tilespmem:$0x8160] =	vst v1  }
0x313: {  	v0 =	vld.idx.msk [tilespmem:v0+s10+$0x0], $0xffff;
	_ =	sdelay $0x4  }
0x314: {  	[tilespmem:$0x81E0] =	vst v0  }
0x315: {  	v0 =	vld [tilespmem:s18+$0x70];
	_ =	sdelay $0x4  }
0x316: {  	v49 =	vadd.s32 s31, v0;
	_ =	sdelay $0x3  }
0x317: {  	v0 =	vand.u32 $0x7, v0;
	v50 =	vand.u32 $0xFFFFFFF8, v49  }
0x318: {  	v0 =	vor.u32 v0, v50;
	v1 =	vld.idx.msk [tilespmem:v49+s10+$0x0], $0xffff  }
0x319: {  	v2 =	vadd.s32 $0x4C0, v0;
	_ =	sdelay $0x3  }
0x31a: {  	[tilespmem:$0x7A70] =	vst v1  }
0x31b: {  	v1 =	vld.idx.msk [tilespmem:v2+s10+$0x0], $0xffff  }
0x31c: {  	v51 =	vadd.s32 $0x980, v0;
	_ =	sdelay $0x3  }
0x31d: {  	[tilespmem:$0x7AF0] =	vst v1  }
0x31e: {  	v1 =	vld.idx.msk [tilespmem:v51+s10+$0x0], $0xffff  }
0x31f: {  	v52 =	vadd.s32 $0xE40, v0;
	_ =	sdelay $0x3  }
0x320: {  	[tilespmem:$0x7B70] =	vst v1  }
0x321: {  	v1 =	vld.idx.msk [tilespmem:v52+s10+$0x0], $0xffff  }
0x322: {  	v53 =	vadd.s32 $0x1300, v0;
	_ =	sdelay $0x3  }
0x323: {  	[tilespmem:$0x7BF0] =	vst v1  }
0x324: {  	v1 =	vld.idx.msk [tilespmem:v53+s10+$0x0], $0xffff  }
0x325: {  	v54 =	vadd.s32 $0x17C0, v0;
	_ =	sdelay $0x3  }
0x326: {  	[tilespmem:$0x7C70] =	vst v1  }
0x327: {  	v1 =	vld.idx.msk [tilespmem:v54+s10+$0x0], $0xffff  }
0x328: {  	v55 =	vadd.s32 $0x1C80, v0;
	_ =	sdelay $0x3  }
0x329: {  	[tilespmem:$0x7CF0] =	vst v1  }
0x32a: {  	v1 =	vld.idx.msk [tilespmem:v55+s10+$0x0], $0xffff  }
0x32b: {  	v56 =	vadd.s32 $0x2140, v0;
	_ =	sdelay $0x3  }
0x32c: {  	[tilespmem:$0x7D70] =	vst v1  }
0x32d: {  	v1 =	vld.idx.msk [tilespmem:v56+s10+$0x0], $0xffff  }
0x32e: {  	v57 =	vadd.s32 $0x2600, v0;
	_ =	sdelay $0x3  }
0x32f: {  	[tilespmem:$0x7DF0] =	vst v1  }
0x330: {  	v1 =	vld.idx.msk [tilespmem:v57+s10+$0x0], $0xffff  }
0x331: {  	v58 =	vadd.s32 $0x2AC0, v0;
	_ =	sdelay $0x3  }
0x332: {  	[tilespmem:$0x7E70] =	vst v1  }
0x333: {  	v1 =	vld.idx.msk [tilespmem:v58+s10+$0x0], $0xffff  }
0x334: {  	v59 =	vadd.s32 $0x2F80, v0;
	_ =	sdelay $0x3  }
0x335: {  	[tilespmem:$0x7EF0] =	vst v1  }
0x336: {  	v1 =	vld.idx.msk [tilespmem:v59+s10+$0x0], $0xffff  }
0x337: {  	v60 =	vadd.s32 $0x3440, v0;
	_ =	sdelay $0x3  }
0x338: {  	[tilespmem:$0x7F70] =	vst v1  }
0x339: {  	v1 =	vld.idx.msk [tilespmem:v60+s10+$0x0], $0xffff  }
0x33a: {  	v61 =	vadd.s32 $0x3900, v0;
	_ =	sdelay $0x3  }
0x33b: {  	[tilespmem:$0x7FF0] =	vst v1  }
0x33c: {  	v1 =	vld.idx.msk [tilespmem:v61+s10+$0x0], $0xffff  }
0x33d: {  	v62 =	vadd.s32 $0x3DC0, v0;
	_ =	sdelay $0x3  }
0x33e: {  	[tilespmem:$0x8070] =	vst v1  }
0x33f: {  	v1 =	vld.idx.msk [tilespmem:v62+s10+$0x0], $0xffff  }
0x340: {  	v63 =	vadd.s32 $0x4280, v0;
	_ =	sdelay $0x3  }
0x341: {  	[tilespmem:$0x80F0] =	vst v1  }
0x342: {  	v1 =	vld.idx.msk [tilespmem:v63+s10+$0x0], $0xffff  }
0x343: {  	v0 =	vadd.s32 $0x4740, v0;
	_ =	sdelay $0x3  }
0x344: {  	[tilespmem:$0x8170] =	vst v1  }
0x345: {  	s20 =	sadd.s32 $0x100, s20;
	v0 =	vld.idx.msk [tilespmem:v0+s10+$0x0], $0xffff  }
0x346: {  	p0 =	sne.s32 s20, $0x2600  }
.Ltmp0:
0x347: {  	s21 =	sadd.s32 $0x80, s29;
	(pc) =	sbr.rel @p0 .LBB2_2-.Ltmp0, $4  }
0x348: {  	s21 =	sand.u32 $0x3F80, s21  }
0x349: {  	s21 =	sadd.s32 s2, s21;
	s22 =	sshll.u32 s22, $0xF  }
0x34a: {  	s19 =	sadd.s32 $0x2, s19;
	s21 =	sadd.s32 s22, s21;
	s18 =	sadd.s32 $0x100, s18;
	[tilespmem:$0x81F0] =	vst v0  }
0x34b: {  	[hbm4b:s21+s11] =	stream.strided.scatter [tilespmem:s14], [sflag:$0x2], $0x800, s12, s11, $0x38;
	[tilespmem:$0x8200] =	vst v63  }
0x34c: {  	s17 =	sadd.s32 $0x1, s17  }
0x34d: {  	_ =	swait.ge [sflag:s15], $0x800;
	p0 =	sne.s32 s17, s6  }
.Ltmp1:
0x34e: {  	[sflag:s15] =	ssyncset.done $0x0;
	(pc) =	sbr.rel @p0 .LBB2_1-.Ltmp1, $4  }
0x34f: {  	[sflag:s15] =	ssyncadd.s32 $0xFFFFF800  }
0x350: {  	_ =	swait.ge [sflag:s16], $0x800  }
0x351: {  	[sflag:s16] =	ssyncset.done $0x0  }
0x352: {  	[sflag:s16] =	ssyncadd.s32 $0xFFFFF800  }
0x353: {  	_ =	sfence.sel $0x180000  }
0x354: {  	[bflag:$0x0] =	sbarrier.arrive $0xFFFF  }
0x355: {  	p0 =	sne.s32 s0, $0x0;
	_ =	strace $0x90000047  }
0x356: {  	s0 =	sadd.s32 @!p0 $0x100000, s1;
	[bflag:$0x2] =	sbarrier.arrive $0xFFFF  }
0x357: {  	[sflag:s0] =	ssyncadd.tile.s32 @!p0 $0x1;
	_ =	shalt  }
.Lfunc_end2:
_tile_overlayer_lowered:
.L_overlay_start_2:
0x358: {  	(tag) =	ssettag $0x2  }
0x359: {  	s0 =	rddreg [dreg:$0x0];
	s2 =	stileid.u32  }
0x35a: {  	s1 =	rddreg [dreg:$0x1];
	p0 =	sne.s32 s2, $0x0  }
0x35b: {  	s3 =	rddreg [dreg:$0x2];
	[bflag:$0x3] =	sbarrier.arrive $0xFFFF;
	s2 =	simm.s32 @!p0 $0x1C03  }
0x35c: {  	[timem:s3], [sflag:s2] =	dma.local @!p0 [hbm:s0], s1  }
0x35d: {  	s0 =	simm.s32 @!p0 $0x3  }
0x35e: {  	_ =	swait.ge @!p0 [sflag:s0], s1  }
0x35f: {  	s1 =	ssub.s32 @!p0 $0x0, s1;
	[sflag:s0] =	ssyncset.done @!p0 $0x0  }
0x360: {  	[sflag:s0] =	ssyncadd.s32 @!p0 s1  }
0x361: {  	[bflag:$0x3] =	sbarrier.arrive $0xFFFF  }
0x362: {  	_ =	shalt  }

</sc_bundles>
